<compile_context>
chip_gen: v7x
topology: tpu7x:2x2x1
jax: 0.10.2.dev20260603
libtpu: 0.0.44.dev20260713+nightly
codegen_flags: <defaults>
</compile_context>

<pallas_src>
import functools

import jax
import jax.numpy as jnp
import numpy as np
from jax import lax
from jax.experimental import pallas as pl
from jax.experimental.pallas import tpu as pltpu
from jax.experimental.pallas import tpu_sc as plsc

_STRIPE = 4
_DIRECTIONS = ("h_fwd", "h_bwd", "v_fwd", "v_bwd")


def _nss_indices(H, W, stripe_width, direction):
    L = H * W
    indices = np.zeros(L, dtype=np.int64)
    if direction.startswith("h"):
        pos = 0
        num_stripes = (H + stripe_width - 1) // stripe_width
        for s in range(num_stripes):
            row_start = s * stripe_width
            row_end = min(row_start + stripe_width, H)
            for local_r, r in enumerate(range(row_start, row_end)):
                if local_r % 2 == 0:
                    for c in range(W):
                        indices[pos] = r * W + c
                        pos += 1
                else:
                    for c in range(W - 1, -1, -1):
                        indices[pos] = r * W + c
                        pos += 1
        if direction == "h_bwd":
            indices = indices[::-1].copy()
    else:
        pos = 0
        num_stripes = (W + stripe_width - 1) // stripe_width
        for s in range(num_stripes):
            col_start = s * stripe_width
            col_end = min(col_start + stripe_width, W)
            for local_c, c in enumerate(range(col_start, col_end)):
                if local_c % 2 == 0:
                    for r in range(H):
                        indices[pos] = r * W + c
                        pos += 1
                else:
                    for r in range(H - 1, -1, -1):
                        indices[pos] = r * W + c
                        pos += 1
        if direction == "v_bwd":
            indices = indices[::-1].copy()
    return indices


@functools.lru_cache(maxsize=None)
def _scatter_tables(N, H, W, b_ch):
    L = H * W
    NL = N * L
    n_ch = L // b_ch
    inv = []
    for d in _DIRECTIONS:
        idx = _nss_indices(H, W, _STRIPE, d)
        inv_d = np.argsort(idx)
        inv.append(inv_d)
    tab = np.empty((N, n_ch, len(_DIRECTIONS), b_ch), dtype=np.int32)
    for n in range(N):
        for i in range(n_ch):
            q = np.arange(i * b_ch, (i + 1) * b_ch)
            for d in range(len(_DIRECTIONS)):
                tab[n, i, d] = d * NL + n * L + inv[d][q]
    return tab.reshape(N * n_ch * len(_DIRECTIONS), b_ch)


@functools.lru_cache(maxsize=None)
def _make_sc_scatter(N, L, D, b_ch):
    NL = N * L
    B = 4 * NL
    ND = len(_DIRECTIONS)
    n_ch = L // b_ch
    info = plsc.get_sparse_core_info()
    NC, NS = info.num_cores, info.num_subcores
    NW = NC * NS
    assert N == NW and L % b_ch == 0
    mesh = plsc.VectorSubcoreMesh(core_axis_name="c", subcore_axis_name="s")

    @functools.partial(
        pl.kernel,
        mesh=mesh,
        out_type=jax.ShapeDtypeStruct((B, D), jnp.float32),
        scratch_types=[
            pltpu.VMEM((n_ch * ND, b_ch), jnp.int32),
            pltpu.VMEM((b_ch, D), jnp.float32),
            pltpu.VMEM((b_ch, D), jnp.float32),
            pltpu.SemaphoreType.DMA,
            pltpu.SemaphoreType.DMA,
            pltpu.SemaphoreType.DMA,
            pltpu.SemaphoreType.DMA,
        ],
    )
    def scatter_kernel(table_hbm, sdx_hbm, out_hbm, sdx_all,
                       rows0, rows1, sr0, sr1, sw0, sw1):
        t = lax.axis_index("s") * NC + lax.axis_index("c")
        rows = (rows0, rows1)
        sem_r = (sr0, sr1)
        sem_w = (sw0, sw1)

        pltpu.sync_copy(sdx_hbm.at[pl.ds(t * n_ch * ND, n_ch * ND)], sdx_all)

        def write_chunk(j):
            bj = j % 2
            return [
                pltpu.async_copy(
                    rows[bj], out_hbm.at[sdx_all.at[j * ND + d]], sem_w[bj])
                for d in range(ND)
            ]

        read_h = [None] * n_ch
        write_h = [None] * n_ch
        for i in range(n_ch):
            b = i % 2
            if i >= 2:
                for h in write_h[i - 2]:
                    h.wait()
            read_h[i] = pltpu.async_copy(
                table_hbm.at[pl.ds(t * L + i * b_ch, b_ch)], rows[b],
                sem_r[b])
            if i >= 1:
                read_h[i - 1].wait()
                write_h[i - 1] = write_chunk(i - 1)
        read_h[n_ch - 1].wait()
        write_h[n_ch - 1] = write_chunk(n_ch - 1)
        for j in (n_ch - 2, n_ch - 1):
            for h in write_h[j]:
                h.wait()

    return scatter_kernel


def kernel(x_2d):
    N, H, W, C = x_2d.shape
    L = H * W
    b_ch = 128
    table = x_2d.reshape(N * L, C)
    sdx = jnp.asarray(_scatter_tables(N, H, W, b_ch))
    out = _make_sc_scatter(N, L, C, b_ch)(table, sdx)
    return out.reshape(4 * N, L, C)

# --- scband reference (transcript-rebuilt; emitter-appended) ---
"""Pipeline reference for scband-nsscan-40836549050610 (READ-ONLY COPY).

The authoritative reference and input builder live on the scoring server;
editing this copy changes nothing except your own understanding.
"""

import jax, jax.numpy as jnp
import numpy as np

STRIPE_WIDTH = 4
DIRECTIONS = ['h_fwd', 'h_bwd', 'v_fwd', 'v_bwd']

_idx_cache = {}

def _build_nss_indices(H, W, stripe_width, direction):
    key = (H, W, stripe_width, direction)
    if key in _idx_cache:
        return _idx_cache[key]
    L = H * W
    indices = np.zeros(L, dtype=np.int64)
    if direction.startswith('h'):
        pos = 0
        num_stripes = (H + stripe_width - 1) // stripe_width
        for s in range(num_stripes):
            row_start = s * stripe_width
            row_end = min(row_start + stripe_width, H)
            for local_r, r in enumerate(range(row_start, row_end)):
                if local_r % 2 == 0:
                    for c in range(W):
                        indices[pos] = r * W + c
                        pos += 1
                else:
                    for c in range(W - 1, -1, -1):
                        indices[pos] = r * W + c
                        pos += 1
        if direction == 'h_bwd':
            indices = indices[::-1].copy()
    else:
        pos = 0
        num_stripes = (W + stripe_width - 1) // stripe_width
        for s in range(num_stripes):
            col_start = s * stripe_width
            col_end = min(col_start + stripe_width, W)
            for local_c, c in enumerate(range(col_start, col_end)):
                if local_c % 2 == 0:
                    for r in range(H):
                        indices[pos] = r * W + c
                        pos += 1
                else:
                    for r in range(H - 1, -1, -1):
                        indices[pos] = r * W + c
                        pos += 1
        if direction == 'v_bwd':
            indices = indices[::-1].copy()
    arr = jnp.asarray(indices)
    _idx_cache[key] = arr
    return arr


def setup_inputs(seed: int = 0) -> dict:
    key = jax.random.key(seed)
    x_2d = jax.random.normal(key, (32, 32, 32, 384), dtype=jnp.float32)
    return {"x_2d": x_2d}


def reference(x_2d):
    # NSScan.scan with shift=False, num_directions=4, stripe_width=4
    N, H, W, C = x_2d.shape
    L = H * W
    x_flat = x_2d.reshape(N, L, C)
    seqs = [jnp.take(x_flat, _build_nss_indices(H, W, STRIPE_WIDTH, d), axis=1) for d in DIRECTIONS]
    return jnp.concatenate(seqs, axis=0)

if __name__ == "__main__":
    import jax
    _d = setup_inputs()
    print(jax.jit(kernel)(*tuple(_d.values())))

</pallas_src>

<mosaic_0001>
#map = affine_map<(d0, d1) -> (0, 0)>
module attributes {stable_mosaic.version = 14 : i64} {
  func.func @scatter_kernel(%arg0: i32, %arg1: i32, %arg2: memref<32768x384xf32, #tpu.memory_space<hbm>>, %arg3: memref<1024x128xi32, #tpu.memory_space<hbm>>, %arg4: memref<131072x384xf32, #tpu.memory_space<hbm>>, %arg5: memref<32x128xi32, #tpu.memory_space<vmem>>, %arg6: memref<128x384xf32, #tpu.memory_space<vmem>>, %arg7: memref<128x384xf32, #tpu.memory_space<vmem>>, %arg8: memref<!tpu.dma_semaphore, #tpu.memory_space<semaphore_mem>>, %arg9: memref<!tpu.dma_semaphore, #tpu.memory_space<semaphore_mem>>, %arg10: memref<!tpu.dma_semaphore, #tpu.memory_space<semaphore_mem>>, %arg11: memref<!tpu.dma_semaphore, #tpu.memory_space<semaphore_mem>>) attributes {dimension_semantics = [#tpu.dimension_semantics<core_parallel>, #tpu.dimension_semantics<subcore_parallel>], iteration_bounds = array<i64: 2, 16>, scalar_prefetch = 0 : i64, scratch_operands = 7 : i64, tpu.core_type = #tpu.core_type<sc_vector_subcore>, window_params = [{transform_indices = #map}, {transform_indices = #map}, {transform_indices = #map}]} {
    %mul3A = arith.constant 2 : i32
    %mul3A_0 = arith.muli %arg1, %mul3A : i32
    %add3A = arith.addi %mul3A_0, %arg0 : i32
    %mul3A_1 = arith.constant 8 : i32
    %mul3A_2 = arith.muli %add3A, %mul3A_1 : i32
    %mul3A_3 = arith.constant 4 : i32
    %mul3A_4 = arith.muli %mul3A_2, %mul3A_3 : i32
    "tpu.region"() ({
      %run_scoped3A = tpu.sem_alloc : memref<!tpu.dma_semaphore, #tpu.memory_space<semaphore_mem>>
      %dma_start3A_547 = arith.constant 0 : i32
      %dma_start3A_548 = tpu.memref_slice %arg3[%mul3A_4, %dma_start3A_547] : memref<1024x128xi32, #tpu.memory_space<hbm>> -> memref<32x128xi32, #tpu.memory_space<hbm>>
      %dma_start3A_549 = arith.constant 0 : i32
      %dma_start3A_550 = tpu.memref_slice %arg3[%mul3A_4, %dma_start3A_549] : memref<1024x128xi32, #tpu.memory_space<hbm>> -> memref<32x128xi32, #tpu.memory_space<hbm>>
      tpu.enqueue_dma source(%dma_start3A_550 : memref<32x128xi32, #tpu.memory_space<hbm>>) target(%arg5 : memref<32x128xi32, #tpu.memory_space<vmem>>) target_semaphore(%run_scoped3A : memref<!tpu.dma_semaphore, #tpu.memory_space<semaphore_mem>>)
      %dma_wait3A_551 = arith.constant 0 : i32
      %dma_wait3A_552 = tpu.memref_slice %arg3[%mul3A_4, %dma_wait3A_551] : memref<1024x128xi32, #tpu.memory_space<hbm>> -> memref<32x128xi32, #tpu.memory_space<hbm>>
      %dma_wait3A_553 = arith.constant 0 : i32
      %dma_wait3A_554 = tpu.memref_slice %arg3[%mul3A_4, %dma_wait3A_553] : memref<1024x128xi32, #tpu.memory_space<hbm>> -> memref<32x128xi32, #tpu.memory_space<hbm>>
      tpu.wait_dma2 semaphore(%run_scoped3A : memref<!tpu.dma_semaphore, #tpu.memory_space<semaphore_mem>>) src(%dma_wait3A_554 : memref<32x128xi32, #tpu.memory_space<hbm>>) dst(%arg5 : memref<32x128xi32, #tpu.memory_space<vmem>>)
      tpu.yield
    }) : () -> ()
    %mul3A_5 = arith.constant 1024 : i32
    %mul3A_6 = arith.muli %add3A, %mul3A_5 : i32
    %add3A_7 = arith.constant 0 : i32
    %add3A_8 = arith.addi %mul3A_6, %add3A_7 : i32
    %dma_start3A = arith.constant 0 : i32
    %dma_start3A_9 = tpu.memref_slice %arg2[%add3A_8, %dma_start3A] : memref<32768x384xf32, #tpu.memory_space<hbm>> -> memref<128x384xf32, #tpu.memory_space<hbm>>
    %dma_start3A_10 = arith.constant 0 : i32
    %dma_start3A_11 = tpu.memref_slice %arg2[%add3A_8, %dma_start3A_10] : memref<32768x384xf32, #tpu.memory_space<hbm>> -> memref<128x384xf32, #tpu.memory_space<hbm>>
    tpu.enqueue_dma source(%dma_start3A_11 : memref<128x384xf32, #tpu.memory_space<hbm>>) target(%arg6 : memref<128x384xf32, #tpu.memory_space<vmem>>) target_semaphore(%arg8 : memref<!tpu.dma_semaphore, #tpu.memory_space<semaphore_mem>>)
    %mul3A_12 = arith.constant 1024 : i32
    %mul3A_13 = arith.muli %add3A, %mul3A_12 : i32
    %add3A_14 = arith.constant 128 : i32
    %add3A_15 = arith.addi %mul3A_13, %add3A_14 : i32
    %dma_start3A_16 = arith.constant 0 : i32
    %dma_start3A_17 = tpu.memref_slice %arg2[%add3A_15, %dma_start3A_16] : memref<32768x384xf32, #tpu.memory_space<hbm>> -> memref<128x384xf32, #tpu.memory_space<hbm>>
    %dma_start3A_18 = arith.constant 0 : i32
    %dma_start3A_19 = tpu.memref_slice %arg2[%add3A_15, %dma_start3A_18] : memref<32768x384xf32, #tpu.memory_space<hbm>> -> memref<128x384xf32, #tpu.memory_space<hbm>>
    tpu.enqueue_dma source(%dma_start3A_19 : memref<128x384xf32, #tpu.memory_space<hbm>>) target(%arg7 : memref<128x384xf32, #tpu.memory_space<vmem>>) target_semaphore(%arg9 : memref<!tpu.dma_semaphore, #tpu.memory_space<semaphore_mem>>)
    %dma_wait3A = arith.constant 0 : i32
    %dma_wait3A_20 = tpu.memref_slice %arg2[%add3A_8, %dma_wait3A] : memref<32768x384xf32, #tpu.memory_space<hbm>> -> memref<128x384xf32, #tpu.memory_space<hbm>>
    %dma_wait3A_21 = arith.constant 0 : i32
    %dma_wait3A_22 = tpu.memref_slice %arg2[%add3A_8, %dma_wait3A_21] : memref<32768x384xf32, #tpu.memory_space<hbm>> -> memref<128x384xf32, #tpu.memory_space<hbm>>
    tpu.wait_dma2 semaphore(%arg8 : memref<!tpu.dma_semaphore, #tpu.memory_space<semaphore_mem>>) src(%dma_wait3A_22 : memref<128x384xf32, #tpu.memory_space<hbm>>) dst(%arg6 : memref<128x384xf32, #tpu.memory_space<vmem>>)
    %dma_start3A_23 = arith.constant 0 : i32
    %dma_start3A_24 = arith.constant 0 : i32
    %dma_start3A_25 = tpu.memref_slice %arg5[%dma_start3A_23, %dma_start3A_24] : memref<32x128xi32, #tpu.memory_space<vmem>> -> memref<1x128xi32, #tpu.memory_space<vmem>>
    %dma_start3A_26 = tpu.memref_squeeze %dma_start3A_25 : memref<1x128xi32, #tpu.memory_space<vmem>> -> memref<128xi32, #tpu.memory_space<vmem>>
    %dma_start3A_27 = arith.constant 0 : i32
    %dma_start3A_28 = arith.constant 0 : i32
    %dma_start3A_29 = tpu.memref_slice %arg4[%dma_start3A_27, %dma_start3A_28] : memref<131072x384xf32, #tpu.memory_space<hbm>> -> memref<131072x384xf32, #tpu.memory_space<hbm>>
    tpu.enqueue_indirect_dma source(%arg6 : memref<128x384xf32, #tpu.memory_space<vmem>>) target(%dma_start3A_29 : memref<131072x384xf32, #tpu.memory_space<hbm>>) offsets(%dma_start3A_26 : memref<128xi32, #tpu.memory_space<vmem>>) semaphore(%arg10 : memref<!tpu.dma_semaphore, #tpu.memory_space<semaphore_mem>>)
    %dma_start3A_30 = arith.constant 1 : i32
    %dma_start3A_31 = arith.constant 0 : i32
    %dma_start3A_32 = tpu.memref_slice %arg5[%dma_start3A_30, %dma_start3A_31] : memref<32x128xi32, #tpu.memory_space<vmem>> -> memref<1x128xi32, #tpu.memory_space<vmem>>
    %dma_start3A_33 = tpu.memref_squeeze %dma_start3A_32 : memref<1x128xi32, #tpu.memory_space<vmem>> -> memref<128xi32, #tpu.memory_space<vmem>>
    %dma_start3A_34 = arith.constant 0 : i32
    %dma_start3A_35 = arith.constant 0 : i32
    %dma_start3A_36 = tpu.memref_slice %arg4[%dma_start3A_34, %dma_start3A_35] : memref<131072x384xf32, #tpu.memory_space<hbm>> -> memref<131072x384xf32, #tpu.memory_space<hbm>>
    tpu.enqueue_indirect_dma source(%arg6 : memref<128x384xf32, #tpu.memory_space<vmem>>) target(%dma_start3A_36 : memref<131072x384xf32, #tpu.memory_space<hbm>>) offsets(%dma_start3A_33 : memref<128xi32, #tpu.memory_space<vmem>>) semaphore(%arg10 : memref<!tpu.dma_semaphore, #tpu.memory_space<semaphore_mem>>)
    %dma_start3A_37 = arith.constant 2 : i32
    %dma_start3A_38 = arith.constant 0 : i32
    %dma_start3A_39 = tpu.memref_slice %arg5[%dma_start3A_37, %dma_start3A_38] : memref<32x128xi32, #tpu.memory_space<vmem>> -> memref<1x128xi32, #tpu.memory_space<vmem>>
    %dma_start3A_40 = tpu.memref_squeeze %dma_start3A_39 : memref<1x128xi32, #tpu.memory_space<vmem>> -> memref<128xi32, #tpu.memory_space<vmem>>
    %dma_start3A_41 = arith.constant 0 : i32
    %dma_start3A_42 = arith.constant 0 : i32
    %dma_start3A_43 = tpu.memref_slice %arg4[%dma_start3A_41, %dma_start3A_42] : memref<131072x384xf32, #tpu.memory_space<hbm>> -> memref<131072x384xf32, #tpu.memory_space<hbm>>
    tpu.enqueue_indirect_dma source(%arg6 : memref<128x384xf32, #tpu.memory_space<vmem>>) target(%dma_start3A_43 : memref<131072x384xf32, #tpu.memory_space<hbm>>) offsets(%dma_start3A_40 : memref<128xi32, #tpu.memory_space<vmem>>) semaphore(%arg10 : memref<!tpu.dma_semaphore, #tpu.memory_space<semaphore_mem>>)
    %dma_start3A_44 = arith.constant 3 : i32
    %dma_start3A_45 = arith.constant 0 : i32
    %dma_start3A_46 = tpu.memref_slice %arg5[%dma_start3A_44, %dma_start3A_45] : memref<32x128xi32, #tpu.memory_space<vmem>> -> memref<1x128xi32, #tpu.memory_space<vmem>>
    %dma_start3A_47 = tpu.memref_squeeze %dma_start3A_46 : memref<1x128xi32, #tpu.memory_space<vmem>> -> memref<128xi32, #tpu.memory_space<vmem>>
    %dma_start3A_48 = arith.constant 0 : i32
    %dma_start3A_49 = arith.constant 0 : i32
    %dma_start3A_50 = tpu.memref_slice %arg4[%dma_start3A_48, %dma_start3A_49] : memref<131072x384xf32, #tpu.memory_space<hbm>> -> memref<131072x384xf32, #tpu.memory_space<hbm>>
    tpu.enqueue_indirect_dma source(%arg6 : memref<128x384xf32, #tpu.memory_space<vmem>>) target(%dma_start3A_50 : memref<131072x384xf32, #tpu.memory_space<hbm>>) offsets(%dma_start3A_47 : memref<128xi32, #tpu.memory_space<vmem>>) semaphore(%arg10 : memref<!tpu.dma_semaphore, #tpu.memory_space<semaphore_mem>>)
    %dma_wait3A_51 = arith.constant 0 : i32
    %dma_wait3A_52 = arith.constant 0 : i32
    %dma_wait3A_53 = tpu.memref_slice %arg5[%dma_wait3A_51, %dma_wait3A_52] : memref<32x128xi32, #tpu.memory_space<vmem>> -> memref<1x128xi32, #tpu.memory_space<vmem>>
    %dma_wait3A_54 = tpu.memref_squeeze %dma_wait3A_53 : memref<1x128xi32, #tpu.memory_space<vmem>> -> memref<128xi32, #tpu.memory_space<vmem>>
    %dma_wait3A_55 = arith.constant 0 : i32
    %dma_wait3A_56 = arith.constant 0 : i32
    %dma_wait3A_57 = tpu.memref_slice %arg4[%dma_wait3A_55, %dma_wait3A_56] : memref<131072x384xf32, #tpu.memory_space<hbm>> -> memref<131072x384xf32, #tpu.memory_space<hbm>>
    tpu.wait_indirect_dma semaphore(%arg10 : memref<!tpu.dma_semaphore, #tpu.memory_space<semaphore_mem>>) src(%arg6 : memref<128x384xf32, #tpu.memory_space<vmem>>) dst(%dma_wait3A_57 : memref<131072x384xf32, #tpu.memory_space<hbm>>)
    %dma_wait3A_58 = arith.constant 1 : i32
    %dma_wait3A_59 = arith.constant 0 : i32
    %dma_wait3A_60 = tpu.memref_slice %arg5[%dma_wait3A_58, %dma_wait3A_59] : memref<32x128xi32, #tpu.memory_space<vmem>> -> memref<1x128xi32, #tpu.memory_space<vmem>>
    %dma_wait3A_61 = tpu.memref_squeeze %dma_wait3A_60 : memref<1x128xi32, #tpu.memory_space<vmem>> -> memref<128xi32, #tpu.memory_space<vmem>>
    %dma_wait3A_62 = arith.constant 0 : i32
    %dma_wait3A_63 = arith.constant 0 : i32
    %dma_wait3A_64 = tpu.memref_slice %arg4[%dma_wait3A_62, %dma_wait3A_63] : memref<131072x384xf32, #tpu.memory_space<hbm>> -> memref<131072x384xf32, #tpu.memory_space<hbm>>
    tpu.wait_indirect_dma semaphore(%arg10 : memref<!tpu.dma_semaphore, #tpu.memory_space<semaphore_mem>>) src(%arg6 : memref<128x384xf32, #tpu.memory_space<vmem>>) dst(%dma_wait3A_64 : memref<131072x384xf32, #tpu.memory_space<hbm>>)
    %dma_wait3A_65 = arith.constant 2 : i32
    %dma_wait3A_66 = arith.constant 0 : i32
    %dma_wait3A_67 = tpu.memref_slice %arg5[%dma_wait3A_65, %dma_wait3A_66] : memref<32x128xi32, #tpu.memory_space<vmem>> -> memref<1x128xi32, #tpu.memory_space<vmem>>
    %dma_wait3A_68 = tpu.memref_squeeze %dma_wait3A_67 : memref<1x128xi32, #tpu.memory_space<vmem>> -> memref<128xi32, #tpu.memory_space<vmem>>
    %dma_wait3A_69 = arith.constant 0 : i32
    %dma_wait3A_70 = arith.constant 0 : i32
    %dma_wait3A_71 = tpu.memref_slice %arg4[%dma_wait3A_69, %dma_wait3A_70] : memref<131072x384xf32, #tpu.memory_space<hbm>> -> memref<131072x384xf32, #tpu.memory_space<hbm>>
    tpu.wait_indirect_dma semaphore(%arg10 : memref<!tpu.dma_semaphore, #tpu.memory_space<semaphore_mem>>) src(%arg6 : memref<128x384xf32, #tpu.memory_space<vmem>>) dst(%dma_wait3A_71 : memref<131072x384xf32, #tpu.memory_space<hbm>>)
    %dma_wait3A_72 = arith.constant 3 : i32
    %dma_wait3A_73 = arith.constant 0 : i32
    %dma_wait3A_74 = tpu.memref_slice %arg5[%dma_wait3A_72, %dma_wait3A_73] : memref<32x128xi32, #tpu.memory_space<vmem>> -> memref<1x128xi32, #tpu.memory_space<vmem>>
    %dma_wait3A_75 = tpu.memref_squeeze %dma_wait3A_74 : memref<1x128xi32, #tpu.memory_space<vmem>> -> memref<128xi32, #tpu.memory_space<vmem>>
    %dma_wait3A_76 = arith.constant 0 : i32
    %dma_wait3A_77 = arith.constant 0 : i32
    %dma_wait3A_78 = tpu.memref_slice %arg4[%dma_wait3A_76, %dma_wait3A_77] : memref<131072x384xf32, #tpu.memory_space<hbm>> -> memref<131072x384xf32, #tpu.memory_space<hbm>>
    tpu.wait_indirect_dma semaphore(%arg10 : memref<!tpu.dma_semaphore, #tpu.memory_space<semaphore_mem>>) src(%arg6 : memref<128x384xf32, #tpu.memory_space<vmem>>) dst(%dma_wait3A_78 : memref<131072x384xf32, #tpu.memory_space<hbm>>)
    %mul3A_79 = arith.constant 1024 : i32
    %mul3A_80 = arith.muli %add3A, %mul3A_79 : i32
    %add3A_81 = arith.constant 256 : i32
    %add3A_82 = arith.addi %mul3A_80, %add3A_81 : i32
    %dma_start3A_83 = arith.constant 0 : i32
    %dma_start3A_84 = tpu.memref_slice %arg2[%add3A_82, %dma_start3A_83] : memref<32768x384xf32, #tpu.memory_space<hbm>> -> memref<128x384xf32, #tpu.memory_space<hbm>>
    %dma_start3A_85 = arith.constant 0 : i32
    %dma_start3A_86 = tpu.memref_slice %arg2[%add3A_82, %dma_start3A_85] : memref<32768x384xf32, #tpu.memory_space<hbm>> -> memref<128x384xf32, #tpu.memory_space<hbm>>
    tpu.enqueue_dma source(%dma_start3A_86 : memref<128x384xf32, #tpu.memory_space<hbm>>) target(%arg6 : memref<128x384xf32, #tpu.memory_space<vmem>>) target_semaphore(%arg8 : memref<!tpu.dma_semaphore, #tpu.memory_space<semaphore_mem>>)
    %dma_wait3A_87 = arith.constant 0 : i32
    %dma_wait3A_88 = tpu.memref_slice %arg2[%add3A_15, %dma_wait3A_87] : memref<32768x384xf32, #tpu.memory_space<hbm>> -> memref<128x384xf32, #tpu.memory_space<hbm>>
    %dma_wait3A_89 = arith.constant 0 : i32
    %dma_wait3A_90 = tpu.memref_slice %arg2[%add3A_15, %dma_wait3A_89] : memref<32768x384xf32, #tpu.memory_space<hbm>> -> memref<128x384xf32, #tpu.memory_space<hbm>>
    tpu.wait_dma2 semaphore(%arg9 : memref<!tpu.dma_semaphore, #tpu.memory_space<semaphore_mem>>) src(%dma_wait3A_90 : memref<128x384xf32, #tpu.memory_space<hbm>>) dst(%arg7 : memref<128x384xf32, #tpu.memory_space<vmem>>)
    %dma_start3A_91 = arith.constant 4 : i32
    %dma_start3A_92 = arith.constant 0 : i32
    %dma_start3A_93 = tpu.memref_slice %arg5[%dma_start3A_91, %dma_start3A_92] : memref<32x128xi32, #tpu.memory_space<vmem>> -> memref<1x128xi32, #tpu.memory_space<vmem>>
    %dma_start3A_94 = tpu.memref_squeeze %dma_start3A_93 : memref<1x128xi32, #tpu.memory_space<vmem>> -> memref<128xi32, #tpu.memory_space<vmem>>
    %dma_start3A_95 = arith.constant 0 : i32
    %dma_start3A_96 = arith.constant 0 : i32
    %dma_start3A_97 = tpu.memref_slice %arg4[%dma_start3A_95, %dma_start3A_96] : memref<131072x384xf32, #tpu.memory_space<hbm>> -> memref<131072x384xf32, #tpu.memory_space<hbm>>
    tpu.enqueue_indirect_dma source(%arg7 : memref<128x384xf32, #tpu.memory_space<vmem>>) target(%dma_start3A_97 : memref<131072x384xf32, #tpu.memory_space<hbm>>) offsets(%dma_start3A_94 : memref<128xi32, #tpu.memory_space<vmem>>) semaphore(%arg11 : memref<!tpu.dma_semaphore, #tpu.memory_space<semaphore_mem>>)
    %dma_start3A_98 = arith.constant 5 : i32
    %dma_start3A_99 = arith.constant 0 : i32
    %dma_start3A_100 = tpu.memref_slice %arg5[%dma_start3A_98, %dma_start3A_99] : memref<32x128xi32, #tpu.memory_space<vmem>> -> memref<1x128xi32, #tpu.memory_space<vmem>>
    %dma_start3A_101 = tpu.memref_squeeze %dma_start3A_100 : memref<1x128xi32, #tpu.memory_space<vmem>> -> memref<128xi32, #tpu.memory_space<vmem>>
    %dma_start3A_102 = arith.constant 0 : i32
    %dma_start3A_103 = arith.constant 0 : i32
    %dma_start3A_104 = tpu.memref_slice %arg4[%dma_start3A_102, %dma_start3A_103] : memref<131072x384xf32, #tpu.memory_space<hbm>> -> memref<131072x384xf32, #tpu.memory_space<hbm>>
    tpu.enqueue_indirect_dma source(%arg7 : memref<128x384xf32, #tpu.memory_space<vmem>>) target(%dma_start3A_104 : memref<131072x384xf32, #tpu.memory_space<hbm>>) offsets(%dma_start3A_101 : memref<128xi32, #tpu.memory_space<vmem>>) semaphore(%arg11 : memref<!tpu.dma_semaphore, #tpu.memory_space<semaphore_mem>>)
    %dma_start3A_105 = arith.constant 6 : i32
    %dma_start3A_106 = arith.constant 0 : i32
    %dma_start3A_107 = tpu.memref_slice %arg5[%dma_start3A_105, %dma_start3A_106] : memref<32x128xi32, #tpu.memory_space<vmem>> -> memref<1x128xi32, #tpu.memory_space<vmem>>
    %dma_start3A_108 = tpu.memref_squeeze %dma_start3A_107 : memref<1x128xi32, #tpu.memory_space<vmem>> -> memref<128xi32, #tpu.memory_space<vmem>>
    %dma_start3A_109 = arith.constant 0 : i32
    %dma_start3A_110 = arith.constant 0 : i32
    %dma_start3A_111 = tpu.memref_slice %arg4[%dma_start3A_109, %dma_start3A_110] : memref<131072x384xf32, #tpu.memory_space<hbm>> -> memref<131072x384xf32, #tpu.memory_space<hbm>>
    tpu.enqueue_indirect_dma source(%arg7 : memref<128x384xf32, #tpu.memory_space<vmem>>) target(%dma_start3A_111 : memref<131072x384xf32, #tpu.memory_space<hbm>>) offsets(%dma_start3A_108 : memref<128xi32, #tpu.memory_space<vmem>>) semaphore(%arg11 : memref<!tpu.dma_semaphore, #tpu.memory_space<semaphore_mem>>)
    %dma_start3A_112 = arith.constant 7 : i32
    %dma_start3A_113 = arith.constant 0 : i32
    %dma_start3A_114 = tpu.memref_slice %arg5[%dma_start3A_112, %dma_start3A_113] : memref<32x128xi32, #tpu.memory_space<vmem>> -> memref<1x128xi32, #tpu.memory_space<vmem>>
    %dma_start3A_115 = tpu.memref_squeeze %dma_start3A_114 : memref<1x128xi32, #tpu.memory_space<vmem>> -> memref<128xi32, #tpu.memory_space<vmem>>
    %dma_start3A_116 = arith.constant 0 : i32
    %dma_start3A_117 = arith.constant 0 : i32
    %dma_start3A_118 = tpu.memref_slice %arg4[%dma_start3A_116, %dma_start3A_117] : memref<131072x384xf32, #tpu.memory_space<hbm>> -> memref<131072x384xf32, #tpu.memory_space<hbm>>
    tpu.enqueue_indirect_dma source(%arg7 : memref<128x384xf32, #tpu.memory_space<vmem>>) target(%dma_start3A_118 : memref<131072x384xf32, #tpu.memory_space<hbm>>) offsets(%dma_start3A_115 : memref<128xi32, #tpu.memory_space<vmem>>) semaphore(%arg11 : memref<!tpu.dma_semaphore, #tpu.memory_space<semaphore_mem>>)
    %dma_wait3A_119 = arith.constant 4 : i32
    %dma_wait3A_120 = arith.constant 0 : i32
    %dma_wait3A_121 = tpu.memref_slice %arg5[%dma_wait3A_119, %dma_wait3A_120] : memref<32x128xi32, #tpu.memory_space<vmem>> -> memref<1x128xi32, #tpu.memory_space<vmem>>
    %dma_wait3A_122 = tpu.memref_squeeze %dma_wait3A_121 : memref<1x128xi32, #tpu.memory_space<vmem>> -> memref<128xi32, #tpu.memory_space<vmem>>
    %dma_wait3A_123 = arith.constant 0 : i32
    %dma_wait3A_124 = arith.constant 0 : i32
    %dma_wait3A_125 = tpu.memref_slice %arg4[%dma_wait3A_123, %dma_wait3A_124] : memref<131072x384xf32, #tpu.memory_space<hbm>> -> memref<131072x384xf32, #tpu.memory_space<hbm>>
    tpu.wait_indirect_dma semaphore(%arg11 : memref<!tpu.dma_semaphore, #tpu.memory_space<semaphore_mem>>) src(%arg7 : memref<128x384xf32, #tpu.memory_space<vmem>>) dst(%dma_wait3A_125 : memref<131072x384xf32, #tpu.memory_space<hbm>>)
    %dma_wait3A_126 = arith.constant 5 : i32
    %dma_wait3A_127 = arith.constant 0 : i32
    %dma_wait3A_128 = tpu.memref_slice %arg5[%dma_wait3A_126, %dma_wait3A_127] : memref<32x128xi32, #tpu.memory_space<vmem>> -> memref<1x128xi32, #tpu.memory_space<vmem>>
    %dma_wait3A_129 = tpu.memref_squeeze %dma_wait3A_128 : memref<1x128xi32, #tpu.memory_space<vmem>> -> memref<128xi32, #tpu.memory_space<vmem>>
    %dma_wait3A_130 = arith.constant 0 : i32
    %dma_wait3A_131 = arith.constant 0 : i32
    %dma_wait3A_132 = tpu.memref_slice %arg4[%dma_wait3A_130, %dma_wait3A_131] : memref<131072x384xf32, #tpu.memory_space<hbm>> -> memref<131072x384xf32, #tpu.memory_space<hbm>>
    tpu.wait_indirect_dma semaphore(%arg11 : memref<!tpu.dma_semaphore, #tpu.memory_space<semaphore_mem>>) src(%arg7 : memref<128x384xf32, #tpu.memory_space<vmem>>) dst(%dma_wait3A_132 : memref<131072x384xf32, #tpu.memory_space<hbm>>)
    %dma_wait3A_133 = arith.constant 6 : i32
    %dma_wait3A_134 = arith.constant 0 : i32
    %dma_wait3A_135 = tpu.memref_slice %arg5[%dma_wait3A_133, %dma_wait3A_134] : memref<32x128xi32, #tpu.memory_space<vmem>> -> memref<1x128xi32, #tpu.memory_space<vmem>>
    %dma_wait3A_136 = tpu.memref_squeeze %dma_wait3A_135 : memref<1x128xi32, #tpu.memory_space<vmem>> -> memref<128xi32, #tpu.memory_space<vmem>>
    %dma_wait3A_137 = arith.constant 0 : i32
    %dma_wait3A_138 = arith.constant 0 : i32
    %dma_wait3A_139 = tpu.memref_slice %arg4[%dma_wait3A_137, %dma_wait3A_138] : memref<131072x384xf32, #tpu.memory_space<hbm>> -> memref<131072x384xf32, #tpu.memory_space<hbm>>
    tpu.wait_indirect_dma semaphore(%arg11 : memref<!tpu.dma_semaphore, #tpu.memory_space<semaphore_mem>>) src(%arg7 : memref<128x384xf32, #tpu.memory_space<vmem>>) dst(%dma_wait3A_139 : memref<131072x384xf32, #tpu.memory_space<hbm>>)
    %dma_wait3A_140 = arith.constant 7 : i32
    %dma_wait3A_141 = arith.constant 0 : i32
    %dma_wait3A_142 = tpu.memref_slice %arg5[%dma_wait3A_140, %dma_wait3A_141] : memref<32x128xi32, #tpu.memory_space<vmem>> -> memref<1x128xi32, #tpu.memory_space<vmem>>
    %dma_wait3A_143 = tpu.memref_squeeze %dma_wait3A_142 : memref<1x128xi32, #tpu.memory_space<vmem>> -> memref<128xi32, #tpu.memory_space<vmem>>
    %dma_wait3A_144 = arith.constant 0 : i32
    %dma_wait3A_145 = arith.constant 0 : i32
    %dma_wait3A_146 = tpu.memref_slice %arg4[%dma_wait3A_144, %dma_wait3A_145] : memref<131072x384xf32, #tpu.memory_space<hbm>> -> memref<131072x384xf32, #tpu.memory_space<hbm>>
    tpu.wait_indirect_dma semaphore(%arg11 : memref<!tpu.dma_semaphore, #tpu.memory_space<semaphore_mem>>) src(%arg7 : memref<128x384xf32, #tpu.memory_space<vmem>>) dst(%dma_wait3A_146 : memref<131072x384xf32, #tpu.memory_space<hbm>>)
    %mul3A_147 = arith.constant 1024 : i32
    %mul3A_148 = arith.muli %add3A, %mul3A_147 : i32
    %add3A_149 = arith.constant 384 : i32
    %add3A_150 = arith.addi %mul3A_148, %add3A_149 : i32
    %dma_start3A_151 = arith.constant 0 : i32
    %dma_start3A_152 = tpu.memref_slice %arg2[%add3A_150, %dma_start3A_151] : memref<32768x384xf32, #tpu.memory_space<hbm>> -> memref<128x384xf32, #tpu.memory_space<hbm>>
    %dma_start3A_153 = arith.constant 0 : i32
    %dma_start3A_154 = tpu.memref_slice %arg2[%add3A_150, %dma_start3A_153] : memref<32768x384xf32, #tpu.memory_space<hbm>> -> memref<128x384xf32, #tpu.memory_space<hbm>>
    tpu.enqueue_dma source(%dma_start3A_154 : memref<128x384xf32, #tpu.memory_space<hbm>>) target(%arg7 : memref<128x384xf32, #tpu.memory_space<vmem>>) target_semaphore(%arg9 : memref<!tpu.dma_semaphore, #tpu.memory_space<semaphore_mem>>)
    %dma_wait3A_155 = arith.constant 0 : i32
    %dma_wait3A_156 = tpu.memref_slice %arg2[%add3A_82, %dma_wait3A_155] : memref<32768x384xf32, #tpu.memory_space<hbm>> -> memref<128x384xf32, #tpu.memory_space<hbm>>
    %dma_wait3A_157 = arith.constant 0 : i32
    %dma_wait3A_158 = tpu.memref_slice %arg2[%add3A_82, %dma_wait3A_157] : memref<32768x384xf32, #tpu.memory_space<hbm>> -> memref<128x384xf32, #tpu.memory_space<hbm>>
    tpu.wait_dma2 semaphore(%arg8 : memref<!tpu.dma_semaphore, #tpu.memory_space<semaphore_mem>>) src(%dma_wait3A_158 : memref<128x384xf32, #tpu.memory_space<hbm>>) dst(%arg6 : memref<128x384xf32, #tpu.memory_space<vmem>>)
    %dma_start3A_159 = arith.constant 8 : i32
    %dma_start3A_160 = arith.constant 0 : i32
    %dma_start3A_161 = tpu.memref_slice %arg5[%dma_start3A_159, %dma_start3A_160] : memref<32x128xi32, #tpu.memory_space<vmem>> -> memref<1x128xi32, #tpu.memory_space<vmem>>
    %dma_start3A_162 = tpu.memref_squeeze %dma_start3A_161 : memref<1x128xi32, #tpu.memory_space<vmem>> -> memref<128xi32, #tpu.memory_space<vmem>>
    %dma_start3A_163 = arith.constant 0 : i32
    %dma_start3A_164 = arith.constant 0 : i32
    %dma_start3A_165 = tpu.memref_slice %arg4[%dma_start3A_163, %dma_start3A_164] : memref<131072x384xf32, #tpu.memory_space<hbm>> -> memref<131072x384xf32, #tpu.memory_space<hbm>>
    tpu.enqueue_indirect_dma source(%arg6 : memref<128x384xf32, #tpu.memory_space<vmem>>) target(%dma_start3A_165 : memref<131072x384xf32, #tpu.memory_space<hbm>>) offsets(%dma_start3A_162 : memref<128xi32, #tpu.memory_space<vmem>>) semaphore(%arg10 : memref<!tpu.dma_semaphore, #tpu.memory_space<semaphore_mem>>)
    %dma_start3A_166 = arith.constant 9 : i32
    %dma_start3A_167 = arith.constant 0 : i32
    %dma_start3A_168 = tpu.memref_slice %arg5[%dma_start3A_166, %dma_start3A_167] : memref<32x128xi32, #tpu.memory_space<vmem>> -> memref<1x128xi32, #tpu.memory_space<vmem>>
    %dma_start3A_169 = tpu.memref_squeeze %dma_start3A_168 : memref<1x128xi32, #tpu.memory_space<vmem>> -> memref<128xi32, #tpu.memory_space<vmem>>
    %dma_start3A_170 = arith.constant 0 : i32
    %dma_start3A_171 = arith.constant 0 : i32
    %dma_start3A_172 = tpu.memref_slice %arg4[%dma_start3A_170, %dma_start3A_171] : memref<131072x384xf32, #tpu.memory_space<hbm>> -> memref<131072x384xf32, #tpu.memory_space<hbm>>
    tpu.enqueue_indirect_dma source(%arg6 : memref<128x384xf32, #tpu.memory_space<vmem>>) target(%dma_start3A_172 : memref<131072x384xf32, #tpu.memory_space<hbm>>) offsets(%dma_start3A_169 : memref<128xi32, #tpu.memory_space<vmem>>) semaphore(%arg10 : memref<!tpu.dma_semaphore, #tpu.memory_space<semaphore_mem>>)
    %dma_start3A_173 = arith.constant 10 : i32
    %dma_start3A_174 = arith.constant 0 : i32
    %dma_start3A_175 = tpu.memref_slice %arg5[%dma_start3A_173, %dma_start3A_174] : memref<32x128xi32, #tpu.memory_space<vmem>> -> memref<1x128xi32, #tpu.memory_space<vmem>>
    %dma_start3A_176 = tpu.memref_squeeze %dma_start3A_175 : memref<1x128xi32, #tpu.memory_space<vmem>> -> memref<128xi32, #tpu.memory_space<vmem>>
    %dma_start3A_177 = arith.constant 0 : i32
    %dma_start3A_178 = arith.constant 0 : i32
    %dma_start3A_179 = tpu.memref_slice %arg4[%dma_start3A_177, %dma_start3A_178] : memref<131072x384xf32, #tpu.memory_space<hbm>> -> memref<131072x384xf32, #tpu.memory_space<hbm>>
    tpu.enqueue_indirect_dma source(%arg6 : memref<128x384xf32, #tpu.memory_space<vmem>>) target(%dma_start3A_179 : memref<131072x384xf32, #tpu.memory_space<hbm>>) offsets(%dma_start3A_176 : memref<128xi32, #tpu.memory_space<vmem>>) semaphore(%arg10 : memref<!tpu.dma_semaphore, #tpu.memory_space<semaphore_mem>>)
    %dma_start3A_180 = arith.constant 11 : i32
    %dma_start3A_181 = arith.constant 0 : i32
    %dma_start3A_182 = tpu.memref_slice %arg5[%dma_start3A_180, %dma_start3A_181] : memref<32x128xi32, #tpu.memory_space<vmem>> -> memref<1x128xi32, #tpu.memory_space<vmem>>
    %dma_start3A_183 = tpu.memref_squeeze %dma_start3A_182 : memref<1x128xi32, #tpu.memory_space<vmem>> -> memref<128xi32, #tpu.memory_space<vmem>>
    %dma_start3A_184 = arith.constant 0 : i32
    %dma_start3A_185 = arith.constant 0 : i32
    %dma_start3A_186 = tpu.memref_slice %arg4[%dma_start3A_184, %dma_start3A_185] : memref<131072x384xf32, #tpu.memory_space<hbm>> -> memref<131072x384xf32, #tpu.memory_space<hbm>>
    tpu.enqueue_indirect_dma source(%arg6 : memref<128x384xf32, #tpu.memory_space<vmem>>) target(%dma_start3A_186 : memref<131072x384xf32, #tpu.memory_space<hbm>>) offsets(%dma_start3A_183 : memref<128xi32, #tpu.memory_space<vmem>>) semaphore(%arg10 : memref<!tpu.dma_semaphore, #tpu.memory_space<semaphore_mem>>)
    %dma_wait3A_187 = arith.constant 8 : i32
    %dma_wait3A_188 = arith.constant 0 : i32
    %dma_wait3A_189 = tpu.memref_slice %arg5[%dma_wait3A_187, %dma_wait3A_188] : memref<32x128xi32, #tpu.memory_space<vmem>> -> memref<1x128xi32, #tpu.memory_space<vmem>>
    %dma_wait3A_190 = tpu.memref_squeeze %dma_wait3A_189 : memref<1x128xi32, #tpu.memory_space<vmem>> -> memref<128xi32, #tpu.memory_space<vmem>>
    %dma_wait3A_191 = arith.constant 0 : i32
    %dma_wait3A_192 = arith.constant 0 : i32
    %dma_wait3A_193 = tpu.memref_slice %arg4[%dma_wait3A_191, %dma_wait3A_192] : memref<131072x384xf32, #tpu.memory_space<hbm>> -> memref<131072x384xf32, #tpu.memory_space<hbm>>
    tpu.wait_indirect_dma semaphore(%arg10 : memref<!tpu.dma_semaphore, #tpu.memory_space<semaphore_mem>>) src(%arg6 : memref<128x384xf32, #tpu.memory_space<vmem>>) dst(%dma_wait3A_193 : memref<131072x384xf32, #tpu.memory_space<hbm>>)
    %dma_wait3A_194 = arith.constant 9 : i32
    %dma_wait3A_195 = arith.constant 0 : i32
    %dma_wait3A_196 = tpu.memref_slice %arg5[%dma_wait3A_194, %dma_wait3A_195] : memref<32x128xi32, #tpu.memory_space<vmem>> -> memref<1x128xi32, #tpu.memory_space<vmem>>
    %dma_wait3A_197 = tpu.memref_squeeze %dma_wait3A_196 : memref<1x128xi32, #tpu.memory_space<vmem>> -> memref<128xi32, #tpu.memory_space<vmem>>
    %dma_wait3A_198 = arith.constant 0 : i32
    %dma_wait3A_199 = arith.constant 0 : i32
    %dma_wait3A_200 = tpu.memref_slice %arg4[%dma_wait3A_198, %dma_wait3A_199] : memref<131072x384xf32, #tpu.memory_space<hbm>> -> memref<131072x384xf32, #tpu.memory_space<hbm>>
    tpu.wait_indirect_dma semaphore(%arg10 : memref<!tpu.dma_semaphore, #tpu.memory_space<semaphore_mem>>) src(%arg6 : memref<128x384xf32, #tpu.memory_space<vmem>>) dst(%dma_wait3A_200 : memref<131072x384xf32, #tpu.memory_space<hbm>>)
    %dma_wait3A_201 = arith.constant 10 : i32
    %dma_wait3A_202 = arith.constant 0 : i32
    %dma_wait3A_203 = tpu.memref_slice %arg5[%dma_wait3A_201, %dma_wait3A_202] : memref<32x128xi32, #tpu.memory_space<vmem>> -> memref<1x128xi32, #tpu.memory_space<vmem>>
    %dma_wait3A_204 = tpu.memref_squeeze %dma_wait3A_203 : memref<1x128xi32, #tpu.memory_space<vmem>> -> memref<128xi32, #tpu.memory_space<vmem>>
    %dma_wait3A_205 = arith.constant 0 : i32
    %dma_wait3A_206 = arith.constant 0 : i32
    %dma_wait3A_207 = tpu.memref_slice %arg4[%dma_wait3A_205, %dma_wait3A_206] : memref<131072x384xf32, #tpu.memory_space<hbm>> -> memref<131072x384xf32, #tpu.memory_space<hbm>>
    tpu.wait_indirect_dma semaphore(%arg10 : memref<!tpu.dma_semaphore, #tpu.memory_space<semaphore_mem>>) src(%arg6 : memref<128x384xf32, #tpu.memory_space<vmem>>) dst(%dma_wait3A_207 : memref<131072x384xf32, #tpu.memory_space<hbm>>)
    %dma_wait3A_208 = arith.constant 11 : i32
    %dma_wait3A_209 = arith.constant 0 : i32
    %dma_wait3A_210 = tpu.memref_slice %arg5[%dma_wait3A_208, %dma_wait3A_209] : memref<32x128xi32, #tpu.memory_space<vmem>> -> memref<1x128xi32, #tpu.memory_space<vmem>>
    %dma_wait3A_211 = tpu.memref_squeeze %dma_wait3A_210 : memref<1x128xi32, #tpu.memory_space<vmem>> -> memref<128xi32, #tpu.memory_space<vmem>>
    %dma_wait3A_212 = arith.constant 0 : i32
    %dma_wait3A_213 = arith.constant 0 : i32
    %dma_wait3A_214 = tpu.memref_slice %arg4[%dma_wait3A_212, %dma_wait3A_213] : memref<131072x384xf32, #tpu.memory_space<hbm>> -> memref<131072x384xf32, #tpu.memory_space<hbm>>
    tpu.wait_indirect_dma semaphore(%arg10 : memref<!tpu.dma_semaphore, #tpu.memory_space<semaphore_mem>>) src(%arg6 : memref<128x384xf32, #tpu.memory_space<vmem>>) dst(%dma_wait3A_214 : memref<131072x384xf32, #tpu.memory_space<hbm>>)
    %mul3A_215 = arith.constant 1024 : i32
    %mul3A_216 = arith.muli %add3A, %mul3A_215 : i32
    %add3A_217 = arith.constant 512 : i32
    %add3A_218 = arith.addi %mul3A_216, %add3A_217 : i32
    %dma_start3A_219 = arith.constant 0 : i32
    %dma_start3A_220 = tpu.memref_slice %arg2[%add3A_218, %dma_start3A_219] : memref<32768x384xf32, #tpu.memory_space<hbm>> -> memref<128x384xf32, #tpu.memory_space<hbm>>
    %dma_start3A_221 = arith.constant 0 : i32
    %dma_start3A_222 = tpu.memref_slice %arg2[%add3A_218, %dma_start3A_221] : memref<32768x384xf32, #tpu.memory_space<hbm>> -> memref<128x384xf32, #tpu.memory_space<hbm>>
    tpu.enqueue_dma source(%dma_start3A_222 : memref<128x384xf32, #tpu.memory_space<hbm>>) target(%arg6 : memref<128x384xf32, #tpu.memory_space<vmem>>) target_semaphore(%arg8 : memref<!tpu.dma_semaphore, #tpu.memory_space<semaphore_mem>>)
    %dma_wait3A_223 = arith.constant 0 : i32
    %dma_wait3A_224 = tpu.memref_slice %arg2[%add3A_150, %dma_wait3A_223] : memref<32768x384xf32, #tpu.memory_space<hbm>> -> memref<128x384xf32, #tpu.memory_space<hbm>>
    %dma_wait3A_225 = arith.constant 0 : i32
    %dma_wait3A_226 = tpu.memref_slice %arg2[%add3A_150, %dma_wait3A_225] : memref<32768x384xf32, #tpu.memory_space<hbm>> -> memref<128x384xf32, #tpu.memory_space<hbm>>
    tpu.wait_dma2 semaphore(%arg9 : memref<!tpu.dma_semaphore, #tpu.memory_space<semaphore_mem>>) src(%dma_wait3A_226 : memref<128x384xf32, #tpu.memory_space<hbm>>) dst(%arg7 : memref<128x384xf32, #tpu.memory_space<vmem>>)
    %dma_start3A_227 = arith.constant 12 : i32
    %dma_start3A_228 = arith.constant 0 : i32
    %dma_start3A_229 = tpu.memref_slice %arg5[%dma_start3A_227, %dma_start3A_228] : memref<32x128xi32, #tpu.memory_space<vmem>> -> memref<1x128xi32, #tpu.memory_space<vmem>>
    %dma_start3A_230 = tpu.memref_squeeze %dma_start3A_229 : memref<1x128xi32, #tpu.memory_space<vmem>> -> memref<128xi32, #tpu.memory_space<vmem>>
    %dma_start3A_231 = arith.constant 0 : i32
    %dma_start3A_232 = arith.constant 0 : i32
    %dma_start3A_233 = tpu.memref_slice %arg4[%dma_start3A_231, %dma_start3A_232] : memref<131072x384xf32, #tpu.memory_space<hbm>> -> memref<131072x384xf32, #tpu.memory_space<hbm>>
    tpu.enqueue_indirect_dma source(%arg7 : memref<128x384xf32, #tpu.memory_space<vmem>>) target(%dma_start3A_233 : memref<131072x384xf32, #tpu.memory_space<hbm>>) offsets(%dma_start3A_230 : memref<128xi32, #tpu.memory_space<vmem>>) semaphore(%arg11 : memref<!tpu.dma_semaphore, #tpu.memory_space<semaphore_mem>>)
    %dma_start3A_234 = arith.constant 13 : i32
    %dma_start3A_235 = arith.constant 0 : i32
    %dma_start3A_236 = tpu.memref_slice %arg5[%dma_start3A_234, %dma_start3A_235] : memref<32x128xi32, #tpu.memory_space<vmem>> -> memref<1x128xi32, #tpu.memory_space<vmem>>
    %dma_start3A_237 = tpu.memref_squeeze %dma_start3A_236 : memref<1x128xi32, #tpu.memory_space<vmem>> -> memref<128xi32, #tpu.memory_space<vmem>>
    %dma_start3A_238 = arith.constant 0 : i32
    %dma_start3A_239 = arith.constant 0 : i32
    %dma_start3A_240 = tpu.memref_slice %arg4[%dma_start3A_238, %dma_start3A_239] : memref<131072x384xf32, #tpu.memory_space<hbm>> -> memref<131072x384xf32, #tpu.memory_space<hbm>>
    tpu.enqueue_indirect_dma source(%arg7 : memref<128x384xf32, #tpu.memory_space<vmem>>) target(%dma_start3A_240 : memref<131072x384xf32, #tpu.memory_space<hbm>>) offsets(%dma_start3A_237 : memref<128xi32, #tpu.memory_space<vmem>>) semaphore(%arg11 : memref<!tpu.dma_semaphore, #tpu.memory_space<semaphore_mem>>)
    %dma_start3A_241 = arith.constant 14 : i32
    %dma_start3A_242 = arith.constant 0 : i32
    %dma_start3A_243 = tpu.memref_slice %arg5[%dma_start3A_241, %dma_start3A_242] : memref<32x128xi32, #tpu.memory_space<vmem>> -> memref<1x128xi32, #tpu.memory_space<vmem>>
    %dma_start3A_244 = tpu.memref_squeeze %dma_start3A_243 : memref<1x128xi32, #tpu.memory_space<vmem>> -> memref<128xi32, #tpu.memory_space<vmem>>
    %dma_start3A_245 = arith.constant 0 : i32
    %dma_start3A_246 = arith.constant 0 : i32
    %dma_start3A_247 = tpu.memref_slice %arg4[%dma_start3A_245, %dma_start3A_246] : memref<131072x384xf32, #tpu.memory_space<hbm>> -> memref<131072x384xf32, #tpu.memory_space<hbm>>
    tpu.enqueue_indirect_dma source(%arg7 : memref<128x384xf32, #tpu.memory_space<vmem>>) target(%dma_start3A_247 : memref<131072x384xf32, #tpu.memory_space<hbm>>) offsets(%dma_start3A_244 : memref<128xi32, #tpu.memory_space<vmem>>) semaphore(%arg11 : memref<!tpu.dma_semaphore, #tpu.memory_space<semaphore_mem>>)
    %dma_start3A_248 = arith.constant 15 : i32
    %dma_start3A_249 = arith.constant 0 : i32
    %dma_start3A_250 = tpu.memref_slice %arg5[%dma_start3A_248, %dma_start3A_249] : memref<32x128xi32, #tpu.memory_space<vmem>> -> memref<1x128xi32, #tpu.memory_space<vmem>>
    %dma_start3A_251 = tpu.memref_squeeze %dma_start3A_250 : memref<1x128xi32, #tpu.memory_space<vmem>> -> memref<128xi32, #tpu.memory_space<vmem>>
    %dma_start3A_252 = arith.constant 0 : i32
    %dma_start3A_253 = arith.constant 0 : i32
    %dma_start3A_254 = tpu.memref_slice %arg4[%dma_start3A_252, %dma_start3A_253] : memref<131072x384xf32, #tpu.memory_space<hbm>> -> memref<131072x384xf32, #tpu.memory_space<hbm>>
    tpu.enqueue_indirect_dma source(%arg7 : memref<128x384xf32, #tpu.memory_space<vmem>>) target(%dma_start3A_254 : memref<131072x384xf32, #tpu.memory_space<hbm>>) offsets(%dma_start3A_251 : memref<128xi32, #tpu.memory_space<vmem>>) semaphore(%arg11 : memref<!tpu.dma_semaphore, #tpu.memory_space<semaphore_mem>>)
    %dma_wait3A_255 = arith.constant 12 : i32
    %dma_wait3A_256 = arith.constant 0 : i32
    %dma_wait3A_257 = tpu.memref_slice %arg5[%dma_wait3A_255, %dma_wait3A_256] : memref<32x128xi32, #tpu.memory_space<vmem>> -> memref<1x128xi32, #tpu.memory_space<vmem>>
    %dma_wait3A_258 = tpu.memref_squeeze %dma_wait3A_257 : memref<1x128xi32, #tpu.memory_space<vmem>> -> memref<128xi32, #tpu.memory_space<vmem>>
    %dma_wait3A_259 = arith.constant 0 : i32
    %dma_wait3A_260 = arith.constant 0 : i32
    %dma_wait3A_261 = tpu.memref_slice %arg4[%dma_wait3A_259, %dma_wait3A_260] : memref<131072x384xf32, #tpu.memory_space<hbm>> -> memref<131072x384xf32, #tpu.memory_space<hbm>>
    tpu.wait_indirect_dma semaphore(%arg11 : memref<!tpu.dma_semaphore, #tpu.memory_space<semaphore_mem>>) src(%arg7 : memref<128x384xf32, #tpu.memory_space<vmem>>) dst(%dma_wait3A_261 : memref<131072x384xf32, #tpu.memory_space<hbm>>)
    %dma_wait3A_262 = arith.constant 13 : i32
    %dma_wait3A_263 = arith.constant 0 : i32
    %dma_wait3A_264 = tpu.memref_slice %arg5[%dma_wait3A_262, %dma_wait3A_263] : memref<32x128xi32, #tpu.memory_space<vmem>> -> memref<1x128xi32, #tpu.memory_space<vmem>>
    %dma_wait3A_265 = tpu.memref_squeeze %dma_wait3A_264 : memref<1x128xi32, #tpu.memory_space<vmem>> -> memref<128xi32, #tpu.memory_space<vmem>>
    %dma_wait3A_266 = arith.constant 0 : i32
    %dma_wait3A_267 = arith.constant 0 : i32
    %dma_wait3A_268 = tpu.memref_slice %arg4[%dma_wait3A_266, %dma_wait3A_267] : memref<131072x384xf32, #tpu.memory_space<hbm>> -> memref<131072x384xf32, #tpu.memory_space<hbm>>
    tpu.wait_indirect_dma semaphore(%arg11 : memref<!tpu.dma_semaphore, #tpu.memory_space<semaphore_mem>>) src(%arg7 : memref<128x384xf32, #tpu.memory_space<vmem>>) dst(%dma_wait3A_268 : memref<131072x384xf32, #tpu.memory_space<hbm>>)
    %dma_wait3A_269 = arith.constant 14 : i32
    %dma_wait3A_270 = arith.constant 0 : i32
    %dma_wait3A_271 = tpu.memref_slice %arg5[%dma_wait3A_269, %dma_wait3A_270] : memref<32x128xi32, #tpu.memory_space<vmem>> -> memref<1x128xi32, #tpu.memory_space<vmem>>
    %dma_wait3A_272 = tpu.memref_squeeze %dma_wait3A_271 : memref<1x128xi32, #tpu.memory_space<vmem>> -> memref<128xi32, #tpu.memory_space<vmem>>
    %dma_wait3A_273 = arith.constant 0 : i32
    %dma_wait3A_274 = arith.constant 0 : i32
    %dma_wait3A_275 = tpu.memref_slice %arg4[%dma_wait3A_273, %dma_wait3A_274] : memref<131072x384xf32, #tpu.memory_space<hbm>> -> memref<131072x384xf32, #tpu.memory_space<hbm>>
    tpu.wait_indirect_dma semaphore(%arg11 : memref<!tpu.dma_semaphore, #tpu.memory_space<semaphore_mem>>) src(%arg7 : memref<128x384xf32, #tpu.memory_space<vmem>>) dst(%dma_wait3A_275 : memref<131072x384xf32, #tpu.memory_space<hbm>>)
    %dma_wait3A_276 = arith.constant 15 : i32
    %dma_wait3A_277 = arith.constant 0 : i32
    %dma_wait3A_278 = tpu.memref_slice %arg5[%dma_wait3A_276, %dma_wait3A_277] : memref<32x128xi32, #tpu.memory_space<vmem>> -> memref<1x128xi32, #tpu.memory_space<vmem>>
    %dma_wait3A_279 = tpu.memref_squeeze %dma_wait3A_278 : memref<1x128xi32, #tpu.memory_space<vmem>> -> memref<128xi32, #tpu.memory_space<vmem>>
    %dma_wait3A_280 = arith.constant 0 : i32
    %dma_wait3A_281 = arith.constant 0 : i32
    %dma_wait3A_282 = tpu.memref_slice %arg4[%dma_wait3A_280, %dma_wait3A_281] : memref<131072x384xf32, #tpu.memory_space<hbm>> -> memref<131072x384xf32, #tpu.memory_space<hbm>>
    tpu.wait_indirect_dma semaphore(%arg11 : memref<!tpu.dma_semaphore, #tpu.memory_space<semaphore_mem>>) src(%arg7 : memref<128x384xf32, #tpu.memory_space<vmem>>) dst(%dma_wait3A_282 : memref<131072x384xf32, #tpu.memory_space<hbm>>)
    %mul3A_283 = arith.constant 1024 : i32
    %mul3A_284 = arith.muli %add3A, %mul3A_283 : i32
    %add3A_285 = arith.constant 640 : i32
    %add3A_286 = arith.addi %mul3A_284, %add3A_285 : i32
    %dma_start3A_287 = arith.constant 0 : i32
    %dma_start3A_288 = tpu.memref_slice %arg2[%add3A_286, %dma_start3A_287] : memref<32768x384xf32, #tpu.memory_space<hbm>> -> memref<128x384xf32, #tpu.memory_space<hbm>>
    %dma_start3A_289 = arith.constant 0 : i32
    %dma_start3A_290 = tpu.memref_slice %arg2[%add3A_286, %dma_start3A_289] : memref<32768x384xf32, #tpu.memory_space<hbm>> -> memref<128x384xf32, #tpu.memory_space<hbm>>
    tpu.enqueue_dma source(%dma_start3A_290 : memref<128x384xf32, #tpu.memory_space<hbm>>) target(%arg7 : memref<128x384xf32, #tpu.memory_space<vmem>>) target_semaphore(%arg9 : memref<!tpu.dma_semaphore, #tpu.memory_space<semaphore_mem>>)
    %dma_wait3A_291 = arith.constant 0 : i32
    %dma_wait3A_292 = tpu.memref_slice %arg2[%add3A_218, %dma_wait3A_291] : memref<32768x384xf32, #tpu.memory_space<hbm>> -> memref<128x384xf32, #tpu.memory_space<hbm>>
    %dma_wait3A_293 = arith.constant 0 : i32
    %dma_wait3A_294 = tpu.memref_slice %arg2[%add3A_218, %dma_wait3A_293] : memref<32768x384xf32, #tpu.memory_space<hbm>> -> memref<128x384xf32, #tpu.memory_space<hbm>>
    tpu.wait_dma2 semaphore(%arg8 : memref<!tpu.dma_semaphore, #tpu.memory_space<semaphore_mem>>) src(%dma_wait3A_294 : memref<128x384xf32, #tpu.memory_space<hbm>>) dst(%arg6 : memref<128x384xf32, #tpu.memory_space<vmem>>)
    %dma_start3A_295 = arith.constant 16 : i32
    %dma_start3A_296 = arith.constant 0 : i32
    %dma_start3A_297 = tpu.memref_slice %arg5[%dma_start3A_295, %dma_start3A_296] : memref<32x128xi32, #tpu.memory_space<vmem>> -> memref<1x128xi32, #tpu.memory_space<vmem>>
    %dma_start3A_298 = tpu.memref_squeeze %dma_start3A_297 : memref<1x128xi32, #tpu.memory_space<vmem>> -> memref<128xi32, #tpu.memory_space<vmem>>
    %dma_start3A_299 = arith.constant 0 : i32
    %dma_start3A_300 = arith.constant 0 : i32
    %dma_start3A_301 = tpu.memref_slice %arg4[%dma_start3A_299, %dma_start3A_300] : memref<131072x384xf32, #tpu.memory_space<hbm>> -> memref<131072x384xf32, #tpu.memory_space<hbm>>
    tpu.enqueue_indirect_dma source(%arg6 : memref<128x384xf32, #tpu.memory_space<vmem>>) target(%dma_start3A_301 : memref<131072x384xf32, #tpu.memory_space<hbm>>) offsets(%dma_start3A_298 : memref<128xi32, #tpu.memory_space<vmem>>) semaphore(%arg10 : memref<!tpu.dma_semaphore, #tpu.memory_space<semaphore_mem>>)
    %dma_start3A_302 = arith.constant 17 : i32
    %dma_start3A_303 = arith.constant 0 : i32
    %dma_start3A_304 = tpu.memref_slice %arg5[%dma_start3A_302, %dma_start3A_303] : memref<32x128xi32, #tpu.memory_space<vmem>> -> memref<1x128xi32, #tpu.memory_space<vmem>>
    %dma_start3A_305 = tpu.memref_squeeze %dma_start3A_304 : memref<1x128xi32, #tpu.memory_space<vmem>> -> memref<128xi32, #tpu.memory_space<vmem>>
    %dma_start3A_306 = arith.constant 0 : i32
    %dma_start3A_307 = arith.constant 0 : i32
    %dma_start3A_308 = tpu.memref_slice %arg4[%dma_start3A_306, %dma_start3A_307] : memref<131072x384xf32, #tpu.memory_space<hbm>> -> memref<131072x384xf32, #tpu.memory_space<hbm>>
    tpu.enqueue_indirect_dma source(%arg6 : memref<128x384xf32, #tpu.memory_space<vmem>>) target(%dma_start3A_308 : memref<131072x384xf32, #tpu.memory_space<hbm>>) offsets(%dma_start3A_305 : memref<128xi32, #tpu.memory_space<vmem>>) semaphore(%arg10 : memref<!tpu.dma_semaphore, #tpu.memory_space<semaphore_mem>>)
    %dma_start3A_309 = arith.constant 18 : i32
    %dma_start3A_310 = arith.constant 0 : i32
    %dma_start3A_311 = tpu.memref_slice %arg5[%dma_start3A_309, %dma_start3A_310] : memref<32x128xi32, #tpu.memory_space<vmem>> -> memref<1x128xi32, #tpu.memory_space<vmem>>
    %dma_start3A_312 = tpu.memref_squeeze %dma_start3A_311 : memref<1x128xi32, #tpu.memory_space<vmem>> -> memref<128xi32, #tpu.memory_space<vmem>>
    %dma_start3A_313 = arith.constant 0 : i32
    %dma_start3A_314 = arith.constant 0 : i32
    %dma_start3A_315 = tpu.memref_slice %arg4[%dma_start3A_313, %dma_start3A_314] : memref<131072x384xf32, #tpu.memory_space<hbm>> -> memref<131072x384xf32, #tpu.memory_space<hbm>>
    tpu.enqueue_indirect_dma source(%arg6 : memref<128x384xf32, #tpu.memory_space<vmem>>) target(%dma_start3A_315 : memref<131072x384xf32, #tpu.memory_space<hbm>>) offsets(%dma_start3A_312 : memref<128xi32, #tpu.memory_space<vmem>>) semaphore(%arg10 : memref<!tpu.dma_semaphore, #tpu.memory_space<semaphore_mem>>)
    %dma_start3A_316 = arith.constant 19 : i32
    %dma_start3A_317 = arith.constant 0 : i32
    %dma_start3A_318 = tpu.memref_slice %arg5[%dma_start3A_316, %dma_start3A_317] : memref<32x128xi32, #tpu.memory_space<vmem>> -> memref<1x128xi32, #tpu.memory_space<vmem>>
    %dma_start3A_319 = tpu.memref_squeeze %dma_start3A_318 : memref<1x128xi32, #tpu.memory_space<vmem>> -> memref<128xi32, #tpu.memory_space<vmem>>
    %dma_start3A_320 = arith.constant 0 : i32
    %dma_start3A_321 = arith.constant 0 : i32
    %dma_start3A_322 = tpu.memref_slice %arg4[%dma_start3A_320, %dma_start3A_321] : memref<131072x384xf32, #tpu.memory_space<hbm>> -> memref<131072x384xf32, #tpu.memory_space<hbm>>
    tpu.enqueue_indirect_dma source(%arg6 : memref<128x384xf32, #tpu.memory_space<vmem>>) target(%dma_start3A_322 : memref<131072x384xf32, #tpu.memory_space<hbm>>) offsets(%dma_start3A_319 : memref<128xi32, #tpu.memory_space<vmem>>) semaphore(%arg10 : memref<!tpu.dma_semaphore, #tpu.memory_space<semaphore_mem>>)
    %dma_wait3A_323 = arith.constant 16 : i32
    %dma_wait3A_324 = arith.constant 0 : i32
    %dma_wait3A_325 = tpu.memref_slice %arg5[%dma_wait3A_323, %dma_wait3A_324] : memref<32x128xi32, #tpu.memory_space<vmem>> -> memref<1x128xi32, #tpu.memory_space<vmem>>
    %dma_wait3A_326 = tpu.memref_squeeze %dma_wait3A_325 : memref<1x128xi32, #tpu.memory_space<vmem>> -> memref<128xi32, #tpu.memory_space<vmem>>
    %dma_wait3A_327 = arith.constant 0 : i32
    %dma_wait3A_328 = arith.constant 0 : i32
    %dma_wait3A_329 = tpu.memref_slice %arg4[%dma_wait3A_327, %dma_wait3A_328] : memref<131072x384xf32, #tpu.memory_space<hbm>> -> memref<131072x384xf32, #tpu.memory_space<hbm>>
    tpu.wait_indirect_dma semaphore(%arg10 : memref<!tpu.dma_semaphore, #tpu.memory_space<semaphore_mem>>) src(%arg6 : memref<128x384xf32, #tpu.memory_space<vmem>>) dst(%dma_wait3A_329 : memref<131072x384xf32, #tpu.memory_space<hbm>>)
    %dma_wait3A_330 = arith.constant 17 : i32
    %dma_wait3A_331 = arith.constant 0 : i32
    %dma_wait3A_332 = tpu.memref_slice %arg5[%dma_wait3A_330, %dma_wait3A_331] : memref<32x128xi32, #tpu.memory_space<vmem>> -> memref<1x128xi32, #tpu.memory_space<vmem>>
    %dma_wait3A_333 = tpu.memref_squeeze %dma_wait3A_332 : memref<1x128xi32, #tpu.memory_space<vmem>> -> memref<128xi32, #tpu.memory_space<vmem>>
    %dma_wait3A_334 = arith.constant 0 : i32
    %dma_wait3A_335 = arith.constant 0 : i32
    %dma_wait3A_336 = tpu.memref_slice %arg4[%dma_wait3A_334, %dma_wait3A_335] : memref<131072x384xf32, #tpu.memory_space<hbm>> -> memref<131072x384xf32, #tpu.memory_space<hbm>>
    tpu.wait_indirect_dma semaphore(%arg10 : memref<!tpu.dma_semaphore, #tpu.memory_space<semaphore_mem>>) src(%arg6 : memref<128x384xf32, #tpu.memory_space<vmem>>) dst(%dma_wait3A_336 : memref<131072x384xf32, #tpu.memory_space<hbm>>)
    %dma_wait3A_337 = arith.constant 18 : i32
    %dma_wait3A_338 = arith.constant 0 : i32
    %dma_wait3A_339 = tpu.memref_slice %arg5[%dma_wait3A_337, %dma_wait3A_338] : memref<32x128xi32, #tpu.memory_space<vmem>> -> memref<1x128xi32, #tpu.memory_space<vmem>>
    %dma_wait3A_340 = tpu.memref_squeeze %dma_wait3A_339 : memref<1x128xi32, #tpu.memory_space<vmem>> -> memref<128xi32, #tpu.memory_space<vmem>>
    %dma_wait3A_341 = arith.constant 0 : i32
    %dma_wait3A_342 = arith.constant 0 : i32
    %dma_wait3A_343 = tpu.memref_slice %arg4[%dma_wait3A_341, %dma_wait3A_342] : memref<131072x384xf32, #tpu.memory_space<hbm>> -> memref<131072x384xf32, #tpu.memory_space<hbm>>
    tpu.wait_indirect_dma semaphore(%arg10 : memref<!tpu.dma_semaphore, #tpu.memory_space<semaphore_mem>>) src(%arg6 : memref<128x384xf32, #tpu.memory_space<vmem>>) dst(%dma_wait3A_343 : memref<131072x384xf32, #tpu.memory_space<hbm>>)
    %dma_wait3A_344 = arith.constant 19 : i32
    %dma_wait3A_345 = arith.constant 0 : i32
    %dma_wait3A_346 = tpu.memref_slice %arg5[%dma_wait3A_344, %dma_wait3A_345] : memref<32x128xi32, #tpu.memory_space<vmem>> -> memref<1x128xi32, #tpu.memory_space<vmem>>
    %dma_wait3A_347 = tpu.memref_squeeze %dma_wait3A_346 : memref<1x128xi32, #tpu.memory_space<vmem>> -> memref<128xi32, #tpu.memory_space<vmem>>
    %dma_wait3A_348 = arith.constant 0 : i32
    %dma_wait3A_349 = arith.constant 0 : i32
    %dma_wait3A_350 = tpu.memref_slice %arg4[%dma_wait3A_348, %dma_wait3A_349] : memref<131072x384xf32, #tpu.memory_space<hbm>> -> memref<131072x384xf32, #tpu.memory_space<hbm>>
    tpu.wait_indirect_dma semaphore(%arg10 : memref<!tpu.dma_semaphore, #tpu.memory_space<semaphore_mem>>) src(%arg6 : memref<128x384xf32, #tpu.memory_space<vmem>>) dst(%dma_wait3A_350 : memref<131072x384xf32, #tpu.memory_space<hbm>>)
    %mul3A_351 = arith.constant 1024 : i32
    %mul3A_352 = arith.muli %add3A, %mul3A_351 : i32
    %add3A_353 = arith.constant 768 : i32
    %add3A_354 = arith.addi %mul3A_352, %add3A_353 : i32
    %dma_start3A_355 = arith.constant 0 : i32
    %dma_start3A_356 = tpu.memref_slice %arg2[%add3A_354, %dma_start3A_355] : memref<32768x384xf32, #tpu.memory_space<hbm>> -> memref<128x384xf32, #tpu.memory_space<hbm>>
    %dma_start3A_357 = arith.constant 0 : i32
    %dma_start3A_358 = tpu.memref_slice %arg2[%add3A_354, %dma_start3A_357] : memref<32768x384xf32, #tpu.memory_space<hbm>> -> memref<128x384xf32, #tpu.memory_space<hbm>>
    tpu.enqueue_dma source(%dma_start3A_358 : memref<128x384xf32, #tpu.memory_space<hbm>>) target(%arg6 : memref<128x384xf32, #tpu.memory_space<vmem>>) target_semaphore(%arg8 : memref<!tpu.dma_semaphore, #tpu.memory_space<semaphore_mem>>)
    %dma_wait3A_359 = arith.constant 0 : i32
    %dma_wait3A_360 = tpu.memref_slice %arg2[%add3A_286, %dma_wait3A_359] : memref<32768x384xf32, #tpu.memory_space<hbm>> -> memref<128x384xf32, #tpu.memory_space<hbm>>
    %dma_wait3A_361 = arith.constant 0 : i32
    %dma_wait3A_362 = tpu.memref_slice %arg2[%add3A_286, %dma_wait3A_361] : memref<32768x384xf32, #tpu.memory_space<hbm>> -> memref<128x384xf32, #tpu.memory_space<hbm>>
    tpu.wait_dma2 semaphore(%arg9 : memref<!tpu.dma_semaphore, #tpu.memory_space<semaphore_mem>>) src(%dma_wait3A_362 : memref<128x384xf32, #tpu.memory_space<hbm>>) dst(%arg7 : memref<128x384xf32, #tpu.memory_space<vmem>>)
    %dma_start3A_363 = arith.constant 20 : i32
    %dma_start3A_364 = arith.constant 0 : i32
    %dma_start3A_365 = tpu.memref_slice %arg5[%dma_start3A_363, %dma_start3A_364] : memref<32x128xi32, #tpu.memory_space<vmem>> -> memref<1x128xi32, #tpu.memory_space<vmem>>
    %dma_start3A_366 = tpu.memref_squeeze %dma_start3A_365 : memref<1x128xi32, #tpu.memory_space<vmem>> -> memref<128xi32, #tpu.memory_space<vmem>>
    %dma_start3A_367 = arith.constant 0 : i32
    %dma_start3A_368 = arith.constant 0 : i32
    %dma_start3A_369 = tpu.memref_slice %arg4[%dma_start3A_367, %dma_start3A_368] : memref<131072x384xf32, #tpu.memory_space<hbm>> -> memref<131072x384xf32, #tpu.memory_space<hbm>>
    tpu.enqueue_indirect_dma source(%arg7 : memref<128x384xf32, #tpu.memory_space<vmem>>) target(%dma_start3A_369 : memref<131072x384xf32, #tpu.memory_space<hbm>>) offsets(%dma_start3A_366 : memref<128xi32, #tpu.memory_space<vmem>>) semaphore(%arg11 : memref<!tpu.dma_semaphore, #tpu.memory_space<semaphore_mem>>)
    %dma_start3A_370 = arith.constant 21 : i32
    %dma_start3A_371 = arith.constant 0 : i32
    %dma_start3A_372 = tpu.memref_slice %arg5[%dma_start3A_370, %dma_start3A_371] : memref<32x128xi32, #tpu.memory_space<vmem>> -> memref<1x128xi32, #tpu.memory_space<vmem>>
    %dma_start3A_373 = tpu.memref_squeeze %dma_start3A_372 : memref<1x128xi32, #tpu.memory_space<vmem>> -> memref<128xi32, #tpu.memory_space<vmem>>
    %dma_start3A_374 = arith.constant 0 : i32
    %dma_start3A_375 = arith.constant 0 : i32
    %dma_start3A_376 = tpu.memref_slice %arg4[%dma_start3A_374, %dma_start3A_375] : memref<131072x384xf32, #tpu.memory_space<hbm>> -> memref<131072x384xf32, #tpu.memory_space<hbm>>
    tpu.enqueue_indirect_dma source(%arg7 : memref<128x384xf32, #tpu.memory_space<vmem>>) target(%dma_start3A_376 : memref<131072x384xf32, #tpu.memory_space<hbm>>) offsets(%dma_start3A_373 : memref<128xi32, #tpu.memory_space<vmem>>) semaphore(%arg11 : memref<!tpu.dma_semaphore, #tpu.memory_space<semaphore_mem>>)
    %dma_start3A_377 = arith.constant 22 : i32
    %dma_start3A_378 = arith.constant 0 : i32
    %dma_start3A_379 = tpu.memref_slice %arg5[%dma_start3A_377, %dma_start3A_378] : memref<32x128xi32, #tpu.memory_space<vmem>> -> memref<1x128xi32, #tpu.memory_space<vmem>>
    %dma_start3A_380 = tpu.memref_squeeze %dma_start3A_379 : memref<1x128xi32, #tpu.memory_space<vmem>> -> memref<128xi32, #tpu.memory_space<vmem>>
    %dma_start3A_381 = arith.constant 0 : i32
    %dma_start3A_382 = arith.constant 0 : i32
    %dma_start3A_383 = tpu.memref_slice %arg4[%dma_start3A_381, %dma_start3A_382] : memref<131072x384xf32, #tpu.memory_space<hbm>> -> memref<131072x384xf32, #tpu.memory_space<hbm>>
    tpu.enqueue_indirect_dma source(%arg7 : memref<128x384xf32, #tpu.memory_space<vmem>>) target(%dma_start3A_383 : memref<131072x384xf32, #tpu.memory_space<hbm>>) offsets(%dma_start3A_380 : memref<128xi32, #tpu.memory_space<vmem>>) semaphore(%arg11 : memref<!tpu.dma_semaphore, #tpu.memory_space<semaphore_mem>>)
    %dma_start3A_384 = arith.constant 23 : i32
    %dma_start3A_385 = arith.constant 0 : i32
    %dma_start3A_386 = tpu.memref_slice %arg5[%dma_start3A_384, %dma_start3A_385] : memref<32x128xi32, #tpu.memory_space<vmem>> -> memref<1x128xi32, #tpu.memory_space<vmem>>
    %dma_start3A_387 = tpu.memref_squeeze %dma_start3A_386 : memref<1x128xi32, #tpu.memory_space<vmem>> -> memref<128xi32, #tpu.memory_space<vmem>>
    %dma_start3A_388 = arith.constant 0 : i32
    %dma_start3A_389 = arith.constant 0 : i32
    %dma_start3A_390 = tpu.memref_slice %arg4[%dma_start3A_388, %dma_start3A_389] : memref<131072x384xf32, #tpu.memory_space<hbm>> -> memref<131072x384xf32, #tpu.memory_space<hbm>>
    tpu.enqueue_indirect_dma source(%arg7 : memref<128x384xf32, #tpu.memory_space<vmem>>) target(%dma_start3A_390 : memref<131072x384xf32, #tpu.memory_space<hbm>>) offsets(%dma_start3A_387 : memref<128xi32, #tpu.memory_space<vmem>>) semaphore(%arg11 : memref<!tpu.dma_semaphore, #tpu.memory_space<semaphore_mem>>)
    %dma_wait3A_391 = arith.constant 20 : i32
    %dma_wait3A_392 = arith.constant 0 : i32
    %dma_wait3A_393 = tpu.memref_slice %arg5[%dma_wait3A_391, %dma_wait3A_392] : memref<32x128xi32, #tpu.memory_space<vmem>> -> memref<1x128xi32, #tpu.memory_space<vmem>>
    %dma_wait3A_394 = tpu.memref_squeeze %dma_wait3A_393 : memref<1x128xi32, #tpu.memory_space<vmem>> -> memref<128xi32, #tpu.memory_space<vmem>>
    %dma_wait3A_395 = arith.constant 0 : i32
    %dma_wait3A_396 = arith.constant 0 : i32
    %dma_wait3A_397 = tpu.memref_slice %arg4[%dma_wait3A_395, %dma_wait3A_396] : memref<131072x384xf32, #tpu.memory_space<hbm>> -> memref<131072x384xf32, #tpu.memory_space<hbm>>
    tpu.wait_indirect_dma semaphore(%arg11 : memref<!tpu.dma_semaphore, #tpu.memory_space<semaphore_mem>>) src(%arg7 : memref<128x384xf32, #tpu.memory_space<vmem>>) dst(%dma_wait3A_397 : memref<131072x384xf32, #tpu.memory_space<hbm>>)
    %dma_wait3A_398 = arith.constant 21 : i32
    %dma_wait3A_399 = arith.constant 0 : i32
    %dma_wait3A_400 = tpu.memref_slice %arg5[%dma_wait3A_398, %dma_wait3A_399] : memref<32x128xi32, #tpu.memory_space<vmem>> -> memref<1x128xi32, #tpu.memory_space<vmem>>
    %dma_wait3A_401 = tpu.memref_squeeze %dma_wait3A_400 : memref<1x128xi32, #tpu.memory_space<vmem>> -> memref<128xi32, #tpu.memory_space<vmem>>
    %dma_wait3A_402 = arith.constant 0 : i32
    %dma_wait3A_403 = arith.constant 0 : i32
    %dma_wait3A_404 = tpu.memref_slice %arg4[%dma_wait3A_402, %dma_wait3A_403] : memref<131072x384xf32, #tpu.memory_space<hbm>> -> memref<131072x384xf32, #tpu.memory_space<hbm>>
    tpu.wait_indirect_dma semaphore(%arg11 : memref<!tpu.dma_semaphore, #tpu.memory_space<semaphore_mem>>) src(%arg7 : memref<128x384xf32, #tpu.memory_space<vmem>>) dst(%dma_wait3A_404 : memref<131072x384xf32, #tpu.memory_space<hbm>>)
    %dma_wait3A_405 = arith.constant 22 : i32
    %dma_wait3A_406 = arith.constant 0 : i32
    %dma_wait3A_407 = tpu.memref_slice %arg5[%dma_wait3A_405, %dma_wait3A_406] : memref<32x128xi32, #tpu.memory_space<vmem>> -> memref<1x128xi32, #tpu.memory_space<vmem>>
    %dma_wait3A_408 = tpu.memref_squeeze %dma_wait3A_407 : memref<1x128xi32, #tpu.memory_space<vmem>> -> memref<128xi32, #tpu.memory_space<vmem>>
    %dma_wait3A_409 = arith.constant 0 : i32
    %dma_wait3A_410 = arith.constant 0 : i32
    %dma_wait3A_411 = tpu.memref_slice %arg4[%dma_wait3A_409, %dma_wait3A_410] : memref<131072x384xf32, #tpu.memory_space<hbm>> -> memref<131072x384xf32, #tpu.memory_space<hbm>>
    tpu.wait_indirect_dma semaphore(%arg11 : memref<!tpu.dma_semaphore, #tpu.memory_space<semaphore_mem>>) src(%arg7 : memref<128x384xf32, #tpu.memory_space<vmem>>) dst(%dma_wait3A_411 : memref<131072x384xf32, #tpu.memory_space<hbm>>)
    %dma_wait3A_412 = arith.constant 23 : i32
    %dma_wait3A_413 = arith.constant 0 : i32
    %dma_wait3A_414 = tpu.memref_slice %arg5[%dma_wait3A_412, %dma_wait3A_413] : memref<32x128xi32, #tpu.memory_space<vmem>> -> memref<1x128xi32, #tpu.memory_space<vmem>>
    %dma_wait3A_415 = tpu.memref_squeeze %dma_wait3A_414 : memref<1x128xi32, #tpu.memory_space<vmem>> -> memref<128xi32, #tpu.memory_space<vmem>>
    %dma_wait3A_416 = arith.constant 0 : i32
    %dma_wait3A_417 = arith.constant 0 : i32
    %dma_wait3A_418 = tpu.memref_slice %arg4[%dma_wait3A_416, %dma_wait3A_417] : memref<131072x384xf32, #tpu.memory_space<hbm>> -> memref<131072x384xf32, #tpu.memory_space<hbm>>
    tpu.wait_indirect_dma semaphore(%arg11 : memref<!tpu.dma_semaphore, #tpu.memory_space<semaphore_mem>>) src(%arg7 : memref<128x384xf32, #tpu.memory_space<vmem>>) dst(%dma_wait3A_418 : memref<131072x384xf32, #tpu.memory_space<hbm>>)
    %mul3A_419 = arith.constant 1024 : i32
    %mul3A_420 = arith.muli %add3A, %mul3A_419 : i32
    %add3A_421 = arith.constant 896 : i32
    %add3A_422 = arith.addi %mul3A_420, %add3A_421 : i32
    %dma_start3A_423 = arith.constant 0 : i32
    %dma_start3A_424 = tpu.memref_slice %arg2[%add3A_422, %dma_start3A_423] : memref<32768x384xf32, #tpu.memory_space<hbm>> -> memref<128x384xf32, #tpu.memory_space<hbm>>
    %dma_start3A_425 = arith.constant 0 : i32
    %dma_start3A_426 = tpu.memref_slice %arg2[%add3A_422, %dma_start3A_425] : memref<32768x384xf32, #tpu.memory_space<hbm>> -> memref<128x384xf32, #tpu.memory_space<hbm>>
    tpu.enqueue_dma source(%dma_start3A_426 : memref<128x384xf32, #tpu.memory_space<hbm>>) target(%arg7 : memref<128x384xf32, #tpu.memory_space<vmem>>) target_semaphore(%arg9 : memref<!tpu.dma_semaphore, #tpu.memory_space<semaphore_mem>>)
    %dma_wait3A_427 = arith.constant 0 : i32
    %dma_wait3A_428 = tpu.memref_slice %arg2[%add3A_354, %dma_wait3A_427] : memref<32768x384xf32, #tpu.memory_space<hbm>> -> memref<128x384xf32, #tpu.memory_space<hbm>>
    %dma_wait3A_429 = arith.constant 0 : i32
    %dma_wait3A_430 = tpu.memref_slice %arg2[%add3A_354, %dma_wait3A_429] : memref<32768x384xf32, #tpu.memory_space<hbm>> -> memref<128x384xf32, #tpu.memory_space<hbm>>
    tpu.wait_dma2 semaphore(%arg8 : memref<!tpu.dma_semaphore, #tpu.memory_space<semaphore_mem>>) src(%dma_wait3A_430 : memref<128x384xf32, #tpu.memory_space<hbm>>) dst(%arg6 : memref<128x384xf32, #tpu.memory_space<vmem>>)
    %dma_start3A_431 = arith.constant 24 : i32
    %dma_start3A_432 = arith.constant 0 : i32
    %dma_start3A_433 = tpu.memref_slice %arg5[%dma_start3A_431, %dma_start3A_432] : memref<32x128xi32, #tpu.memory_space<vmem>> -> memref<1x128xi32, #tpu.memory_space<vmem>>
    %dma_start3A_434 = tpu.memref_squeeze %dma_start3A_433 : memref<1x128xi32, #tpu.memory_space<vmem>> -> memref<128xi32, #tpu.memory_space<vmem>>
    %dma_start3A_435 = arith.constant 0 : i32
    %dma_start3A_436 = arith.constant 0 : i32
    %dma_start3A_437 = tpu.memref_slice %arg4[%dma_start3A_435, %dma_start3A_436] : memref<131072x384xf32, #tpu.memory_space<hbm>> -> memref<131072x384xf32, #tpu.memory_space<hbm>>
    tpu.enqueue_indirect_dma source(%arg6 : memref<128x384xf32, #tpu.memory_space<vmem>>) target(%dma_start3A_437 : memref<131072x384xf32, #tpu.memory_space<hbm>>) offsets(%dma_start3A_434 : memref<128xi32, #tpu.memory_space<vmem>>) semaphore(%arg10 : memref<!tpu.dma_semaphore, #tpu.memory_space<semaphore_mem>>)
    %dma_start3A_438 = arith.constant 25 : i32
    %dma_start3A_439 = arith.constant 0 : i32
    %dma_start3A_440 = tpu.memref_slice %arg5[%dma_start3A_438, %dma_start3A_439] : memref<32x128xi32, #tpu.memory_space<vmem>> -> memref<1x128xi32, #tpu.memory_space<vmem>>
    %dma_start3A_441 = tpu.memref_squeeze %dma_start3A_440 : memref<1x128xi32, #tpu.memory_space<vmem>> -> memref<128xi32, #tpu.memory_space<vmem>>
    %dma_start3A_442 = arith.constant 0 : i32
    %dma_start3A_443 = arith.constant 0 : i32
    %dma_start3A_444 = tpu.memref_slice %arg4[%dma_start3A_442, %dma_start3A_443] : memref<131072x384xf32, #tpu.memory_space<hbm>> -> memref<131072x384xf32, #tpu.memory_space<hbm>>
    tpu.enqueue_indirect_dma source(%arg6 : memref<128x384xf32, #tpu.memory_space<vmem>>) target(%dma_start3A_444 : memref<131072x384xf32, #tpu.memory_space<hbm>>) offsets(%dma_start3A_441 : memref<128xi32, #tpu.memory_space<vmem>>) semaphore(%arg10 : memref<!tpu.dma_semaphore, #tpu.memory_space<semaphore_mem>>)
    %dma_start3A_445 = arith.constant 26 : i32
    %dma_start3A_446 = arith.constant 0 : i32
    %dma_start3A_447 = tpu.memref_slice %arg5[%dma_start3A_445, %dma_start3A_446] : memref<32x128xi32, #tpu.memory_space<vmem>> -> memref<1x128xi32, #tpu.memory_space<vmem>>
    %dma_start3A_448 = tpu.memref_squeeze %dma_start3A_447 : memref<1x128xi32, #tpu.memory_space<vmem>> -> memref<128xi32, #tpu.memory_space<vmem>>
    %dma_start3A_449 = arith.constant 0 : i32
    %dma_start3A_450 = arith.constant 0 : i32
    %dma_start3A_451 = tpu.memref_slice %arg4[%dma_start3A_449, %dma_start3A_450] : memref<131072x384xf32, #tpu.memory_space<hbm>> -> memref<131072x384xf32, #tpu.memory_space<hbm>>
    tpu.enqueue_indirect_dma source(%arg6 : memref<128x384xf32, #tpu.memory_space<vmem>>) target(%dma_start3A_451 : memref<131072x384xf32, #tpu.memory_space<hbm>>) offsets(%dma_start3A_448 : memref<128xi32, #tpu.memory_space<vmem>>) semaphore(%arg10 : memref<!tpu.dma_semaphore, #tpu.memory_space<semaphore_mem>>)
    %dma_start3A_452 = arith.constant 27 : i32
    %dma_start3A_453 = arith.constant 0 : i32
    %dma_start3A_454 = tpu.memref_slice %arg5[%dma_start3A_452, %dma_start3A_453] : memref<32x128xi32, #tpu.memory_space<vmem>> -> memref<1x128xi32, #tpu.memory_space<vmem>>
    %dma_start3A_455 = tpu.memref_squeeze %dma_start3A_454 : memref<1x128xi32, #tpu.memory_space<vmem>> -> memref<128xi32, #tpu.memory_space<vmem>>
    %dma_start3A_456 = arith.constant 0 : i32
    %dma_start3A_457 = arith.constant 0 : i32
    %dma_start3A_458 = tpu.memref_slice %arg4[%dma_start3A_456, %dma_start3A_457] : memref<131072x384xf32, #tpu.memory_space<hbm>> -> memref<131072x384xf32, #tpu.memory_space<hbm>>
    tpu.enqueue_indirect_dma source(%arg6 : memref<128x384xf32, #tpu.memory_space<vmem>>) target(%dma_start3A_458 : memref<131072x384xf32, #tpu.memory_space<hbm>>) offsets(%dma_start3A_455 : memref<128xi32, #tpu.memory_space<vmem>>) semaphore(%arg10 : memref<!tpu.dma_semaphore, #tpu.memory_space<semaphore_mem>>)
    %dma_wait3A_459 = arith.constant 0 : i32
    %dma_wait3A_460 = tpu.memref_slice %arg2[%add3A_422, %dma_wait3A_459] : memref<32768x384xf32, #tpu.memory_space<hbm>> -> memref<128x384xf32, #tpu.memory_space<hbm>>
    %dma_wait3A_461 = arith.constant 0 : i32
    %dma_wait3A_462 = tpu.memref_slice %arg2[%add3A_422, %dma_wait3A_461] : memref<32768x384xf32, #tpu.memory_space<hbm>> -> memref<128x384xf32, #tpu.memory_space<hbm>>
    tpu.wait_dma2 semaphore(%arg9 : memref<!tpu.dma_semaphore, #tpu.memory_space<semaphore_mem>>) src(%dma_wait3A_462 : memref<128x384xf32, #tpu.memory_space<hbm>>) dst(%arg7 : memref<128x384xf32, #tpu.memory_space<vmem>>)
    %dma_start3A_463 = arith.constant 28 : i32
    %dma_start3A_464 = arith.constant 0 : i32
    %dma_start3A_465 = tpu.memref_slice %arg5[%dma_start3A_463, %dma_start3A_464] : memref<32x128xi32, #tpu.memory_space<vmem>> -> memref<1x128xi32, #tpu.memory_space<vmem>>
    %dma_start3A_466 = tpu.memref_squeeze %dma_start3A_465 : memref<1x128xi32, #tpu.memory_space<vmem>> -> memref<128xi32, #tpu.memory_space<vmem>>
    %dma_start3A_467 = arith.constant 0 : i32
    %dma_start3A_468 = arith.constant 0 : i32
    %dma_start3A_469 = tpu.memref_slice %arg4[%dma_start3A_467, %dma_start3A_468] : memref<131072x384xf32, #tpu.memory_space<hbm>> -> memref<131072x384xf32, #tpu.memory_space<hbm>>
    tpu.enqueue_indirect_dma source(%arg7 : memref<128x384xf32, #tpu.memory_space<vmem>>) target(%dma_start3A_469 : memref<131072x384xf32, #tpu.memory_space<hbm>>) offsets(%dma_start3A_466 : memref<128xi32, #tpu.memory_space<vmem>>) semaphore(%arg11 : memref<!tpu.dma_semaphore, #tpu.memory_space<semaphore_mem>>)
    %dma_start3A_470 = arith.constant 29 : i32
    %dma_start3A_471 = arith.constant 0 : i32
    %dma_start3A_472 = tpu.memref_slice %arg5[%dma_start3A_470, %dma_start3A_471] : memref<32x128xi32, #tpu.memory_space<vmem>> -> memref<1x128xi32, #tpu.memory_space<vmem>>
    %dma_start3A_473 = tpu.memref_squeeze %dma_start3A_472 : memref<1x128xi32, #tpu.memory_space<vmem>> -> memref<128xi32, #tpu.memory_space<vmem>>
    %dma_start3A_474 = arith.constant 0 : i32
    %dma_start3A_475 = arith.constant 0 : i32
    %dma_start3A_476 = tpu.memref_slice %arg4[%dma_start3A_474, %dma_start3A_475] : memref<131072x384xf32, #tpu.memory_space<hbm>> -> memref<131072x384xf32, #tpu.memory_space<hbm>>
    tpu.enqueue_indirect_dma source(%arg7 : memref<128x384xf32, #tpu.memory_space<vmem>>) target(%dma_start3A_476 : memref<131072x384xf32, #tpu.memory_space<hbm>>) offsets(%dma_start3A_473 : memref<128xi32, #tpu.memory_space<vmem>>) semaphore(%arg11 : memref<!tpu.dma_semaphore, #tpu.memory_space<semaphore_mem>>)
    %dma_start3A_477 = arith.constant 30 : i32
    %dma_start3A_478 = arith.constant 0 : i32
    %dma_start3A_479 = tpu.memref_slice %arg5[%dma_start3A_477, %dma_start3A_478] : memref<32x128xi32, #tpu.memory_space<vmem>> -> memref<1x128xi32, #tpu.memory_space<vmem>>
    %dma_start3A_480 = tpu.memref_squeeze %dma_start3A_479 : memref<1x128xi32, #tpu.memory_space<vmem>> -> memref<128xi32, #tpu.memory_space<vmem>>
    %dma_start3A_481 = arith.constant 0 : i32
    %dma_start3A_482 = arith.constant 0 : i32
    %dma_start3A_483 = tpu.memref_slice %arg4[%dma_start3A_481, %dma_start3A_482] : memref<131072x384xf32, #tpu.memory_space<hbm>> -> memref<131072x384xf32, #tpu.memory_space<hbm>>
    tpu.enqueue_indirect_dma source(%arg7 : memref<128x384xf32, #tpu.memory_space<vmem>>) target(%dma_start3A_483 : memref<131072x384xf32, #tpu.memory_space<hbm>>) offsets(%dma_start3A_480 : memref<128xi32, #tpu.memory_space<vmem>>) semaphore(%arg11 : memref<!tpu.dma_semaphore, #tpu.memory_space<semaphore_mem>>)
    %dma_start3A_484 = arith.constant 31 : i32
    %dma_start3A_485 = arith.constant 0 : i32
    %dma_start3A_486 = tpu.memref_slice %arg5[%dma_start3A_484, %dma_start3A_485] : memref<32x128xi32, #tpu.memory_space<vmem>> -> memref<1x128xi32, #tpu.memory_space<vmem>>
    %dma_start3A_487 = tpu.memref_squeeze %dma_start3A_486 : memref<1x128xi32, #tpu.memory_space<vmem>> -> memref<128xi32, #tpu.memory_space<vmem>>
    %dma_start3A_488 = arith.constant 0 : i32
    %dma_start3A_489 = arith.constant 0 : i32
    %dma_start3A_490 = tpu.memref_slice %arg4[%dma_start3A_488, %dma_start3A_489] : memref<131072x384xf32, #tpu.memory_space<hbm>> -> memref<131072x384xf32, #tpu.memory_space<hbm>>
    tpu.enqueue_indirect_dma source(%arg7 : memref<128x384xf32, #tpu.memory_space<vmem>>) target(%dma_start3A_490 : memref<131072x384xf32, #tpu.memory_space<hbm>>) offsets(%dma_start3A_487 : memref<128xi32, #tpu.memory_space<vmem>>) semaphore(%arg11 : memref<!tpu.dma_semaphore, #tpu.memory_space<semaphore_mem>>)
    %dma_wait3A_491 = arith.constant 24 : i32
    %dma_wait3A_492 = arith.constant 0 : i32
    %dma_wait3A_493 = tpu.memref_slice %arg5[%dma_wait3A_491, %dma_wait3A_492] : memref<32x128xi32, #tpu.memory_space<vmem>> -> memref<1x128xi32, #tpu.memory_space<vmem>>
    %dma_wait3A_494 = tpu.memref_squeeze %dma_wait3A_493 : memref<1x128xi32, #tpu.memory_space<vmem>> -> memref<128xi32, #tpu.memory_space<vmem>>
    %dma_wait3A_495 = arith.constant 0 : i32
    %dma_wait3A_496 = arith.constant 0 : i32
    %dma_wait3A_497 = tpu.memref_slice %arg4[%dma_wait3A_495, %dma_wait3A_496] : memref<131072x384xf32, #tpu.memory_space<hbm>> -> memref<131072x384xf32, #tpu.memory_space<hbm>>
    tpu.wait_indirect_dma semaphore(%arg10 : memref<!tpu.dma_semaphore, #tpu.memory_space<semaphore_mem>>) src(%arg6 : memref<128x384xf32, #tpu.memory_space<vmem>>) dst(%dma_wait3A_497 : memref<131072x384xf32, #tpu.memory_space<hbm>>)
    %dma_wait3A_498 = arith.constant 25 : i32
    %dma_wait3A_499 = arith.constant 0 : i32
    %dma_wait3A_500 = tpu.memref_slice %arg5[%dma_wait3A_498, %dma_wait3A_499] : memref<32x128xi32, #tpu.memory_space<vmem>> -> memref<1x128xi32, #tpu.memory_space<vmem>>
    %dma_wait3A_501 = tpu.memref_squeeze %dma_wait3A_500 : memref<1x128xi32, #tpu.memory_space<vmem>> -> memref<128xi32, #tpu.memory_space<vmem>>
    %dma_wait3A_502 = arith.constant 0 : i32
    %dma_wait3A_503 = arith.constant 0 : i32
    %dma_wait3A_504 = tpu.memref_slice %arg4[%dma_wait3A_502, %dma_wait3A_503] : memref<131072x384xf32, #tpu.memory_space<hbm>> -> memref<131072x384xf32, #tpu.memory_space<hbm>>
    tpu.wait_indirect_dma semaphore(%arg10 : memref<!tpu.dma_semaphore, #tpu.memory_space<semaphore_mem>>) src(%arg6 : memref<128x384xf32, #tpu.memory_space<vmem>>) dst(%dma_wait3A_504 : memref<131072x384xf32, #tpu.memory_space<hbm>>)
    %dma_wait3A_505 = arith.constant 26 : i32
    %dma_wait3A_506 = arith.constant 0 : i32
    %dma_wait3A_507 = tpu.memref_slice %arg5[%dma_wait3A_505, %dma_wait3A_506] : memref<32x128xi32, #tpu.memory_space<vmem>> -> memref<1x128xi32, #tpu.memory_space<vmem>>
    %dma_wait3A_508 = tpu.memref_squeeze %dma_wait3A_507 : memref<1x128xi32, #tpu.memory_space<vmem>> -> memref<128xi32, #tpu.memory_space<vmem>>
    %dma_wait3A_509 = arith.constant 0 : i32
    %dma_wait3A_510 = arith.constant 0 : i32
    %dma_wait3A_511 = tpu.memref_slice %arg4[%dma_wait3A_509, %dma_wait3A_510] : memref<131072x384xf32, #tpu.memory_space<hbm>> -> memref<131072x384xf32, #tpu.memory_space<hbm>>
    tpu.wait_indirect_dma semaphore(%arg10 : memref<!tpu.dma_semaphore, #tpu.memory_space<semaphore_mem>>) src(%arg6 : memref<128x384xf32, #tpu.memory_space<vmem>>) dst(%dma_wait3A_511 : memref<131072x384xf32, #tpu.memory_space<hbm>>)
    %dma_wait3A_512 = arith.constant 27 : i32
    %dma_wait3A_513 = arith.constant 0 : i32
    %dma_wait3A_514 = tpu.memref_slice %arg5[%dma_wait3A_512, %dma_wait3A_513] : memref<32x128xi32, #tpu.memory_space<vmem>> -> memref<1x128xi32, #tpu.memory_space<vmem>>
    %dma_wait3A_515 = tpu.memref_squeeze %dma_wait3A_514 : memref<1x128xi32, #tpu.memory_space<vmem>> -> memref<128xi32, #tpu.memory_space<vmem>>
    %dma_wait3A_516 = arith.constant 0 : i32
    %dma_wait3A_517 = arith.constant 0 : i32
    %dma_wait3A_518 = tpu.memref_slice %arg4[%dma_wait3A_516, %dma_wait3A_517] : memref<131072x384xf32, #tpu.memory_space<hbm>> -> memref<131072x384xf32, #tpu.memory_space<hbm>>
    tpu.wait_indirect_dma semaphore(%arg10 : memref<!tpu.dma_semaphore, #tpu.memory_space<semaphore_mem>>) src(%arg6 : memref<128x384xf32, #tpu.memory_space<vmem>>) dst(%dma_wait3A_518 : memref<131072x384xf32, #tpu.memory_space<hbm>>)
    %dma_wait3A_519 = arith.constant 28 : i32
    %dma_wait3A_520 = arith.constant 0 : i32
    %dma_wait3A_521 = tpu.memref_slice %arg5[%dma_wait3A_519, %dma_wait3A_520] : memref<32x128xi32, #tpu.memory_space<vmem>> -> memref<1x128xi32, #tpu.memory_space<vmem>>
    %dma_wait3A_522 = tpu.memref_squeeze %dma_wait3A_521 : memref<1x128xi32, #tpu.memory_space<vmem>> -> memref<128xi32, #tpu.memory_space<vmem>>
    %dma_wait3A_523 = arith.constant 0 : i32
    %dma_wait3A_524 = arith.constant 0 : i32
    %dma_wait3A_525 = tpu.memref_slice %arg4[%dma_wait3A_523, %dma_wait3A_524] : memref<131072x384xf32, #tpu.memory_space<hbm>> -> memref<131072x384xf32, #tpu.memory_space<hbm>>
    tpu.wait_indirect_dma semaphore(%arg11 : memref<!tpu.dma_semaphore, #tpu.memory_space<semaphore_mem>>) src(%arg7 : memref<128x384xf32, #tpu.memory_space<vmem>>) dst(%dma_wait3A_525 : memref<131072x384xf32, #tpu.memory_space<hbm>>)
    %dma_wait3A_526 = arith.constant 29 : i32
    %dma_wait3A_527 = arith.constant 0 : i32
    %dma_wait3A_528 = tpu.memref_slice %arg5[%dma_wait3A_526, %dma_wait3A_527] : memref<32x128xi32, #tpu.memory_space<vmem>> -> memref<1x128xi32, #tpu.memory_space<vmem>>
    %dma_wait3A_529 = tpu.memref_squeeze %dma_wait3A_528 : memref<1x128xi32, #tpu.memory_space<vmem>> -> memref<128xi32, #tpu.memory_space<vmem>>
    %dma_wait3A_530 = arith.constant 0 : i32
    %dma_wait3A_531 = arith.constant 0 : i32
    %dma_wait3A_532 = tpu.memref_slice %arg4[%dma_wait3A_530, %dma_wait3A_531] : memref<131072x384xf32, #tpu.memory_space<hbm>> -> memref<131072x384xf32, #tpu.memory_space<hbm>>
    tpu.wait_indirect_dma semaphore(%arg11 : memref<!tpu.dma_semaphore, #tpu.memory_space<semaphore_mem>>) src(%arg7 : memref<128x384xf32, #tpu.memory_space<vmem>>) dst(%dma_wait3A_532 : memref<131072x384xf32, #tpu.memory_space<hbm>>)
    %dma_wait3A_533 = arith.constant 30 : i32
    %dma_wait3A_534 = arith.constant 0 : i32
    %dma_wait3A_535 = tpu.memref_slice %arg5[%dma_wait3A_533, %dma_wait3A_534] : memref<32x128xi32, #tpu.memory_space<vmem>> -> memref<1x128xi32, #tpu.memory_space<vmem>>
    %dma_wait3A_536 = tpu.memref_squeeze %dma_wait3A_535 : memref<1x128xi32, #tpu.memory_space<vmem>> -> memref<128xi32, #tpu.memory_space<vmem>>
    %dma_wait3A_537 = arith.constant 0 : i32
    %dma_wait3A_538 = arith.constant 0 : i32
    %dma_wait3A_539 = tpu.memref_slice %arg4[%dma_wait3A_537, %dma_wait3A_538] : memref<131072x384xf32, #tpu.memory_space<hbm>> -> memref<131072x384xf32, #tpu.memory_space<hbm>>
    tpu.wait_indirect_dma semaphore(%arg11 : memref<!tpu.dma_semaphore, #tpu.memory_space<semaphore_mem>>) src(%arg7 : memref<128x384xf32, #tpu.memory_space<vmem>>) dst(%dma_wait3A_539 : memref<131072x384xf32, #tpu.memory_space<hbm>>)
    %dma_wait3A_540 = arith.constant 31 : i32
    %dma_wait3A_541 = arith.constant 0 : i32
    %dma_wait3A_542 = tpu.memref_slice %arg5[%dma_wait3A_540, %dma_wait3A_541] : memref<32x128xi32, #tpu.memory_space<vmem>> -> memref<1x128xi32, #tpu.memory_space<vmem>>
    %dma_wait3A_543 = tpu.memref_squeeze %dma_wait3A_542 : memref<1x128xi32, #tpu.memory_space<vmem>> -> memref<128xi32, #tpu.memory_space<vmem>>
    %dma_wait3A_544 = arith.constant 0 : i32
    %dma_wait3A_545 = arith.constant 0 : i32
    %dma_wait3A_546 = tpu.memref_slice %arg4[%dma_wait3A_544, %dma_wait3A_545] : memref<131072x384xf32, #tpu.memory_space<hbm>> -> memref<131072x384xf32, #tpu.memory_space<hbm>>
    tpu.wait_indirect_dma semaphore(%arg11 : memref<!tpu.dma_semaphore, #tpu.memory_space<semaphore_mem>>) src(%arg7 : memref<128x384xf32, #tpu.memory_space<vmem>>) dst(%dma_wait3A_546 : memref<131072x384xf32, #tpu.memory_space<hbm>>)
    return
  }
}

</mosaic_0001>

<sc_bundles>
// kernel: kernel.3.cloned.1.call-start
scs
__scs_entry_jumppad:
0x0: {  	(pc) =	sbr.rel $0x88, $3  }
0x1: {  	(tag) =	ssettag $0x0;
	lr =	simm.s32 $0x1  }
0x2: {  	[smem:$0x3FA0] =	sst lr;
	_ =	strace $0xD0000000  }
0x3: {  	_ = 	snop  }
0x4: {  	_ = 	snop  }
0x5: {  	_ = 	snop  }
0x6: {  	_ = 	snop  }
0x7: {  	_ = 	snop  }
__scs_overlays_trampoline_lowered:
0x8: {  	[smem:$0x3FAF] =	sst s0  }
0x9: {  	[smem:$0x3FB0] =	sst s1  }
0xa: {  	[smem:$0x3FB1] =	sst s2  }
0xb: {  	[smem:$0x3FB2] =	sst s3  }
0xc: {  	[smem:$0x3FB3] =	sst s4  }
0xd: {  	[smem:$0x3FB4] =	sst s5  }
0xe: {  	[smem:$0x3FB5] =	sst s6  }
0xf: {  	[smem:$0x3FB6] =	sst s7  }
0x10: {  	[smem:$0x3FB7] =	sst s8  }
0x11: {  	[smem:$0x3FB8] =	sst s9;
	s0 =	simm.s32 @!p0 $0x0  }
0x12: {  	s1 =	sld [smem:$0x3F9E];
	s0 =	simm.s32 @p0 $0x1  }
0x13: {  	[smem:$0x3FB9] =	sst s0;
	s0 =	simm.s32 @!p1 $0x0  }
0x14: {  	s2 =	sld [smem:$0x3F9D];
	s0 =	simm.s32 @p1 $0x1  }
0x15: {  	[smem:$0x3FBA] =	sst s0;
	s0 =	simm.s32 @!p2 $0x0  }
0x16: {  	s3 =	sld [smem:$0x3FDB];
	s0 =	simm.s32 @p2 $0x1  }
0x17: {  	s4 =	simm.s32 $0x1BF5;
	[smem:$0x3FBC] =	sst s0  }
0x18: {  	s0 =	sld [smem:$0x3F9F];
	_ =	swait.ge [sflag:s4], $0x0  }
0x19: {  	s7 =	sld [smem:$0x3FA0]  }
0x1a: {  	s8 =	sadd.s32 $0xFFFFE003, lr  }
0x1b: {  	s9 =	sadd.s32 $0xFFFFFEF7, lr;
	s5 =	simm.s32 $0xFFFFFFFF;
	p2 =	slt.u32 s8, $0xFFFFF086  }
0x1c: {  	p1 =	slt.u32 s9, $0xF7A;
	s5 =	simm.s32 @!p2 $0x0  }
0x1d: {  	s5 =	simm.s32 @p1 $0x1;
	p0 =	seq.s32 s7, s2  }
0x1e: {  	s7 =	smul.u32 @!p0 $0xF7A, s2;
	p2 =	seq.s32 @!p0 s5, $0x0  }
0x1f: {  	s9 =	smul.u32 $0xF7A, s1;
	s8 =	simm.s32 @!p0 $0x1BF5;
	p2 =	por !p2, p0  }
0x20: {  	[sflag:s8] =	ssyncset.s32 @!p0 $0xFFFFF086;
	s6 =	sadd.s32 @!p0 s3, s7;
	s7 =	simm.s32 @!p0 $0x108  }
0x21: {  	s3 =	sadd.s32 s3, s9;
	s6 =	sadd.s32 @!p0 $0x88, s6;
	s7 =	simm.s32 @p2 $0x1082  }
0x22: {  	[simem:s7], [sflag:s8] =	dma.local @!p0 [hbm:s6], $0xF7A  }
0x23: {  	s9 =	sor.u32 $0xD0000000, s2;
	s6 =	simm.s32 $0x108;
	_ =	swait.ge @!p0 [sflag:s8], $0x0  }
0x24: {  	s3 =	sadd.s32 $0x88, s3;
	s6 =	simm.s32 @!p1 $0x1082;
	[sflag:s4] =	ssyncset.s32 $0xFFFFF086  }
0x25: {  	[simem:s6], [sflag:s4] =	dma.local [hbm:s3], $0xF7A  }
0x26: {  	[smem:$0x3FA0] =	sst s1;
	(tag) =	ssettag s2;
	_ =	strace s9  }
0x27: {  	s1 =	sld [smem:$0x3FB0]  }
0x28: {  	s2 =	sld [smem:$0x3FB1]  }
0x29: {  	s4 =	sld [smem:$0x3FB3]  }
0x2a: {  	p0 =	seq.s32 s5, $0x0;
	s5 =	sld [smem:$0x3FB4]  }
0x2b: {  	s6 =	sld [smem:$0x3FB5]  }
0x2c: {  	s7 =	sld [smem:$0x3FB6]  }
0x2d: {  	s3 =	simm.s32 $0x108;
	s8 =	sld [smem:$0x3FB7]  }
0x2e: {  	s3 =	simm.s32 @!p0 $0x1082;
	s9 =	sld [smem:$0x3FB8]  }
0x2f: {  	lr =	sadd.s32 s0, s3;
	s0 =	sld [smem:$0x3FAF]  }
0x30: {  	s3 =	sld [smem:$0x3FB2]  }
0x31: {  	[smem:$0x3FBB] =	sst s10  }
0x32: {  	s10 =	sld [smem:$0x3FB9];
	_ =	sdelay $0x3  }
0x33: {  	p0 =	seq.s32 s10, $0x1;
	s10 =	sld [smem:$0x3FBB];
	_ =	sdelay $0x3  }
0x34: {  	[smem:$0x3FBB] =	sst s10  }
0x35: {  	s10 =	sld [smem:$0x3FBA];
	_ =	sdelay $0x3  }
0x36: {  	p1 =	seq.s32 s10, $0x1;
	s10 =	sld [smem:$0x3FBB];
	_ =	sdelay $0x3  }
0x37: {  	[smem:$0x3FBB] =	sst s10  }
0x38: {  	s10 =	sld [smem:$0x3FBC]  }
0x39: {  	_ = 	snop;
	(pc) =	sbr.ind lr, $3  }
0x3a: {  	_ = 	snop  }
0x3b: {  	_ = 	snop  }
0x3c: {  	p2 =	seq.s32 s10, $0x1;
	s10 =	sld [smem:$0x3FBB]  }
0x3d: {  	_ =	shalt  }
0x3e: {  	_ =	shalt  }
0x3f: {  	_ =	shalt  }
0x40: {  	_ =	shalt  }
0x41: {  	_ =	shalt  }
0x42: {  	_ =	shalt  }
0x43: {  	_ =	shalt  }
0x44: {  	_ =	shalt  }
0x45: {  	_ =	shalt  }
0x46: {  	_ =	shalt  }
0x47: {  	_ =	shalt  }
0x48: {  	_ =	shalt  }
0x49: {  	_ =	shalt  }
0x4a: {  	_ =	shalt  }
0x4b: {  	_ =	shalt  }
0x4c: {  	_ =	shalt  }
0x4d: {  	_ =	shalt  }
0x4e: {  	_ =	shalt  }
0x4f: {  	_ =	shalt  }
0x50: {  	_ =	shalt  }
0x51: {  	_ =	shalt  }
0x52: {  	_ =	shalt  }
0x53: {  	_ =	shalt  }
0x54: {  	_ =	shalt  }
0x55: {  	_ =	shalt  }
0x56: {  	_ =	shalt  }
0x57: {  	_ =	shalt  }
0x58: {  	_ =	shalt  }
0x59: {  	_ =	shalt  }
0x5a: {  	_ =	shalt  }
0x5b: {  	_ =	shalt  }
0x5c: {  	_ =	shalt  }
0x5d: {  	_ =	shalt  }
0x5e: {  	_ =	shalt  }
0x5f: {  	_ =	shalt  }
0x60: {  	_ =	shalt  }
0x61: {  	_ =	shalt  }
0x62: {  	_ =	shalt  }
0x63: {  	_ =	shalt  }
0x64: {  	_ =	shalt  }
0x65: {  	_ =	shalt  }
0x66: {  	_ =	shalt  }
0x67: {  	_ =	shalt  }
0x68: {  	_ =	shalt  }
0x69: {  	_ =	shalt  }
0x6a: {  	_ =	shalt  }
0x6b: {  	_ =	shalt  }
0x6c: {  	_ =	shalt  }
0x6d: {  	_ =	shalt  }
0x6e: {  	_ =	shalt  }
0x6f: {  	_ =	shalt  }
0x70: {  	_ =	shalt  }
0x71: {  	_ =	shalt  }
0x72: {  	_ =	shalt  }
0x73: {  	_ =	shalt  }
0x74: {  	_ =	shalt  }
0x75: {  	_ =	shalt  }
0x76: {  	_ =	shalt  }
0x77: {  	_ =	shalt  }
0x78: {  	_ =	shalt  }
0x79: {  	_ =	shalt  }
0x7a: {  	_ =	shalt  }
0x7b: {  	_ =	shalt  }
0x7c: {  	_ =	shalt  }
0x7d: {  	_ =	shalt  }
0x7e: {  	_ =	shalt  }
0x7f: {  	_ =	shalt  }
0x80: {  	_ =	shalt  }
0x81: {  	_ =	shalt  }
0x82: {  	_ =	shalt  }
0x83: {  	_ =	shalt  }
0x84: {  	_ =	shalt  }
0x85: {  	_ =	shalt  }
0x86: {  	_ =	shalt  }
0x87: {  	_ =	shalt  }
.Lfunc_end0:
.L_simem_size_0:
called_computation_lowered:
.L_overlay_start_0:
0x88: {  	s2 =	sld [smem:$0x3FD9]  }
0x89: {  	s3 =	sld [smem:$0x3FFE];
	_ =	sdelay $0x1  }
0x8a: {  	s1 =	srdreg.scid  }
0x8b: {  	s0 =	sand.u32 $0x1, s1  }
0x8c: {  	s17 =	sshll.u32 s0, $0xA;
	s2 =	sadd.s32 s3, s2  }
0x8d: {  	s2 =	sadd.s32 s2, s17  }
0x8e: {  	[smem:$0x3FC7] =	sst s2  }
0x8f: {  	_ = 	snop  }
0x90: {  	s2 =	sld [smem:$0x3FC9]  }
0x91: {  	s18 =	sld [smem:$0x3FD0];
	(tm) =	ssettm $0x1  }
0x92: {  	s4 =	sld [smem:$0x3FFB];
	_ =	sdelay $0x3  }
0x93: {  	_ =	strace s4  }
0x94: {  	s4 =	sld [smem:$0x3FFC];
	_ =	sdelay $0x3  }
0x95: {  	_ =	strace s4  }
0x96: {  	s4 =	sld [smem:$0x3FFD];
	_ =	sdelay $0x3  }
0x97: {  	_ =	strace s4  }
0x98: {  	_ =	strace $0x8FFFFFFF  }
0x99: {  	s19 =	sld [smem:$0x3FDB];
	_ =	sdelay $0x1  }
0x9a: {  	s5 =	simm.s32 $_scs_section_size  }
0x9b: {  	s6 =	simm.s32 $_size__tile_overlayer_lowered;
	s7 =	simm.s32 $_tile_overlayer_lowered  }
0x9c: {  	s22 =	simm.s32 $0x1BFF;
	s21 =	sshll.u32 s7, $0x1;
	s4 =	sadd.s32 s5, s19  }
0x9d: {  	s8 =	simm.s32 $0x0;
	s20 =	sshll.u32 s6, $0x1;
	s6 =	sadd.s32 s21, s4  }
0x9e: {  	[timem:s8], [sflag:s22] =	dma.local [hbm:s6], s20  }
0x9f: {  	_ =	swait.ge [sflag:s22], s20  }
0xa0: {  	s5 =	ssub.s32 $0x0, s20;
	[sflag:s22] =	ssyncset.done $0x0  }
0xa1: {  	[sflag:s22] =	ssyncadd.s32 s5;
	_ =	sdelay $0x1  }
0xa2: {  	s23 =	simm.s32 $0x1B8B  }
0xa3: {  	_ =	swait.ge [sflag:s23], $0x1  }
0xa4: {  	[sflag:s23] =	ssyncset.done $0x0  }
0xa5: {  	s25 =	simm.s32 $0x1B8E;
	s24 =	sld [smem:$0x3FFE];
	[sflag:s23] =	ssyncadd.s32 $0xFFFFFFFF  }
0xa6: {  	s26 =	simm.s32 $execute0_lowered;
	[smem:$0x3FD2] =	sst s25  }
0xa7: {  	s6 =	sshll.u32 s26, $0x1;
	_ =	strace $0x80000046;
	[dreg:$0x1] =	wrdreg $0xFFFFFFFF  }
0xa8: {  	s28 =	simm.s32 $_size_execute0_lowered;
	s4 =	sadd.s32 s4, s6;
	[dreg:$0x0] =	wrdreg $0x0  }
0xa9: {  	s6 =	sshll.u32 s28, $0x1;
	[dreg:$0x2] =	wrdreg s4  }
0xaa: {  	[dreg:$0x3] =	wrdreg s6  }
0xab: {  	[dreg:$0x4] =	wrdreg $0xC0  }
0xac: {  	_ =	task [dreg:s8], $0x5FFFF  }
0xad: {  	[dreg:$0x1] =	wrdreg $0xFFFFFFFF  }
0xae: {  	[dreg:$0x0] =	wrdreg $0x60  }
0xaf: {  	[dreg:$0x2] =	wrdreg s2  }
0xb0: {  	[dreg:$0x3] =	wrdreg s24  }
0xb1: {  	[dreg:$0x4] =	wrdreg s18  }
0xb2: {  	[dreg:$0x5] =	wrdreg $0x9  }
0xb3: {  	_ =	task.clear_ibuf [dreg:s8], $0x6FFFF;
	_ =	strace $0x90000046  }
0xb4: {  	s29 =	simm.s32 $0x9;
	_ =	strace $0x80000048  }
0xb5: {  	_ =	swait.ge [sflag:s29], $0x1  }
0xb6: {  	[sflag:s29] =	ssyncadd.s32 $0xFFFFFFFF  }
0xb7: {  	_ =	strace $0x90000048  }
0xb8: {  	_ =	sfence  }
0xb9: {  	s30 =	sld [smem:$0x0];
	_ =	sdelay $0x2  }
0xba: {  	s31 =	sshll.u32 s1, $0xD;
	s1 =	sshrl.u32 s1, $0x2  }
0xbb: {  	s3 =	sand.u32 $0x4000, s31;
	s1 =	sadd.s32 s1, s30  }
0xbc: {  	s0 =	sor.u32 s3, s0;
	s1 =	sshll.u32 s1, $0x11  }
0xbd: {  	s0 =	sor.u32 s1, s0  }
0xbe: {  	s0 =	sadd.s32 $0x8F2B, s0  }
0xbf: {  	[sflag:s0] =	ssyncadd.remote.s32 $0x1  }
0xc0: {  	_ =	sfence.sel $0xFFFF  }
0xc1: {  	[dreg:$0x0] =	wrdreg $0xFFFFFFFF;
	(pc) =	sbr.abs _section_cstart, $3  }
0xc2: {  	[dreg:$0x1] =	wrdreg $0xFFFFFFFF  }
0xc3: {  	_ =	task.clear_ibuf [dreg:s8], $0x2FFFF;
	_ =	strace $0x9FFFFFFF  }
0xc4: {  	(tm) =	ssettm $0x7FFFFFFF  }
0xc5: {  	_ =	shalt  }
tec
execute0_lowered:
.L_overlay_start_1:
0x0: {  	(tag) =	ssettag $0x1  }
0x1: {  	s3 =	srdreg.scid;
	s5 =	stileid.u32  }
0x2: {  	s0 =	rddreg [dreg:$0x0];
	s4 =	sand.u32 $0x1, s3;
	s22 =	sshll.u32 s5, $0x1  }
0x3: {  	s1 =	rddreg [dreg:$0x1];
	s5 =	sor.u32 s4, s22  }
0x4: {  	s2 =	rddreg [dreg:$0x2];
	s6 =	sshll.u32 s5, $0x9  }
0x5: {  	s3 =	simm.s32 $0x0;
	s7 =	smul.u32 $0xC000, s5;
	s1 =	sadd.s32 s6, s1  }
0x6: {  	[smem:$0x7FF] =	sst s3;
	s5 =	smul.u32 $0x60000, s5;
	s1 =	sadd.s32 $0x400, s1  }
0x7: {  	_ =	strace $0x80000047;
	s23 =	sadd.s32 s0, s7;
	[dreg:$0x4] =	wrdreg s1  }
0x8: {  	s5 =	sshrl.u32 s5, $0x3;
	s24 =	sadd.s32 $0x1800, s23;
	[dreg:$0xc] =	wrdreg s23  }
0x9: {  	s25 =	sadd.s32 $0x3000, s23;
	s0 =	sadd.s32 s0, s5;
	[dreg:$0x5] =	wrdreg s24  }
0xa: {  	[dreg:$0x6] =	wrdreg s25;
	s26 =	sadd.s32 $0x4800, s0  }
0xb: {  	s28 =	sadd.s32 $0x6000, s0;
	[dreg:$0x7] =	wrdreg s26  }
0xc: {  	s4 =	ssub.s32 $0x2, s4;
	s29 =	sadd.s32 $0x7800, s0;
	[dreg:$0x8] =	wrdreg s28  }
0xd: {  	v2 =	vlaneseq.u32;
	s30 =	sshrl.u32 s4, $0x1;
	s31 =	sadd.s32 $0x9000, s0;
	[dreg:$0x9] =	wrdreg s29  }
0xe: {  	vm0 =	vmmov $0xffff;
	vm1 =	vmmov $0xff;
	v1 =	vshrl.u32 v2, $0x3;
	s4 =	ssub.s32 s4, s30;
	s0 =	sadd.s32 $0xA800, s0;
	[dreg:$0xa] =	wrdreg s31  }
0xf: {  	v0 =	vand.u32 $0x7, v2;
	v2 =	vor.u32 $0x8, v2;
	v1 =	vmul.u32 $0x8, v1;
	s5 =	sadd.s32 $0x100, s2;
	[dreg:$0xb] =	wrdreg s0;
	s0 =	smax.u32 s4, $0x1  }
.LBB2_1:
0x10: {  	[dreg:$0xd] =	wrdreg s0  }
0x11: {  	s24 =	rddreg [dreg:$0x4];
	s20 =	simm.s32 $0x5  }
0x12: {  	[tilespmem:s3], [sflag:$0x5] =	stream.linear.gather [hbm4b:s24+s3], $0x1000, $0x38;
	[tilespmem:$0x19000] =	vst v63  }
0x13: {  	_ =	swait.ge [sflag:s20], $0x1000  }
0x14: {  	[sflag:s20] =	ssyncset.done $0x0  }
0x15: {  	s22 =	simm.s32 $0x1000;
	s25 =	rddreg [dreg:$0xc];
	[sflag:s20] =	ssyncadd.s32 $0xFFFFF000  }
0x16: {  	[tilespmem:s22], [sflag:$0x1] =	stream.linear.gather [hbm4b:s25+s3], $0xC000, $0x38;
	[tilespmem:$0x19000] =	vst v63  }
0x17: {  	s23 =	simm.s32 $0xD000;
	s21 =	rddreg [dreg:$0x5];
	s25 =	simm.s32 $0x1  }
0x18: {  	[tilespmem:s23], [sflag:$0x2] =	stream.linear.gather [hbm4b:s21+s3], $0xC000, $0x38;
	[tilespmem:$0x19000] =	vst v63  }
0x19: {  	_ =	swait.ge [sflag:s25], $0xC000  }
0x1a: {  	[sflag:s25] =	ssyncset.done $0x0  }
0x1b: {  	[sflag:s25] =	ssyncadd.s32 $0xFFFF4000  }
0x1c: {  	v3 =	vld [tilespmem:$0x0];
	_ =	sdelay $0x4  }
0x1d: {  	v4 =	vshrl.u32 v3, $0x3  }
0x1e: {  	v4 =	vmul.u32 $0x18, v4  }
0x1f: {  	v3 =	vand.u32 $0x7, v3  }
0x20: {  	v3 =	vor.u32 v3, v4  }
0x21: {  	v4 =	vperm.xlane v3, v0;
	_ =	sdelay $0x1  }
0x22: {  	v4 =	vadd.s32 v1, v4;
	_ =	sdelay $0x1  }
0x23: {  	v3 =	vperm.xlane v3, v2;
	_ =	sdelay $0x1  }
0x24: {  	s1 =	simm.s32 $0x1000;
	v3 =	vadd.s32 v1, v3  }
0x25: {  	[hbm4b:s2+s3] =	stream.indirect_vreg.scatter [tilespmem:s1], [sflag:$0x3], $0x80, v4, vm0, $0xb8;
	[tilespmem:$0x19000] =	vst v63  }
0x26: {  	s26 =	simm.s32 $0x1800  }
0x27: {  	[hbm4b:s5+s3] =	stream.indirect_vreg.scatter [tilespmem:s26], [sflag:$0x3], $0x80, v4, vm1, $0xb8;
	[tilespmem:$0x19000] =	vst v63  }
0x28: {  	s28 =	simm.s32 $0x1C00  }
0x29: {  	[hbm4b:s2+s3] =	stream.indirect_vreg.scatter [tilespmem:s28], [sflag:$0x3], $0x80, v3, vm0, $0xb8;
	[tilespmem:$0x19000] =	vst v63  }
0x2a: {  	s29 =	simm.s32 $0x2400  }
0x2b: {  	[hbm4b:s5+s3] =	stream.indirect_vreg.scatter [tilespmem:s29], [sflag:$0x3], $0x80, v3, vm1, $0xb8;
	[tilespmem:$0x19000] =	vst v63  }
0x2c: {  	v3 =	vld [tilespmem:$0x10];
	_ =	sdelay $0x4  }
0x2d: {  	v33 =	vshrl.u32 v3, $0x3  }
0x2e: {  	v4 =	vmul.u32 $0x18, v33  }
0x2f: {  	v3 =	vand.u32 $0x7, v3  }
0x30: {  	v3 =	vor.u32 v3, v4  }
0x31: {  	v4 =	vperm.xlane v3, v0;
	_ =	sdelay $0x1  }
0x32: {  	v4 =	vadd.s32 v1, v4;
	_ =	sdelay $0x1  }
0x33: {  	v3 =	vperm.xlane v3, v2;
	_ =	sdelay $0x1  }
0x34: {  	s30 =	simm.s32 $0x2800;
	v3 =	vadd.s32 v1, v3  }
0x35: {  	[hbm4b:s2+s3] =	stream.indirect_vreg.scatter [tilespmem:s30], [sflag:$0x3], $0x80, v4, vm0, $0xb8;
	[tilespmem:$0x19000] =	vst v63  }
0x36: {  	s4 =	simm.s32 $0x3000  }
0x37: {  	[hbm4b:s5+s3] =	stream.indirect_vreg.scatter [tilespmem:s4], [sflag:$0x3], $0x80, v4, vm1, $0xb8;
	[tilespmem:$0x19000] =	vst v63  }
0x38: {  	s6 =	simm.s32 $0x3400  }
0x39: {  	[hbm4b:s2+s3] =	stream.indirect_vreg.scatter [tilespmem:s6], [sflag:$0x3], $0x80, v3, vm0, $0xb8;
	[tilespmem:$0x19000] =	vst v63  }
0x3a: {  	s7 =	simm.s32 $0x3C00  }
0x3b: {  	[hbm4b:s5+s3] =	stream.indirect_vreg.scatter [tilespmem:s7], [sflag:$0x3], $0x80, v3, vm1, $0xb8;
	[tilespmem:$0x19000] =	vst v63  }
0x3c: {  	v3 =	vld [tilespmem:$0x20];
	_ =	sdelay $0x4  }
0x3d: {  	v34 =	vshrl.u32 v3, $0x3  }
0x3e: {  	v4 =	vmul.u32 $0x18, v34  }
0x3f: {  	v3 =	vand.u32 $0x7, v3  }
0x40: {  	v3 =	vor.u32 v3, v4  }
0x41: {  	v4 =	vperm.xlane v3, v0;
	_ =	sdelay $0x1  }
0x42: {  	v4 =	vadd.s32 v1, v4;
	_ =	sdelay $0x1  }
0x43: {  	v3 =	vperm.xlane v3, v2;
	_ =	sdelay $0x1  }
0x44: {  	s8 =	simm.s32 $0x4000;
	v3 =	vadd.s32 v1, v3  }
0x45: {  	[hbm4b:s2+s3] =	stream.indirect_vreg.scatter [tilespmem:s8], [sflag:$0x3], $0x80, v4, vm0, $0xb8;
	[tilespmem:$0x19000] =	vst v63  }
0x46: {  	s9 =	simm.s32 $0x4800  }
0x47: {  	[hbm4b:s5+s3] =	stream.indirect_vreg.scatter [tilespmem:s9], [sflag:$0x3], $0x80, v4, vm1, $0xb8;
	[tilespmem:$0x19000] =	vst v63  }
0x48: {  	s10 =	simm.s32 $0x4C00  }
0x49: {  	[hbm4b:s2+s3] =	stream.indirect_vreg.scatter [tilespmem:s10], [sflag:$0x3], $0x80, v3, vm0, $0xb8;
	[tilespmem:$0x19000] =	vst v63  }
0x4a: {  	s13 =	simm.s32 $0x5400  }
0x4b: {  	[hbm4b:s5+s3] =	stream.indirect_vreg.scatter [tilespmem:s13], [sflag:$0x3], $0x80, v3, vm1, $0xb8;
	[tilespmem:$0x19000] =	vst v63  }
0x4c: {  	v3 =	vld [tilespmem:$0x30];
	_ =	sdelay $0x4  }
0x4d: {  	v35 =	vshrl.u32 v3, $0x3  }
0x4e: {  	v4 =	vmul.u32 $0x18, v35  }
0x4f: {  	v3 =	vand.u32 $0x7, v3  }
0x50: {  	v3 =	vor.u32 v3, v4  }
0x51: {  	v4 =	vperm.xlane v3, v0;
	_ =	sdelay $0x1  }
0x52: {  	v4 =	vadd.s32 v1, v4;
	_ =	sdelay $0x1  }
0x53: {  	v3 =	vperm.xlane v3, v2;
	_ =	sdelay $0x1  }
0x54: {  	s14 =	simm.s32 $0x5800;
	v3 =	vadd.s32 v1, v3  }
0x55: {  	[hbm4b:s2+s3] =	stream.indirect_vreg.scatter [tilespmem:s14], [sflag:$0x3], $0x80, v4, vm0, $0xb8;
	[tilespmem:$0x19000] =	vst v63  }
0x56: {  	s15 =	simm.s32 $0x6000  }
0x57: {  	[hbm4b:s5+s3] =	stream.indirect_vreg.scatter [tilespmem:s15], [sflag:$0x3], $0x80, v4, vm1, $0xb8;
	[tilespmem:$0x19000] =	vst v63  }
0x58: {  	s16 =	simm.s32 $0x6400  }
0x59: {  	[hbm4b:s2+s3] =	stream.indirect_vreg.scatter [tilespmem:s16], [sflag:$0x3], $0x80, v3, vm0, $0xb8;
	[tilespmem:$0x19000] =	vst v63  }
0x5a: {  	s19 =	simm.s32 $0x6C00  }
0x5b: {  	[hbm4b:s5+s3] =	stream.indirect_vreg.scatter [tilespmem:s19], [sflag:$0x3], $0x80, v3, vm1, $0xb8;
	[tilespmem:$0x19000] =	vst v63  }
0x5c: {  	v3 =	vld [tilespmem:$0x40];
	_ =	sdelay $0x4  }
0x5d: {  	v36 =	vshrl.u32 v3, $0x3  }
0x5e: {  	v4 =	vmul.u32 $0x18, v36  }
0x5f: {  	v3 =	vand.u32 $0x7, v3  }
0x60: {  	v3 =	vor.u32 v3, v4  }
0x61: {  	v4 =	vperm.xlane v3, v0;
	_ =	sdelay $0x1  }
0x62: {  	v4 =	vadd.s32 v1, v4;
	_ =	sdelay $0x1  }
0x63: {  	v3 =	vperm.xlane v3, v2;
	_ =	sdelay $0x1  }
0x64: {  	s20 =	simm.s32 $0x7000;
	v3 =	vadd.s32 v1, v3  }
0x65: {  	[hbm4b:s2+s3] =	stream.indirect_vreg.scatter [tilespmem:s20], [sflag:$0x3], $0x80, v4, vm0, $0xb8;
	[tilespmem:$0x19000] =	vst v63  }
0x66: {  	s21 =	simm.s32 $0x7800  }
0x67: {  	[hbm4b:s5+s3] =	stream.indirect_vreg.scatter [tilespmem:s21], [sflag:$0x3], $0x80, v4, vm1, $0xb8;
	[tilespmem:$0x19000] =	vst v63  }
0x68: {  	s22 =	simm.s32 $0x7C00  }
0x69: {  	[hbm4b:s2+s3] =	stream.indirect_vreg.scatter [tilespmem:s22], [sflag:$0x3], $0x80, v3, vm0, $0xb8;
	[tilespmem:$0x19000] =	vst v63  }
0x6a: {  	s24 =	simm.s32 $0x8400  }
0x6b: {  	[hbm4b:s5+s3] =	stream.indirect_vreg.scatter [tilespmem:s24], [sflag:$0x3], $0x80, v3, vm1, $0xb8;
	[tilespmem:$0x19000] =	vst v63  }
0x6c: {  	v3 =	vld [tilespmem:$0x50];
	_ =	sdelay $0x4  }
0x6d: {  	v37 =	vshrl.u32 v3, $0x3  }
0x6e: {  	v4 =	vmul.u32 $0x18, v37  }
0x6f: {  	v3 =	vand.u32 $0x7, v3  }
0x70: {  	v3 =	vor.u32 v3, v4  }
0x71: {  	v4 =	vperm.xlane v3, v0;
	_ =	sdelay $0x1  }
0x72: {  	v4 =	vadd.s32 v1, v4;
	_ =	sdelay $0x1  }
0x73: {  	v3 =	vperm.xlane v3, v2;
	_ =	sdelay $0x1  }
0x74: {  	s25 =	simm.s32 $0x8800;
	v3 =	vadd.s32 v1, v3  }
0x75: {  	[hbm4b:s2+s3] =	stream.indirect_vreg.scatter [tilespmem:s25], [sflag:$0x3], $0x80, v4, vm0, $0xb8;
	[tilespmem:$0x19000] =	vst v63  }
0x76: {  	s26 =	simm.s32 $0x9000  }
0x77: {  	[hbm4b:s5+s3] =	stream.indirect_vreg.scatter [tilespmem:s26], [sflag:$0x3], $0x80, v4, vm1, $0xb8;
	[tilespmem:$0x19000] =	vst v63  }
0x78: {  	s28 =	simm.s32 $0x9400  }
0x79: {  	[hbm4b:s2+s3] =	stream.indirect_vreg.scatter [tilespmem:s28], [sflag:$0x3], $0x80, v3, vm0, $0xb8;
	[tilespmem:$0x19000] =	vst v63  }
0x7a: {  	s29 =	simm.s32 $0x9C00  }
0x7b: {  	[hbm4b:s5+s3] =	stream.indirect_vreg.scatter [tilespmem:s29], [sflag:$0x3], $0x80, v3, vm1, $0xb8;
	[tilespmem:$0x19000] =	vst v63  }
0x7c: {  	v3 =	vld [tilespmem:$0x60];
	_ =	sdelay $0x4  }
0x7d: {  	v38 =	vshrl.u32 v3, $0x3  }
0x7e: {  	v4 =	vmul.u32 $0x18, v38  }
0x7f: {  	v3 =	vand.u32 $0x7, v3  }
0x80: {  	v3 =	vor.u32 v3, v4  }
0x81: {  	v4 =	vperm.xlane v3, v0;
	_ =	sdelay $0x1  }
0x82: {  	v4 =	vadd.s32 v1, v4;
	_ =	sdelay $0x1  }
0x83: {  	v3 =	vperm.xlane v3, v2;
	_ =	sdelay $0x1  }
0x84: {  	s30 =	simm.s32 $0xA000;
	v3 =	vadd.s32 v1, v3  }
0x85: {  	[hbm4b:s2+s3] =	stream.indirect_vreg.scatter [tilespmem:s30], [sflag:$0x3], $0x80, v4, vm0, $0xb8;
	[tilespmem:$0x19000] =	vst v63  }
0x86: {  	s4 =	simm.s32 $0xA800  }
0x87: {  	[hbm4b:s5+s3] =	stream.indirect_vreg.scatter [tilespmem:s4], [sflag:$0x3], $0x80, v4, vm1, $0xb8;
	[tilespmem:$0x19000] =	vst v63  }
0x88: {  	s7 =	simm.s32 $0xAC00  }
0x89: {  	[hbm4b:s2+s3] =	stream.indirect_vreg.scatter [tilespmem:s7], [sflag:$0x3], $0x80, v3, vm0, $0xb8;
	[tilespmem:$0x19000] =	vst v63  }
0x8a: {  	s10 =	simm.s32 $0xB400  }
0x8b: {  	[hbm4b:s5+s3] =	stream.indirect_vreg.scatter [tilespmem:s10], [sflag:$0x3], $0x80, v3, vm1, $0xb8;
	[tilespmem:$0x19000] =	vst v63  }
0x8c: {  	v3 =	vld [tilespmem:$0x70];
	_ =	sdelay $0x4  }
0x8d: {  	v39 =	vshrl.u32 v3, $0x3  }
0x8e: {  	v4 =	vmul.u32 $0x18, v39  }
0x8f: {  	v3 =	vand.u32 $0x7, v3  }
0x90: {  	v3 =	vor.u32 v3, v4  }
0x91: {  	v4 =	vperm.xlane v3, v0;
	_ =	sdelay $0x1  }
0x92: {  	v4 =	vadd.s32 v1, v4;
	_ =	sdelay $0x1  }
0x93: {  	v3 =	vperm.xlane v3, v2;
	_ =	sdelay $0x1  }
0x94: {  	s14 =	simm.s32 $0xB800;
	v3 =	vadd.s32 v1, v3  }
0x95: {  	[hbm4b:s2+s3] =	stream.indirect_vreg.scatter [tilespmem:s14], [sflag:$0x3], $0x80, v4, vm0, $0xb8;
	[tilespmem:$0x19000] =	vst v63  }
0x96: {  	s25 =	simm.s32 $0xC000  }
0x97: {  	[hbm4b:s5+s3] =	stream.indirect_vreg.scatter [tilespmem:s25], [sflag:$0x3], $0x80, v4, vm1, $0xb8;
	[tilespmem:$0x19000] =	vst v63  }
0x98: {  	s26 =	simm.s32 $0xC400  }
0x99: {  	[hbm4b:s2+s3] =	stream.indirect_vreg.scatter [tilespmem:s26], [sflag:$0x3], $0x80, v3, vm0, $0xb8;
	[tilespmem:$0x19000] =	vst v63  }
0x9a: {  	s28 =	simm.s32 $0xCC00  }
0x9b: {  	[hbm4b:s5+s3] =	stream.indirect_vreg.scatter [tilespmem:s28], [sflag:$0x3], $0x80, v3, vm1, $0xb8;
	[tilespmem:$0x19000] =	vst v63  }
0x9c: {  	v3 =	vld [tilespmem:$0x80];
	_ =	sdelay $0x4  }
0x9d: {  	v40 =	vshrl.u32 v3, $0x3  }
0x9e: {  	v4 =	vmul.u32 $0x18, v40  }
0x9f: {  	v3 =	vand.u32 $0x7, v3  }
0xa0: {  	v3 =	vor.u32 v3, v4  }
0xa1: {  	v4 =	vperm.xlane v3, v0;
	_ =	sdelay $0x1  }
0xa2: {  	v4 =	vadd.s32 v1, v4;
	_ =	sdelay $0x1  }
0xa3: {  	v3 =	vperm.xlane v3, v2;
	_ =	sdelay $0x1  }
0xa4: {  	s11 =	simm.s32 $0x1000;
	v3 =	vadd.s32 v1, v3  }
0xa5: {  	[hbm4b:s2+s3] =	stream.indirect_vreg.scatter [tilespmem:s11], [sflag:$0x3], $0x80, v4, vm0, $0xb8;
	[tilespmem:$0x19000] =	vst v63  }
0xa6: {  	s12 =	simm.s32 $0x1800  }
0xa7: {  	[hbm4b:s5+s3] =	stream.indirect_vreg.scatter [tilespmem:s12], [sflag:$0x3], $0x80, v4, vm1, $0xb8;
	[tilespmem:$0x19000] =	vst v63  }
0xa8: {  	s0 =	simm.s32 $0x1C00  }
0xa9: {  	[hbm4b:s2+s3] =	stream.indirect_vreg.scatter [tilespmem:s0], [sflag:$0x3], $0x80, v3, vm0, $0xb8;
	[tilespmem:$0x19000] =	vst v63  }
0xaa: {  	s31 =	simm.s32 $0x2400  }
0xab: {  	[hbm4b:s5+s3] =	stream.indirect_vreg.scatter [tilespmem:s31], [sflag:$0x3], $0x80, v3, vm1, $0xb8;
	[tilespmem:$0x19000] =	vst v63  }
0xac: {  	v3 =	vld [tilespmem:$0x90];
	_ =	sdelay $0x4  }
0xad: {  	v41 =	vshrl.u32 v3, $0x3  }
0xae: {  	v4 =	vmul.u32 $0x18, v41  }
0xaf: {  	v3 =	vand.u32 $0x7, v3  }
0xb0: {  	v3 =	vor.u32 v3, v4  }
0xb1: {  	v4 =	vperm.xlane v3, v0;
	_ =	sdelay $0x1  }
0xb2: {  	v4 =	vadd.s32 v1, v4;
	_ =	sdelay $0x1  }
0xb3: {  	v3 =	vperm.xlane v3, v2;
	_ =	sdelay $0x1  }
0xb4: {  	s7 =	simm.s32 $0x2800;
	v3 =	vadd.s32 v1, v3  }
0xb5: {  	[hbm4b:s2+s3] =	stream.indirect_vreg.scatter [tilespmem:s7], [sflag:$0x3], $0x80, v4, vm0, $0xb8;
	[tilespmem:$0x19000] =	vst v63  }
0xb6: {  	s4 =	simm.s32 $0x3000  }
0xb7: {  	[hbm4b:s5+s3] =	stream.indirect_vreg.scatter [tilespmem:s4], [sflag:$0x3], $0x80, v4, vm1, $0xb8;
	[tilespmem:$0x19000] =	vst v63  }
0xb8: {  	s6 =	simm.s32 $0x3400  }
0xb9: {  	[hbm4b:s2+s3] =	stream.indirect_vreg.scatter [tilespmem:s6], [sflag:$0x3], $0x80, v3, vm0, $0xb8;
	[tilespmem:$0x19000] =	vst v63  }
0xba: {  	s18 =	simm.s32 $0x3C00  }
0xbb: {  	[hbm4b:s5+s3] =	stream.indirect_vreg.scatter [tilespmem:s18], [sflag:$0x3], $0x80, v3, vm1, $0xb8;
	[tilespmem:$0x19000] =	vst v63  }
0xbc: {  	v3 =	vld [tilespmem:$0xA0];
	_ =	sdelay $0x4  }
0xbd: {  	v42 =	vshrl.u32 v3, $0x3  }
0xbe: {  	v4 =	vmul.u32 $0x18, v42  }
0xbf: {  	v3 =	vand.u32 $0x7, v3  }
0xc0: {  	v3 =	vor.u32 v3, v4  }
0xc1: {  	v4 =	vperm.xlane v3, v0;
	_ =	sdelay $0x1  }
0xc2: {  	v4 =	vadd.s32 v1, v4;
	_ =	sdelay $0x1  }
0xc3: {  	v3 =	vperm.xlane v3, v2;
	_ =	sdelay $0x1  }
0xc4: {  	s17 =	simm.s32 $0x4000;
	v3 =	vadd.s32 v1, v3  }
0xc5: {  	[hbm4b:s2+s3] =	stream.indirect_vreg.scatter [tilespmem:s17], [sflag:$0x3], $0x80, v4, vm0, $0xb8;
	[tilespmem:$0x19000] =	vst v63  }
0xc6: {  	s17 =	simm.s32 $0x4800  }
0xc7: {  	[hbm4b:s5+s3] =	stream.indirect_vreg.scatter [tilespmem:s17], [sflag:$0x3], $0x80, v4, vm1, $0xb8;
	[tilespmem:$0x19000] =	vst v63  }
0xc8: {  	s1 =	simm.s32 $0x4C00  }
0xc9: {  	[hbm4b:s2+s3] =	stream.indirect_vreg.scatter [tilespmem:s1], [sflag:$0x3], $0x80, v3, vm0, $0xb8;
	[tilespmem:$0x19000] =	vst v63  }
0xca: {  	s13 =	simm.s32 $0x5400  }
0xcb: {  	[hbm4b:s5+s3] =	stream.indirect_vreg.scatter [tilespmem:s13], [sflag:$0x3], $0x80, v3, vm1, $0xb8;
	[tilespmem:$0x19000] =	vst v63  }
0xcc: {  	v3 =	vld [tilespmem:$0xB0];
	_ =	sdelay $0x4  }
0xcd: {  	v43 =	vshrl.u32 v3, $0x3  }
0xce: {  	v4 =	vmul.u32 $0x18, v43  }
0xcf: {  	v3 =	vand.u32 $0x7, v3  }
0xd0: {  	v3 =	vor.u32 v3, v4  }
0xd1: {  	v4 =	vperm.xlane v3, v0;
	_ =	sdelay $0x1  }
0xd2: {  	v4 =	vadd.s32 v1, v4;
	_ =	sdelay $0x1  }
0xd3: {  	v3 =	vperm.xlane v3, v2;
	_ =	sdelay $0x1  }
0xd4: {  	s6 =	simm.s32 $0x5800;
	v3 =	vadd.s32 v1, v3  }
0xd5: {  	[hbm4b:s2+s3] =	stream.indirect_vreg.scatter [tilespmem:s6], [sflag:$0x3], $0x80, v4, vm0, $0xb8;
	[tilespmem:$0x19000] =	vst v63  }
0xd6: {  	s0 =	simm.s32 $0x6000  }
0xd7: {  	[hbm4b:s5+s3] =	stream.indirect_vreg.scatter [tilespmem:s0], [sflag:$0x3], $0x80, v4, vm1, $0xb8;
	[tilespmem:$0x19000] =	vst v63  }
0xd8: {  	s6 =	simm.s32 $0x6400  }
0xd9: {  	[hbm4b:s2+s3] =	stream.indirect_vreg.scatter [tilespmem:s6], [sflag:$0x3], $0x80, v3, vm0, $0xb8;
	[tilespmem:$0x19000] =	vst v63  }
0xda: {  	s15 =	simm.s32 $0x6C00  }
0xdb: {  	[hbm4b:s5+s3] =	stream.indirect_vreg.scatter [tilespmem:s15], [sflag:$0x3], $0x80, v3, vm1, $0xb8;
	[tilespmem:$0x19000] =	vst v63  }
0xdc: {  	v3 =	vld [tilespmem:$0xC0];
	_ =	sdelay $0x4  }
0xdd: {  	v44 =	vshrl.u32 v3, $0x3  }
0xde: {  	v4 =	vmul.u32 $0x18, v44  }
0xdf: {  	v3 =	vand.u32 $0x7, v3  }
0xe0: {  	v3 =	vor.u32 v3, v4  }
0xe1: {  	v4 =	vperm.xlane v3, v0;
	_ =	sdelay $0x1  }
0xe2: {  	v4 =	vadd.s32 v1, v4;
	_ =	sdelay $0x1  }
0xe3: {  	v3 =	vperm.xlane v3, v2;
	_ =	sdelay $0x1  }
0xe4: {  	s19 =	simm.s32 $0x7000;
	v3 =	vadd.s32 v1, v3  }
0xe5: {  	[hbm4b:s2+s3] =	stream.indirect_vreg.scatter [tilespmem:s19], [sflag:$0x3], $0x80, v4, vm0, $0xb8;
	[tilespmem:$0x19000] =	vst v63  }
0xe6: {  	s23 =	simm.s32 $0x7800  }
0xe7: {  	[hbm4b:s5+s3] =	stream.indirect_vreg.scatter [tilespmem:s23], [sflag:$0x3], $0x80, v4, vm1, $0xb8;
	[tilespmem:$0x19000] =	vst v63  }
0xe8: {  	s8 =	simm.s32 $0x7C00  }
0xe9: {  	[hbm4b:s2+s3] =	stream.indirect_vreg.scatter [tilespmem:s8], [sflag:$0x3], $0x80, v3, vm0, $0xb8;
	[tilespmem:$0x19000] =	vst v63  }
0xea: {  	s16 =	simm.s32 $0x8400  }
0xeb: {  	[hbm4b:s5+s3] =	stream.indirect_vreg.scatter [tilespmem:s16], [sflag:$0x3], $0x80, v3, vm1, $0xb8;
	[tilespmem:$0x19000] =	vst v63  }
0xec: {  	v3 =	vld [tilespmem:$0xD0];
	_ =	sdelay $0x4  }
0xed: {  	v45 =	vshrl.u32 v3, $0x3  }
0xee: {  	v4 =	vmul.u32 $0x18, v45  }
0xef: {  	v3 =	vand.u32 $0x7, v3  }
0xf0: {  	v3 =	vor.u32 v3, v4  }
0xf1: {  	v4 =	vperm.xlane v3, v0;
	_ =	sdelay $0x1  }
0xf2: {  	v4 =	vadd.s32 v1, v4;
	_ =	sdelay $0x1  }
0xf3: {  	v3 =	vperm.xlane v3, v2;
	_ =	sdelay $0x1  }
0xf4: {  	s8 =	simm.s32 $0x8800;
	v3 =	vadd.s32 v1, v3  }
0xf5: {  	[hbm4b:s2+s3] =	stream.indirect_vreg.scatter [tilespmem:s8], [sflag:$0x3], $0x80, v4, vm0, $0xb8;
	[tilespmem:$0x19000] =	vst v63  }
0xf6: {  	s21 =	simm.s32 $0x9000  }
0xf7: {  	[hbm4b:s5+s3] =	stream.indirect_vreg.scatter [tilespmem:s21], [sflag:$0x3], $0x80, v4, vm1, $0xb8;
	[tilespmem:$0x19000] =	vst v63  }
0xf8: {  	s1 =	simm.s32 $0x9400  }
0xf9: {  	[hbm4b:s2+s3] =	stream.indirect_vreg.scatter [tilespmem:s1], [sflag:$0x3], $0x80, v3, vm0, $0xb8;
	[tilespmem:$0x19000] =	vst v63  }
0xfa: {  	s20 =	simm.s32 $0x9C00  }
0xfb: {  	[hbm4b:s5+s3] =	stream.indirect_vreg.scatter [tilespmem:s20], [sflag:$0x3], $0x80, v3, vm1, $0xb8;
	[tilespmem:$0x19000] =	vst v63  }
0xfc: {  	v3 =	vld [tilespmem:$0xE0];
	_ =	sdelay $0x4  }
0xfd: {  	v46 =	vshrl.u32 v3, $0x3  }
0xfe: {  	v4 =	vmul.u32 $0x18, v46  }
0xff: {  	v3 =	vand.u32 $0x7, v3  }
0x100: {  	v3 =	vor.u32 v3, v4  }
0x101: {  	v4 =	vperm.xlane v3, v0;
	_ =	sdelay $0x1  }
0x102: {  	v4 =	vadd.s32 v1, v4;
	_ =	sdelay $0x1  }
0x103: {  	v3 =	vperm.xlane v3, v2;
	_ =	sdelay $0x1  }
0x104: {  	s9 =	simm.s32 $0xA000;
	v3 =	vadd.s32 v1, v3  }
0x105: {  	[hbm4b:s2+s3] =	stream.indirect_vreg.scatter [tilespmem:s9], [sflag:$0x3], $0x80, v4, vm0, $0xb8;
	[tilespmem:$0x19000] =	vst v63  }
0x106: {  	s24 =	simm.s32 $0xA800  }
0x107: {  	[hbm4b:s5+s3] =	stream.indirect_vreg.scatter [tilespmem:s24], [sflag:$0x3], $0x80, v4, vm1, $0xb8;
	[tilespmem:$0x19000] =	vst v63  }
0x108: {  	s9 =	simm.s32 $0xAC00  }
0x109: {  	[hbm4b:s2+s3] =	stream.indirect_vreg.scatter [tilespmem:s9], [sflag:$0x3], $0x80, v3, vm0, $0xb8;
	[tilespmem:$0x19000] =	vst v63  }
0x10a: {  	s22 =	simm.s32 $0xB400  }
0x10b: {  	[hbm4b:s5+s3] =	stream.indirect_vreg.scatter [tilespmem:s22], [sflag:$0x3], $0x80, v3, vm1, $0xb8;
	[tilespmem:$0x19000] =	vst v63  }
0x10c: {  	v3 =	vld [tilespmem:$0xF0];
	_ =	sdelay $0x4  }
0x10d: {  	v47 =	vshrl.u32 v3, $0x3  }
0x10e: {  	v4 =	vmul.u32 $0x18, v47  }
0x10f: {  	v3 =	vand.u32 $0x7, v3  }
0x110: {  	v3 =	vor.u32 v3, v4  }
0x111: {  	v4 =	vperm.xlane v3, v0;
	_ =	sdelay $0x1  }
0x112: {  	v4 =	vadd.s32 v1, v4;
	_ =	sdelay $0x1  }
0x113: {  	v3 =	vperm.xlane v3, v2;
	_ =	sdelay $0x1  }
0x114: {  	s24 =	simm.s32 $0xB800;
	v3 =	vadd.s32 v1, v3  }
0x115: {  	[hbm4b:s2+s3] =	stream.indirect_vreg.scatter [tilespmem:s24], [sflag:$0x3], $0x80, v4, vm0, $0xb8;
	[tilespmem:$0x19000] =	vst v63  }
0x116: {  	s29 =	simm.s32 $0xC000  }
0x117: {  	[hbm4b:s5+s3] =	stream.indirect_vreg.scatter [tilespmem:s29], [sflag:$0x3], $0x80, v4, vm1, $0xb8;
	[tilespmem:$0x19000] =	vst v63  }
0x118: {  	s30 =	simm.s32 $0xC400  }
0x119: {  	[hbm4b:s2+s3] =	stream.indirect_vreg.scatter [tilespmem:s30], [sflag:$0x3], $0x80, v3, vm0, $0xb8;
	[tilespmem:$0x19000] =	vst v63  }
0x11a: {  	s10 =	simm.s32 $0xCC00  }
0x11b: {  	[hbm4b:s5+s3] =	stream.indirect_vreg.scatter [tilespmem:s10], [sflag:$0x3], $0x80, v3, vm1, $0xb8;
	[tilespmem:$0x19000] =	vst v63  }
0x11c: {  	v3 =	vld [tilespmem:$0x100];
	_ =	sdelay $0x4  }
0x11d: {  	v48 =	vshrl.u32 v3, $0x3  }
0x11e: {  	v4 =	vmul.u32 $0x18, v48  }
0x11f: {  	v3 =	vand.u32 $0x7, v3  }
0x120: {  	v3 =	vor.u32 v3, v4  }
0x121: {  	v4 =	vperm.xlane v3, v0;
	_ =	sdelay $0x1  }
0x122: {  	v4 =	vadd.s32 v1, v4;
	_ =	sdelay $0x1  }
0x123: {  	v3 =	vperm.xlane v3, v2;
	_ =	sdelay $0x1  }
0x124: {  	s14 =	simm.s32 $0x1000;
	v3 =	vadd.s32 v1, v3  }
0x125: {  	[hbm4b:s2+s3] =	stream.indirect_vreg.scatter [tilespmem:s14], [sflag:$0x3], $0x80, v4, vm0, $0xb8;
	[tilespmem:$0x19000] =	vst v63  }
0x126: {  	s25 =	simm.s32 $0x1800  }
0x127: {  	[hbm4b:s5+s3] =	stream.indirect_vreg.scatter [tilespmem:s25], [sflag:$0x3], $0x80, v4, vm1, $0xb8;
	[tilespmem:$0x19000] =	vst v63  }
0x128: {  	s26 =	simm.s32 $0x1C00  }
0x129: {  	[hbm4b:s2+s3] =	stream.indirect_vreg.scatter [tilespmem:s26], [sflag:$0x3], $0x80, v3, vm0, $0xb8;
	[tilespmem:$0x19000] =	vst v63  }
0x12a: {  	s11 =	simm.s32 $0x2400  }
0x12b: {  	[hbm4b:s5+s3] =	stream.indirect_vreg.scatter [tilespmem:s11], [sflag:$0x3], $0x80, v3, vm1, $0xb8;
	[tilespmem:$0x19000] =	vst v63  }
0x12c: {  	v3 =	vld [tilespmem:$0x110];
	_ =	sdelay $0x4  }
0x12d: {  	v49 =	vshrl.u32 v3, $0x3  }
0x12e: {  	v4 =	vmul.u32 $0x18, v49  }
0x12f: {  	v3 =	vand.u32 $0x7, v3  }
0x130: {  	v3 =	vor.u32 v3, v4  }
0x131: {  	v4 =	vperm.xlane v3, v0;
	_ =	sdelay $0x1  }
0x132: {  	v4 =	vadd.s32 v1, v4;
	_ =	sdelay $0x1  }
0x133: {  	v3 =	vperm.xlane v3, v2;
	_ =	sdelay $0x1  }
0x134: {  	v3 =	vadd.s32 v1, v3  }
0x135: {  	[hbm4b:s2+s3] =	stream.indirect_vreg.scatter [tilespmem:s7], [sflag:$0x3], $0x80, v4, vm0, $0xb8;
	[tilespmem:$0x19000] =	vst v63  }
0x136: {  	_ = 	snop  }
0x137: {  	[hbm4b:s5+s3] =	stream.indirect_vreg.scatter [tilespmem:s4], [sflag:$0x3], $0x80, v4, vm1, $0xb8;
	[tilespmem:$0x19000] =	vst v63  }
0x138: {  	s28 =	simm.s32 $0x3400  }
0x139: {  	[hbm4b:s2+s3] =	stream.indirect_vreg.scatter [tilespmem:s28], [sflag:$0x3], $0x80, v3, vm0, $0xb8;
	[tilespmem:$0x19000] =	vst v63  }
0x13a: {  	s12 =	simm.s32 $0x3C00  }
0x13b: {  	[hbm4b:s5+s3] =	stream.indirect_vreg.scatter [tilespmem:s12], [sflag:$0x3], $0x80, v3, vm1, $0xb8;
	[tilespmem:$0x19000] =	vst v63  }
0x13c: {  	v3 =	vld [tilespmem:$0x120];
	_ =	sdelay $0x4  }
0x13d: {  	v50 =	vshrl.u32 v3, $0x3  }
0x13e: {  	v4 =	vmul.u32 $0x18, v50  }
0x13f: {  	v3 =	vand.u32 $0x7, v3  }
0x140: {  	v3 =	vor.u32 v3, v4  }
0x141: {  	v4 =	vperm.xlane v3, v0;
	_ =	sdelay $0x1  }
0x142: {  	v4 =	vadd.s32 v1, v4;
	_ =	sdelay $0x1  }
0x143: {  	v3 =	vperm.xlane v3, v2;
	_ =	sdelay $0x1  }
0x144: {  	s18 =	simm.s32 $0x4000;
	v3 =	vadd.s32 v1, v3  }
0x145: {  	[hbm4b:s2+s3] =	stream.indirect_vreg.scatter [tilespmem:s18], [sflag:$0x3], $0x80, v4, vm0, $0xb8;
	[tilespmem:$0x19000] =	vst v63  }
0x146: {  	_ = 	snop  }
0x147: {  	[hbm4b:s5+s3] =	stream.indirect_vreg.scatter [tilespmem:s17], [sflag:$0x3], $0x80, v4, vm1, $0xb8;
	[tilespmem:$0x19000] =	vst v63  }
0x148: {  	s28 =	simm.s32 $0x4C00  }
0x149: {  	[hbm4b:s2+s3] =	stream.indirect_vreg.scatter [tilespmem:s28], [sflag:$0x3], $0x80, v3, vm0, $0xb8;
	[tilespmem:$0x19000] =	vst v63  }
0x14a: {  	s13 =	simm.s32 $0x5400  }
0x14b: {  	[hbm4b:s5+s3] =	stream.indirect_vreg.scatter [tilespmem:s13], [sflag:$0x3], $0x80, v3, vm1, $0xb8;
	[tilespmem:$0x19000] =	vst v63  }
0x14c: {  	v3 =	vld [tilespmem:$0x130];
	_ =	sdelay $0x4  }
0x14d: {  	v51 =	vshrl.u32 v3, $0x3  }
0x14e: {  	v4 =	vmul.u32 $0x18, v51  }
0x14f: {  	v3 =	vand.u32 $0x7, v3  }
0x150: {  	v3 =	vor.u32 v3, v4  }
0x151: {  	v4 =	vperm.xlane v3, v0;
	_ =	sdelay $0x1  }
0x152: {  	v4 =	vadd.s32 v1, v4;
	_ =	sdelay $0x1  }
0x153: {  	v3 =	vperm.xlane v3, v2;
	_ =	sdelay $0x1  }
0x154: {  	s7 =	simm.s32 $0x5800;
	v3 =	vadd.s32 v1, v3  }
0x155: {  	[hbm4b:s2+s3] =	stream.indirect_vreg.scatter [tilespmem:s7], [sflag:$0x3], $0x80, v4, vm0, $0xb8;
	[tilespmem:$0x19000] =	vst v63  }
0x156: {  	_ = 	snop  }
0x157: {  	[hbm4b:s5+s3] =	stream.indirect_vreg.scatter [tilespmem:s0], [sflag:$0x3], $0x80, v4, vm1, $0xb8;
	[tilespmem:$0x19000] =	vst v63  }
0x158: {  	_ = 	snop  }
0x159: {  	[hbm4b:s2+s3] =	stream.indirect_vreg.scatter [tilespmem:s6], [sflag:$0x3], $0x80, v3, vm0, $0xb8;
	[tilespmem:$0x19000] =	vst v63  }
0x15a: {  	s15 =	simm.s32 $0x6C00  }
0x15b: {  	[hbm4b:s5+s3] =	stream.indirect_vreg.scatter [tilespmem:s15], [sflag:$0x3], $0x80, v3, vm1, $0xb8;
	[tilespmem:$0x19000] =	vst v63  }
0x15c: {  	v3 =	vld [tilespmem:$0x140];
	_ =	sdelay $0x4  }
0x15d: {  	v52 =	vshrl.u32 v3, $0x3  }
0x15e: {  	v4 =	vmul.u32 $0x18, v52  }
0x15f: {  	v3 =	vand.u32 $0x7, v3  }
0x160: {  	v3 =	vor.u32 v3, v4  }
0x161: {  	v4 =	vperm.xlane v3, v0;
	_ =	sdelay $0x1  }
0x162: {  	v4 =	vadd.s32 v1, v4;
	_ =	sdelay $0x1  }
0x163: {  	v3 =	vperm.xlane v3, v2;
	_ =	sdelay $0x1  }
0x164: {  	s31 =	simm.s32 $0x7000;
	v3 =	vadd.s32 v1, v3  }
0x165: {  	[hbm4b:s2+s3] =	stream.indirect_vreg.scatter [tilespmem:s31], [sflag:$0x3], $0x80, v4, vm0, $0xb8;
	[tilespmem:$0x19000] =	vst v63  }
0x166: {  	s23 =	simm.s32 $0x7800  }
0x167: {  	[hbm4b:s5+s3] =	stream.indirect_vreg.scatter [tilespmem:s23], [sflag:$0x3], $0x80, v4, vm1, $0xb8;
	[tilespmem:$0x19000] =	vst v63  }
0x168: {  	s15 =	simm.s32 $0x7C00  }
0x169: {  	[hbm4b:s2+s3] =	stream.indirect_vreg.scatter [tilespmem:s15], [sflag:$0x3], $0x80, v3, vm0, $0xb8;
	[tilespmem:$0x19000] =	vst v63  }
0x16a: {  	s19 =	simm.s32 $0x8400  }
0x16b: {  	[hbm4b:s5+s3] =	stream.indirect_vreg.scatter [tilespmem:s19], [sflag:$0x3], $0x80, v3, vm1, $0xb8;
	[tilespmem:$0x19000] =	vst v63  }
0x16c: {  	v3 =	vld [tilespmem:$0x150];
	_ =	sdelay $0x4  }
0x16d: {  	v53 =	vshrl.u32 v3, $0x3  }
0x16e: {  	v4 =	vmul.u32 $0x18, v53  }
0x16f: {  	v3 =	vand.u32 $0x7, v3  }
0x170: {  	v3 =	vor.u32 v3, v4  }
0x171: {  	v4 =	vperm.xlane v3, v0;
	_ =	sdelay $0x1  }
0x172: {  	v4 =	vadd.s32 v1, v4;
	_ =	sdelay $0x1  }
0x173: {  	v3 =	vperm.xlane v3, v2;
	_ =	sdelay $0x1  }
0x174: {  	v3 =	vadd.s32 v1, v3  }
0x175: {  	[hbm4b:s2+s3] =	stream.indirect_vreg.scatter [tilespmem:s8], [sflag:$0x3], $0x80, v4, vm0, $0xb8;
	[tilespmem:$0x19000] =	vst v63  }
0x176: {  	s31 =	simm.s32 $0x9000  }
0x177: {  	[hbm4b:s5+s3] =	stream.indirect_vreg.scatter [tilespmem:s31], [sflag:$0x3], $0x80, v4, vm1, $0xb8;
	[tilespmem:$0x19000] =	vst v63  }
0x178: {  	_ = 	snop  }
0x179: {  	[hbm4b:s2+s3] =	stream.indirect_vreg.scatter [tilespmem:s1], [sflag:$0x3], $0x80, v3, vm0, $0xb8;
	[tilespmem:$0x19000] =	vst v63  }
0x17a: {  	s21 =	simm.s32 $0x9C00  }
0x17b: {  	[hbm4b:s5+s3] =	stream.indirect_vreg.scatter [tilespmem:s21], [sflag:$0x3], $0x80, v3, vm1, $0xb8;
	[tilespmem:$0x19000] =	vst v63  }
0x17c: {  	v3 =	vld [tilespmem:$0x160];
	_ =	sdelay $0x4  }
0x17d: {  	v54 =	vshrl.u32 v3, $0x3  }
0x17e: {  	v4 =	vmul.u32 $0x18, v54  }
0x17f: {  	v3 =	vand.u32 $0x7, v3  }
0x180: {  	v3 =	vor.u32 v3, v4  }
0x181: {  	v4 =	vperm.xlane v3, v0;
	_ =	sdelay $0x1  }
0x182: {  	v4 =	vadd.s32 v1, v4;
	_ =	sdelay $0x1  }
0x183: {  	v3 =	vperm.xlane v3, v2;
	_ =	sdelay $0x1  }
0x184: {  	s4 =	simm.s32 $0xA000;
	v3 =	vadd.s32 v1, v3  }
0x185: {  	[hbm4b:s2+s3] =	stream.indirect_vreg.scatter [tilespmem:s4], [sflag:$0x3], $0x80, v4, vm0, $0xb8;
	[tilespmem:$0x19000] =	vst v63  }
0x186: {  	s21 =	simm.s32 $0xA800  }
0x187: {  	[hbm4b:s5+s3] =	stream.indirect_vreg.scatter [tilespmem:s21], [sflag:$0x3], $0x80, v4, vm1, $0xb8;
	[tilespmem:$0x19000] =	vst v63  }
0x188: {  	_ = 	snop  }
0x189: {  	[hbm4b:s2+s3] =	stream.indirect_vreg.scatter [tilespmem:s9], [sflag:$0x3], $0x80, v3, vm0, $0xb8;
	[tilespmem:$0x19000] =	vst v63  }
0x18a: {  	s22 =	simm.s32 $0xB400  }
0x18b: {  	[hbm4b:s5+s3] =	stream.indirect_vreg.scatter [tilespmem:s22], [sflag:$0x3], $0x80, v3, vm1, $0xb8;
	[tilespmem:$0x19000] =	vst v63  }
0x18c: {  	v3 =	vld [tilespmem:$0x170];
	_ =	sdelay $0x4  }
0x18d: {  	v55 =	vshrl.u32 v3, $0x3  }
0x18e: {  	v4 =	vmul.u32 $0x18, v55  }
0x18f: {  	v3 =	vand.u32 $0x7, v3  }
0x190: {  	v3 =	vor.u32 v3, v4  }
0x191: {  	v4 =	vperm.xlane v3, v0;
	_ =	sdelay $0x1  }
0x192: {  	v4 =	vadd.s32 v1, v4;
	_ =	sdelay $0x1  }
0x193: {  	v3 =	vperm.xlane v3, v2;
	_ =	sdelay $0x1  }
0x194: {  	s16 =	simm.s32 $0xB800;
	v3 =	vadd.s32 v1, v3  }
0x195: {  	[hbm4b:s2+s3] =	stream.indirect_vreg.scatter [tilespmem:s16], [sflag:$0x3], $0x80, v4, vm0, $0xb8;
	[tilespmem:$0x19000] =	vst v63  }
0x196: {  	s22 =	simm.s32 $0xC000  }
0x197: {  	[hbm4b:s5+s3] =	stream.indirect_vreg.scatter [tilespmem:s22], [sflag:$0x3], $0x80, v4, vm1, $0xb8;
	[tilespmem:$0x19000] =	vst v63  }
0x198: {  	s30 =	simm.s32 $0xC400  }
0x199: {  	[hbm4b:s2+s3] =	stream.indirect_vreg.scatter [tilespmem:s30], [sflag:$0x3], $0x80, v3, vm0, $0xb8;
	[tilespmem:$0x19000] =	vst v63  }
0x19a: {  	s10 =	simm.s32 $0xCC00  }
0x19b: {  	[hbm4b:s5+s3] =	stream.indirect_vreg.scatter [tilespmem:s10], [sflag:$0x3], $0x80, v3, vm1, $0xb8;
	[tilespmem:$0x19000] =	vst v63  }
0x19c: {  	v3 =	vld [tilespmem:$0x180];
	_ =	sdelay $0x4  }
0x19d: {  	v56 =	vshrl.u32 v3, $0x3  }
0x19e: {  	v4 =	vmul.u32 $0x18, v56  }
0x19f: {  	v3 =	vand.u32 $0x7, v3  }
0x1a0: {  	v3 =	vor.u32 v3, v4  }
0x1a1: {  	v4 =	vperm.xlane v3, v0;
	_ =	sdelay $0x1  }
0x1a2: {  	v4 =	vadd.s32 v1, v4;
	_ =	sdelay $0x1  }
0x1a3: {  	v3 =	vperm.xlane v3, v2;
	_ =	sdelay $0x1  }
0x1a4: {  	s24 =	simm.s32 $0x1000;
	v3 =	vadd.s32 v1, v3  }
0x1a5: {  	[hbm4b:s2+s3] =	stream.indirect_vreg.scatter [tilespmem:s24], [sflag:$0x3], $0x80, v4, vm0, $0xb8;
	[tilespmem:$0x19000] =	vst v63  }
0x1a6: {  	s25 =	simm.s32 $0x1800  }
0x1a7: {  	[hbm4b:s5+s3] =	stream.indirect_vreg.scatter [tilespmem:s25], [sflag:$0x3], $0x80, v4, vm1, $0xb8;
	[tilespmem:$0x19000] =	vst v63  }
0x1a8: {  	s26 =	simm.s32 $0x1C00  }
0x1a9: {  	[hbm4b:s2+s3] =	stream.indirect_vreg.scatter [tilespmem:s26], [sflag:$0x3], $0x80, v3, vm0, $0xb8;
	[tilespmem:$0x19000] =	vst v63  }
0x1aa: {  	s11 =	simm.s32 $0x2400  }
0x1ab: {  	[hbm4b:s5+s3] =	stream.indirect_vreg.scatter [tilespmem:s11], [sflag:$0x3], $0x80, v3, vm1, $0xb8;
	[tilespmem:$0x19000] =	vst v63  }
0x1ac: {  	v3 =	vld [tilespmem:$0x190];
	_ =	sdelay $0x4  }
0x1ad: {  	v57 =	vshrl.u32 v3, $0x3  }
0x1ae: {  	v4 =	vmul.u32 $0x18, v57  }
0x1af: {  	v3 =	vand.u32 $0x7, v3  }
0x1b0: {  	v3 =	vor.u32 v3, v4  }
0x1b1: {  	v4 =	vperm.xlane v3, v0;
	_ =	sdelay $0x1  }
0x1b2: {  	v4 =	vadd.s32 v1, v4;
	_ =	sdelay $0x1  }
0x1b3: {  	v3 =	vperm.xlane v3, v2;
	_ =	sdelay $0x1  }
0x1b4: {  	s20 =	simm.s32 $0x2800;
	v3 =	vadd.s32 v1, v3  }
0x1b5: {  	[hbm4b:s2+s3] =	stream.indirect_vreg.scatter [tilespmem:s20], [sflag:$0x3], $0x80, v4, vm0, $0xb8;
	[tilespmem:$0x19000] =	vst v63  }
0x1b6: {  	s14 =	simm.s32 $0x3000  }
0x1b7: {  	[hbm4b:s5+s3] =	stream.indirect_vreg.scatter [tilespmem:s14], [sflag:$0x3], $0x80, v4, vm1, $0xb8;
	[tilespmem:$0x19000] =	vst v63  }
0x1b8: {  	s29 =	simm.s32 $0x3400  }
0x1b9: {  	[hbm4b:s2+s3] =	stream.indirect_vreg.scatter [tilespmem:s29], [sflag:$0x3], $0x80, v3, vm0, $0xb8;
	[tilespmem:$0x19000] =	vst v63  }
0x1ba: {  	s12 =	simm.s32 $0x3C00  }
0x1bb: {  	[hbm4b:s5+s3] =	stream.indirect_vreg.scatter [tilespmem:s12], [sflag:$0x3], $0x80, v3, vm1, $0xb8;
	[tilespmem:$0x19000] =	vst v63  }
0x1bc: {  	v3 =	vld [tilespmem:$0x1A0];
	_ =	sdelay $0x4  }
0x1bd: {  	v58 =	vshrl.u32 v3, $0x3  }
0x1be: {  	v4 =	vmul.u32 $0x18, v58  }
0x1bf: {  	v3 =	vand.u32 $0x7, v3  }
0x1c0: {  	v3 =	vor.u32 v3, v4  }
0x1c1: {  	v4 =	vperm.xlane v3, v0;
	_ =	sdelay $0x1  }
0x1c2: {  	v4 =	vadd.s32 v1, v4;
	_ =	sdelay $0x1  }
0x1c3: {  	v3 =	vperm.xlane v3, v2;
	_ =	sdelay $0x1  }
0x1c4: {  	s20 =	simm.s32 $0x4000;
	v3 =	vadd.s32 v1, v3  }
0x1c5: {  	[hbm4b:s2+s3] =	stream.indirect_vreg.scatter [tilespmem:s20], [sflag:$0x3], $0x80, v4, vm0, $0xb8;
	[tilespmem:$0x19000] =	vst v63  }
0x1c6: {  	s18 =	simm.s32 $0x4800  }
0x1c7: {  	[hbm4b:s5+s3] =	stream.indirect_vreg.scatter [tilespmem:s18], [sflag:$0x3], $0x80, v4, vm1, $0xb8;
	[tilespmem:$0x19000] =	vst v63  }
0x1c8: {  	s24 =	simm.s32 $0x4C00  }
0x1c9: {  	[hbm4b:s2+s3] =	stream.indirect_vreg.scatter [tilespmem:s24], [sflag:$0x3], $0x80, v3, vm0, $0xb8;
	[tilespmem:$0x19000] =	vst v63  }
0x1ca: {  	s13 =	simm.s32 $0x5400  }
0x1cb: {  	[hbm4b:s5+s3] =	stream.indirect_vreg.scatter [tilespmem:s13], [sflag:$0x3], $0x80, v3, vm1, $0xb8;
	[tilespmem:$0x19000] =	vst v63  }
0x1cc: {  	v3 =	vld [tilespmem:$0x1B0];
	_ =	sdelay $0x4  }
0x1cd: {  	v59 =	vshrl.u32 v3, $0x3  }
0x1ce: {  	v4 =	vmul.u32 $0x18, v59  }
0x1cf: {  	v3 =	vand.u32 $0x7, v3  }
0x1d0: {  	v3 =	vor.u32 v3, v4  }
0x1d1: {  	v4 =	vperm.xlane v3, v0;
	_ =	sdelay $0x1  }
0x1d2: {  	v4 =	vadd.s32 v1, v4;
	_ =	sdelay $0x1  }
0x1d3: {  	v3 =	vperm.xlane v3, v2;
	_ =	sdelay $0x1  }
0x1d4: {  	s25 =	simm.s32 $0x5800;
	v3 =	vadd.s32 v1, v3  }
0x1d5: {  	[hbm4b:s2+s3] =	stream.indirect_vreg.scatter [tilespmem:s25], [sflag:$0x3], $0x80, v4, vm0, $0xb8;
	[tilespmem:$0x19000] =	vst v63  }
0x1d6: {  	s0 =	simm.s32 $0x6000  }
0x1d7: {  	[hbm4b:s5+s3] =	stream.indirect_vreg.scatter [tilespmem:s0], [sflag:$0x3], $0x80, v4, vm1, $0xb8;
	[tilespmem:$0x19000] =	vst v63  }
0x1d8: {  	s17 =	simm.s32 $0x6400  }
0x1d9: {  	[hbm4b:s2+s3] =	stream.indirect_vreg.scatter [tilespmem:s17], [sflag:$0x3], $0x80, v3, vm0, $0xb8;
	[tilespmem:$0x19000] =	vst v63  }
0x1da: {  	s6 =	simm.s32 $0x6C00  }
0x1db: {  	[hbm4b:s5+s3] =	stream.indirect_vreg.scatter [tilespmem:s6], [sflag:$0x3], $0x80, v3, vm1, $0xb8;
	[tilespmem:$0x19000] =	vst v63  }
0x1dc: {  	v3 =	vld [tilespmem:$0x1C0];
	_ =	sdelay $0x4  }
0x1dd: {  	v60 =	vshrl.u32 v3, $0x3  }
0x1de: {  	v4 =	vmul.u32 $0x18, v60  }
0x1df: {  	v3 =	vand.u32 $0x7, v3  }
0x1e0: {  	v3 =	vor.u32 v3, v4  }
0x1e1: {  	v4 =	vperm.xlane v3, v0;
	_ =	sdelay $0x1  }
0x1e2: {  	v4 =	vadd.s32 v1, v4;
	_ =	sdelay $0x1  }
0x1e3: {  	v3 =	vperm.xlane v3, v2;
	_ =	sdelay $0x1  }
0x1e4: {  	s28 =	simm.s32 $0x7000;
	v3 =	vadd.s32 v1, v3  }
0x1e5: {  	[hbm4b:s2+s3] =	stream.indirect_vreg.scatter [tilespmem:s28], [sflag:$0x3], $0x80, v4, vm0, $0xb8;
	[tilespmem:$0x19000] =	vst v63  }
0x1e6: {  	s23 =	simm.s32 $0x7800  }
0x1e7: {  	[hbm4b:s5+s3] =	stream.indirect_vreg.scatter [tilespmem:s23], [sflag:$0x3], $0x80, v4, vm1, $0xb8;
	[tilespmem:$0x19000] =	vst v63  }
0x1e8: {  	s26 =	simm.s32 $0x7C00  }
0x1e9: {  	[hbm4b:s2+s3] =	stream.indirect_vreg.scatter [tilespmem:s26], [sflag:$0x3], $0x80, v3, vm0, $0xb8;
	[tilespmem:$0x19000] =	vst v63  }
0x1ea: {  	s7 =	simm.s32 $0x8400  }
0x1eb: {  	[hbm4b:s5+s3] =	stream.indirect_vreg.scatter [tilespmem:s7], [sflag:$0x3], $0x80, v3, vm1, $0xb8;
	[tilespmem:$0x19000] =	vst v63  }
0x1ec: {  	v3 =	vld [tilespmem:$0x1D0];
	_ =	sdelay $0x4  }
0x1ed: {  	v61 =	vshrl.u32 v3, $0x3  }
0x1ee: {  	v4 =	vmul.u32 $0x18, v61  }
0x1ef: {  	v3 =	vand.u32 $0x7, v3  }
0x1f0: {  	v3 =	vor.u32 v3, v4  }
0x1f1: {  	v4 =	vperm.xlane v3, v0;
	_ =	sdelay $0x1  }
0x1f2: {  	v4 =	vadd.s32 v1, v4;
	_ =	sdelay $0x1  }
0x1f3: {  	v3 =	vperm.xlane v3, v2;
	_ =	sdelay $0x1  }
0x1f4: {  	s15 =	simm.s32 $0x8800;
	v3 =	vadd.s32 v1, v3  }
0x1f5: {  	[hbm4b:s2+s3] =	stream.indirect_vreg.scatter [tilespmem:s15], [sflag:$0x3], $0x80, v4, vm0, $0xb8;
	[tilespmem:$0x19000] =	vst v63  }
0x1f6: {  	s28 =	simm.s32 $0x9000  }
0x1f7: {  	[hbm4b:s5+s3] =	stream.indirect_vreg.scatter [tilespmem:s28], [sflag:$0x3], $0x80, v4, vm1, $0xb8;
	[tilespmem:$0x19000] =	vst v63  }
0x1f8: {  	s19 =	simm.s32 $0x9400  }
0x1f9: {  	[hbm4b:s2+s3] =	stream.indirect_vreg.scatter [tilespmem:s19], [sflag:$0x3], $0x80, v3, vm0, $0xb8;
	[tilespmem:$0x19000] =	vst v63  }
0x1fa: {  	s8 =	simm.s32 $0x9C00  }
0x1fb: {  	[hbm4b:s5+s3] =	stream.indirect_vreg.scatter [tilespmem:s8], [sflag:$0x3], $0x80, v3, vm1, $0xb8;
	[tilespmem:$0x19000] =	vst v63  }
0x1fc: {  	v3 =	vld [tilespmem:$0x1E0];
	_ =	sdelay $0x4  }
0x1fd: {  	v62 =	vshrl.u32 v3, $0x3  }
0x1fe: {  	v4 =	vmul.u32 $0x18, v62  }
0x1ff: {  	v3 =	vand.u32 $0x7, v3  }
0x200: {  	v3 =	vor.u32 v3, v4  }
0x201: {  	v4 =	vperm.xlane v3, v0;
	_ =	sdelay $0x1  }
0x202: {  	v4 =	vadd.s32 v1, v4;
	_ =	sdelay $0x1  }
0x203: {  	v3 =	vperm.xlane v3, v2;
	_ =	sdelay $0x1  }
0x204: {  	s29 =	simm.s32 $0xA000;
	v3 =	vadd.s32 v1, v3  }
0x205: {  	[hbm4b:s2+s3] =	stream.indirect_vreg.scatter [tilespmem:s29], [sflag:$0x3], $0x80, v4, vm0, $0xb8;
	[tilespmem:$0x19000] =	vst v63  }
0x206: {  	s21 =	simm.s32 $0xA800  }
0x207: {  	[hbm4b:s5+s3] =	stream.indirect_vreg.scatter [tilespmem:s21], [sflag:$0x3], $0x80, v4, vm1, $0xb8;
	[tilespmem:$0x19000] =	vst v63  }
0x208: {  	s1 =	simm.s32 $0xAC00  }
0x209: {  	[hbm4b:s2+s3] =	stream.indirect_vreg.scatter [tilespmem:s1], [sflag:$0x3], $0x80, v3, vm0, $0xb8;
	[tilespmem:$0x19000] =	vst v63  }
0x20a: {  	s9 =	simm.s32 $0xB400  }
0x20b: {  	[hbm4b:s5+s3] =	stream.indirect_vreg.scatter [tilespmem:s9], [sflag:$0x3], $0x80, v3, vm1, $0xb8;
	[tilespmem:$0x19000] =	vst v63  }
0x20c: {  	v3 =	vld [tilespmem:$0x1F0];
	_ =	sdelay $0x4  }
0x20d: {  	v63 =	vshrl.u32 v3, $0x3  }
0x20e: {  	v4 =	vmul.u32 $0x18, v63  }
0x20f: {  	v3 =	vand.u32 $0x7, v3  }
0x210: {  	v3 =	vor.u32 v3, v4  }
0x211: {  	v4 =	vperm.xlane v3, v0;
	_ =	sdelay $0x1  }
0x212: {  	v4 =	vadd.s32 v1, v4;
	_ =	sdelay $0x1  }
0x213: {  	v3 =	vperm.xlane v3, v2;
	_ =	sdelay $0x1  }
0x214: {  	s16 =	simm.s32 $0xB800;
	v3 =	vadd.s32 v1, v3  }
0x215: {  	[hbm4b:s2+s3] =	stream.indirect_vreg.scatter [tilespmem:s16], [sflag:$0x3], $0x80, v4, vm0, $0xb8;
	[tilespmem:$0x19000] =	vst v63  }
0x216: {  	s31 =	simm.s32 $0xC000  }
0x217: {  	[hbm4b:s5+s3] =	stream.indirect_vreg.scatter [tilespmem:s31], [sflag:$0x3], $0x80, v4, vm1, $0xb8;
	[tilespmem:$0x19000] =	vst v63  }
0x218: {  	s4 =	simm.s32 $0xC400  }
0x219: {  	[hbm4b:s2+s3] =	stream.indirect_vreg.scatter [tilespmem:s4], [sflag:$0x3], $0x80, v3, vm0, $0xb8;
	[tilespmem:$0x19000] =	vst v63  }
0x21a: {  	s30 =	simm.s32 $0xCC00  }
0x21b: {  	[hbm4b:s5+s3] =	stream.indirect_vreg.scatter [tilespmem:s30], [sflag:$0x3], $0x80, v3, vm1, $0xb8;
	[tilespmem:$0x19000] =	vst v63  }
0x21c: {  	s30 =	simm.s32 $0x3  }
0x21d: {  	_ =	swait.ge [sflag:s30], $0xC000  }
0x21e: {  	[sflag:s30] =	ssyncset.done $0x0  }
0x21f: {  	[sflag:s30] =	ssyncadd.s32 $0xFFFF4000  }
0x220: {  	_ =	swait.ge [sflag:s30], $0xC000  }
0x221: {  	[sflag:s30] =	ssyncset.done $0x0  }
0x222: {  	[sflag:s30] =	ssyncadd.s32 $0xFFFF4000  }
0x223: {  	_ =	swait.ge [sflag:s30], $0xC000  }
0x224: {  	[sflag:s30] =	ssyncset.done $0x0  }
0x225: {  	[sflag:s30] =	ssyncadd.s32 $0xFFFF4000  }
0x226: {  	_ =	swait.ge [sflag:s30], $0xC000  }
0x227: {  	s22 =	simm.s32 $0x1000;
	[sflag:s30] =	ssyncset.done $0x0  }
0x228: {  	s1 =	simm.s32 $0x2;
	s31 =	rddreg [dreg:$0x6];
	[sflag:s30] =	ssyncadd.s32 $0xFFFF4000  }
0x229: {  	[tilespmem:s22], [sflag:$0x1] =	stream.linear.gather [hbm4b:s31+s3], $0xC000, $0x38;
	[tilespmem:$0x19000] =	vst v63  }
0x22a: {  	_ =	swait.ge [sflag:s1], $0xC000  }
0x22b: {  	[sflag:s1] =	ssyncset.done $0x0  }
0x22c: {  	[sflag:s1] =	ssyncadd.s32 $0xFFFF4000  }
0x22d: {  	v3 =	vld [tilespmem:$0x200];
	_ =	sdelay $0x4  }
0x22e: {  	v8 =	vshrl.u32 v3, $0x3  }
0x22f: {  	v4 =	vmul.u32 $0x18, v8  }
0x230: {  	v3 =	vand.u32 $0x7, v3  }
0x231: {  	v3 =	vor.u32 v3, v4  }
0x232: {  	v4 =	vperm.xlane v3, v0;
	_ =	sdelay $0x1  }
0x233: {  	v4 =	vadd.s32 v1, v4;
	_ =	sdelay $0x1  }
0x234: {  	v3 =	vperm.xlane v3, v2;
	_ =	sdelay $0x1  }
0x235: {  	s4 =	simm.s32 $0xD000;
	v3 =	vadd.s32 v1, v3  }
0x236: {  	[hbm4b:s2+s3] =	stream.indirect_vreg.scatter [tilespmem:s4], [sflag:$0x4], $0x80, v4, vm0, $0xb8;
	[tilespmem:$0x19000] =	vst v63  }
0x237: {  	s7 =	simm.s32 $0xD800  }
0x238: {  	[hbm4b:s5+s3] =	stream.indirect_vreg.scatter [tilespmem:s7], [sflag:$0x4], $0x80, v4, vm1, $0xb8;
	[tilespmem:$0x19000] =	vst v63  }
0x239: {  	s23 =	simm.s32 $0xDC00  }
0x23a: {  	[hbm4b:s2+s3] =	stream.indirect_vreg.scatter [tilespmem:s23], [sflag:$0x4], $0x80, v3, vm0, $0xb8;
	[tilespmem:$0x19000] =	vst v63  }
0x23b: {  	s24 =	simm.s32 $0xE400  }
0x23c: {  	[hbm4b:s5+s3] =	stream.indirect_vreg.scatter [tilespmem:s24], [sflag:$0x4], $0x80, v3, vm1, $0xb8;
	[tilespmem:$0x19000] =	vst v63  }
0x23d: {  	v3 =	vld [tilespmem:$0x210];
	_ =	sdelay $0x4  }
0x23e: {  	v9 =	vshrl.u32 v3, $0x3  }
0x23f: {  	v4 =	vmul.u32 $0x18, v9  }
0x240: {  	v3 =	vand.u32 $0x7, v3  }
0x241: {  	v3 =	vor.u32 v3, v4  }
0x242: {  	v4 =	vperm.xlane v3, v0;
	_ =	sdelay $0x1  }
0x243: {  	v4 =	vadd.s32 v1, v4;
	_ =	sdelay $0x1  }
0x244: {  	v3 =	vperm.xlane v3, v2;
	_ =	sdelay $0x1  }
0x245: {  	s25 =	simm.s32 $0xE800;
	v3 =	vadd.s32 v1, v3  }
0x246: {  	[hbm4b:s2+s3] =	stream.indirect_vreg.scatter [tilespmem:s25], [sflag:$0x4], $0x80, v4, vm0, $0xb8;
	[tilespmem:$0x19000] =	vst v63  }
0x247: {  	s26 =	simm.s32 $0xF000  }
0x248: {  	[hbm4b:s5+s3] =	stream.indirect_vreg.scatter [tilespmem:s26], [sflag:$0x4], $0x80, v4, vm1, $0xb8;
	[tilespmem:$0x19000] =	vst v63  }
0x249: {  	s29 =	simm.s32 $0xF400  }
0x24a: {  	[hbm4b:s2+s3] =	stream.indirect_vreg.scatter [tilespmem:s29], [sflag:$0x4], $0x80, v3, vm0, $0xb8;
	[tilespmem:$0x19000] =	vst v63  }
0x24b: {  	s30 =	simm.s32 $0xFC00  }
0x24c: {  	[hbm4b:s5+s3] =	stream.indirect_vreg.scatter [tilespmem:s30], [sflag:$0x4], $0x80, v3, vm1, $0xb8;
	[tilespmem:$0x19000] =	vst v63  }
0x24d: {  	v3 =	vld [tilespmem:$0x220];
	_ =	sdelay $0x4  }
0x24e: {  	v10 =	vshrl.u32 v3, $0x3  }
0x24f: {  	v4 =	vmul.u32 $0x18, v10  }
0x250: {  	v3 =	vand.u32 $0x7, v3  }
0x251: {  	v3 =	vor.u32 v3, v4  }
0x252: {  	v4 =	vperm.xlane v3, v0;
	_ =	sdelay $0x1  }
0x253: {  	v4 =	vadd.s32 v1, v4;
	_ =	sdelay $0x1  }
0x254: {  	v3 =	vperm.xlane v3, v2;
	_ =	sdelay $0x1  }
0x255: {  	s7 =	simm.s32 $0x10000;
	v3 =	vadd.s32 v1, v3  }
0x256: {  	[hbm4b:s2+s3] =	stream.indirect_vreg.scatter [tilespmem:s7], [sflag:$0x4], $0x80, v4, vm0, $0xb8;
	[tilespmem:$0x19000] =	vst v63  }
0x257: {  	s9 =	simm.s32 $0x10800  }
0x258: {  	[hbm4b:s5+s3] =	stream.indirect_vreg.scatter [tilespmem:s9], [sflag:$0x4], $0x80, v4, vm1, $0xb8;
	[tilespmem:$0x19000] =	vst v63  }
0x259: {  	s10 =	simm.s32 $0x10C00  }
0x25a: {  	[hbm4b:s2+s3] =	stream.indirect_vreg.scatter [tilespmem:s10], [sflag:$0x4], $0x80, v3, vm0, $0xb8;
	[tilespmem:$0x19000] =	vst v63  }
0x25b: {  	s12 =	simm.s32 $0x11400  }
0x25c: {  	[hbm4b:s5+s3] =	stream.indirect_vreg.scatter [tilespmem:s12], [sflag:$0x4], $0x80, v3, vm1, $0xb8;
	[tilespmem:$0x19000] =	vst v63  }
0x25d: {  	v3 =	vld [tilespmem:$0x230];
	_ =	sdelay $0x4  }
0x25e: {  	v11 =	vshrl.u32 v3, $0x3  }
0x25f: {  	v4 =	vmul.u32 $0x18, v11  }
0x260: {  	v3 =	vand.u32 $0x7, v3  }
0x261: {  	v3 =	vor.u32 v3, v4  }
0x262: {  	v4 =	vperm.xlane v3, v0;
	_ =	sdelay $0x1  }
0x263: {  	v4 =	vadd.s32 v1, v4;
	_ =	sdelay $0x1  }
0x264: {  	v3 =	vperm.xlane v3, v2;
	_ =	sdelay $0x1  }
0x265: {  	s15 =	simm.s32 $0x11800;
	v3 =	vadd.s32 v1, v3  }
0x266: {  	[hbm4b:s2+s3] =	stream.indirect_vreg.scatter [tilespmem:s15], [sflag:$0x4], $0x80, v4, vm0, $0xb8;
	[tilespmem:$0x19000] =	vst v63  }
0x267: {  	s16 =	simm.s32 $0x12000  }
0x268: {  	[hbm4b:s5+s3] =	stream.indirect_vreg.scatter [tilespmem:s16], [sflag:$0x4], $0x80, v4, vm1, $0xb8;
	[tilespmem:$0x19000] =	vst v63  }
0x269: {  	s17 =	simm.s32 $0x12400  }
0x26a: {  	[hbm4b:s2+s3] =	stream.indirect_vreg.scatter [tilespmem:s17], [sflag:$0x4], $0x80, v3, vm0, $0xb8;
	[tilespmem:$0x19000] =	vst v63  }
0x26b: {  	s18 =	simm.s32 $0x12C00  }
0x26c: {  	[hbm4b:s5+s3] =	stream.indirect_vreg.scatter [tilespmem:s18], [sflag:$0x4], $0x80, v3, vm1, $0xb8;
	[tilespmem:$0x19000] =	vst v63  }
0x26d: {  	v3 =	vld [tilespmem:$0x240];
	_ =	sdelay $0x4  }
0x26e: {  	v12 =	vshrl.u32 v3, $0x3  }
0x26f: {  	v4 =	vmul.u32 $0x18, v12  }
0x270: {  	v3 =	vand.u32 $0x7, v3  }
0x271: {  	v3 =	vor.u32 v3, v4  }
0x272: {  	v4 =	vperm.xlane v3, v0;
	_ =	sdelay $0x1  }
0x273: {  	v4 =	vadd.s32 v1, v4;
	_ =	sdelay $0x1  }
0x274: {  	v3 =	vperm.xlane v3, v2;
	_ =	sdelay $0x1  }
0x275: {  	s24 =	simm.s32 $0x13000;
	v3 =	vadd.s32 v1, v3  }
0x276: {  	[hbm4b:s2+s3] =	stream.indirect_vreg.scatter [tilespmem:s24], [sflag:$0x4], $0x80, v4, vm0, $0xb8;
	[tilespmem:$0x19000] =	vst v63  }
0x277: {  	s25 =	simm.s32 $0x13800  }
0x278: {  	[hbm4b:s5+s3] =	stream.indirect_vreg.scatter [tilespmem:s25], [sflag:$0x4], $0x80, v4, vm1, $0xb8;
	[tilespmem:$0x19000] =	vst v63  }
0x279: {  	s26 =	simm.s32 $0x13C00  }
0x27a: {  	[hbm4b:s2+s3] =	stream.indirect_vreg.scatter [tilespmem:s26], [sflag:$0x4], $0x80, v3, vm0, $0xb8;
	[tilespmem:$0x19000] =	vst v63  }
0x27b: {  	s29 =	simm.s32 $0x14400  }
0x27c: {  	[hbm4b:s5+s3] =	stream.indirect_vreg.scatter [tilespmem:s29], [sflag:$0x4], $0x80, v3, vm1, $0xb8;
	[tilespmem:$0x19000] =	vst v63  }
0x27d: {  	v3 =	vld [tilespmem:$0x250];
	_ =	sdelay $0x4  }
0x27e: {  	v13 =	vshrl.u32 v3, $0x3  }
0x27f: {  	v4 =	vmul.u32 $0x18, v13  }
0x280: {  	v3 =	vand.u32 $0x7, v3  }
0x281: {  	v3 =	vor.u32 v3, v4  }
0x282: {  	v4 =	vperm.xlane v3, v0;
	_ =	sdelay $0x1  }
0x283: {  	v4 =	vadd.s32 v1, v4;
	_ =	sdelay $0x1  }
0x284: {  	v3 =	vperm.xlane v3, v2;
	_ =	sdelay $0x1  }
0x285: {  	s6 =	simm.s32 $0x14800;
	v3 =	vadd.s32 v1, v3  }
0x286: {  	[hbm4b:s2+s3] =	stream.indirect_vreg.scatter [tilespmem:s6], [sflag:$0x4], $0x80, v4, vm0, $0xb8;
	[tilespmem:$0x19000] =	vst v63  }
0x287: {  	s7 =	simm.s32 $0x15000  }
0x288: {  	[hbm4b:s5+s3] =	stream.indirect_vreg.scatter [tilespmem:s7], [sflag:$0x4], $0x80, v4, vm1, $0xb8;
	[tilespmem:$0x19000] =	vst v63  }
0x289: {  	s9 =	simm.s32 $0x15400  }
0x28a: {  	[hbm4b:s2+s3] =	stream.indirect_vreg.scatter [tilespmem:s9], [sflag:$0x4], $0x80, v3, vm0, $0xb8;
	[tilespmem:$0x19000] =	vst v63  }
0x28b: {  	s12 =	simm.s32 $0x15C00  }
0x28c: {  	[hbm4b:s5+s3] =	stream.indirect_vreg.scatter [tilespmem:s12], [sflag:$0x4], $0x80, v3, vm1, $0xb8;
	[tilespmem:$0x19000] =	vst v63  }
0x28d: {  	v3 =	vld [tilespmem:$0x260];
	_ =	sdelay $0x4  }
0x28e: {  	v14 =	vshrl.u32 v3, $0x3  }
0x28f: {  	v4 =	vmul.u32 $0x18, v14  }
0x290: {  	v3 =	vand.u32 $0x7, v3  }
0x291: {  	v3 =	vor.u32 v3, v4  }
0x292: {  	v4 =	vperm.xlane v3, v0;
	_ =	sdelay $0x1  }
0x293: {  	v4 =	vadd.s32 v1, v4;
	_ =	sdelay $0x1  }
0x294: {  	v3 =	vperm.xlane v3, v2;
	_ =	sdelay $0x1  }
0x295: {  	s14 =	simm.s32 $0x16000;
	v3 =	vadd.s32 v1, v3  }
0x296: {  	[hbm4b:s2+s3] =	stream.indirect_vreg.scatter [tilespmem:s14], [sflag:$0x4], $0x80, v4, vm0, $0xb8;
	[tilespmem:$0x19000] =	vst v63  }
0x297: {  	s15 =	simm.s32 $0x16800  }
0x298: {  	[hbm4b:s5+s3] =	stream.indirect_vreg.scatter [tilespmem:s15], [sflag:$0x4], $0x80, v4, vm1, $0xb8;
	[tilespmem:$0x19000] =	vst v63  }
0x299: {  	s20 =	simm.s32 $0x16C00  }
0x29a: {  	[hbm4b:s2+s3] =	stream.indirect_vreg.scatter [tilespmem:s20], [sflag:$0x4], $0x80, v3, vm0, $0xb8;
	[tilespmem:$0x19000] =	vst v63  }
0x29b: {  	s22 =	simm.s32 $0x17400  }
0x29c: {  	[hbm4b:s5+s3] =	stream.indirect_vreg.scatter [tilespmem:s22], [sflag:$0x4], $0x80, v3, vm1, $0xb8;
	[tilespmem:$0x19000] =	vst v63  }
0x29d: {  	v3 =	vld [tilespmem:$0x270];
	_ =	sdelay $0x4  }
0x29e: {  	v15 =	vshrl.u32 v3, $0x3  }
0x29f: {  	v4 =	vmul.u32 $0x18, v15  }
0x2a0: {  	v3 =	vand.u32 $0x7, v3  }
0x2a1: {  	v3 =	vor.u32 v3, v4  }
0x2a2: {  	v4 =	vperm.xlane v3, v0;
	_ =	sdelay $0x1  }
0x2a3: {  	v4 =	vadd.s32 v1, v4;
	_ =	sdelay $0x1  }
0x2a4: {  	v3 =	vperm.xlane v3, v2;
	_ =	sdelay $0x1  }
0x2a5: {  	s23 =	simm.s32 $0x17800;
	v3 =	vadd.s32 v1, v3  }
0x2a6: {  	[hbm4b:s2+s3] =	stream.indirect_vreg.scatter [tilespmem:s23], [sflag:$0x4], $0x80, v4, vm0, $0xb8;
	[tilespmem:$0x19000] =	vst v63  }
0x2a7: {  	s24 =	simm.s32 $0x18000  }
0x2a8: {  	[hbm4b:s5+s3] =	stream.indirect_vreg.scatter [tilespmem:s24], [sflag:$0x4], $0x80, v4, vm1, $0xb8;
	[tilespmem:$0x19000] =	vst v63  }
0x2a9: {  	s25 =	simm.s32 $0x18400  }
0x2aa: {  	[hbm4b:s2+s3] =	stream.indirect_vreg.scatter [tilespmem:s25], [sflag:$0x4], $0x80, v3, vm0, $0xb8;
	[tilespmem:$0x19000] =	vst v63  }
0x2ab: {  	s26 =	simm.s32 $0x18C00  }
0x2ac: {  	[hbm4b:s5+s3] =	stream.indirect_vreg.scatter [tilespmem:s26], [sflag:$0x4], $0x80, v3, vm1, $0xb8;
	[tilespmem:$0x19000] =	vst v63  }
0x2ad: {  	v3 =	vld [tilespmem:$0x280];
	_ =	sdelay $0x4  }
0x2ae: {  	v16 =	vshrl.u32 v3, $0x3  }
0x2af: {  	v4 =	vmul.u32 $0x18, v16  }
0x2b0: {  	v3 =	vand.u32 $0x7, v3  }
0x2b1: {  	v3 =	vor.u32 v3, v4  }
0x2b2: {  	v4 =	vperm.xlane v3, v0;
	_ =	sdelay $0x1  }
0x2b3: {  	v4 =	vadd.s32 v1, v4;
	_ =	sdelay $0x1  }
0x2b4: {  	v3 =	vperm.xlane v3, v2;
	_ =	sdelay $0x1  }
0x2b5: {  	v3 =	vadd.s32 v1, v3  }
0x2b6: {  	[hbm4b:s2+s3] =	stream.indirect_vreg.scatter [tilespmem:s4], [sflag:$0x4], $0x80, v4, vm0, $0xb8;
	[tilespmem:$0x19000] =	vst v63  }
0x2b7: {  	s8 =	simm.s32 $0xD800  }
0x2b8: {  	[hbm4b:s5+s3] =	stream.indirect_vreg.scatter [tilespmem:s8], [sflag:$0x4], $0x80, v4, vm1, $0xb8;
	[tilespmem:$0x19000] =	vst v63  }
0x2b9: {  	s1 =	simm.s32 $0xDC00  }
0x2ba: {  	[hbm4b:s2+s3] =	stream.indirect_vreg.scatter [tilespmem:s1], [sflag:$0x4], $0x80, v3, vm0, $0xb8;
	[tilespmem:$0x19000] =	vst v63  }
0x2bb: {  	s0 =	simm.s32 $0xE400  }
0x2bc: {  	[hbm4b:s5+s3] =	stream.indirect_vreg.scatter [tilespmem:s0], [sflag:$0x4], $0x80, v3, vm1, $0xb8;
	[tilespmem:$0x19000] =	vst v63  }
0x2bd: {  	v3 =	vld [tilespmem:$0x290];
	_ =	sdelay $0x4  }
0x2be: {  	v17 =	vshrl.u32 v3, $0x3  }
0x2bf: {  	v4 =	vmul.u32 $0x18, v17  }
0x2c0: {  	v3 =	vand.u32 $0x7, v3  }
0x2c1: {  	v3 =	vor.u32 v3, v4  }
0x2c2: {  	v4 =	vperm.xlane v3, v0;
	_ =	sdelay $0x1  }
0x2c3: {  	v4 =	vadd.s32 v1, v4;
	_ =	sdelay $0x1  }
0x2c4: {  	v3 =	vperm.xlane v3, v2;
	_ =	sdelay $0x1  }
0x2c5: {  	s4 =	simm.s32 $0xE800;
	v3 =	vadd.s32 v1, v3  }
0x2c6: {  	[hbm4b:s2+s3] =	stream.indirect_vreg.scatter [tilespmem:s4], [sflag:$0x4], $0x80, v4, vm0, $0xb8;
	[tilespmem:$0x19000] =	vst v63  }
0x2c7: {  	s6 =	simm.s32 $0xF000  }
0x2c8: {  	[hbm4b:s5+s3] =	stream.indirect_vreg.scatter [tilespmem:s6], [sflag:$0x4], $0x80, v4, vm1, $0xb8;
	[tilespmem:$0x19000] =	vst v63  }
0x2c9: {  	s7 =	simm.s32 $0xF400  }
0x2ca: {  	[hbm4b:s2+s3] =	stream.indirect_vreg.scatter [tilespmem:s7], [sflag:$0x4], $0x80, v3, vm0, $0xb8;
	[tilespmem:$0x19000] =	vst v63  }
0x2cb: {  	s31 =	simm.s32 $0xFC00  }
0x2cc: {  	[hbm4b:s5+s3] =	stream.indirect_vreg.scatter [tilespmem:s31], [sflag:$0x4], $0x80, v3, vm1, $0xb8;
	[tilespmem:$0x19000] =	vst v63  }
0x2cd: {  	v3 =	vld [tilespmem:$0x2A0];
	_ =	sdelay $0x4  }
0x2ce: {  	v18 =	vshrl.u32 v3, $0x3  }
0x2cf: {  	v4 =	vmul.u32 $0x18, v18  }
0x2d0: {  	v3 =	vand.u32 $0x7, v3  }
0x2d1: {  	v3 =	vor.u32 v3, v4  }
0x2d2: {  	v4 =	vperm.xlane v3, v0;
	_ =	sdelay $0x1  }
0x2d3: {  	v4 =	vadd.s32 v1, v4;
	_ =	sdelay $0x1  }
0x2d4: {  	v3 =	vperm.xlane v3, v2;
	_ =	sdelay $0x1  }
0x2d5: {  	s8 =	simm.s32 $0x10000;
	v3 =	vadd.s32 v1, v3  }
0x2d6: {  	[hbm4b:s2+s3] =	stream.indirect_vreg.scatter [tilespmem:s8], [sflag:$0x4], $0x80, v4, vm0, $0xb8;
	[tilespmem:$0x19000] =	vst v63  }
0x2d7: {  	s9 =	simm.s32 $0x10800  }
0x2d8: {  	[hbm4b:s5+s3] =	stream.indirect_vreg.scatter [tilespmem:s9], [sflag:$0x4], $0x80, v4, vm1, $0xb8;
	[tilespmem:$0x19000] =	vst v63  }
0x2d9: {  	s11 =	simm.s32 $0x10C00  }
0x2da: {  	[hbm4b:s2+s3] =	stream.indirect_vreg.scatter [tilespmem:s11], [sflag:$0x4], $0x80, v3, vm0, $0xb8;
	[tilespmem:$0x19000] =	vst v63  }
0x2db: {  	s13 =	simm.s32 $0x11400  }
0x2dc: {  	[hbm4b:s5+s3] =	stream.indirect_vreg.scatter [tilespmem:s13], [sflag:$0x4], $0x80, v3, vm1, $0xb8;
	[tilespmem:$0x19000] =	vst v63  }
0x2dd: {  	v3 =	vld [tilespmem:$0x2B0];
	_ =	sdelay $0x4  }
0x2de: {  	v19 =	vshrl.u32 v3, $0x3  }
0x2df: {  	v4 =	vmul.u32 $0x18, v19  }
0x2e0: {  	v3 =	vand.u32 $0x7, v3  }
0x2e1: {  	v3 =	vor.u32 v3, v4  }
0x2e2: {  	v4 =	vperm.xlane v3, v0;
	_ =	sdelay $0x1  }
0x2e3: {  	v4 =	vadd.s32 v1, v4;
	_ =	sdelay $0x1  }
0x2e4: {  	v3 =	vperm.xlane v3, v2;
	_ =	sdelay $0x1  }
0x2e5: {  	s10 =	simm.s32 $0x11800;
	v3 =	vadd.s32 v1, v3  }
0x2e6: {  	[hbm4b:s2+s3] =	stream.indirect_vreg.scatter [tilespmem:s10], [sflag:$0x4], $0x80, v4, vm0, $0xb8;
	[tilespmem:$0x19000] =	vst v63  }
0x2e7: {  	s11 =	simm.s32 $0x12000  }
0x2e8: {  	[hbm4b:s5+s3] =	stream.indirect_vreg.scatter [tilespmem:s11], [sflag:$0x4], $0x80, v4, vm1, $0xb8;
	[tilespmem:$0x19000] =	vst v63  }
0x2e9: {  	s12 =	simm.s32 $0x12400  }
0x2ea: {  	[hbm4b:s2+s3] =	stream.indirect_vreg.scatter [tilespmem:s12], [sflag:$0x4], $0x80, v3, vm0, $0xb8;
	[tilespmem:$0x19000] =	vst v63  }
0x2eb: {  	s19 =	simm.s32 $0x12C00  }
0x2ec: {  	[hbm4b:s5+s3] =	stream.indirect_vreg.scatter [tilespmem:s19], [sflag:$0x4], $0x80, v3, vm1, $0xb8;
	[tilespmem:$0x19000] =	vst v63  }
0x2ed: {  	v3 =	vld [tilespmem:$0x2C0];
	_ =	sdelay $0x4  }
0x2ee: {  	v20 =	vshrl.u32 v3, $0x3  }
0x2ef: {  	v4 =	vmul.u32 $0x18, v20  }
0x2f0: {  	v3 =	vand.u32 $0x7, v3  }
0x2f1: {  	v3 =	vor.u32 v3, v4  }
0x2f2: {  	v4 =	vperm.xlane v3, v0;
	_ =	sdelay $0x1  }
0x2f3: {  	v4 =	vadd.s32 v1, v4;
	_ =	sdelay $0x1  }
0x2f4: {  	v3 =	vperm.xlane v3, v2;
	_ =	sdelay $0x1  }
0x2f5: {  	s13 =	simm.s32 $0x13000;
	v3 =	vadd.s32 v1, v3  }
0x2f6: {  	[hbm4b:s2+s3] =	stream.indirect_vreg.scatter [tilespmem:s13], [sflag:$0x4], $0x80, v4, vm0, $0xb8;
	[tilespmem:$0x19000] =	vst v63  }
0x2f7: {  	s14 =	simm.s32 $0x13800  }
0x2f8: {  	[hbm4b:s5+s3] =	stream.indirect_vreg.scatter [tilespmem:s14], [sflag:$0x4], $0x80, v4, vm1, $0xb8;
	[tilespmem:$0x19000] =	vst v63  }
0x2f9: {  	s15 =	simm.s32 $0x13C00  }
0x2fa: {  	[hbm4b:s2+s3] =	stream.indirect_vreg.scatter [tilespmem:s15], [sflag:$0x4], $0x80, v3, vm0, $0xb8;
	[tilespmem:$0x19000] =	vst v63  }
0x2fb: {  	s30 =	simm.s32 $0x14400  }
0x2fc: {  	[hbm4b:s5+s3] =	stream.indirect_vreg.scatter [tilespmem:s30], [sflag:$0x4], $0x80, v3, vm1, $0xb8;
	[tilespmem:$0x19000] =	vst v63  }
0x2fd: {  	v3 =	vld [tilespmem:$0x2D0];
	_ =	sdelay $0x4  }
0x2fe: {  	v21 =	vshrl.u32 v3, $0x3  }
0x2ff: {  	v4 =	vmul.u32 $0x18, v21  }
0x300: {  	v3 =	vand.u32 $0x7, v3  }
0x301: {  	v3 =	vor.u32 v3, v4  }
0x302: {  	v4 =	vperm.xlane v3, v0;
	_ =	sdelay $0x1  }
0x303: {  	v4 =	vadd.s32 v1, v4;
	_ =	sdelay $0x1  }
0x304: {  	v3 =	vperm.xlane v3, v2;
	_ =	sdelay $0x1  }
0x305: {  	s16 =	simm.s32 $0x14800;
	v3 =	vadd.s32 v1, v3  }
0x306: {  	[hbm4b:s2+s3] =	stream.indirect_vreg.scatter [tilespmem:s16], [sflag:$0x4], $0x80, v4, vm0, $0xb8;
	[tilespmem:$0x19000] =	vst v63  }
0x307: {  	s17 =	simm.s32 $0x15000  }
0x308: {  	[hbm4b:s5+s3] =	stream.indirect_vreg.scatter [tilespmem:s17], [sflag:$0x4], $0x80, v4, vm1, $0xb8;
	[tilespmem:$0x19000] =	vst v63  }
0x309: {  	s18 =	simm.s32 $0x15400  }
0x30a: {  	[hbm4b:s2+s3] =	stream.indirect_vreg.scatter [tilespmem:s18], [sflag:$0x4], $0x80, v3, vm0, $0xb8;
	[tilespmem:$0x19000] =	vst v63  }
0x30b: {  	s21 =	simm.s32 $0x15C00  }
0x30c: {  	[hbm4b:s5+s3] =	stream.indirect_vreg.scatter [tilespmem:s21], [sflag:$0x4], $0x80, v3, vm1, $0xb8;
	[tilespmem:$0x19000] =	vst v63  }
0x30d: {  	v3 =	vld [tilespmem:$0x2E0];
	_ =	sdelay $0x4  }
0x30e: {  	v22 =	vshrl.u32 v3, $0x3  }
0x30f: {  	v4 =	vmul.u32 $0x18, v22  }
0x310: {  	v3 =	vand.u32 $0x7, v3  }
0x311: {  	v3 =	vor.u32 v3, v4  }
0x312: {  	v4 =	vperm.xlane v3, v0;
	_ =	sdelay $0x1  }
0x313: {  	v4 =	vadd.s32 v1, v4;
	_ =	sdelay $0x1  }
0x314: {  	v3 =	vperm.xlane v3, v2;
	_ =	sdelay $0x1  }
0x315: {  	s16 =	simm.s32 $0x16000;
	v3 =	vadd.s32 v1, v3  }
0x316: {  	[hbm4b:s2+s3] =	stream.indirect_vreg.scatter [tilespmem:s16], [sflag:$0x4], $0x80, v4, vm0, $0xb8;
	[tilespmem:$0x19000] =	vst v63  }
0x317: {  	s17 =	simm.s32 $0x16800  }
0x318: {  	[hbm4b:s5+s3] =	stream.indirect_vreg.scatter [tilespmem:s17], [sflag:$0x4], $0x80, v4, vm1, $0xb8;
	[tilespmem:$0x19000] =	vst v63  }
0x319: {  	s18 =	simm.s32 $0x16C00  }
0x31a: {  	[hbm4b:s2+s3] =	stream.indirect_vreg.scatter [tilespmem:s18], [sflag:$0x4], $0x80, v3, vm0, $0xb8;
	[tilespmem:$0x19000] =	vst v63  }
0x31b: {  	s20 =	simm.s32 $0x17400  }
0x31c: {  	[hbm4b:s5+s3] =	stream.indirect_vreg.scatter [tilespmem:s20], [sflag:$0x4], $0x80, v3, vm1, $0xb8;
	[tilespmem:$0x19000] =	vst v63  }
0x31d: {  	v3 =	vld [tilespmem:$0x2F0];
	_ =	sdelay $0x4  }
0x31e: {  	v23 =	vshrl.u32 v3, $0x3  }
0x31f: {  	v4 =	vmul.u32 $0x18, v23  }
0x320: {  	v3 =	vand.u32 $0x7, v3  }
0x321: {  	v3 =	vor.u32 v3, v4  }
0x322: {  	v4 =	vperm.xlane v3, v0;
	_ =	sdelay $0x1  }
0x323: {  	v4 =	vadd.s32 v1, v4;
	_ =	sdelay $0x1  }
0x324: {  	v3 =	vperm.xlane v3, v2;
	_ =	sdelay $0x1  }
0x325: {  	s19 =	simm.s32 $0x17800;
	v3 =	vadd.s32 v1, v3  }
0x326: {  	[hbm4b:s2+s3] =	stream.indirect_vreg.scatter [tilespmem:s19], [sflag:$0x4], $0x80, v4, vm0, $0xb8;
	[tilespmem:$0x19000] =	vst v63  }
0x327: {  	s20 =	simm.s32 $0x18000  }
0x328: {  	[hbm4b:s5+s3] =	stream.indirect_vreg.scatter [tilespmem:s20], [sflag:$0x4], $0x80, v4, vm1, $0xb8;
	[tilespmem:$0x19000] =	vst v63  }
0x329: {  	s21 =	simm.s32 $0x18400  }
0x32a: {  	[hbm4b:s2+s3] =	stream.indirect_vreg.scatter [tilespmem:s21], [sflag:$0x4], $0x80, v3, vm0, $0xb8;
	[tilespmem:$0x19000] =	vst v63  }
0x32b: {  	s22 =	simm.s32 $0x18C00  }
0x32c: {  	[hbm4b:s5+s3] =	stream.indirect_vreg.scatter [tilespmem:s22], [sflag:$0x4], $0x80, v3, vm1, $0xb8;
	[tilespmem:$0x19000] =	vst v63  }
0x32d: {  	v3 =	vld [tilespmem:$0x300];
	_ =	sdelay $0x4  }
0x32e: {  	v24 =	vshrl.u32 v3, $0x3  }
0x32f: {  	v4 =	vmul.u32 $0x18, v24  }
0x330: {  	v3 =	vand.u32 $0x7, v3  }
0x331: {  	v3 =	vor.u32 v3, v4  }
0x332: {  	v4 =	vperm.xlane v3, v0;
	_ =	sdelay $0x1  }
0x333: {  	v4 =	vadd.s32 v1, v4;
	_ =	sdelay $0x1  }
0x334: {  	v3 =	vperm.xlane v3, v2;
	_ =	sdelay $0x1  }
0x335: {  	s29 =	simm.s32 $0xD000;
	v3 =	vadd.s32 v1, v3  }
0x336: {  	[hbm4b:s2+s3] =	stream.indirect_vreg.scatter [tilespmem:s29], [sflag:$0x4], $0x80, v4, vm0, $0xb8;
	[tilespmem:$0x19000] =	vst v63  }
0x337: {  	s29 =	simm.s32 $0xD800  }
0x338: {  	[hbm4b:s5+s3] =	stream.indirect_vreg.scatter [tilespmem:s29], [sflag:$0x4], $0x80, v4, vm1, $0xb8;
	[tilespmem:$0x19000] =	vst v63  }
0x339: {  	_ = 	snop  }
0x33a: {  	[hbm4b:s2+s3] =	stream.indirect_vreg.scatter [tilespmem:s1], [sflag:$0x4], $0x80, v3, vm0, $0xb8;
	[tilespmem:$0x19000] =	vst v63  }
0x33b: {  	_ = 	snop  }
0x33c: {  	[hbm4b:s5+s3] =	stream.indirect_vreg.scatter [tilespmem:s0], [sflag:$0x4], $0x80, v3, vm1, $0xb8;
	[tilespmem:$0x19000] =	vst v63  }
0x33d: {  	v3 =	vld [tilespmem:$0x310];
	_ =	sdelay $0x4  }
0x33e: {  	v25 =	vshrl.u32 v3, $0x3  }
0x33f: {  	v4 =	vmul.u32 $0x18, v25  }
0x340: {  	v3 =	vand.u32 $0x7, v3  }
0x341: {  	v3 =	vor.u32 v3, v4  }
0x342: {  	v4 =	vperm.xlane v3, v0;
	_ =	sdelay $0x1  }
0x343: {  	v4 =	vadd.s32 v1, v4;
	_ =	sdelay $0x1  }
0x344: {  	v3 =	vperm.xlane v3, v2;
	_ =	sdelay $0x1  }
0x345: {  	v3 =	vadd.s32 v1, v3  }
0x346: {  	[hbm4b:s2+s3] =	stream.indirect_vreg.scatter [tilespmem:s4], [sflag:$0x4], $0x80, v4, vm0, $0xb8;
	[tilespmem:$0x19000] =	vst v63  }
0x347: {  	_ = 	snop  }
0x348: {  	[hbm4b:s5+s3] =	stream.indirect_vreg.scatter [tilespmem:s6], [sflag:$0x4], $0x80, v4, vm1, $0xb8;
	[tilespmem:$0x19000] =	vst v63  }
0x349: {  	_ = 	snop  }
0x34a: {  	[hbm4b:s2+s3] =	stream.indirect_vreg.scatter [tilespmem:s7], [sflag:$0x4], $0x80, v3, vm0, $0xb8;
	[tilespmem:$0x19000] =	vst v63  }
0x34b: {  	s31 =	simm.s32 $0xFC00  }
0x34c: {  	[hbm4b:s5+s3] =	stream.indirect_vreg.scatter [tilespmem:s31], [sflag:$0x4], $0x80, v3, vm1, $0xb8;
	[tilespmem:$0x19000] =	vst v63  }
0x34d: {  	v3 =	vld [tilespmem:$0x320];
	_ =	sdelay $0x4  }
0x34e: {  	v26 =	vshrl.u32 v3, $0x3  }
0x34f: {  	v4 =	vmul.u32 $0x18, v26  }
0x350: {  	v3 =	vand.u32 $0x7, v3  }
0x351: {  	v3 =	vor.u32 v3, v4  }
0x352: {  	v4 =	vperm.xlane v3, v0;
	_ =	sdelay $0x1  }
0x353: {  	v4 =	vadd.s32 v1, v4;
	_ =	sdelay $0x1  }
0x354: {  	v3 =	vperm.xlane v3, v2;
	_ =	sdelay $0x1  }
0x355: {  	v3 =	vadd.s32 v1, v3  }
0x356: {  	[hbm4b:s2+s3] =	stream.indirect_vreg.scatter [tilespmem:s8], [sflag:$0x4], $0x80, v4, vm0, $0xb8;
	[tilespmem:$0x19000] =	vst v63  }
0x357: {  	_ = 	snop  }
0x358: {  	[hbm4b:s5+s3] =	stream.indirect_vreg.scatter [tilespmem:s9], [sflag:$0x4], $0x80, v4, vm1, $0xb8;
	[tilespmem:$0x19000] =	vst v63  }
0x359: {  	s23 =	simm.s32 $0x10C00  }
0x35a: {  	[hbm4b:s2+s3] =	stream.indirect_vreg.scatter [tilespmem:s23], [sflag:$0x4], $0x80, v3, vm0, $0xb8;
	[tilespmem:$0x19000] =	vst v63  }
0x35b: {  	s0 =	simm.s32 $0x11400  }
0x35c: {  	[hbm4b:s5+s3] =	stream.indirect_vreg.scatter [tilespmem:s0], [sflag:$0x4], $0x80, v3, vm1, $0xb8;
	[tilespmem:$0x19000] =	vst v63  }
0x35d: {  	v3 =	vld [tilespmem:$0x330];
	_ =	sdelay $0x4  }
0x35e: {  	v27 =	vshrl.u32 v3, $0x3  }
0x35f: {  	v4 =	vmul.u32 $0x18, v27  }
0x360: {  	v3 =	vand.u32 $0x7, v3  }
0x361: {  	v3 =	vor.u32 v3, v4  }
0x362: {  	v4 =	vperm.xlane v3, v0;
	_ =	sdelay $0x1  }
0x363: {  	v4 =	vadd.s32 v1, v4;
	_ =	sdelay $0x1  }
0x364: {  	v3 =	vperm.xlane v3, v2;
	_ =	sdelay $0x1  }
0x365: {  	v3 =	vadd.s32 v1, v3  }
0x366: {  	[hbm4b:s2+s3] =	stream.indirect_vreg.scatter [tilespmem:s10], [sflag:$0x4], $0x80, v4, vm0, $0xb8;
	[tilespmem:$0x19000] =	vst v63  }
0x367: {  	_ = 	snop  }
0x368: {  	[hbm4b:s5+s3] =	stream.indirect_vreg.scatter [tilespmem:s11], [sflag:$0x4], $0x80, v4, vm1, $0xb8;
	[tilespmem:$0x19000] =	vst v63  }
0x369: {  	_ = 	snop  }
0x36a: {  	[hbm4b:s2+s3] =	stream.indirect_vreg.scatter [tilespmem:s12], [sflag:$0x4], $0x80, v3, vm0, $0xb8;
	[tilespmem:$0x19000] =	vst v63  }
0x36b: {  	s28 =	simm.s32 $0x12C00  }
0x36c: {  	[hbm4b:s5+s3] =	stream.indirect_vreg.scatter [tilespmem:s28], [sflag:$0x4], $0x80, v3, vm1, $0xb8;
	[tilespmem:$0x19000] =	vst v63  }
0x36d: {  	v3 =	vld [tilespmem:$0x340];
	_ =	sdelay $0x4  }
0x36e: {  	v28 =	vshrl.u32 v3, $0x3  }
0x36f: {  	v4 =	vmul.u32 $0x18, v28  }
0x370: {  	v3 =	vand.u32 $0x7, v3  }
0x371: {  	v3 =	vor.u32 v3, v4  }
0x372: {  	v4 =	vperm.xlane v3, v0;
	_ =	sdelay $0x1  }
0x373: {  	v4 =	vadd.s32 v1, v4;
	_ =	sdelay $0x1  }
0x374: {  	v3 =	vperm.xlane v3, v2;
	_ =	sdelay $0x1  }
0x375: {  	v3 =	vadd.s32 v1, v3  }
0x376: {  	[hbm4b:s2+s3] =	stream.indirect_vreg.scatter [tilespmem:s13], [sflag:$0x4], $0x80, v4, vm0, $0xb8;
	[tilespmem:$0x19000] =	vst v63  }
0x377: {  	_ = 	snop  }
0x378: {  	[hbm4b:s5+s3] =	stream.indirect_vreg.scatter [tilespmem:s14], [sflag:$0x4], $0x80, v4, vm1, $0xb8;
	[tilespmem:$0x19000] =	vst v63  }
0x379: {  	_ = 	snop  }
0x37a: {  	[hbm4b:s2+s3] =	stream.indirect_vreg.scatter [tilespmem:s15], [sflag:$0x4], $0x80, v3, vm0, $0xb8;
	[tilespmem:$0x19000] =	vst v63  }
0x37b: {  	s30 =	simm.s32 $0x14400  }
0x37c: {  	[hbm4b:s5+s3] =	stream.indirect_vreg.scatter [tilespmem:s30], [sflag:$0x4], $0x80, v3, vm1, $0xb8;
	[tilespmem:$0x19000] =	vst v63  }
0x37d: {  	v3 =	vld [tilespmem:$0x350];
	_ =	sdelay $0x4  }
0x37e: {  	v29 =	vshrl.u32 v3, $0x3  }
0x37f: {  	v4 =	vmul.u32 $0x18, v29  }
0x380: {  	v3 =	vand.u32 $0x7, v3  }
0x381: {  	v3 =	vor.u32 v3, v4  }
0x382: {  	v4 =	vperm.xlane v3, v0;
	_ =	sdelay $0x1  }
0x383: {  	v4 =	vadd.s32 v1, v4;
	_ =	sdelay $0x1  }
0x384: {  	v3 =	vperm.xlane v3, v2;
	_ =	sdelay $0x1  }
0x385: {  	s24 =	simm.s32 $0x14800;
	v3 =	vadd.s32 v1, v3  }
0x386: {  	[hbm4b:s2+s3] =	stream.indirect_vreg.scatter [tilespmem:s24], [sflag:$0x4], $0x80, v4, vm0, $0xb8;
	[tilespmem:$0x19000] =	vst v63  }
0x387: {  	s25 =	simm.s32 $0x15000  }
0x388: {  	[hbm4b:s5+s3] =	stream.indirect_vreg.scatter [tilespmem:s25], [sflag:$0x4], $0x80, v4, vm1, $0xb8;
	[tilespmem:$0x19000] =	vst v63  }
0x389: {  	s26 =	simm.s32 $0x15400  }
0x38a: {  	[hbm4b:s2+s3] =	stream.indirect_vreg.scatter [tilespmem:s26], [sflag:$0x4], $0x80, v3, vm0, $0xb8;
	[tilespmem:$0x19000] =	vst v63  }
0x38b: {  	s0 =	simm.s32 $0x15C00  }
0x38c: {  	[hbm4b:s5+s3] =	stream.indirect_vreg.scatter [tilespmem:s0], [sflag:$0x4], $0x80, v3, vm1, $0xb8;
	[tilespmem:$0x19000] =	vst v63  }
0x38d: {  	v3 =	vld [tilespmem:$0x360];
	_ =	sdelay $0x4  }
0x38e: {  	v30 =	vshrl.u32 v3, $0x3  }
0x38f: {  	v4 =	vmul.u32 $0x18, v30  }
0x390: {  	v3 =	vand.u32 $0x7, v3  }
0x391: {  	v3 =	vor.u32 v3, v4  }
0x392: {  	v4 =	vperm.xlane v3, v0;
	_ =	sdelay $0x1  }
0x393: {  	v4 =	vadd.s32 v1, v4;
	_ =	sdelay $0x1  }
0x394: {  	v3 =	vperm.xlane v3, v2;
	_ =	sdelay $0x1  }
0x395: {  	v3 =	vadd.s32 v1, v3  }
0x396: {  	[hbm4b:s2+s3] =	stream.indirect_vreg.scatter [tilespmem:s16], [sflag:$0x4], $0x80, v4, vm0, $0xb8;
	[tilespmem:$0x19000] =	vst v63  }
0x397: {  	_ = 	snop  }
0x398: {  	[hbm4b:s5+s3] =	stream.indirect_vreg.scatter [tilespmem:s17], [sflag:$0x4], $0x80, v4, vm1, $0xb8;
	[tilespmem:$0x19000] =	vst v63  }
0x399: {  	_ = 	snop  }
0x39a: {  	[hbm4b:s2+s3] =	stream.indirect_vreg.scatter [tilespmem:s18], [sflag:$0x4], $0x80, v3, vm0, $0xb8;
	[tilespmem:$0x19000] =	vst v63  }
0x39b: {  	s0 =	simm.s32 $0x17400  }
0x39c: {  	[hbm4b:s5+s3] =	stream.indirect_vreg.scatter [tilespmem:s0], [sflag:$0x4], $0x80, v3, vm1, $0xb8;
	[tilespmem:$0x19000] =	vst v63  }
0x39d: {  	v3 =	vld [tilespmem:$0x370];
	_ =	sdelay $0x4  }
0x39e: {  	v31 =	vshrl.u32 v3, $0x3  }
0x39f: {  	v4 =	vmul.u32 $0x18, v31  }
0x3a0: {  	v3 =	vand.u32 $0x7, v3  }
0x3a1: {  	v3 =	vor.u32 v3, v4  }
0x3a2: {  	v4 =	vperm.xlane v3, v0;
	_ =	sdelay $0x1  }
0x3a3: {  	v4 =	vadd.s32 v1, v4;
	_ =	sdelay $0x1  }
0x3a4: {  	v3 =	vperm.xlane v3, v2;
	_ =	sdelay $0x1  }
0x3a5: {  	v3 =	vadd.s32 v1, v3  }
0x3a6: {  	[hbm4b:s2+s3] =	stream.indirect_vreg.scatter [tilespmem:s19], [sflag:$0x4], $0x80, v4, vm0, $0xb8;
	[tilespmem:$0x19000] =	vst v63  }
0x3a7: {  	_ = 	snop  }
0x3a8: {  	[hbm4b:s5+s3] =	stream.indirect_vreg.scatter [tilespmem:s20], [sflag:$0x4], $0x80, v4, vm1, $0xb8;
	[tilespmem:$0x19000] =	vst v63  }
0x3a9: {  	_ = 	snop  }
0x3aa: {  	[hbm4b:s2+s3] =	stream.indirect_vreg.scatter [tilespmem:s21], [sflag:$0x4], $0x80, v3, vm0, $0xb8;
	[tilespmem:$0x19000] =	vst v63  }
0x3ab: {  	s0 =	simm.s32 $0x18C00  }
0x3ac: {  	[hbm4b:s5+s3] =	stream.indirect_vreg.scatter [tilespmem:s0], [sflag:$0x4], $0x80, v3, vm1, $0xb8;
	[tilespmem:$0x19000] =	vst v63  }
0x3ad: {  	v3 =	vld [tilespmem:$0x380];
	_ =	sdelay $0x4  }
0x3ae: {  	v32 =	vshrl.u32 v3, $0x3  }
0x3af: {  	v4 =	vmul.u32 $0x18, v32  }
0x3b0: {  	v3 =	vand.u32 $0x7, v3  }
0x3b1: {  	v3 =	vor.u32 v3, v4  }
0x3b2: {  	v4 =	vperm.xlane v3, v0;
	_ =	sdelay $0x1  }
0x3b3: {  	v4 =	vadd.s32 v1, v4;
	_ =	sdelay $0x1  }
0x3b4: {  	v3 =	vperm.xlane v3, v2;
	_ =	sdelay $0x1  }
0x3b5: {  	s0 =	simm.s32 $0xD000;
	v3 =	vadd.s32 v1, v3  }
0x3b6: {  	[hbm4b:s2+s3] =	stream.indirect_vreg.scatter [tilespmem:s0], [sflag:$0x4], $0x80, v4, vm0, $0xb8;
	[tilespmem:$0x19000] =	vst v63  }
0x3b7: {  	s22 =	simm.s32 $0xD800  }
0x3b8: {  	[hbm4b:s5+s3] =	stream.indirect_vreg.scatter [tilespmem:s22], [sflag:$0x4], $0x80, v4, vm1, $0xb8;
	[tilespmem:$0x19000] =	vst v63  }
0x3b9: {  	s1 =	simm.s32 $0xDC00  }
0x3ba: {  	[hbm4b:s2+s3] =	stream.indirect_vreg.scatter [tilespmem:s1], [sflag:$0x4], $0x80, v3, vm0, $0xb8;
	[tilespmem:$0x19000] =	vst v63  }
0x3bb: {  	s1 =	simm.s32 $0xE400  }
0x3bc: {  	[hbm4b:s5+s3] =	stream.indirect_vreg.scatter [tilespmem:s1], [sflag:$0x4], $0x80, v3, vm1, $0xb8;
	[tilespmem:$0x19000] =	vst v63  }
0x3bd: {  	v3 =	vld [tilespmem:$0x390];
	_ =	sdelay $0x4  }
0x3be: {  	v33 =	vshrl.u32 v3, $0x3  }
0x3bf: {  	v4 =	vmul.u32 $0x18, v33  }
0x3c0: {  	v3 =	vand.u32 $0x7, v3  }
0x3c1: {  	v3 =	vor.u32 v3, v4  }
0x3c2: {  	v4 =	vperm.xlane v3, v0;
	_ =	sdelay $0x1  }
0x3c3: {  	v4 =	vadd.s32 v1, v4;
	_ =	sdelay $0x1  }
0x3c4: {  	v3 =	vperm.xlane v3, v2;
	_ =	sdelay $0x1  }
0x3c5: {  	s4 =	simm.s32 $0xE800;
	v3 =	vadd.s32 v1, v3  }
0x3c6: {  	[hbm4b:s2+s3] =	stream.indirect_vreg.scatter [tilespmem:s4], [sflag:$0x4], $0x80, v4, vm0, $0xb8;
	[tilespmem:$0x19000] =	vst v63  }
0x3c7: {  	s6 =	simm.s32 $0xF000  }
0x3c8: {  	[hbm4b:s5+s3] =	stream.indirect_vreg.scatter [tilespmem:s6], [sflag:$0x4], $0x80, v4, vm1, $0xb8;
	[tilespmem:$0x19000] =	vst v63  }
0x3c9: {  	s7 =	simm.s32 $0xF400  }
0x3ca: {  	[hbm4b:s2+s3] =	stream.indirect_vreg.scatter [tilespmem:s7], [sflag:$0x4], $0x80, v3, vm0, $0xb8;
	[tilespmem:$0x19000] =	vst v63  }
0x3cb: {  	s31 =	simm.s32 $0xFC00  }
0x3cc: {  	[hbm4b:s5+s3] =	stream.indirect_vreg.scatter [tilespmem:s31], [sflag:$0x4], $0x80, v3, vm1, $0xb8;
	[tilespmem:$0x19000] =	vst v63  }
0x3cd: {  	v3 =	vld [tilespmem:$0x3A0];
	_ =	sdelay $0x4  }
0x3ce: {  	v34 =	vshrl.u32 v3, $0x3  }
0x3cf: {  	v4 =	vmul.u32 $0x18, v34  }
0x3d0: {  	v3 =	vand.u32 $0x7, v3  }
0x3d1: {  	v3 =	vor.u32 v3, v4  }
0x3d2: {  	v4 =	vperm.xlane v3, v0;
	_ =	sdelay $0x1  }
0x3d3: {  	v4 =	vadd.s32 v1, v4;
	_ =	sdelay $0x1  }
0x3d4: {  	v3 =	vperm.xlane v3, v2;
	_ =	sdelay $0x1  }
0x3d5: {  	s8 =	simm.s32 $0x10000;
	v3 =	vadd.s32 v1, v3  }
0x3d6: {  	[hbm4b:s2+s3] =	stream.indirect_vreg.scatter [tilespmem:s8], [sflag:$0x4], $0x80, v4, vm0, $0xb8;
	[tilespmem:$0x19000] =	vst v63  }
0x3d7: {  	s9 =	simm.s32 $0x10800  }
0x3d8: {  	[hbm4b:s5+s3] =	stream.indirect_vreg.scatter [tilespmem:s9], [sflag:$0x4], $0x80, v4, vm1, $0xb8;
	[tilespmem:$0x19000] =	vst v63  }
0x3d9: {  	s23 =	simm.s32 $0x10C00  }
0x3da: {  	[hbm4b:s2+s3] =	stream.indirect_vreg.scatter [tilespmem:s23], [sflag:$0x4], $0x80, v3, vm0, $0xb8;
	[tilespmem:$0x19000] =	vst v63  }
0x3db: {  	s29 =	simm.s32 $0x11400  }
0x3dc: {  	[hbm4b:s5+s3] =	stream.indirect_vreg.scatter [tilespmem:s29], [sflag:$0x4], $0x80, v3, vm1, $0xb8;
	[tilespmem:$0x19000] =	vst v63  }
0x3dd: {  	v3 =	vld [tilespmem:$0x3B0];
	_ =	sdelay $0x4  }
0x3de: {  	v35 =	vshrl.u32 v3, $0x3  }
0x3df: {  	v4 =	vmul.u32 $0x18, v35  }
0x3e0: {  	v3 =	vand.u32 $0x7, v3  }
0x3e1: {  	v3 =	vor.u32 v3, v4  }
0x3e2: {  	v4 =	vperm.xlane v3, v0;
	_ =	sdelay $0x1  }
0x3e3: {  	v4 =	vadd.s32 v1, v4;
	_ =	sdelay $0x1  }
0x3e4: {  	v3 =	vperm.xlane v3, v2;
	_ =	sdelay $0x1  }
0x3e5: {  	s10 =	simm.s32 $0x11800;
	v3 =	vadd.s32 v1, v3  }
0x3e6: {  	[hbm4b:s2+s3] =	stream.indirect_vreg.scatter [tilespmem:s10], [sflag:$0x4], $0x80, v4, vm0, $0xb8;
	[tilespmem:$0x19000] =	vst v63  }
0x3e7: {  	s11 =	simm.s32 $0x12000  }
0x3e8: {  	[hbm4b:s5+s3] =	stream.indirect_vreg.scatter [tilespmem:s11], [sflag:$0x4], $0x80, v4, vm1, $0xb8;
	[tilespmem:$0x19000] =	vst v63  }
0x3e9: {  	s12 =	simm.s32 $0x12400  }
0x3ea: {  	[hbm4b:s2+s3] =	stream.indirect_vreg.scatter [tilespmem:s12], [sflag:$0x4], $0x80, v3, vm0, $0xb8;
	[tilespmem:$0x19000] =	vst v63  }
0x3eb: {  	s28 =	simm.s32 $0x12C00  }
0x3ec: {  	[hbm4b:s5+s3] =	stream.indirect_vreg.scatter [tilespmem:s28], [sflag:$0x4], $0x80, v3, vm1, $0xb8;
	[tilespmem:$0x19000] =	vst v63  }
0x3ed: {  	v3 =	vld [tilespmem:$0x3C0];
	_ =	sdelay $0x4  }
0x3ee: {  	v36 =	vshrl.u32 v3, $0x3  }
0x3ef: {  	v4 =	vmul.u32 $0x18, v36  }
0x3f0: {  	v3 =	vand.u32 $0x7, v3  }
0x3f1: {  	v3 =	vor.u32 v3, v4  }
0x3f2: {  	v4 =	vperm.xlane v3, v0;
	_ =	sdelay $0x1  }
0x3f3: {  	v4 =	vadd.s32 v1, v4;
	_ =	sdelay $0x1  }
0x3f4: {  	v3 =	vperm.xlane v3, v2;
	_ =	sdelay $0x1  }
0x3f5: {  	s13 =	simm.s32 $0x13000;
	v3 =	vadd.s32 v1, v3  }
0x3f6: {  	[hbm4b:s2+s3] =	stream.indirect_vreg.scatter [tilespmem:s13], [sflag:$0x4], $0x80, v4, vm0, $0xb8;
	[tilespmem:$0x19000] =	vst v63  }
0x3f7: {  	s14 =	simm.s32 $0x13800  }
0x3f8: {  	[hbm4b:s5+s3] =	stream.indirect_vreg.scatter [tilespmem:s14], [sflag:$0x4], $0x80, v4, vm1, $0xb8;
	[tilespmem:$0x19000] =	vst v63  }
0x3f9: {  	s15 =	simm.s32 $0x13C00  }
0x3fa: {  	[hbm4b:s2+s3] =	stream.indirect_vreg.scatter [tilespmem:s15], [sflag:$0x4], $0x80, v3, vm0, $0xb8;
	[tilespmem:$0x19000] =	vst v63  }
0x3fb: {  	s30 =	simm.s32 $0x14400  }
0x3fc: {  	[hbm4b:s5+s3] =	stream.indirect_vreg.scatter [tilespmem:s30], [sflag:$0x4], $0x80, v3, vm1, $0xb8;
	[tilespmem:$0x19000] =	vst v63  }
0x3fd: {  	v3 =	vld [tilespmem:$0x3D0];
	_ =	sdelay $0x4  }
0x3fe: {  	v37 =	vshrl.u32 v3, $0x3  }
0x3ff: {  	v4 =	vmul.u32 $0x18, v37  }
0x400: {  	v3 =	vand.u32 $0x7, v3  }
0x401: {  	v3 =	vor.u32 v3, v4  }
0x402: {  	v4 =	vperm.xlane v3, v0;
	_ =	sdelay $0x1  }
0x403: {  	v4 =	vadd.s32 v1, v4;
	_ =	sdelay $0x1  }
0x404: {  	v3 =	vperm.xlane v3, v2;
	_ =	sdelay $0x1  }
0x405: {  	s24 =	simm.s32 $0x14800;
	v3 =	vadd.s32 v1, v3  }
0x406: {  	[hbm4b:s2+s3] =	stream.indirect_vreg.scatter [tilespmem:s24], [sflag:$0x4], $0x80, v4, vm0, $0xb8;
	[tilespmem:$0x19000] =	vst v63  }
0x407: {  	s25 =	simm.s32 $0x15000  }
0x408: {  	[hbm4b:s5+s3] =	stream.indirect_vreg.scatter [tilespmem:s25], [sflag:$0x4], $0x80, v4, vm1, $0xb8;
	[tilespmem:$0x19000] =	vst v63  }
0x409: {  	s26 =	simm.s32 $0x15400  }
0x40a: {  	[hbm4b:s2+s3] =	stream.indirect_vreg.scatter [tilespmem:s26], [sflag:$0x4], $0x80, v3, vm0, $0xb8;
	[tilespmem:$0x19000] =	vst v63  }
0x40b: {  	s22 =	simm.s32 $0x15C00  }
0x40c: {  	[hbm4b:s5+s3] =	stream.indirect_vreg.scatter [tilespmem:s22], [sflag:$0x4], $0x80, v3, vm1, $0xb8;
	[tilespmem:$0x19000] =	vst v63  }
0x40d: {  	v3 =	vld [tilespmem:$0x3E0];
	_ =	sdelay $0x4  }
0x40e: {  	v38 =	vshrl.u32 v3, $0x3  }
0x40f: {  	v4 =	vmul.u32 $0x18, v38  }
0x410: {  	v3 =	vand.u32 $0x7, v3  }
0x411: {  	v3 =	vor.u32 v3, v4  }
0x412: {  	v4 =	vperm.xlane v3, v0;
	_ =	sdelay $0x1  }
0x413: {  	v4 =	vadd.s32 v1, v4;
	_ =	sdelay $0x1  }
0x414: {  	v3 =	vperm.xlane v3, v2;
	_ =	sdelay $0x1  }
0x415: {  	s16 =	simm.s32 $0x16000;
	v3 =	vadd.s32 v1, v3  }
0x416: {  	[hbm4b:s2+s3] =	stream.indirect_vreg.scatter [tilespmem:s16], [sflag:$0x4], $0x80, v4, vm0, $0xb8;
	[tilespmem:$0x19000] =	vst v63  }
0x417: {  	s17 =	simm.s32 $0x16800  }
0x418: {  	[hbm4b:s5+s3] =	stream.indirect_vreg.scatter [tilespmem:s17], [sflag:$0x4], $0x80, v4, vm1, $0xb8;
	[tilespmem:$0x19000] =	vst v63  }
0x419: {  	s18 =	simm.s32 $0x16C00  }
0x41a: {  	[hbm4b:s2+s3] =	stream.indirect_vreg.scatter [tilespmem:s18], [sflag:$0x4], $0x80, v3, vm0, $0xb8;
	[tilespmem:$0x19000] =	vst v63  }
0x41b: {  	s23 =	simm.s32 $0x17400  }
0x41c: {  	[hbm4b:s5+s3] =	stream.indirect_vreg.scatter [tilespmem:s23], [sflag:$0x4], $0x80, v3, vm1, $0xb8;
	[tilespmem:$0x19000] =	vst v63  }
0x41d: {  	v3 =	vld [tilespmem:$0x3F0];
	_ =	sdelay $0x4  }
0x41e: {  	v39 =	vshrl.u32 v3, $0x3  }
0x41f: {  	v4 =	vmul.u32 $0x18, v39  }
0x420: {  	v3 =	vand.u32 $0x7, v3  }
0x421: {  	v3 =	vor.u32 v3, v4  }
0x422: {  	v4 =	vperm.xlane v3, v0;
	_ =	sdelay $0x1  }
0x423: {  	v4 =	vadd.s32 v1, v4;
	_ =	sdelay $0x1  }
0x424: {  	v3 =	vperm.xlane v3, v2;
	_ =	sdelay $0x1  }
0x425: {  	s19 =	simm.s32 $0x17800;
	v3 =	vadd.s32 v1, v3  }
0x426: {  	[hbm4b:s2+s3] =	stream.indirect_vreg.scatter [tilespmem:s19], [sflag:$0x4], $0x80, v4, vm0, $0xb8;
	[tilespmem:$0x19000] =	vst v63  }
0x427: {  	s20 =	simm.s32 $0x18000  }
0x428: {  	[hbm4b:s5+s3] =	stream.indirect_vreg.scatter [tilespmem:s20], [sflag:$0x4], $0x80, v4, vm1, $0xb8;
	[tilespmem:$0x19000] =	vst v63  }
0x429: {  	s21 =	simm.s32 $0x18400  }
0x42a: {  	[hbm4b:s2+s3] =	stream.indirect_vreg.scatter [tilespmem:s21], [sflag:$0x4], $0x80, v3, vm0, $0xb8;
	[tilespmem:$0x19000] =	vst v63  }
0x42b: {  	s24 =	simm.s32 $0x18C00;
	s25 =	simm.s32 $0x4  }
0x42c: {  	[hbm4b:s5+s3] =	stream.indirect_vreg.scatter [tilespmem:s24], [sflag:$0x4], $0x80, v3, vm1, $0xb8;
	[tilespmem:$0x19000] =	vst v63  }
0x42d: {  	_ =	swait.ge [sflag:s25], $0xC000  }
0x42e: {  	[sflag:s25] =	ssyncset.done $0x0  }
0x42f: {  	[sflag:s25] =	ssyncadd.s32 $0xFFFF4000  }
0x430: {  	_ =	swait.ge [sflag:s25], $0xC000  }
0x431: {  	[sflag:s25] =	ssyncset.done $0x0  }
0x432: {  	[sflag:s25] =	ssyncadd.s32 $0xFFFF4000  }
0x433: {  	_ =	swait.ge [sflag:s25], $0xC000  }
0x434: {  	[sflag:s25] =	ssyncset.done $0x0  }
0x435: {  	[sflag:s25] =	ssyncadd.s32 $0xFFFF4000  }
0x436: {  	_ =	swait.ge [sflag:s25], $0xC000  }
0x437: {  	s29 =	simm.s32 $0x1;
	[sflag:s25] =	ssyncset.done $0x0  }
0x438: {  	s28 =	simm.s32 $0xD000;
	s26 =	rddreg [dreg:$0x7];
	[sflag:s25] =	ssyncadd.s32 $0xFFFF4000  }
0x439: {  	[tilespmem:s28], [sflag:$0x2] =	stream.linear.gather [hbm4b:s26+s3], $0xC000, $0x38;
	[tilespmem:$0x19000] =	vst v63  }
0x43a: {  	_ =	swait.ge [sflag:s29], $0xC000  }
0x43b: {  	[sflag:s29] =	ssyncset.done $0x0  }
0x43c: {  	[sflag:s29] =	ssyncadd.s32 $0xFFFF4000  }
0x43d: {  	v3 =	vld [tilespmem:$0x400];
	_ =	sdelay $0x4  }
0x43e: {  	v40 =	vshrl.u32 v3, $0x3  }
0x43f: {  	v4 =	vmul.u32 $0x18, v40  }
0x440: {  	v3 =	vand.u32 $0x7, v3  }
0x441: {  	v3 =	vor.u32 v3, v4  }
0x442: {  	v4 =	vperm.xlane v3, v0;
	_ =	sdelay $0x1  }
0x443: {  	v4 =	vadd.s32 v1, v4;
	_ =	sdelay $0x1  }
0x444: {  	v3 =	vperm.xlane v3, v2;
	_ =	sdelay $0x1  }
0x445: {  	s28 =	simm.s32 $0x1000;
	v3 =	vadd.s32 v1, v3  }
0x446: {  	[hbm4b:s2+s3] =	stream.indirect_vreg.scatter [tilespmem:s28], [sflag:$0x3], $0x80, v4, vm0, $0xb8;
	[tilespmem:$0x19000] =	vst v63  }
0x447: {  	s14 =	simm.s32 $0x1800  }
0x448: {  	[hbm4b:s5+s3] =	stream.indirect_vreg.scatter [tilespmem:s14], [sflag:$0x3], $0x80, v4, vm1, $0xb8;
	[tilespmem:$0x19000] =	vst v63  }
0x449: {  	s15 =	simm.s32 $0x1C00  }
0x44a: {  	[hbm4b:s2+s3] =	stream.indirect_vreg.scatter [tilespmem:s15], [sflag:$0x3], $0x80, v3, vm0, $0xb8;
	[tilespmem:$0x19000] =	vst v63  }
0x44b: {  	s6 =	simm.s32 $0x2400  }
0x44c: {  	[hbm4b:s5+s3] =	stream.indirect_vreg.scatter [tilespmem:s6], [sflag:$0x3], $0x80, v3, vm1, $0xb8;
	[tilespmem:$0x19000] =	vst v63  }
0x44d: {  	v3 =	vld [tilespmem:$0x410];
	_ =	sdelay $0x4  }
0x44e: {  	v41 =	vshrl.u32 v3, $0x3  }
0x44f: {  	v4 =	vmul.u32 $0x18, v41  }
0x450: {  	v3 =	vand.u32 $0x7, v3  }
0x451: {  	v3 =	vor.u32 v3, v4  }
0x452: {  	v4 =	vperm.xlane v3, v0;
	_ =	sdelay $0x1  }
0x453: {  	v4 =	vadd.s32 v1, v4;
	_ =	sdelay $0x1  }
0x454: {  	v3 =	vperm.xlane v3, v2;
	_ =	sdelay $0x1  }
0x455: {  	s17 =	simm.s32 $0x2800;
	v3 =	vadd.s32 v1, v3  }
0x456: {  	[hbm4b:s2+s3] =	stream.indirect_vreg.scatter [tilespmem:s17], [sflag:$0x3], $0x80, v4, vm0, $0xb8;
	[tilespmem:$0x19000] =	vst v63  }
0x457: {  	s18 =	simm.s32 $0x3000  }
0x458: {  	[hbm4b:s5+s3] =	stream.indirect_vreg.scatter [tilespmem:s18], [sflag:$0x3], $0x80, v4, vm1, $0xb8;
	[tilespmem:$0x19000] =	vst v63  }
0x459: {  	s19 =	simm.s32 $0x3400  }
0x45a: {  	[hbm4b:s2+s3] =	stream.indirect_vreg.scatter [tilespmem:s19], [sflag:$0x3], $0x80, v3, vm0, $0xb8;
	[tilespmem:$0x19000] =	vst v63  }
0x45b: {  	s7 =	simm.s32 $0x3C00  }
0x45c: {  	[hbm4b:s5+s3] =	stream.indirect_vreg.scatter [tilespmem:s7], [sflag:$0x3], $0x80, v3, vm1, $0xb8;
	[tilespmem:$0x19000] =	vst v63  }
0x45d: {  	v3 =	vld [tilespmem:$0x420];
	_ =	sdelay $0x4  }
0x45e: {  	v42 =	vshrl.u32 v3, $0x3  }
0x45f: {  	v4 =	vmul.u32 $0x18, v42  }
0x460: {  	v3 =	vand.u32 $0x7, v3  }
0x461: {  	v3 =	vor.u32 v3, v4  }
0x462: {  	v4 =	vperm.xlane v3, v0;
	_ =	sdelay $0x1  }
0x463: {  	v4 =	vadd.s32 v1, v4;
	_ =	sdelay $0x1  }
0x464: {  	v3 =	vperm.xlane v3, v2;
	_ =	sdelay $0x1  }
0x465: {  	s20 =	simm.s32 $0x4000;
	v3 =	vadd.s32 v1, v3  }
0x466: {  	[hbm4b:s2+s3] =	stream.indirect_vreg.scatter [tilespmem:s20], [sflag:$0x3], $0x80, v4, vm0, $0xb8;
	[tilespmem:$0x19000] =	vst v63  }
0x467: {  	s21 =	simm.s32 $0x4800  }
0x468: {  	[hbm4b:s5+s3] =	stream.indirect_vreg.scatter [tilespmem:s21], [sflag:$0x3], $0x80, v4, vm1, $0xb8;
	[tilespmem:$0x19000] =	vst v63  }
0x469: {  	s22 =	simm.s32 $0x4C00  }
0x46a: {  	[hbm4b:s2+s3] =	stream.indirect_vreg.scatter [tilespmem:s22], [sflag:$0x3], $0x80, v3, vm0, $0xb8;
	[tilespmem:$0x19000] =	vst v63  }
0x46b: {  	s8 =	simm.s32 $0x5400  }
0x46c: {  	[hbm4b:s5+s3] =	stream.indirect_vreg.scatter [tilespmem:s8], [sflag:$0x3], $0x80, v3, vm1, $0xb8;
	[tilespmem:$0x19000] =	vst v63  }
0x46d: {  	v3 =	vld [tilespmem:$0x430];
	_ =	sdelay $0x4  }
0x46e: {  	v43 =	vshrl.u32 v3, $0x3  }
0x46f: {  	v4 =	vmul.u32 $0x18, v43  }
0x470: {  	v3 =	vand.u32 $0x7, v3  }
0x471: {  	v3 =	vor.u32 v3, v4  }
0x472: {  	v4 =	vperm.xlane v3, v0;
	_ =	sdelay $0x1  }
0x473: {  	v4 =	vadd.s32 v1, v4;
	_ =	sdelay $0x1  }
0x474: {  	v3 =	vperm.xlane v3, v2;
	_ =	sdelay $0x1  }
0x475: {  	s25 =	simm.s32 $0x5800;
	v3 =	vadd.s32 v1, v3  }
0x476: {  	[hbm4b:s2+s3] =	stream.indirect_vreg.scatter [tilespmem:s25], [sflag:$0x3], $0x80, v4, vm0, $0xb8;
	[tilespmem:$0x19000] =	vst v63  }
0x477: {  	s26 =	simm.s32 $0x6000  }
0x478: {  	[hbm4b:s5+s3] =	stream.indirect_vreg.scatter [tilespmem:s26], [sflag:$0x3], $0x80, v4, vm1, $0xb8;
	[tilespmem:$0x19000] =	vst v63  }
0x479: {  	s16 =	simm.s32 $0x6400  }
0x47a: {  	[hbm4b:s2+s3] =	stream.indirect_vreg.scatter [tilespmem:s16], [sflag:$0x3], $0x80, v3, vm0, $0xb8;
	[tilespmem:$0x19000] =	vst v63  }
0x47b: {  	s9 =	simm.s32 $0x6C00  }
0x47c: {  	[hbm4b:s5+s3] =	stream.indirect_vreg.scatter [tilespmem:s9], [sflag:$0x3], $0x80, v3, vm1, $0xb8;
	[tilespmem:$0x19000] =	vst v63  }
0x47d: {  	v3 =	vld [tilespmem:$0x440];
	_ =	sdelay $0x4  }
0x47e: {  	v44 =	vshrl.u32 v3, $0x3  }
0x47f: {  	v4 =	vmul.u32 $0x18, v44  }
0x480: {  	v3 =	vand.u32 $0x7, v3  }
0x481: {  	v3 =	vor.u32 v3, v4  }
0x482: {  	v4 =	vperm.xlane v3, v0;
	_ =	sdelay $0x1  }
0x483: {  	v4 =	vadd.s32 v1, v4;
	_ =	sdelay $0x1  }
0x484: {  	v3 =	vperm.xlane v3, v2;
	_ =	sdelay $0x1  }
0x485: {  	s30 =	simm.s32 $0x7000;
	v3 =	vadd.s32 v1, v3  }
0x486: {  	[hbm4b:s2+s3] =	stream.indirect_vreg.scatter [tilespmem:s30], [sflag:$0x3], $0x80, v4, vm0, $0xb8;
	[tilespmem:$0x19000] =	vst v63  }
0x487: {  	s31 =	simm.s32 $0x7800  }
0x488: {  	[hbm4b:s5+s3] =	stream.indirect_vreg.scatter [tilespmem:s31], [sflag:$0x3], $0x80, v4, vm1, $0xb8;
	[tilespmem:$0x19000] =	vst v63  }
0x489: {  	s23 =	simm.s32 $0x7C00  }
0x48a: {  	[hbm4b:s2+s3] =	stream.indirect_vreg.scatter [tilespmem:s23], [sflag:$0x3], $0x80, v3, vm0, $0xb8;
	[tilespmem:$0x19000] =	vst v63  }
0x48b: {  	s10 =	simm.s32 $0x8400  }
0x48c: {  	[hbm4b:s5+s3] =	stream.indirect_vreg.scatter [tilespmem:s10], [sflag:$0x3], $0x80, v3, vm1, $0xb8;
	[tilespmem:$0x19000] =	vst v63  }
0x48d: {  	v3 =	vld [tilespmem:$0x450];
	_ =	sdelay $0x4  }
0x48e: {  	v45 =	vshrl.u32 v3, $0x3  }
0x48f: {  	v4 =	vmul.u32 $0x18, v45  }
0x490: {  	v3 =	vand.u32 $0x7, v3  }
0x491: {  	v3 =	vor.u32 v3, v4  }
0x492: {  	v4 =	vperm.xlane v3, v0;
	_ =	sdelay $0x1  }
0x493: {  	v4 =	vadd.s32 v1, v4;
	_ =	sdelay $0x1  }
0x494: {  	v3 =	vperm.xlane v3, v2;
	_ =	sdelay $0x1  }
0x495: {  	s29 =	simm.s32 $0x8800;
	v3 =	vadd.s32 v1, v3  }
0x496: {  	[hbm4b:s2+s3] =	stream.indirect_vreg.scatter [tilespmem:s29], [sflag:$0x3], $0x80, v4, vm0, $0xb8;
	[tilespmem:$0x19000] =	vst v63  }
0x497: {  	s30 =	simm.s32 $0x9000  }
0x498: {  	[hbm4b:s5+s3] =	stream.indirect_vreg.scatter [tilespmem:s30], [sflag:$0x3], $0x80, v4, vm1, $0xb8;
	[tilespmem:$0x19000] =	vst v63  }
0x499: {  	s31 =	simm.s32 $0x9400  }
0x49a: {  	[hbm4b:s2+s3] =	stream.indirect_vreg.scatter [tilespmem:s31], [sflag:$0x3], $0x80, v3, vm0, $0xb8;
	[tilespmem:$0x19000] =	vst v63  }
0x49b: {  	s11 =	simm.s32 $0x9C00  }
0x49c: {  	[hbm4b:s5+s3] =	stream.indirect_vreg.scatter [tilespmem:s11], [sflag:$0x3], $0x80, v3, vm1, $0xb8;
	[tilespmem:$0x19000] =	vst v63  }
0x49d: {  	v3 =	vld [tilespmem:$0x460];
	_ =	sdelay $0x4  }
0x49e: {  	v46 =	vshrl.u32 v3, $0x3  }
0x49f: {  	v4 =	vmul.u32 $0x18, v46  }
0x4a0: {  	v3 =	vand.u32 $0x7, v3  }
0x4a1: {  	v3 =	vor.u32 v3, v4  }
0x4a2: {  	v4 =	vperm.xlane v3, v0;
	_ =	sdelay $0x1  }
0x4a3: {  	v4 =	vadd.s32 v1, v4;
	_ =	sdelay $0x1  }
0x4a4: {  	v3 =	vperm.xlane v3, v2;
	_ =	sdelay $0x1  }
0x4a5: {  	s1 =	simm.s32 $0xA000;
	v3 =	vadd.s32 v1, v3  }
0x4a6: {  	[hbm4b:s2+s3] =	stream.indirect_vreg.scatter [tilespmem:s1], [sflag:$0x3], $0x80, v4, vm0, $0xb8;
	[tilespmem:$0x19000] =	vst v63  }
0x4a7: {  	s24 =	simm.s32 $0xA800  }
0x4a8: {  	[hbm4b:s5+s3] =	stream.indirect_vreg.scatter [tilespmem:s24], [sflag:$0x3], $0x80, v4, vm1, $0xb8;
	[tilespmem:$0x19000] =	vst v63  }
0x4a9: {  	s1 =	simm.s32 $0xAC00  }
0x4aa: {  	[hbm4b:s2+s3] =	stream.indirect_vreg.scatter [tilespmem:s1], [sflag:$0x3], $0x80, v3, vm0, $0xb8;
	[tilespmem:$0x19000] =	vst v63  }
0x4ab: {  	s12 =	simm.s32 $0xB400  }
0x4ac: {  	[hbm4b:s5+s3] =	stream.indirect_vreg.scatter [tilespmem:s12], [sflag:$0x3], $0x80, v3, vm1, $0xb8;
	[tilespmem:$0x19000] =	vst v63  }
0x4ad: {  	v3 =	vld [tilespmem:$0x470];
	_ =	sdelay $0x4  }
0x4ae: {  	v47 =	vshrl.u32 v3, $0x3  }
0x4af: {  	v4 =	vmul.u32 $0x18, v47  }
0x4b0: {  	v3 =	vand.u32 $0x7, v3  }
0x4b1: {  	v3 =	vor.u32 v3, v4  }
0x4b2: {  	v4 =	vperm.xlane v3, v0;
	_ =	sdelay $0x1  }
0x4b3: {  	v4 =	vadd.s32 v1, v4;
	_ =	sdelay $0x1  }
0x4b4: {  	v3 =	vperm.xlane v3, v2;
	_ =	sdelay $0x1  }
0x4b5: {  	s4 =	simm.s32 $0xB800;
	v3 =	vadd.s32 v1, v3  }
0x4b6: {  	[hbm4b:s2+s3] =	stream.indirect_vreg.scatter [tilespmem:s4], [sflag:$0x3], $0x80, v4, vm0, $0xb8;
	[tilespmem:$0x19000] =	vst v63  }
0x4b7: {  	s0 =	simm.s32 $0xC000  }
0x4b8: {  	[hbm4b:s5+s3] =	stream.indirect_vreg.scatter [tilespmem:s0], [sflag:$0x3], $0x80, v4, vm1, $0xb8;
	[tilespmem:$0x19000] =	vst v63  }
0x4b9: {  	s4 =	simm.s32 $0xC400  }
0x4ba: {  	[hbm4b:s2+s3] =	stream.indirect_vreg.scatter [tilespmem:s4], [sflag:$0x3], $0x80, v3, vm0, $0xb8;
	[tilespmem:$0x19000] =	vst v63  }
0x4bb: {  	s13 =	simm.s32 $0xCC00  }
0x4bc: {  	[hbm4b:s5+s3] =	stream.indirect_vreg.scatter [tilespmem:s13], [sflag:$0x3], $0x80, v3, vm1, $0xb8;
	[tilespmem:$0x19000] =	vst v63  }
0x4bd: {  	v3 =	vld [tilespmem:$0x480];
	_ =	sdelay $0x4  }
0x4be: {  	v48 =	vshrl.u32 v3, $0x3  }
0x4bf: {  	v4 =	vmul.u32 $0x18, v48  }
0x4c0: {  	v3 =	vand.u32 $0x7, v3  }
0x4c1: {  	v3 =	vor.u32 v3, v4  }
0x4c2: {  	v4 =	vperm.xlane v3, v0;
	_ =	sdelay $0x1  }
0x4c3: {  	v4 =	vadd.s32 v1, v4;
	_ =	sdelay $0x1  }
0x4c4: {  	v3 =	vperm.xlane v3, v2;
	_ =	sdelay $0x1  }
0x4c5: {  	v3 =	vadd.s32 v1, v3  }
0x4c6: {  	[hbm4b:s2+s3] =	stream.indirect_vreg.scatter [tilespmem:s28], [sflag:$0x3], $0x80, v4, vm0, $0xb8;
	[tilespmem:$0x19000] =	vst v63  }
0x4c7: {  	_ = 	snop  }
0x4c8: {  	[hbm4b:s5+s3] =	stream.indirect_vreg.scatter [tilespmem:s14], [sflag:$0x3], $0x80, v4, vm1, $0xb8;
	[tilespmem:$0x19000] =	vst v63  }
0x4c9: {  	_ = 	snop  }
0x4ca: {  	[hbm4b:s2+s3] =	stream.indirect_vreg.scatter [tilespmem:s15], [sflag:$0x3], $0x80, v3, vm0, $0xb8;
	[tilespmem:$0x19000] =	vst v63  }
0x4cb: {  	_ = 	snop  }
0x4cc: {  	[hbm4b:s5+s3] =	stream.indirect_vreg.scatter [tilespmem:s6], [sflag:$0x3], $0x80, v3, vm1, $0xb8;
	[tilespmem:$0x19000] =	vst v63  }
0x4cd: {  	v3 =	vld [tilespmem:$0x490];
	_ =	sdelay $0x4  }
0x4ce: {  	v49 =	vshrl.u32 v3, $0x3  }
0x4cf: {  	v4 =	vmul.u32 $0x18, v49  }
0x4d0: {  	v3 =	vand.u32 $0x7, v3  }
0x4d1: {  	v3 =	vor.u32 v3, v4  }
0x4d2: {  	v4 =	vperm.xlane v3, v0;
	_ =	sdelay $0x1  }
0x4d3: {  	v4 =	vadd.s32 v1, v4;
	_ =	sdelay $0x1  }
0x4d4: {  	v3 =	vperm.xlane v3, v2;
	_ =	sdelay $0x1  }
0x4d5: {  	v3 =	vadd.s32 v1, v3  }
0x4d6: {  	[hbm4b:s2+s3] =	stream.indirect_vreg.scatter [tilespmem:s17], [sflag:$0x3], $0x80, v4, vm0, $0xb8;
	[tilespmem:$0x19000] =	vst v63  }
0x4d7: {  	_ = 	snop  }
0x4d8: {  	[hbm4b:s5+s3] =	stream.indirect_vreg.scatter [tilespmem:s18], [sflag:$0x3], $0x80, v4, vm1, $0xb8;
	[tilespmem:$0x19000] =	vst v63  }
0x4d9: {  	_ = 	snop  }
0x4da: {  	[hbm4b:s2+s3] =	stream.indirect_vreg.scatter [tilespmem:s19], [sflag:$0x3], $0x80, v3, vm0, $0xb8;
	[tilespmem:$0x19000] =	vst v63  }
0x4db: {  	_ = 	snop  }
0x4dc: {  	[hbm4b:s5+s3] =	stream.indirect_vreg.scatter [tilespmem:s7], [sflag:$0x3], $0x80, v3, vm1, $0xb8;
	[tilespmem:$0x19000] =	vst v63  }
0x4dd: {  	v3 =	vld [tilespmem:$0x4A0];
	_ =	sdelay $0x4  }
0x4de: {  	v50 =	vshrl.u32 v3, $0x3  }
0x4df: {  	v4 =	vmul.u32 $0x18, v50  }
0x4e0: {  	v3 =	vand.u32 $0x7, v3  }
0x4e1: {  	v3 =	vor.u32 v3, v4  }
0x4e2: {  	v4 =	vperm.xlane v3, v0;
	_ =	sdelay $0x1  }
0x4e3: {  	v4 =	vadd.s32 v1, v4;
	_ =	sdelay $0x1  }
0x4e4: {  	v3 =	vperm.xlane v3, v2;
	_ =	sdelay $0x1  }
0x4e5: {  	v3 =	vadd.s32 v1, v3  }
0x4e6: {  	[hbm4b:s2+s3] =	stream.indirect_vreg.scatter [tilespmem:s20], [sflag:$0x3], $0x80, v4, vm0, $0xb8;
	[tilespmem:$0x19000] =	vst v63  }
0x4e7: {  	_ = 	snop  }
0x4e8: {  	[hbm4b:s5+s3] =	stream.indirect_vreg.scatter [tilespmem:s21], [sflag:$0x3], $0x80, v4, vm1, $0xb8;
	[tilespmem:$0x19000] =	vst v63  }
0x4e9: {  	_ = 	snop  }
0x4ea: {  	[hbm4b:s2+s3] =	stream.indirect_vreg.scatter [tilespmem:s22], [sflag:$0x3], $0x80, v3, vm0, $0xb8;
	[tilespmem:$0x19000] =	vst v63  }
0x4eb: {  	_ = 	snop  }
0x4ec: {  	[hbm4b:s5+s3] =	stream.indirect_vreg.scatter [tilespmem:s8], [sflag:$0x3], $0x80, v3, vm1, $0xb8;
	[tilespmem:$0x19000] =	vst v63  }
0x4ed: {  	v3 =	vld [tilespmem:$0x4B0];
	_ =	sdelay $0x4  }
0x4ee: {  	v51 =	vshrl.u32 v3, $0x3  }
0x4ef: {  	v4 =	vmul.u32 $0x18, v51  }
0x4f0: {  	v3 =	vand.u32 $0x7, v3  }
0x4f1: {  	v3 =	vor.u32 v3, v4  }
0x4f2: {  	v4 =	vperm.xlane v3, v0;
	_ =	sdelay $0x1  }
0x4f3: {  	v4 =	vadd.s32 v1, v4;
	_ =	sdelay $0x1  }
0x4f4: {  	v3 =	vperm.xlane v3, v2;
	_ =	sdelay $0x1  }
0x4f5: {  	v3 =	vadd.s32 v1, v3  }
0x4f6: {  	[hbm4b:s2+s3] =	stream.indirect_vreg.scatter [tilespmem:s25], [sflag:$0x3], $0x80, v4, vm0, $0xb8;
	[tilespmem:$0x19000] =	vst v63  }
0x4f7: {  	_ = 	snop  }
0x4f8: {  	[hbm4b:s5+s3] =	stream.indirect_vreg.scatter [tilespmem:s26], [sflag:$0x3], $0x80, v4, vm1, $0xb8;
	[tilespmem:$0x19000] =	vst v63  }
0x4f9: {  	_ = 	snop  }
0x4fa: {  	[hbm4b:s2+s3] =	stream.indirect_vreg.scatter [tilespmem:s16], [sflag:$0x3], $0x80, v3, vm0, $0xb8;
	[tilespmem:$0x19000] =	vst v63  }
0x4fb: {  	_ = 	snop  }
0x4fc: {  	[hbm4b:s5+s3] =	stream.indirect_vreg.scatter [tilespmem:s9], [sflag:$0x3], $0x80, v3, vm1, $0xb8;
	[tilespmem:$0x19000] =	vst v63  }
0x4fd: {  	v3 =	vld [tilespmem:$0x4C0];
	_ =	sdelay $0x4  }
0x4fe: {  	v52 =	vshrl.u32 v3, $0x3  }
0x4ff: {  	v4 =	vmul.u32 $0x18, v52  }
0x500: {  	v3 =	vand.u32 $0x7, v3  }
0x501: {  	v3 =	vor.u32 v3, v4  }
0x502: {  	v4 =	vperm.xlane v3, v0;
	_ =	sdelay $0x1  }
0x503: {  	v4 =	vadd.s32 v1, v4;
	_ =	sdelay $0x1  }
0x504: {  	v3 =	vperm.xlane v3, v2;
	_ =	sdelay $0x1  }
0x505: {  	s8 =	simm.s32 $0x7000;
	v3 =	vadd.s32 v1, v3  }
0x506: {  	[hbm4b:s2+s3] =	stream.indirect_vreg.scatter [tilespmem:s8], [sflag:$0x3], $0x80, v4, vm0, $0xb8;
	[tilespmem:$0x19000] =	vst v63  }
0x507: {  	s9 =	simm.s32 $0x7800  }
0x508: {  	[hbm4b:s5+s3] =	stream.indirect_vreg.scatter [tilespmem:s9], [sflag:$0x3], $0x80, v4, vm1, $0xb8;
	[tilespmem:$0x19000] =	vst v63  }
0x509: {  	_ = 	snop  }
0x50a: {  	[hbm4b:s2+s3] =	stream.indirect_vreg.scatter [tilespmem:s23], [sflag:$0x3], $0x80, v3, vm0, $0xb8;
	[tilespmem:$0x19000] =	vst v63  }
0x50b: {  	_ = 	snop  }
0x50c: {  	[hbm4b:s5+s3] =	stream.indirect_vreg.scatter [tilespmem:s10], [sflag:$0x3], $0x80, v3, vm1, $0xb8;
	[tilespmem:$0x19000] =	vst v63  }
0x50d: {  	v3 =	vld [tilespmem:$0x4D0];
	_ =	sdelay $0x4  }
0x50e: {  	v53 =	vshrl.u32 v3, $0x3  }
0x50f: {  	v4 =	vmul.u32 $0x18, v53  }
0x510: {  	v3 =	vand.u32 $0x7, v3  }
0x511: {  	v3 =	vor.u32 v3, v4  }
0x512: {  	v4 =	vperm.xlane v3, v0;
	_ =	sdelay $0x1  }
0x513: {  	v4 =	vadd.s32 v1, v4;
	_ =	sdelay $0x1  }
0x514: {  	v3 =	vperm.xlane v3, v2;
	_ =	sdelay $0x1  }
0x515: {  	v3 =	vadd.s32 v1, v3  }
0x516: {  	[hbm4b:s2+s3] =	stream.indirect_vreg.scatter [tilespmem:s29], [sflag:$0x3], $0x80, v4, vm0, $0xb8;
	[tilespmem:$0x19000] =	vst v63  }
0x517: {  	_ = 	snop  }
0x518: {  	[hbm4b:s5+s3] =	stream.indirect_vreg.scatter [tilespmem:s30], [sflag:$0x3], $0x80, v4, vm1, $0xb8;
	[tilespmem:$0x19000] =	vst v63  }
0x519: {  	_ = 	snop  }
0x51a: {  	[hbm4b:s2+s3] =	stream.indirect_vreg.scatter [tilespmem:s31], [sflag:$0x3], $0x80, v3, vm0, $0xb8;
	[tilespmem:$0x19000] =	vst v63  }
0x51b: {  	_ = 	snop  }
0x51c: {  	[hbm4b:s5+s3] =	stream.indirect_vreg.scatter [tilespmem:s11], [sflag:$0x3], $0x80, v3, vm1, $0xb8;
	[tilespmem:$0x19000] =	vst v63  }
0x51d: {  	v3 =	vld [tilespmem:$0x4E0];
	_ =	sdelay $0x4  }
0x51e: {  	v54 =	vshrl.u32 v3, $0x3  }
0x51f: {  	v4 =	vmul.u32 $0x18, v54  }
0x520: {  	v3 =	vand.u32 $0x7, v3  }
0x521: {  	v3 =	vor.u32 v3, v4  }
0x522: {  	v4 =	vperm.xlane v3, v0;
	_ =	sdelay $0x1  }
0x523: {  	v4 =	vadd.s32 v1, v4;
	_ =	sdelay $0x1  }
0x524: {  	v3 =	vperm.xlane v3, v2;
	_ =	sdelay $0x1  }
0x525: {  	s11 =	simm.s32 $0xA000;
	v3 =	vadd.s32 v1, v3  }
0x526: {  	[hbm4b:s2+s3] =	stream.indirect_vreg.scatter [tilespmem:s11], [sflag:$0x3], $0x80, v4, vm0, $0xb8;
	[tilespmem:$0x19000] =	vst v63  }
0x527: {  	_ = 	snop  }
0x528: {  	[hbm4b:s5+s3] =	stream.indirect_vreg.scatter [tilespmem:s24], [sflag:$0x3], $0x80, v4, vm1, $0xb8;
	[tilespmem:$0x19000] =	vst v63  }
0x529: {  	_ = 	snop  }
0x52a: {  	[hbm4b:s2+s3] =	stream.indirect_vreg.scatter [tilespmem:s1], [sflag:$0x3], $0x80, v3, vm0, $0xb8;
	[tilespmem:$0x19000] =	vst v63  }
0x52b: {  	_ = 	snop  }
0x52c: {  	[hbm4b:s5+s3] =	stream.indirect_vreg.scatter [tilespmem:s12], [sflag:$0x3], $0x80, v3, vm1, $0xb8;
	[tilespmem:$0x19000] =	vst v63  }
0x52d: {  	v3 =	vld [tilespmem:$0x4F0];
	_ =	sdelay $0x4  }
0x52e: {  	v55 =	vshrl.u32 v3, $0x3  }
0x52f: {  	v4 =	vmul.u32 $0x18, v55  }
0x530: {  	v3 =	vand.u32 $0x7, v3  }
0x531: {  	v3 =	vor.u32 v3, v4  }
0x532: {  	v4 =	vperm.xlane v3, v0;
	_ =	sdelay $0x1  }
0x533: {  	v4 =	vadd.s32 v1, v4;
	_ =	sdelay $0x1  }
0x534: {  	v3 =	vperm.xlane v3, v2;
	_ =	sdelay $0x1  }
0x535: {  	s8 =	simm.s32 $0xB800;
	v3 =	vadd.s32 v1, v3  }
0x536: {  	[hbm4b:s2+s3] =	stream.indirect_vreg.scatter [tilespmem:s8], [sflag:$0x3], $0x80, v4, vm0, $0xb8;
	[tilespmem:$0x19000] =	vst v63  }
0x537: {  	_ = 	snop  }
0x538: {  	[hbm4b:s5+s3] =	stream.indirect_vreg.scatter [tilespmem:s0], [sflag:$0x3], $0x80, v4, vm1, $0xb8;
	[tilespmem:$0x19000] =	vst v63  }
0x539: {  	_ = 	snop  }
0x53a: {  	[hbm4b:s2+s3] =	stream.indirect_vreg.scatter [tilespmem:s4], [sflag:$0x3], $0x80, v3, vm0, $0xb8;
	[tilespmem:$0x19000] =	vst v63  }
0x53b: {  	_ = 	snop  }
0x53c: {  	[hbm4b:s5+s3] =	stream.indirect_vreg.scatter [tilespmem:s13], [sflag:$0x3], $0x80, v3, vm1, $0xb8;
	[tilespmem:$0x19000] =	vst v63  }
0x53d: {  	v3 =	vld [tilespmem:$0x500];
	_ =	sdelay $0x4  }
0x53e: {  	v56 =	vshrl.u32 v3, $0x3  }
0x53f: {  	v4 =	vmul.u32 $0x18, v56  }
0x540: {  	v3 =	vand.u32 $0x7, v3  }
0x541: {  	v3 =	vor.u32 v3, v4  }
0x542: {  	v4 =	vperm.xlane v3, v0;
	_ =	sdelay $0x1  }
0x543: {  	v4 =	vadd.s32 v1, v4;
	_ =	sdelay $0x1  }
0x544: {  	v3 =	vperm.xlane v3, v2;
	_ =	sdelay $0x1  }
0x545: {  	s28 =	simm.s32 $0x1000;
	v3 =	vadd.s32 v1, v3  }
0x546: {  	[hbm4b:s2+s3] =	stream.indirect_vreg.scatter [tilespmem:s28], [sflag:$0x3], $0x80, v4, vm0, $0xb8;
	[tilespmem:$0x19000] =	vst v63  }
0x547: {  	s9 =	simm.s32 $0x1800  }
0x548: {  	[hbm4b:s5+s3] =	stream.indirect_vreg.scatter [tilespmem:s9], [sflag:$0x3], $0x80, v4, vm1, $0xb8;
	[tilespmem:$0x19000] =	vst v63  }
0x549: {  	s10 =	simm.s32 $0x1C00  }
0x54a: {  	[hbm4b:s2+s3] =	stream.indirect_vreg.scatter [tilespmem:s10], [sflag:$0x3], $0x80, v3, vm0, $0xb8;
	[tilespmem:$0x19000] =	vst v63  }
0x54b: {  	s6 =	simm.s32 $0x2400  }
0x54c: {  	[hbm4b:s5+s3] =	stream.indirect_vreg.scatter [tilespmem:s6], [sflag:$0x3], $0x80, v3, vm1, $0xb8;
	[tilespmem:$0x19000] =	vst v63  }
0x54d: {  	v3 =	vld [tilespmem:$0x510];
	_ =	sdelay $0x4  }
0x54e: {  	v57 =	vshrl.u32 v3, $0x3  }
0x54f: {  	v4 =	vmul.u32 $0x18, v57  }
0x550: {  	v3 =	vand.u32 $0x7, v3  }
0x551: {  	v3 =	vor.u32 v3, v4  }
0x552: {  	v4 =	vperm.xlane v3, v0;
	_ =	sdelay $0x1  }
0x553: {  	v4 =	vadd.s32 v1, v4;
	_ =	sdelay $0x1  }
0x554: {  	v3 =	vperm.xlane v3, v2;
	_ =	sdelay $0x1  }
0x555: {  	s14 =	simm.s32 $0x2800;
	v3 =	vadd.s32 v1, v3  }
0x556: {  	[hbm4b:s2+s3] =	stream.indirect_vreg.scatter [tilespmem:s14], [sflag:$0x3], $0x80, v4, vm0, $0xb8;
	[tilespmem:$0x19000] =	vst v63  }
0x557: {  	s18 =	simm.s32 $0x3000  }
0x558: {  	[hbm4b:s5+s3] =	stream.indirect_vreg.scatter [tilespmem:s18], [sflag:$0x3], $0x80, v4, vm1, $0xb8;
	[tilespmem:$0x19000] =	vst v63  }
0x559: {  	s19 =	simm.s32 $0x3400  }
0x55a: {  	[hbm4b:s2+s3] =	stream.indirect_vreg.scatter [tilespmem:s19], [sflag:$0x3], $0x80, v3, vm0, $0xb8;
	[tilespmem:$0x19000] =	vst v63  }
0x55b: {  	s19 =	simm.s32 $0x3C00  }
0x55c: {  	[hbm4b:s5+s3] =	stream.indirect_vreg.scatter [tilespmem:s19], [sflag:$0x3], $0x80, v3, vm1, $0xb8;
	[tilespmem:$0x19000] =	vst v63  }
0x55d: {  	v3 =	vld [tilespmem:$0x520];
	_ =	sdelay $0x4  }
0x55e: {  	v58 =	vshrl.u32 v3, $0x3  }
0x55f: {  	v4 =	vmul.u32 $0x18, v58  }
0x560: {  	v3 =	vand.u32 $0x7, v3  }
0x561: {  	v3 =	vor.u32 v3, v4  }
0x562: {  	v4 =	vperm.xlane v3, v0;
	_ =	sdelay $0x1  }
0x563: {  	v4 =	vadd.s32 v1, v4;
	_ =	sdelay $0x1  }
0x564: {  	v3 =	vperm.xlane v3, v2;
	_ =	sdelay $0x1  }
0x565: {  	s15 =	simm.s32 $0x4000;
	v3 =	vadd.s32 v1, v3  }
0x566: {  	[hbm4b:s2+s3] =	stream.indirect_vreg.scatter [tilespmem:s15], [sflag:$0x3], $0x80, v4, vm0, $0xb8;
	[tilespmem:$0x19000] =	vst v63  }
0x567: {  	s20 =	simm.s32 $0x4800  }
0x568: {  	[hbm4b:s5+s3] =	stream.indirect_vreg.scatter [tilespmem:s20], [sflag:$0x3], $0x80, v4, vm1, $0xb8;
	[tilespmem:$0x19000] =	vst v63  }
0x569: {  	s21 =	simm.s32 $0x4C00  }
0x56a: {  	[hbm4b:s2+s3] =	stream.indirect_vreg.scatter [tilespmem:s21], [sflag:$0x3], $0x80, v3, vm0, $0xb8;
	[tilespmem:$0x19000] =	vst v63  }
0x56b: {  	s21 =	simm.s32 $0x5400  }
0x56c: {  	[hbm4b:s5+s3] =	stream.indirect_vreg.scatter [tilespmem:s21], [sflag:$0x3], $0x80, v3, vm1, $0xb8;
	[tilespmem:$0x19000] =	vst v63  }
0x56d: {  	v3 =	vld [tilespmem:$0x530];
	_ =	sdelay $0x4  }
0x56e: {  	v59 =	vshrl.u32 v3, $0x3  }
0x56f: {  	v4 =	vmul.u32 $0x18, v59  }
0x570: {  	v3 =	vand.u32 $0x7, v3  }
0x571: {  	v3 =	vor.u32 v3, v4  }
0x572: {  	v4 =	vperm.xlane v3, v0;
	_ =	sdelay $0x1  }
0x573: {  	v4 =	vadd.s32 v1, v4;
	_ =	sdelay $0x1  }
0x574: {  	v3 =	vperm.xlane v3, v2;
	_ =	sdelay $0x1  }
0x575: {  	s17 =	simm.s32 $0x5800;
	v3 =	vadd.s32 v1, v3  }
0x576: {  	[hbm4b:s2+s3] =	stream.indirect_vreg.scatter [tilespmem:s17], [sflag:$0x3], $0x80, v4, vm0, $0xb8;
	[tilespmem:$0x19000] =	vst v63  }
0x577: {  	s22 =	simm.s32 $0x6000  }
0x578: {  	[hbm4b:s5+s3] =	stream.indirect_vreg.scatter [tilespmem:s22], [sflag:$0x3], $0x80, v4, vm1, $0xb8;
	[tilespmem:$0x19000] =	vst v63  }
0x579: {  	s16 =	simm.s32 $0x6400  }
0x57a: {  	[hbm4b:s2+s3] =	stream.indirect_vreg.scatter [tilespmem:s16], [sflag:$0x3], $0x80, v3, vm0, $0xb8;
	[tilespmem:$0x19000] =	vst v63  }
0x57b: {  	s22 =	simm.s32 $0x6C00  }
0x57c: {  	[hbm4b:s5+s3] =	stream.indirect_vreg.scatter [tilespmem:s22], [sflag:$0x3], $0x80, v3, vm1, $0xb8;
	[tilespmem:$0x19000] =	vst v63  }
0x57d: {  	v3 =	vld [tilespmem:$0x540];
	_ =	sdelay $0x4  }
0x57e: {  	v60 =	vshrl.u32 v3, $0x3  }
0x57f: {  	v4 =	vmul.u32 $0x18, v60  }
0x580: {  	v3 =	vand.u32 $0x7, v3  }
0x581: {  	v3 =	vor.u32 v3, v4  }
0x582: {  	v4 =	vperm.xlane v3, v0;
	_ =	sdelay $0x1  }
0x583: {  	v4 =	vadd.s32 v1, v4;
	_ =	sdelay $0x1  }
0x584: {  	v3 =	vperm.xlane v3, v2;
	_ =	sdelay $0x1  }
0x585: {  	s16 =	simm.s32 $0x7000;
	v3 =	vadd.s32 v1, v3  }
0x586: {  	[hbm4b:s2+s3] =	stream.indirect_vreg.scatter [tilespmem:s16], [sflag:$0x3], $0x80, v4, vm0, $0xb8;
	[tilespmem:$0x19000] =	vst v63  }
0x587: {  	s22 =	simm.s32 $0x7800  }
0x588: {  	[hbm4b:s5+s3] =	stream.indirect_vreg.scatter [tilespmem:s22], [sflag:$0x3], $0x80, v4, vm1, $0xb8;
	[tilespmem:$0x19000] =	vst v63  }
0x589: {  	s23 =	simm.s32 $0x7C00  }
0x58a: {  	[hbm4b:s2+s3] =	stream.indirect_vreg.scatter [tilespmem:s23], [sflag:$0x3], $0x80, v3, vm0, $0xb8;
	[tilespmem:$0x19000] =	vst v63  }
0x58b: {  	s26 =	simm.s32 $0x8400  }
0x58c: {  	[hbm4b:s5+s3] =	stream.indirect_vreg.scatter [tilespmem:s26], [sflag:$0x3], $0x80, v3, vm1, $0xb8;
	[tilespmem:$0x19000] =	vst v63  }
0x58d: {  	v3 =	vld [tilespmem:$0x550];
	_ =	sdelay $0x4  }
0x58e: {  	v61 =	vshrl.u32 v3, $0x3  }
0x58f: {  	v4 =	vmul.u32 $0x18, v61  }
0x590: {  	v3 =	vand.u32 $0x7, v3  }
0x591: {  	v3 =	vor.u32 v3, v4  }
0x592: {  	v4 =	vperm.xlane v3, v0;
	_ =	sdelay $0x1  }
0x593: {  	v4 =	vadd.s32 v1, v4;
	_ =	sdelay $0x1  }
0x594: {  	v3 =	vperm.xlane v3, v2;
	_ =	sdelay $0x1  }
0x595: {  	s25 =	simm.s32 $0x8800;
	v3 =	vadd.s32 v1, v3  }
0x596: {  	[hbm4b:s2+s3] =	stream.indirect_vreg.scatter [tilespmem:s25], [sflag:$0x3], $0x80, v4, vm0, $0xb8;
	[tilespmem:$0x19000] =	vst v63  }
0x597: {  	s30 =	simm.s32 $0x9000  }
0x598: {  	[hbm4b:s5+s3] =	stream.indirect_vreg.scatter [tilespmem:s30], [sflag:$0x3], $0x80, v4, vm1, $0xb8;
	[tilespmem:$0x19000] =	vst v63  }
0x599: {  	s31 =	simm.s32 $0x9400  }
0x59a: {  	[hbm4b:s2+s3] =	stream.indirect_vreg.scatter [tilespmem:s31], [sflag:$0x3], $0x80, v3, vm0, $0xb8;
	[tilespmem:$0x19000] =	vst v63  }
0x59b: {  	s29 =	simm.s32 $0x9C00  }
0x59c: {  	[hbm4b:s5+s3] =	stream.indirect_vreg.scatter [tilespmem:s29], [sflag:$0x3], $0x80, v3, vm1, $0xb8;
	[tilespmem:$0x19000] =	vst v63  }
0x59d: {  	v3 =	vld [tilespmem:$0x560];
	_ =	sdelay $0x4  }
0x59e: {  	v62 =	vshrl.u32 v3, $0x3  }
0x59f: {  	v4 =	vmul.u32 $0x18, v62  }
0x5a0: {  	v3 =	vand.u32 $0x7, v3  }
0x5a1: {  	v3 =	vor.u32 v3, v4  }
0x5a2: {  	v4 =	vperm.xlane v3, v0;
	_ =	sdelay $0x1  }
0x5a3: {  	v4 =	vadd.s32 v1, v4;
	_ =	sdelay $0x1  }
0x5a4: {  	v3 =	vperm.xlane v3, v2;
	_ =	sdelay $0x1  }
0x5a5: {  	s30 =	simm.s32 $0xA000;
	v3 =	vadd.s32 v1, v3  }
0x5a6: {  	[hbm4b:s2+s3] =	stream.indirect_vreg.scatter [tilespmem:s30], [sflag:$0x3], $0x80, v4, vm0, $0xb8;
	[tilespmem:$0x19000] =	vst v63  }
0x5a7: {  	s31 =	simm.s32 $0xA800  }
0x5a8: {  	[hbm4b:s5+s3] =	stream.indirect_vreg.scatter [tilespmem:s31], [sflag:$0x3], $0x80, v4, vm1, $0xb8;
	[tilespmem:$0x19000] =	vst v63  }
0x5a9: {  	s7 =	simm.s32 $0xAC00  }
0x5aa: {  	[hbm4b:s2+s3] =	stream.indirect_vreg.scatter [tilespmem:s7], [sflag:$0x3], $0x80, v3, vm0, $0xb8;
	[tilespmem:$0x19000] =	vst v63  }
0x5ab: {  	s12 =	simm.s32 $0xB400  }
0x5ac: {  	[hbm4b:s5+s3] =	stream.indirect_vreg.scatter [tilespmem:s12], [sflag:$0x3], $0x80, v3, vm1, $0xb8;
	[tilespmem:$0x19000] =	vst v63  }
0x5ad: {  	v3 =	vld [tilespmem:$0x570];
	_ =	sdelay $0x4  }
0x5ae: {  	v63 =	vshrl.u32 v3, $0x3  }
0x5af: {  	v4 =	vmul.u32 $0x18, v63  }
0x5b0: {  	v3 =	vand.u32 $0x7, v3  }
0x5b1: {  	v3 =	vor.u32 v3, v4  }
0x5b2: {  	v4 =	vperm.xlane v3, v0;
	_ =	sdelay $0x1  }
0x5b3: {  	v4 =	vadd.s32 v1, v4;
	_ =	sdelay $0x1  }
0x5b4: {  	v3 =	vperm.xlane v3, v2;
	_ =	sdelay $0x1  }
0x5b5: {  	s7 =	simm.s32 $0xB800;
	v3 =	vadd.s32 v1, v3  }
0x5b6: {  	[hbm4b:s2+s3] =	stream.indirect_vreg.scatter [tilespmem:s7], [sflag:$0x3], $0x80, v4, vm0, $0xb8;
	[tilespmem:$0x19000] =	vst v63  }
0x5b7: {  	s11 =	simm.s32 $0xC000  }
0x5b8: {  	[hbm4b:s5+s3] =	stream.indirect_vreg.scatter [tilespmem:s11], [sflag:$0x3], $0x80, v4, vm1, $0xb8;
	[tilespmem:$0x19000] =	vst v63  }
0x5b9: {  	s24 =	simm.s32 $0xC400  }
0x5ba: {  	[hbm4b:s2+s3] =	stream.indirect_vreg.scatter [tilespmem:s24], [sflag:$0x3], $0x80, v3, vm0, $0xb8;
	[tilespmem:$0x19000] =	vst v63  }
0x5bb: {  	s13 =	simm.s32 $0xCC00  }
0x5bc: {  	[hbm4b:s5+s3] =	stream.indirect_vreg.scatter [tilespmem:s13], [sflag:$0x3], $0x80, v3, vm1, $0xb8;
	[tilespmem:$0x19000] =	vst v63  }
0x5bd: {  	v3 =	vld [tilespmem:$0x580];
	_ =	sdelay $0x4  }
0x5be: {  	v8 =	vshrl.u32 v3, $0x3  }
0x5bf: {  	v4 =	vmul.u32 $0x18, v8  }
0x5c0: {  	v3 =	vand.u32 $0x7, v3  }
0x5c1: {  	v3 =	vor.u32 v3, v4  }
0x5c2: {  	v4 =	vperm.xlane v3, v0;
	_ =	sdelay $0x1  }
0x5c3: {  	v4 =	vadd.s32 v1, v4;
	_ =	sdelay $0x1  }
0x5c4: {  	v3 =	vperm.xlane v3, v2;
	_ =	sdelay $0x1  }
0x5c5: {  	s1 =	simm.s32 $0x1000;
	v3 =	vadd.s32 v1, v3  }
0x5c6: {  	[hbm4b:s2+s3] =	stream.indirect_vreg.scatter [tilespmem:s1], [sflag:$0x3], $0x80, v4, vm0, $0xb8;
	[tilespmem:$0x19000] =	vst v63  }
0x5c7: {  	s0 =	simm.s32 $0x1800  }
0x5c8: {  	[hbm4b:s5+s3] =	stream.indirect_vreg.scatter [tilespmem:s0], [sflag:$0x3], $0x80, v4, vm1, $0xb8;
	[tilespmem:$0x19000] =	vst v63  }
0x5c9: {  	s9 =	simm.s32 $0x1C00  }
0x5ca: {  	[hbm4b:s2+s3] =	stream.indirect_vreg.scatter [tilespmem:s9], [sflag:$0x3], $0x80, v3, vm0, $0xb8;
	[tilespmem:$0x19000] =	vst v63  }
0x5cb: {  	s28 =	simm.s32 $0x2400  }
0x5cc: {  	[hbm4b:s5+s3] =	stream.indirect_vreg.scatter [tilespmem:s28], [sflag:$0x3], $0x80, v3, vm1, $0xb8;
	[tilespmem:$0x19000] =	vst v63  }
0x5cd: {  	v3 =	vld [tilespmem:$0x590];
	_ =	sdelay $0x4  }
0x5ce: {  	v9 =	vshrl.u32 v3, $0x3  }
0x5cf: {  	v4 =	vmul.u32 $0x18, v9  }
0x5d0: {  	v3 =	vand.u32 $0x7, v3  }
0x5d1: {  	v3 =	vor.u32 v3, v4  }
0x5d2: {  	v4 =	vperm.xlane v3, v0;
	_ =	sdelay $0x1  }
0x5d3: {  	v4 =	vadd.s32 v1, v4;
	_ =	sdelay $0x1  }
0x5d4: {  	v3 =	vperm.xlane v3, v2;
	_ =	sdelay $0x1  }
0x5d5: {  	s6 =	simm.s32 $0x2800;
	v3 =	vadd.s32 v1, v3  }
0x5d6: {  	[hbm4b:s2+s3] =	stream.indirect_vreg.scatter [tilespmem:s6], [sflag:$0x3], $0x80, v4, vm0, $0xb8;
	[tilespmem:$0x19000] =	vst v63  }
0x5d7: {  	s10 =	simm.s32 $0x3000  }
0x5d8: {  	[hbm4b:s5+s3] =	stream.indirect_vreg.scatter [tilespmem:s10], [sflag:$0x3], $0x80, v4, vm1, $0xb8;
	[tilespmem:$0x19000] =	vst v63  }
0x5d9: {  	s18 =	simm.s32 $0x3400  }
0x5da: {  	[hbm4b:s2+s3] =	stream.indirect_vreg.scatter [tilespmem:s18], [sflag:$0x3], $0x80, v3, vm0, $0xb8;
	[tilespmem:$0x19000] =	vst v63  }
0x5db: {  	s14 =	simm.s32 $0x3C00  }
0x5dc: {  	[hbm4b:s5+s3] =	stream.indirect_vreg.scatter [tilespmem:s14], [sflag:$0x3], $0x80, v3, vm1, $0xb8;
	[tilespmem:$0x19000] =	vst v63  }
0x5dd: {  	v3 =	vld [tilespmem:$0x5A0];
	_ =	sdelay $0x4  }
0x5de: {  	v10 =	vshrl.u32 v3, $0x3  }
0x5df: {  	v4 =	vmul.u32 $0x18, v10  }
0x5e0: {  	v3 =	vand.u32 $0x7, v3  }
0x5e1: {  	v3 =	vor.u32 v3, v4  }
0x5e2: {  	v4 =	vperm.xlane v3, v0;
	_ =	sdelay $0x1  }
0x5e3: {  	v4 =	vadd.s32 v1, v4;
	_ =	sdelay $0x1  }
0x5e4: {  	v3 =	vperm.xlane v3, v2;
	_ =	sdelay $0x1  }
0x5e5: {  	s8 =	simm.s32 $0x4000;
	v3 =	vadd.s32 v1, v3  }
0x5e6: {  	[hbm4b:s2+s3] =	stream.indirect_vreg.scatter [tilespmem:s8], [sflag:$0x3], $0x80, v4, vm0, $0xb8;
	[tilespmem:$0x19000] =	vst v63  }
0x5e7: {  	s19 =	simm.s32 $0x4800  }
0x5e8: {  	[hbm4b:s5+s3] =	stream.indirect_vreg.scatter [tilespmem:s19], [sflag:$0x3], $0x80, v4, vm1, $0xb8;
	[tilespmem:$0x19000] =	vst v63  }
0x5e9: {  	s20 =	simm.s32 $0x4C00  }
0x5ea: {  	[hbm4b:s2+s3] =	stream.indirect_vreg.scatter [tilespmem:s20], [sflag:$0x3], $0x80, v3, vm0, $0xb8;
	[tilespmem:$0x19000] =	vst v63  }
0x5eb: {  	s8 =	simm.s32 $0x5400  }
0x5ec: {  	[hbm4b:s5+s3] =	stream.indirect_vreg.scatter [tilespmem:s8], [sflag:$0x3], $0x80, v3, vm1, $0xb8;
	[tilespmem:$0x19000] =	vst v63  }
0x5ed: {  	v3 =	vld [tilespmem:$0x5B0];
	_ =	sdelay $0x4  }
0x5ee: {  	v11 =	vshrl.u32 v3, $0x3  }
0x5ef: {  	v4 =	vmul.u32 $0x18, v11  }
0x5f0: {  	v3 =	vand.u32 $0x7, v3  }
0x5f1: {  	v3 =	vor.u32 v3, v4  }
0x5f2: {  	v4 =	vperm.xlane v3, v0;
	_ =	sdelay $0x1  }
0x5f3: {  	v4 =	vadd.s32 v1, v4;
	_ =	sdelay $0x1  }
0x5f4: {  	v3 =	vperm.xlane v3, v2;
	_ =	sdelay $0x1  }
0x5f5: {  	s15 =	simm.s32 $0x5800;
	v3 =	vadd.s32 v1, v3  }
0x5f6: {  	[hbm4b:s2+s3] =	stream.indirect_vreg.scatter [tilespmem:s15], [sflag:$0x3], $0x80, v4, vm0, $0xb8;
	[tilespmem:$0x19000] =	vst v63  }
0x5f7: {  	s17 =	simm.s32 $0x6000  }
0x5f8: {  	[hbm4b:s5+s3] =	stream.indirect_vreg.scatter [tilespmem:s17], [sflag:$0x3], $0x80, v4, vm1, $0xb8;
	[tilespmem:$0x19000] =	vst v63  }
0x5f9: {  	s21 =	simm.s32 $0x6400  }
0x5fa: {  	[hbm4b:s2+s3] =	stream.indirect_vreg.scatter [tilespmem:s21], [sflag:$0x3], $0x80, v3, vm0, $0xb8;
	[tilespmem:$0x19000] =	vst v63  }
0x5fb: {  	s9 =	simm.s32 $0x6C00  }
0x5fc: {  	[hbm4b:s5+s3] =	stream.indirect_vreg.scatter [tilespmem:s9], [sflag:$0x3], $0x80, v3, vm1, $0xb8;
	[tilespmem:$0x19000] =	vst v63  }
0x5fd: {  	v3 =	vld [tilespmem:$0x5C0];
	_ =	sdelay $0x4  }
0x5fe: {  	v12 =	vshrl.u32 v3, $0x3  }
0x5ff: {  	v4 =	vmul.u32 $0x18, v12  }
0x600: {  	v3 =	vand.u32 $0x7, v3  }
0x601: {  	v3 =	vor.u32 v3, v4  }
0x602: {  	v4 =	vperm.xlane v3, v0;
	_ =	sdelay $0x1  }
0x603: {  	v4 =	vadd.s32 v1, v4;
	_ =	sdelay $0x1  }
0x604: {  	v3 =	vperm.xlane v3, v2;
	_ =	sdelay $0x1  }
0x605: {  	s10 =	simm.s32 $0x7000;
	v3 =	vadd.s32 v1, v3  }
0x606: {  	[hbm4b:s2+s3] =	stream.indirect_vreg.scatter [tilespmem:s10], [sflag:$0x3], $0x80, v4, vm0, $0xb8;
	[tilespmem:$0x19000] =	vst v63  }
0x607: {  	s14 =	simm.s32 $0x7800  }
0x608: {  	[hbm4b:s5+s3] =	stream.indirect_vreg.scatter [tilespmem:s14], [sflag:$0x3], $0x80, v4, vm1, $0xb8;
	[tilespmem:$0x19000] =	vst v63  }
0x609: {  	s16 =	simm.s32 $0x7C00  }
0x60a: {  	[hbm4b:s2+s3] =	stream.indirect_vreg.scatter [tilespmem:s16], [sflag:$0x3], $0x80, v3, vm0, $0xb8;
	[tilespmem:$0x19000] =	vst v63  }
0x60b: {  	s26 =	simm.s32 $0x8400  }
0x60c: {  	[hbm4b:s5+s3] =	stream.indirect_vreg.scatter [tilespmem:s26], [sflag:$0x3], $0x80, v3, vm1, $0xb8;
	[tilespmem:$0x19000] =	vst v63  }
0x60d: {  	v3 =	vld [tilespmem:$0x5D0];
	_ =	sdelay $0x4  }
0x60e: {  	v13 =	vshrl.u32 v3, $0x3  }
0x60f: {  	v4 =	vmul.u32 $0x18, v13  }
0x610: {  	v3 =	vand.u32 $0x7, v3  }
0x611: {  	v3 =	vor.u32 v3, v4  }
0x612: {  	v4 =	vperm.xlane v3, v0;
	_ =	sdelay $0x1  }
0x613: {  	v4 =	vadd.s32 v1, v4;
	_ =	sdelay $0x1  }
0x614: {  	v3 =	vperm.xlane v3, v2;
	_ =	sdelay $0x1  }
0x615: {  	s22 =	simm.s32 $0x8800;
	v3 =	vadd.s32 v1, v3  }
0x616: {  	[hbm4b:s2+s3] =	stream.indirect_vreg.scatter [tilespmem:s22], [sflag:$0x3], $0x80, v4, vm0, $0xb8;
	[tilespmem:$0x19000] =	vst v63  }
0x617: {  	s23 =	simm.s32 $0x9000  }
0x618: {  	[hbm4b:s5+s3] =	stream.indirect_vreg.scatter [tilespmem:s23], [sflag:$0x3], $0x80, v4, vm1, $0xb8;
	[tilespmem:$0x19000] =	vst v63  }
0x619: {  	s25 =	simm.s32 $0x9400  }
0x61a: {  	[hbm4b:s2+s3] =	stream.indirect_vreg.scatter [tilespmem:s25], [sflag:$0x3], $0x80, v3, vm0, $0xb8;
	[tilespmem:$0x19000] =	vst v63  }
0x61b: {  	s29 =	simm.s32 $0x9C00  }
0x61c: {  	[hbm4b:s5+s3] =	stream.indirect_vreg.scatter [tilespmem:s29], [sflag:$0x3], $0x80, v3, vm1, $0xb8;
	[tilespmem:$0x19000] =	vst v63  }
0x61d: {  	v3 =	vld [tilespmem:$0x5E0];
	_ =	sdelay $0x4  }
0x61e: {  	v14 =	vshrl.u32 v3, $0x3  }
0x61f: {  	v4 =	vmul.u32 $0x18, v14  }
0x620: {  	v3 =	vand.u32 $0x7, v3  }
0x621: {  	v3 =	vor.u32 v3, v4  }
0x622: {  	v4 =	vperm.xlane v3, v0;
	_ =	sdelay $0x1  }
0x623: {  	v4 =	vadd.s32 v1, v4;
	_ =	sdelay $0x1  }
0x624: {  	v3 =	vperm.xlane v3, v2;
	_ =	sdelay $0x1  }
0x625: {  	s30 =	simm.s32 $0xA000;
	v3 =	vadd.s32 v1, v3  }
0x626: {  	[hbm4b:s2+s3] =	stream.indirect_vreg.scatter [tilespmem:s30], [sflag:$0x3], $0x80, v4, vm0, $0xb8;
	[tilespmem:$0x19000] =	vst v63  }
0x627: {  	s31 =	simm.s32 $0xA800  }
0x628: {  	[hbm4b:s5+s3] =	stream.indirect_vreg.scatter [tilespmem:s31], [sflag:$0x3], $0x80, v4, vm1, $0xb8;
	[tilespmem:$0x19000] =	vst v63  }
0x629: {  	s4 =	simm.s32 $0xAC00  }
0x62a: {  	[hbm4b:s2+s3] =	stream.indirect_vreg.scatter [tilespmem:s4], [sflag:$0x3], $0x80, v3, vm0, $0xb8;
	[tilespmem:$0x19000] =	vst v63  }
0x62b: {  	s12 =	simm.s32 $0xB400  }
0x62c: {  	[hbm4b:s5+s3] =	stream.indirect_vreg.scatter [tilespmem:s12], [sflag:$0x3], $0x80, v3, vm1, $0xb8;
	[tilespmem:$0x19000] =	vst v63  }
0x62d: {  	v3 =	vld [tilespmem:$0x5F0];
	_ =	sdelay $0x4  }
0x62e: {  	v15 =	vshrl.u32 v3, $0x3  }
0x62f: {  	v4 =	vmul.u32 $0x18, v15  }
0x630: {  	v3 =	vand.u32 $0x7, v3  }
0x631: {  	v3 =	vor.u32 v3, v4  }
0x632: {  	v4 =	vperm.xlane v3, v0;
	_ =	sdelay $0x1  }
0x633: {  	v4 =	vadd.s32 v1, v4;
	_ =	sdelay $0x1  }
0x634: {  	v3 =	vperm.xlane v3, v2;
	_ =	sdelay $0x1  }
0x635: {  	s15 =	simm.s32 $0xB800;
	v3 =	vadd.s32 v1, v3  }
0x636: {  	[hbm4b:s2+s3] =	stream.indirect_vreg.scatter [tilespmem:s15], [sflag:$0x3], $0x80, v4, vm0, $0xb8;
	[tilespmem:$0x19000] =	vst v63  }
0x637: {  	s7 =	simm.s32 $0xC000  }
0x638: {  	[hbm4b:s5+s3] =	stream.indirect_vreg.scatter [tilespmem:s7], [sflag:$0x3], $0x80, v4, vm1, $0xb8;
	[tilespmem:$0x19000] =	vst v63  }
0x639: {  	s11 =	simm.s32 $0xC400  }
0x63a: {  	[hbm4b:s2+s3] =	stream.indirect_vreg.scatter [tilespmem:s11], [sflag:$0x3], $0x80, v3, vm0, $0xb8;
	[tilespmem:$0x19000] =	vst v63  }
0x63b: {  	s13 =	simm.s32 $0xCC00;
	s16 =	simm.s32 $0x3  }
0x63c: {  	[hbm4b:s5+s3] =	stream.indirect_vreg.scatter [tilespmem:s13], [sflag:$0x3], $0x80, v3, vm1, $0xb8;
	[tilespmem:$0x19000] =	vst v63  }
0x63d: {  	_ =	swait.ge [sflag:s16], $0xC000  }
0x63e: {  	[sflag:s16] =	ssyncset.done $0x0  }
0x63f: {  	[sflag:s16] =	ssyncadd.s32 $0xFFFF4000  }
0x640: {  	_ =	swait.ge [sflag:s16], $0xC000  }
0x641: {  	[sflag:s16] =	ssyncset.done $0x0  }
0x642: {  	[sflag:s16] =	ssyncadd.s32 $0xFFFF4000  }
0x643: {  	_ =	swait.ge [sflag:s16], $0xC000  }
0x644: {  	[sflag:s16] =	ssyncset.done $0x0  }
0x645: {  	[sflag:s16] =	ssyncadd.s32 $0xFFFF4000  }
0x646: {  	_ =	swait.ge [sflag:s16], $0xC000  }
0x647: {  	s24 =	simm.s32 $0x1000;
	[sflag:s16] =	ssyncset.done $0x0  }
0x648: {  	s18 =	simm.s32 $0x2;
	s17 =	rddreg [dreg:$0x8];
	[sflag:s16] =	ssyncadd.s32 $0xFFFF4000  }
0x649: {  	[tilespmem:s24], [sflag:$0x1] =	stream.linear.gather [hbm4b:s17+s3], $0xC000, $0x38;
	[tilespmem:$0x19000] =	vst v63  }
0x64a: {  	_ =	swait.ge [sflag:s18], $0xC000  }
0x64b: {  	[sflag:s18] =	ssyncset.done $0x0  }
0x64c: {  	[sflag:s18] =	ssyncadd.s32 $0xFFFF4000  }
0x64d: {  	v3 =	vld [tilespmem:$0x600];
	_ =	sdelay $0x4  }
0x64e: {  	v16 =	vshrl.u32 v3, $0x3  }
0x64f: {  	v4 =	vmul.u32 $0x18, v16  }
0x650: {  	v3 =	vand.u32 $0x7, v3  }
0x651: {  	v3 =	vor.u32 v3, v4  }
0x652: {  	v4 =	vperm.xlane v3, v0;
	_ =	sdelay $0x1  }
0x653: {  	v4 =	vadd.s32 v1, v4;
	_ =	sdelay $0x1  }
0x654: {  	v3 =	vperm.xlane v3, v2;
	_ =	sdelay $0x1  }
0x655: {  	s23 =	simm.s32 $0xD000;
	v3 =	vadd.s32 v1, v3  }
0x656: {  	[hbm4b:s2+s3] =	stream.indirect_vreg.scatter [tilespmem:s23], [sflag:$0x4], $0x80, v4, vm0, $0xb8;
	[tilespmem:$0x19000] =	vst v63  }
0x657: {  	s24 =	simm.s32 $0xD800  }
0x658: {  	[hbm4b:s5+s3] =	stream.indirect_vreg.scatter [tilespmem:s24], [sflag:$0x4], $0x80, v4, vm1, $0xb8;
	[tilespmem:$0x19000] =	vst v63  }
0x659: {  	s19 =	simm.s32 $0xDC00  }
0x65a: {  	[hbm4b:s2+s3] =	stream.indirect_vreg.scatter [tilespmem:s19], [sflag:$0x4], $0x80, v3, vm0, $0xb8;
	[tilespmem:$0x19000] =	vst v63  }
0x65b: {  	s20 =	simm.s32 $0xE400  }
0x65c: {  	[hbm4b:s5+s3] =	stream.indirect_vreg.scatter [tilespmem:s20], [sflag:$0x4], $0x80, v3, vm1, $0xb8;
	[tilespmem:$0x19000] =	vst v63  }
0x65d: {  	v3 =	vld [tilespmem:$0x610];
	_ =	sdelay $0x4  }
0x65e: {  	v17 =	vshrl.u32 v3, $0x3  }
0x65f: {  	v4 =	vmul.u32 $0x18, v17  }
0x660: {  	v3 =	vand.u32 $0x7, v3  }
0x661: {  	v3 =	vor.u32 v3, v4  }
0x662: {  	v4 =	vperm.xlane v3, v0;
	_ =	sdelay $0x1  }
0x663: {  	v4 =	vadd.s32 v1, v4;
	_ =	sdelay $0x1  }
0x664: {  	v3 =	vperm.xlane v3, v2;
	_ =	sdelay $0x1  }
0x665: {  	s4 =	simm.s32 $0xE800;
	v3 =	vadd.s32 v1, v3  }
0x666: {  	[hbm4b:s2+s3] =	stream.indirect_vreg.scatter [tilespmem:s4], [sflag:$0x4], $0x80, v4, vm0, $0xb8;
	[tilespmem:$0x19000] =	vst v63  }
0x667: {  	s6 =	simm.s32 $0xF000  }
0x668: {  	[hbm4b:s5+s3] =	stream.indirect_vreg.scatter [tilespmem:s6], [sflag:$0x4], $0x80, v4, vm1, $0xb8;
	[tilespmem:$0x19000] =	vst v63  }
0x669: {  	s7 =	simm.s32 $0xF400  }
0x66a: {  	[hbm4b:s2+s3] =	stream.indirect_vreg.scatter [tilespmem:s7], [sflag:$0x4], $0x80, v3, vm0, $0xb8;
	[tilespmem:$0x19000] =	vst v63  }
0x66b: {  	s30 =	simm.s32 $0xFC00  }
0x66c: {  	[hbm4b:s5+s3] =	stream.indirect_vreg.scatter [tilespmem:s30], [sflag:$0x4], $0x80, v3, vm1, $0xb8;
	[tilespmem:$0x19000] =	vst v63  }
0x66d: {  	v3 =	vld [tilespmem:$0x620];
	_ =	sdelay $0x4  }
0x66e: {  	v18 =	vshrl.u32 v3, $0x3  }
0x66f: {  	v4 =	vmul.u32 $0x18, v18  }
0x670: {  	v3 =	vand.u32 $0x7, v3  }
0x671: {  	v3 =	vor.u32 v3, v4  }
0x672: {  	v4 =	vperm.xlane v3, v0;
	_ =	sdelay $0x1  }
0x673: {  	v4 =	vadd.s32 v1, v4;
	_ =	sdelay $0x1  }
0x674: {  	v3 =	vperm.xlane v3, v2;
	_ =	sdelay $0x1  }
0x675: {  	s8 =	simm.s32 $0x10000;
	v3 =	vadd.s32 v1, v3  }
0x676: {  	[hbm4b:s2+s3] =	stream.indirect_vreg.scatter [tilespmem:s8], [sflag:$0x4], $0x80, v4, vm0, $0xb8;
	[tilespmem:$0x19000] =	vst v63  }
0x677: {  	s9 =	simm.s32 $0x10800  }
0x678: {  	[hbm4b:s5+s3] =	stream.indirect_vreg.scatter [tilespmem:s9], [sflag:$0x4], $0x80, v4, vm1, $0xb8;
	[tilespmem:$0x19000] =	vst v63  }
0x679: {  	s10 =	simm.s32 $0x10C00  }
0x67a: {  	[hbm4b:s2+s3] =	stream.indirect_vreg.scatter [tilespmem:s10], [sflag:$0x4], $0x80, v3, vm0, $0xb8;
	[tilespmem:$0x19000] =	vst v63  }
0x67b: {  	s31 =	simm.s32 $0x11400  }
0x67c: {  	[hbm4b:s5+s3] =	stream.indirect_vreg.scatter [tilespmem:s31], [sflag:$0x4], $0x80, v3, vm1, $0xb8;
	[tilespmem:$0x19000] =	vst v63  }
0x67d: {  	v3 =	vld [tilespmem:$0x630];
	_ =	sdelay $0x4  }
0x67e: {  	v19 =	vshrl.u32 v3, $0x3  }
0x67f: {  	v4 =	vmul.u32 $0x18, v19  }
0x680: {  	v3 =	vand.u32 $0x7, v3  }
0x681: {  	v3 =	vor.u32 v3, v4  }
0x682: {  	v4 =	vperm.xlane v3, v0;
	_ =	sdelay $0x1  }
0x683: {  	v4 =	vadd.s32 v1, v4;
	_ =	sdelay $0x1  }
0x684: {  	v3 =	vperm.xlane v3, v2;
	_ =	sdelay $0x1  }
0x685: {  	s1 =	simm.s32 $0x11800;
	v3 =	vadd.s32 v1, v3  }
0x686: {  	[hbm4b:s2+s3] =	stream.indirect_vreg.scatter [tilespmem:s1], [sflag:$0x4], $0x80, v4, vm0, $0xb8;
	[tilespmem:$0x19000] =	vst v63  }
0x687: {  	s11 =	simm.s32 $0x12000  }
0x688: {  	[hbm4b:s5+s3] =	stream.indirect_vreg.scatter [tilespmem:s11], [sflag:$0x4], $0x80, v4, vm1, $0xb8;
	[tilespmem:$0x19000] =	vst v63  }
0x689: {  	s12 =	simm.s32 $0x12400  }
0x68a: {  	[hbm4b:s2+s3] =	stream.indirect_vreg.scatter [tilespmem:s12], [sflag:$0x4], $0x80, v3, vm0, $0xb8;
	[tilespmem:$0x19000] =	vst v63  }
0x68b: {  	s16 =	simm.s32 $0x12C00  }
0x68c: {  	[hbm4b:s5+s3] =	stream.indirect_vreg.scatter [tilespmem:s16], [sflag:$0x4], $0x80, v3, vm1, $0xb8;
	[tilespmem:$0x19000] =	vst v63  }
0x68d: {  	v3 =	vld [tilespmem:$0x640];
	_ =	sdelay $0x4  }
0x68e: {  	v20 =	vshrl.u32 v3, $0x3  }
0x68f: {  	v4 =	vmul.u32 $0x18, v20  }
0x690: {  	v3 =	vand.u32 $0x7, v3  }
0x691: {  	v3 =	vor.u32 v3, v4  }
0x692: {  	v4 =	vperm.xlane v3, v0;
	_ =	sdelay $0x1  }
0x693: {  	v4 =	vadd.s32 v1, v4;
	_ =	sdelay $0x1  }
0x694: {  	v3 =	vperm.xlane v3, v2;
	_ =	sdelay $0x1  }
0x695: {  	s13 =	simm.s32 $0x13000;
	v3 =	vadd.s32 v1, v3  }
0x696: {  	[hbm4b:s2+s3] =	stream.indirect_vreg.scatter [tilespmem:s13], [sflag:$0x4], $0x80, v4, vm0, $0xb8;
	[tilespmem:$0x19000] =	vst v63  }
0x697: {  	s14 =	simm.s32 $0x13800  }
0x698: {  	[hbm4b:s5+s3] =	stream.indirect_vreg.scatter [tilespmem:s14], [sflag:$0x4], $0x80, v4, vm1, $0xb8;
	[tilespmem:$0x19000] =	vst v63  }
0x699: {  	s15 =	simm.s32 $0x13C00  }
0x69a: {  	[hbm4b:s2+s3] =	stream.indirect_vreg.scatter [tilespmem:s15], [sflag:$0x4], $0x80, v3, vm0, $0xb8;
	[tilespmem:$0x19000] =	vst v63  }
0x69b: {  	s25 =	simm.s32 $0x14400  }
0x69c: {  	[hbm4b:s5+s3] =	stream.indirect_vreg.scatter [tilespmem:s25], [sflag:$0x4], $0x80, v3, vm1, $0xb8;
	[tilespmem:$0x19000] =	vst v63  }
0x69d: {  	v3 =	vld [tilespmem:$0x650];
	_ =	sdelay $0x4  }
0x69e: {  	v21 =	vshrl.u32 v3, $0x3  }
0x69f: {  	v4 =	vmul.u32 $0x18, v21  }
0x6a0: {  	v3 =	vand.u32 $0x7, v3  }
0x6a1: {  	v3 =	vor.u32 v3, v4  }
0x6a2: {  	v4 =	vperm.xlane v3, v0;
	_ =	sdelay $0x1  }
0x6a3: {  	v4 =	vadd.s32 v1, v4;
	_ =	sdelay $0x1  }
0x6a4: {  	v3 =	vperm.xlane v3, v2;
	_ =	sdelay $0x1  }
0x6a5: {  	s26 =	simm.s32 $0x14800;
	v3 =	vadd.s32 v1, v3  }
0x6a6: {  	[hbm4b:s2+s3] =	stream.indirect_vreg.scatter [tilespmem:s26], [sflag:$0x4], $0x80, v4, vm0, $0xb8;
	[tilespmem:$0x19000] =	vst v63  }
0x6a7: {  	s28 =	simm.s32 $0x15000  }
0x6a8: {  	[hbm4b:s5+s3] =	stream.indirect_vreg.scatter [tilespmem:s28], [sflag:$0x4], $0x80, v4, vm1, $0xb8;
	[tilespmem:$0x19000] =	vst v63  }
0x6a9: {  	s29 =	simm.s32 $0x15400  }
0x6aa: {  	[hbm4b:s2+s3] =	stream.indirect_vreg.scatter [tilespmem:s29], [sflag:$0x4], $0x80, v3, vm0, $0xb8;
	[tilespmem:$0x19000] =	vst v63  }
0x6ab: {  	s21 =	simm.s32 $0x15C00  }
0x6ac: {  	[hbm4b:s5+s3] =	stream.indirect_vreg.scatter [tilespmem:s21], [sflag:$0x4], $0x80, v3, vm1, $0xb8;
	[tilespmem:$0x19000] =	vst v63  }
0x6ad: {  	v3 =	vld [tilespmem:$0x660];
	_ =	sdelay $0x4  }
0x6ae: {  	v22 =	vshrl.u32 v3, $0x3  }
0x6af: {  	v4 =	vmul.u32 $0x18, v22  }
0x6b0: {  	v3 =	vand.u32 $0x7, v3  }
0x6b1: {  	v3 =	vor.u32 v3, v4  }
0x6b2: {  	v4 =	vperm.xlane v3, v0;
	_ =	sdelay $0x1  }
0x6b3: {  	v4 =	vadd.s32 v1, v4;
	_ =	sdelay $0x1  }
0x6b4: {  	v3 =	vperm.xlane v3, v2;
	_ =	sdelay $0x1  }
0x6b5: {  	s17 =	simm.s32 $0x16000;
	v3 =	vadd.s32 v1, v3  }
0x6b6: {  	[hbm4b:s2+s3] =	stream.indirect_vreg.scatter [tilespmem:s17], [sflag:$0x4], $0x80, v4, vm0, $0xb8;
	[tilespmem:$0x19000] =	vst v63  }
0x6b7: {  	s18 =	simm.s32 $0x16800  }
0x6b8: {  	[hbm4b:s5+s3] =	stream.indirect_vreg.scatter [tilespmem:s18], [sflag:$0x4], $0x80, v4, vm1, $0xb8;
	[tilespmem:$0x19000] =	vst v63  }
0x6b9: {  	s19 =	simm.s32 $0x16C00  }
0x6ba: {  	[hbm4b:s2+s3] =	stream.indirect_vreg.scatter [tilespmem:s19], [sflag:$0x4], $0x80, v3, vm0, $0xb8;
	[tilespmem:$0x19000] =	vst v63  }
0x6bb: {  	s22 =	simm.s32 $0x17400  }
0x6bc: {  	[hbm4b:s5+s3] =	stream.indirect_vreg.scatter [tilespmem:s22], [sflag:$0x4], $0x80, v3, vm1, $0xb8;
	[tilespmem:$0x19000] =	vst v63  }
0x6bd: {  	v3 =	vld [tilespmem:$0x670];
	_ =	sdelay $0x4  }
0x6be: {  	v23 =	vshrl.u32 v3, $0x3  }
0x6bf: {  	v4 =	vmul.u32 $0x18, v23  }
0x6c0: {  	v3 =	vand.u32 $0x7, v3  }
0x6c1: {  	v3 =	vor.u32 v3, v4  }
0x6c2: {  	v4 =	vperm.xlane v3, v0;
	_ =	sdelay $0x1  }
0x6c3: {  	v4 =	vadd.s32 v1, v4;
	_ =	sdelay $0x1  }
0x6c4: {  	v3 =	vperm.xlane v3, v2;
	_ =	sdelay $0x1  }
0x6c5: {  	s20 =	simm.s32 $0x17800;
	v3 =	vadd.s32 v1, v3  }
0x6c6: {  	[hbm4b:s2+s3] =	stream.indirect_vreg.scatter [tilespmem:s20], [sflag:$0x4], $0x80, v4, vm0, $0xb8;
	[tilespmem:$0x19000] =	vst v63  }
0x6c7: {  	s21 =	simm.s32 $0x18000  }
0x6c8: {  	[hbm4b:s5+s3] =	stream.indirect_vreg.scatter [tilespmem:s21], [sflag:$0x4], $0x80, v4, vm1, $0xb8;
	[tilespmem:$0x19000] =	vst v63  }
0x6c9: {  	s22 =	simm.s32 $0x18400  }
0x6ca: {  	[hbm4b:s2+s3] =	stream.indirect_vreg.scatter [tilespmem:s22], [sflag:$0x4], $0x80, v3, vm0, $0xb8;
	[tilespmem:$0x19000] =	vst v63  }
0x6cb: {  	s0 =	simm.s32 $0x18C00  }
0x6cc: {  	[hbm4b:s5+s3] =	stream.indirect_vreg.scatter [tilespmem:s0], [sflag:$0x4], $0x80, v3, vm1, $0xb8;
	[tilespmem:$0x19000] =	vst v63  }
0x6cd: {  	v3 =	vld [tilespmem:$0x680];
	_ =	sdelay $0x4  }
0x6ce: {  	v24 =	vshrl.u32 v3, $0x3  }
0x6cf: {  	v4 =	vmul.u32 $0x18, v24  }
0x6d0: {  	v3 =	vand.u32 $0x7, v3  }
0x6d1: {  	v3 =	vor.u32 v3, v4  }
0x6d2: {  	v4 =	vperm.xlane v3, v0;
	_ =	sdelay $0x1  }
0x6d3: {  	v4 =	vadd.s32 v1, v4;
	_ =	sdelay $0x1  }
0x6d4: {  	v3 =	vperm.xlane v3, v2;
	_ =	sdelay $0x1  }
0x6d5: {  	v3 =	vadd.s32 v1, v3  }
0x6d6: {  	[hbm4b:s2+s3] =	stream.indirect_vreg.scatter [tilespmem:s23], [sflag:$0x4], $0x80, v4, vm0, $0xb8;
	[tilespmem:$0x19000] =	vst v63  }
0x6d7: {  	_ = 	snop  }
0x6d8: {  	[hbm4b:s5+s3] =	stream.indirect_vreg.scatter [tilespmem:s24], [sflag:$0x4], $0x80, v4, vm1, $0xb8;
	[tilespmem:$0x19000] =	vst v63  }
0x6d9: {  	s24 =	simm.s32 $0xDC00  }
0x6da: {  	[hbm4b:s2+s3] =	stream.indirect_vreg.scatter [tilespmem:s24], [sflag:$0x4], $0x80, v3, vm0, $0xb8;
	[tilespmem:$0x19000] =	vst v63  }
0x6db: {  	s0 =	simm.s32 $0xE400  }
0x6dc: {  	[hbm4b:s5+s3] =	stream.indirect_vreg.scatter [tilespmem:s0], [sflag:$0x4], $0x80, v3, vm1, $0xb8;
	[tilespmem:$0x19000] =	vst v63  }
0x6dd: {  	v3 =	vld [tilespmem:$0x690];
	_ =	sdelay $0x4  }
0x6de: {  	v25 =	vshrl.u32 v3, $0x3  }
0x6df: {  	v4 =	vmul.u32 $0x18, v25  }
0x6e0: {  	v3 =	vand.u32 $0x7, v3  }
0x6e1: {  	v3 =	vor.u32 v3, v4  }
0x6e2: {  	v4 =	vperm.xlane v3, v0;
	_ =	sdelay $0x1  }
0x6e3: {  	v4 =	vadd.s32 v1, v4;
	_ =	sdelay $0x1  }
0x6e4: {  	v3 =	vperm.xlane v3, v2;
	_ =	sdelay $0x1  }
0x6e5: {  	v3 =	vadd.s32 v1, v3  }
0x6e6: {  	[hbm4b:s2+s3] =	stream.indirect_vreg.scatter [tilespmem:s4], [sflag:$0x4], $0x80, v4, vm0, $0xb8;
	[tilespmem:$0x19000] =	vst v63  }
0x6e7: {  	_ = 	snop  }
0x6e8: {  	[hbm4b:s5+s3] =	stream.indirect_vreg.scatter [tilespmem:s6], [sflag:$0x4], $0x80, v4, vm1, $0xb8;
	[tilespmem:$0x19000] =	vst v63  }
0x6e9: {  	_ = 	snop  }
0x6ea: {  	[hbm4b:s2+s3] =	stream.indirect_vreg.scatter [tilespmem:s7], [sflag:$0x4], $0x80, v3, vm0, $0xb8;
	[tilespmem:$0x19000] =	vst v63  }
0x6eb: {  	_ = 	snop  }
0x6ec: {  	[hbm4b:s5+s3] =	stream.indirect_vreg.scatter [tilespmem:s30], [sflag:$0x4], $0x80, v3, vm1, $0xb8;
	[tilespmem:$0x19000] =	vst v63  }
0x6ed: {  	v3 =	vld [tilespmem:$0x6A0];
	_ =	sdelay $0x4  }
0x6ee: {  	v26 =	vshrl.u32 v3, $0x3  }
0x6ef: {  	v4 =	vmul.u32 $0x18, v26  }
0x6f0: {  	v3 =	vand.u32 $0x7, v3  }
0x6f1: {  	v3 =	vor.u32 v3, v4  }
0x6f2: {  	v4 =	vperm.xlane v3, v0;
	_ =	sdelay $0x1  }
0x6f3: {  	v4 =	vadd.s32 v1, v4;
	_ =	sdelay $0x1  }
0x6f4: {  	v3 =	vperm.xlane v3, v2;
	_ =	sdelay $0x1  }
0x6f5: {  	v3 =	vadd.s32 v1, v3  }
0x6f6: {  	[hbm4b:s2+s3] =	stream.indirect_vreg.scatter [tilespmem:s8], [sflag:$0x4], $0x80, v4, vm0, $0xb8;
	[tilespmem:$0x19000] =	vst v63  }
0x6f7: {  	_ = 	snop  }
0x6f8: {  	[hbm4b:s5+s3] =	stream.indirect_vreg.scatter [tilespmem:s9], [sflag:$0x4], $0x80, v4, vm1, $0xb8;
	[tilespmem:$0x19000] =	vst v63  }
0x6f9: {  	_ = 	snop  }
0x6fa: {  	[hbm4b:s2+s3] =	stream.indirect_vreg.scatter [tilespmem:s10], [sflag:$0x4], $0x80, v3, vm0, $0xb8;
	[tilespmem:$0x19000] =	vst v63  }
0x6fb: {  	_ = 	snop  }
0x6fc: {  	[hbm4b:s5+s3] =	stream.indirect_vreg.scatter [tilespmem:s31], [sflag:$0x4], $0x80, v3, vm1, $0xb8;
	[tilespmem:$0x19000] =	vst v63  }
0x6fd: {  	v3 =	vld [tilespmem:$0x6B0];
	_ =	sdelay $0x4  }
0x6fe: {  	v27 =	vshrl.u32 v3, $0x3  }
0x6ff: {  	v4 =	vmul.u32 $0x18, v27  }
0x700: {  	v3 =	vand.u32 $0x7, v3  }
0x701: {  	v3 =	vor.u32 v3, v4  }
0x702: {  	v4 =	vperm.xlane v3, v0;
	_ =	sdelay $0x1  }
0x703: {  	v4 =	vadd.s32 v1, v4;
	_ =	sdelay $0x1  }
0x704: {  	v3 =	vperm.xlane v3, v2;
	_ =	sdelay $0x1  }
0x705: {  	v3 =	vadd.s32 v1, v3  }
0x706: {  	[hbm4b:s2+s3] =	stream.indirect_vreg.scatter [tilespmem:s1], [sflag:$0x4], $0x80, v4, vm0, $0xb8;
	[tilespmem:$0x19000] =	vst v63  }
0x707: {  	_ = 	snop  }
0x708: {  	[hbm4b:s5+s3] =	stream.indirect_vreg.scatter [tilespmem:s11], [sflag:$0x4], $0x80, v4, vm1, $0xb8;
	[tilespmem:$0x19000] =	vst v63  }
0x709: {  	_ = 	snop  }
0x70a: {  	[hbm4b:s2+s3] =	stream.indirect_vreg.scatter [tilespmem:s12], [sflag:$0x4], $0x80, v3, vm0, $0xb8;
	[tilespmem:$0x19000] =	vst v63  }
0x70b: {  	_ = 	snop  }
0x70c: {  	[hbm4b:s5+s3] =	stream.indirect_vreg.scatter [tilespmem:s16], [sflag:$0x4], $0x80, v3, vm1, $0xb8;
	[tilespmem:$0x19000] =	vst v63  }
0x70d: {  	v3 =	vld [tilespmem:$0x6C0];
	_ =	sdelay $0x4  }
0x70e: {  	v28 =	vshrl.u32 v3, $0x3  }
0x70f: {  	v4 =	vmul.u32 $0x18, v28  }
0x710: {  	v3 =	vand.u32 $0x7, v3  }
0x711: {  	v3 =	vor.u32 v3, v4  }
0x712: {  	v4 =	vperm.xlane v3, v0;
	_ =	sdelay $0x1  }
0x713: {  	v4 =	vadd.s32 v1, v4;
	_ =	sdelay $0x1  }
0x714: {  	v3 =	vperm.xlane v3, v2;
	_ =	sdelay $0x1  }
0x715: {  	v3 =	vadd.s32 v1, v3  }
0x716: {  	[hbm4b:s2+s3] =	stream.indirect_vreg.scatter [tilespmem:s13], [sflag:$0x4], $0x80, v4, vm0, $0xb8;
	[tilespmem:$0x19000] =	vst v63  }
0x717: {  	_ = 	snop  }
0x718: {  	[hbm4b:s5+s3] =	stream.indirect_vreg.scatter [tilespmem:s14], [sflag:$0x4], $0x80, v4, vm1, $0xb8;
	[tilespmem:$0x19000] =	vst v63  }
0x719: {  	_ = 	snop  }
0x71a: {  	[hbm4b:s2+s3] =	stream.indirect_vreg.scatter [tilespmem:s15], [sflag:$0x4], $0x80, v3, vm0, $0xb8;
	[tilespmem:$0x19000] =	vst v63  }
0x71b: {  	_ = 	snop  }
0x71c: {  	[hbm4b:s5+s3] =	stream.indirect_vreg.scatter [tilespmem:s25], [sflag:$0x4], $0x80, v3, vm1, $0xb8;
	[tilespmem:$0x19000] =	vst v63  }
0x71d: {  	v3 =	vld [tilespmem:$0x6D0];
	_ =	sdelay $0x4  }
0x71e: {  	v29 =	vshrl.u32 v3, $0x3  }
0x71f: {  	v4 =	vmul.u32 $0x18, v29  }
0x720: {  	v3 =	vand.u32 $0x7, v3  }
0x721: {  	v3 =	vor.u32 v3, v4  }
0x722: {  	v4 =	vperm.xlane v3, v0;
	_ =	sdelay $0x1  }
0x723: {  	v4 =	vadd.s32 v1, v4;
	_ =	sdelay $0x1  }
0x724: {  	v3 =	vperm.xlane v3, v2;
	_ =	sdelay $0x1  }
0x725: {  	v3 =	vadd.s32 v1, v3  }
0x726: {  	[hbm4b:s2+s3] =	stream.indirect_vreg.scatter [tilespmem:s26], [sflag:$0x4], $0x80, v4, vm0, $0xb8;
	[tilespmem:$0x19000] =	vst v63  }
0x727: {  	_ = 	snop  }
0x728: {  	[hbm4b:s5+s3] =	stream.indirect_vreg.scatter [tilespmem:s28], [sflag:$0x4], $0x80, v4, vm1, $0xb8;
	[tilespmem:$0x19000] =	vst v63  }
0x729: {  	_ = 	snop  }
0x72a: {  	[hbm4b:s2+s3] =	stream.indirect_vreg.scatter [tilespmem:s29], [sflag:$0x4], $0x80, v3, vm0, $0xb8;
	[tilespmem:$0x19000] =	vst v63  }
0x72b: {  	s12 =	simm.s32 $0x15C00  }
0x72c: {  	[hbm4b:s5+s3] =	stream.indirect_vreg.scatter [tilespmem:s12], [sflag:$0x4], $0x80, v3, vm1, $0xb8;
	[tilespmem:$0x19000] =	vst v63  }
0x72d: {  	v3 =	vld [tilespmem:$0x6E0];
	_ =	sdelay $0x4  }
0x72e: {  	v30 =	vshrl.u32 v3, $0x3  }
0x72f: {  	v4 =	vmul.u32 $0x18, v30  }
0x730: {  	v3 =	vand.u32 $0x7, v3  }
0x731: {  	v3 =	vor.u32 v3, v4  }
0x732: {  	v4 =	vperm.xlane v3, v0;
	_ =	sdelay $0x1  }
0x733: {  	v4 =	vadd.s32 v1, v4;
	_ =	sdelay $0x1  }
0x734: {  	v3 =	vperm.xlane v3, v2;
	_ =	sdelay $0x1  }
0x735: {  	v3 =	vadd.s32 v1, v3  }
0x736: {  	[hbm4b:s2+s3] =	stream.indirect_vreg.scatter [tilespmem:s17], [sflag:$0x4], $0x80, v4, vm0, $0xb8;
	[tilespmem:$0x19000] =	vst v63  }
0x737: {  	_ = 	snop  }
0x738: {  	[hbm4b:s5+s3] =	stream.indirect_vreg.scatter [tilespmem:s18], [sflag:$0x4], $0x80, v4, vm1, $0xb8;
	[tilespmem:$0x19000] =	vst v63  }
0x739: {  	_ = 	snop  }
0x73a: {  	[hbm4b:s2+s3] =	stream.indirect_vreg.scatter [tilespmem:s19], [sflag:$0x4], $0x80, v3, vm0, $0xb8;
	[tilespmem:$0x19000] =	vst v63  }
0x73b: {  	s13 =	simm.s32 $0x17400  }
0x73c: {  	[hbm4b:s5+s3] =	stream.indirect_vreg.scatter [tilespmem:s13], [sflag:$0x4], $0x80, v3, vm1, $0xb8;
	[tilespmem:$0x19000] =	vst v63  }
0x73d: {  	v3 =	vld [tilespmem:$0x6F0];
	_ =	sdelay $0x4  }
0x73e: {  	v31 =	vshrl.u32 v3, $0x3  }
0x73f: {  	v4 =	vmul.u32 $0x18, v31  }
0x740: {  	v3 =	vand.u32 $0x7, v3  }
0x741: {  	v3 =	vor.u32 v3, v4  }
0x742: {  	v4 =	vperm.xlane v3, v0;
	_ =	sdelay $0x1  }
0x743: {  	v4 =	vadd.s32 v1, v4;
	_ =	sdelay $0x1  }
0x744: {  	v3 =	vperm.xlane v3, v2;
	_ =	sdelay $0x1  }
0x745: {  	v3 =	vadd.s32 v1, v3  }
0x746: {  	[hbm4b:s2+s3] =	stream.indirect_vreg.scatter [tilespmem:s20], [sflag:$0x4], $0x80, v4, vm0, $0xb8;
	[tilespmem:$0x19000] =	vst v63  }
0x747: {  	_ = 	snop  }
0x748: {  	[hbm4b:s5+s3] =	stream.indirect_vreg.scatter [tilespmem:s21], [sflag:$0x4], $0x80, v4, vm1, $0xb8;
	[tilespmem:$0x19000] =	vst v63  }
0x749: {  	_ = 	snop  }
0x74a: {  	[hbm4b:s2+s3] =	stream.indirect_vreg.scatter [tilespmem:s22], [sflag:$0x4], $0x80, v3, vm0, $0xb8;
	[tilespmem:$0x19000] =	vst v63  }
0x74b: {  	s14 =	simm.s32 $0x18C00  }
0x74c: {  	[hbm4b:s5+s3] =	stream.indirect_vreg.scatter [tilespmem:s14], [sflag:$0x4], $0x80, v3, vm1, $0xb8;
	[tilespmem:$0x19000] =	vst v63  }
0x74d: {  	v3 =	vld [tilespmem:$0x700];
	_ =	sdelay $0x4  }
0x74e: {  	v32 =	vshrl.u32 v3, $0x3  }
0x74f: {  	v4 =	vmul.u32 $0x18, v32  }
0x750: {  	v3 =	vand.u32 $0x7, v3  }
0x751: {  	v3 =	vor.u32 v3, v4  }
0x752: {  	v4 =	vperm.xlane v3, v0;
	_ =	sdelay $0x1  }
0x753: {  	v4 =	vadd.s32 v1, v4;
	_ =	sdelay $0x1  }
0x754: {  	v3 =	vperm.xlane v3, v2;
	_ =	sdelay $0x1  }
0x755: {  	s23 =	simm.s32 $0xD000;
	v3 =	vadd.s32 v1, v3  }
0x756: {  	[hbm4b:s2+s3] =	stream.indirect_vreg.scatter [tilespmem:s23], [sflag:$0x4], $0x80, v4, vm0, $0xb8;
	[tilespmem:$0x19000] =	vst v63  }
0x757: {  	s17 =	simm.s32 $0xD800  }
0x758: {  	[hbm4b:s5+s3] =	stream.indirect_vreg.scatter [tilespmem:s17], [sflag:$0x4], $0x80, v4, vm1, $0xb8;
	[tilespmem:$0x19000] =	vst v63  }
0x759: {  	s24 =	simm.s32 $0xDC00  }
0x75a: {  	[hbm4b:s2+s3] =	stream.indirect_vreg.scatter [tilespmem:s24], [sflag:$0x4], $0x80, v3, vm0, $0xb8;
	[tilespmem:$0x19000] =	vst v63  }
0x75b: {  	s0 =	simm.s32 $0xE400  }
0x75c: {  	[hbm4b:s5+s3] =	stream.indirect_vreg.scatter [tilespmem:s0], [sflag:$0x4], $0x80, v3, vm1, $0xb8;
	[tilespmem:$0x19000] =	vst v63  }
0x75d: {  	v3 =	vld [tilespmem:$0x710];
	_ =	sdelay $0x4  }
0x75e: {  	v33 =	vshrl.u32 v3, $0x3  }
0x75f: {  	v4 =	vmul.u32 $0x18, v33  }
0x760: {  	v3 =	vand.u32 $0x7, v3  }
0x761: {  	v3 =	vor.u32 v3, v4  }
0x762: {  	v4 =	vperm.xlane v3, v0;
	_ =	sdelay $0x1  }
0x763: {  	v4 =	vadd.s32 v1, v4;
	_ =	sdelay $0x1  }
0x764: {  	v3 =	vperm.xlane v3, v2;
	_ =	sdelay $0x1  }
0x765: {  	s23 =	simm.s32 $0xE800;
	v3 =	vadd.s32 v1, v3  }
0x766: {  	[hbm4b:s2+s3] =	stream.indirect_vreg.scatter [tilespmem:s23], [sflag:$0x4], $0x80, v4, vm0, $0xb8;
	[tilespmem:$0x19000] =	vst v63  }
0x767: {  	s24 =	simm.s32 $0xF000  }
0x768: {  	[hbm4b:s5+s3] =	stream.indirect_vreg.scatter [tilespmem:s24], [sflag:$0x4], $0x80, v4, vm1, $0xb8;
	[tilespmem:$0x19000] =	vst v63  }
0x769: {  	s0 =	simm.s32 $0xF400  }
0x76a: {  	[hbm4b:s2+s3] =	stream.indirect_vreg.scatter [tilespmem:s0], [sflag:$0x4], $0x80, v3, vm0, $0xb8;
	[tilespmem:$0x19000] =	vst v63  }
0x76b: {  	s1 =	simm.s32 $0xFC00  }
0x76c: {  	[hbm4b:s5+s3] =	stream.indirect_vreg.scatter [tilespmem:s1], [sflag:$0x4], $0x80, v3, vm1, $0xb8;
	[tilespmem:$0x19000] =	vst v63  }
0x76d: {  	v3 =	vld [tilespmem:$0x720];
	_ =	sdelay $0x4  }
0x76e: {  	v34 =	vshrl.u32 v3, $0x3  }
0x76f: {  	v4 =	vmul.u32 $0x18, v34  }
0x770: {  	v3 =	vand.u32 $0x7, v3  }
0x771: {  	v3 =	vor.u32 v3, v4  }
0x772: {  	v4 =	vperm.xlane v3, v0;
	_ =	sdelay $0x1  }
0x773: {  	v4 =	vadd.s32 v1, v4;
	_ =	sdelay $0x1  }
0x774: {  	v3 =	vperm.xlane v3, v2;
	_ =	sdelay $0x1  }
0x775: {  	s30 =	simm.s32 $0x10000;
	v3 =	vadd.s32 v1, v3  }
0x776: {  	[hbm4b:s2+s3] =	stream.indirect_vreg.scatter [tilespmem:s30], [sflag:$0x4], $0x80, v4, vm0, $0xb8;
	[tilespmem:$0x19000] =	vst v63  }
0x777: {  	s6 =	simm.s32 $0x10800  }
0x778: {  	[hbm4b:s5+s3] =	stream.indirect_vreg.scatter [tilespmem:s6], [sflag:$0x4], $0x80, v4, vm1, $0xb8;
	[tilespmem:$0x19000] =	vst v63  }
0x779: {  	s7 =	simm.s32 $0x10C00  }
0x77a: {  	[hbm4b:s2+s3] =	stream.indirect_vreg.scatter [tilespmem:s7], [sflag:$0x4], $0x80, v3, vm0, $0xb8;
	[tilespmem:$0x19000] =	vst v63  }
0x77b: {  	s8 =	simm.s32 $0x11400  }
0x77c: {  	[hbm4b:s5+s3] =	stream.indirect_vreg.scatter [tilespmem:s8], [sflag:$0x4], $0x80, v3, vm1, $0xb8;
	[tilespmem:$0x19000] =	vst v63  }
0x77d: {  	v3 =	vld [tilespmem:$0x730];
	_ =	sdelay $0x4  }
0x77e: {  	v35 =	vshrl.u32 v3, $0x3  }
0x77f: {  	v4 =	vmul.u32 $0x18, v35  }
0x780: {  	v3 =	vand.u32 $0x7, v3  }
0x781: {  	v3 =	vor.u32 v3, v4  }
0x782: {  	v4 =	vperm.xlane v3, v0;
	_ =	sdelay $0x1  }
0x783: {  	v4 =	vadd.s32 v1, v4;
	_ =	sdelay $0x1  }
0x784: {  	v3 =	vperm.xlane v3, v2;
	_ =	sdelay $0x1  }
0x785: {  	s4 =	simm.s32 $0x11800;
	v3 =	vadd.s32 v1, v3  }
0x786: {  	[hbm4b:s2+s3] =	stream.indirect_vreg.scatter [tilespmem:s4], [sflag:$0x4], $0x80, v4, vm0, $0xb8;
	[tilespmem:$0x19000] =	vst v63  }
0x787: {  	s31 =	simm.s32 $0x12000  }
0x788: {  	[hbm4b:s5+s3] =	stream.indirect_vreg.scatter [tilespmem:s31], [sflag:$0x4], $0x80, v4, vm1, $0xb8;
	[tilespmem:$0x19000] =	vst v63  }
0x789: {  	s14 =	simm.s32 $0x12400  }
0x78a: {  	[hbm4b:s2+s3] =	stream.indirect_vreg.scatter [tilespmem:s14], [sflag:$0x4], $0x80, v3, vm0, $0xb8;
	[tilespmem:$0x19000] =	vst v63  }
0x78b: {  	s0 =	simm.s32 $0x12C00  }
0x78c: {  	[hbm4b:s5+s3] =	stream.indirect_vreg.scatter [tilespmem:s0], [sflag:$0x4], $0x80, v3, vm1, $0xb8;
	[tilespmem:$0x19000] =	vst v63  }
0x78d: {  	v3 =	vld [tilespmem:$0x740];
	_ =	sdelay $0x4  }
0x78e: {  	v36 =	vshrl.u32 v3, $0x3  }
0x78f: {  	v4 =	vmul.u32 $0x18, v36  }
0x790: {  	v3 =	vand.u32 $0x7, v3  }
0x791: {  	v3 =	vor.u32 v3, v4  }
0x792: {  	v4 =	vperm.xlane v3, v0;
	_ =	sdelay $0x1  }
0x793: {  	v4 =	vadd.s32 v1, v4;
	_ =	sdelay $0x1  }
0x794: {  	v3 =	vperm.xlane v3, v2;
	_ =	sdelay $0x1  }
0x795: {  	s16 =	simm.s32 $0x13000;
	v3 =	vadd.s32 v1, v3  }
0x796: {  	[hbm4b:s2+s3] =	stream.indirect_vreg.scatter [tilespmem:s16], [sflag:$0x4], $0x80, v4, vm0, $0xb8;
	[tilespmem:$0x19000] =	vst v63  }
0x797: {  	s4 =	simm.s32 $0x13800  }
0x798: {  	[hbm4b:s5+s3] =	stream.indirect_vreg.scatter [tilespmem:s4], [sflag:$0x4], $0x80, v4, vm1, $0xb8;
	[tilespmem:$0x19000] =	vst v63  }
0x799: {  	s7 =	simm.s32 $0x13C00  }
0x79a: {  	[hbm4b:s2+s3] =	stream.indirect_vreg.scatter [tilespmem:s7], [sflag:$0x4], $0x80, v3, vm0, $0xb8;
	[tilespmem:$0x19000] =	vst v63  }
0x79b: {  	s6 =	simm.s32 $0x14400  }
0x79c: {  	[hbm4b:s5+s3] =	stream.indirect_vreg.scatter [tilespmem:s6], [sflag:$0x4], $0x80, v3, vm1, $0xb8;
	[tilespmem:$0x19000] =	vst v63  }
0x79d: {  	v3 =	vld [tilespmem:$0x750];
	_ =	sdelay $0x4  }
0x79e: {  	v37 =	vshrl.u32 v3, $0x3  }
0x79f: {  	v4 =	vmul.u32 $0x18, v37  }
0x7a0: {  	v3 =	vand.u32 $0x7, v3  }
0x7a1: {  	v3 =	vor.u32 v3, v4  }
0x7a2: {  	v4 =	vperm.xlane v3, v0;
	_ =	sdelay $0x1  }
0x7a3: {  	v4 =	vadd.s32 v1, v4;
	_ =	sdelay $0x1  }
0x7a4: {  	v3 =	vperm.xlane v3, v2;
	_ =	sdelay $0x1  }
0x7a5: {  	s15 =	simm.s32 $0x14800;
	v3 =	vadd.s32 v1, v3  }
0x7a6: {  	[hbm4b:s2+s3] =	stream.indirect_vreg.scatter [tilespmem:s15], [sflag:$0x4], $0x80, v4, vm0, $0xb8;
	[tilespmem:$0x19000] =	vst v63  }
0x7a7: {  	s25 =	simm.s32 $0x15000  }
0x7a8: {  	[hbm4b:s5+s3] =	stream.indirect_vreg.scatter [tilespmem:s25], [sflag:$0x4], $0x80, v4, vm1, $0xb8;
	[tilespmem:$0x19000] =	vst v63  }
0x7a9: {  	s26 =	simm.s32 $0x15400  }
0x7aa: {  	[hbm4b:s2+s3] =	stream.indirect_vreg.scatter [tilespmem:s26], [sflag:$0x4], $0x80, v3, vm0, $0xb8;
	[tilespmem:$0x19000] =	vst v63  }
0x7ab: {  	s1 =	simm.s32 $0x15C00  }
0x7ac: {  	[hbm4b:s5+s3] =	stream.indirect_vreg.scatter [tilespmem:s1], [sflag:$0x4], $0x80, v3, vm1, $0xb8;
	[tilespmem:$0x19000] =	vst v63  }
0x7ad: {  	v3 =	vld [tilespmem:$0x760];
	_ =	sdelay $0x4  }
0x7ae: {  	v38 =	vshrl.u32 v3, $0x3  }
0x7af: {  	v4 =	vmul.u32 $0x18, v38  }
0x7b0: {  	v3 =	vand.u32 $0x7, v3  }
0x7b1: {  	v3 =	vor.u32 v3, v4  }
0x7b2: {  	v4 =	vperm.xlane v3, v0;
	_ =	sdelay $0x1  }
0x7b3: {  	v4 =	vadd.s32 v1, v4;
	_ =	sdelay $0x1  }
0x7b4: {  	v3 =	vperm.xlane v3, v2;
	_ =	sdelay $0x1  }
0x7b5: {  	s8 =	simm.s32 $0x16000;
	v3 =	vadd.s32 v1, v3  }
0x7b6: {  	[hbm4b:s2+s3] =	stream.indirect_vreg.scatter [tilespmem:s8], [sflag:$0x4], $0x80, v4, vm0, $0xb8;
	[tilespmem:$0x19000] =	vst v63  }
0x7b7: {  	s29 =	simm.s32 $0x16800  }
0x7b8: {  	[hbm4b:s5+s3] =	stream.indirect_vreg.scatter [tilespmem:s29], [sflag:$0x4], $0x80, v4, vm1, $0xb8;
	[tilespmem:$0x19000] =	vst v63  }
0x7b9: {  	s19 =	simm.s32 $0x16C00  }
0x7ba: {  	[hbm4b:s2+s3] =	stream.indirect_vreg.scatter [tilespmem:s19], [sflag:$0x4], $0x80, v3, vm0, $0xb8;
	[tilespmem:$0x19000] =	vst v63  }
0x7bb: {  	s18 =	simm.s32 $0x17400  }
0x7bc: {  	[hbm4b:s5+s3] =	stream.indirect_vreg.scatter [tilespmem:s18], [sflag:$0x4], $0x80, v3, vm1, $0xb8;
	[tilespmem:$0x19000] =	vst v63  }
0x7bd: {  	v3 =	vld [tilespmem:$0x770];
	_ =	sdelay $0x4  }
0x7be: {  	v39 =	vshrl.u32 v3, $0x3  }
0x7bf: {  	v4 =	vmul.u32 $0x18, v39  }
0x7c0: {  	v3 =	vand.u32 $0x7, v3  }
0x7c1: {  	v3 =	vor.u32 v3, v4  }
0x7c2: {  	v4 =	vperm.xlane v3, v0;
	_ =	sdelay $0x1  }
0x7c3: {  	v4 =	vadd.s32 v1, v4;
	_ =	sdelay $0x1  }
0x7c4: {  	v3 =	vperm.xlane v3, v2;
	_ =	sdelay $0x1  }
0x7c5: {  	s20 =	simm.s32 $0x17800;
	v3 =	vadd.s32 v1, v3  }
0x7c6: {  	[hbm4b:s2+s3] =	stream.indirect_vreg.scatter [tilespmem:s20], [sflag:$0x4], $0x80, v4, vm0, $0xb8;
	[tilespmem:$0x19000] =	vst v63  }
0x7c7: {  	s21 =	simm.s32 $0x18000  }
0x7c8: {  	[hbm4b:s5+s3] =	stream.indirect_vreg.scatter [tilespmem:s21], [sflag:$0x4], $0x80, v4, vm1, $0xb8;
	[tilespmem:$0x19000] =	vst v63  }
0x7c9: {  	s22 =	simm.s32 $0x18400  }
0x7ca: {  	[hbm4b:s2+s3] =	stream.indirect_vreg.scatter [tilespmem:s22], [sflag:$0x4], $0x80, v3, vm0, $0xb8;
	[tilespmem:$0x19000] =	vst v63  }
0x7cb: {  	s28 =	simm.s32 $0x18C00  }
0x7cc: {  	[hbm4b:s5+s3] =	stream.indirect_vreg.scatter [tilespmem:s28], [sflag:$0x4], $0x80, v3, vm1, $0xb8;
	[tilespmem:$0x19000] =	vst v63  }
0x7cd: {  	v3 =	vld [tilespmem:$0x780];
	_ =	sdelay $0x4  }
0x7ce: {  	v40 =	vshrl.u32 v3, $0x3  }
0x7cf: {  	v4 =	vmul.u32 $0x18, v40  }
0x7d0: {  	v3 =	vand.u32 $0x7, v3  }
0x7d1: {  	v3 =	vor.u32 v3, v4  }
0x7d2: {  	v4 =	vperm.xlane v3, v0;
	_ =	sdelay $0x1  }
0x7d3: {  	v4 =	vadd.s32 v1, v4;
	_ =	sdelay $0x1  }
0x7d4: {  	v3 =	vperm.xlane v3, v2;
	_ =	sdelay $0x1  }
0x7d5: {  	s28 =	simm.s32 $0xD000;
	v3 =	vadd.s32 v1, v3  }
0x7d6: {  	[hbm4b:s2+s3] =	stream.indirect_vreg.scatter [tilespmem:s28], [sflag:$0x4], $0x80, v4, vm0, $0xb8;
	[tilespmem:$0x19000] =	vst v63  }
0x7d7: {  	s10 =	simm.s32 $0xD800  }
0x7d8: {  	[hbm4b:s5+s3] =	stream.indirect_vreg.scatter [tilespmem:s10], [sflag:$0x4], $0x80, v4, vm1, $0xb8;
	[tilespmem:$0x19000] =	vst v63  }
0x7d9: {  	s17 =	simm.s32 $0xDC00  }
0x7da: {  	[hbm4b:s2+s3] =	stream.indirect_vreg.scatter [tilespmem:s17], [sflag:$0x4], $0x80, v3, vm0, $0xb8;
	[tilespmem:$0x19000] =	vst v63  }
0x7db: {  	s17 =	simm.s32 $0xE400  }
0x7dc: {  	[hbm4b:s5+s3] =	stream.indirect_vreg.scatter [tilespmem:s17], [sflag:$0x4], $0x80, v3, vm1, $0xb8;
	[tilespmem:$0x19000] =	vst v63  }
0x7dd: {  	v3 =	vld [tilespmem:$0x790];
	_ =	sdelay $0x4  }
0x7de: {  	v41 =	vshrl.u32 v3, $0x3  }
0x7df: {  	v4 =	vmul.u32 $0x18, v41  }
0x7e0: {  	v3 =	vand.u32 $0x7, v3  }
0x7e1: {  	v3 =	vor.u32 v3, v4  }
0x7e2: {  	v4 =	vperm.xlane v3, v0;
	_ =	sdelay $0x1  }
0x7e3: {  	v4 =	vadd.s32 v1, v4;
	_ =	sdelay $0x1  }
0x7e4: {  	v3 =	vperm.xlane v3, v2;
	_ =	sdelay $0x1  }
0x7e5: {  	s17 =	simm.s32 $0xE800;
	v3 =	vadd.s32 v1, v3  }
0x7e6: {  	[hbm4b:s2+s3] =	stream.indirect_vreg.scatter [tilespmem:s17], [sflag:$0x4], $0x80, v4, vm0, $0xb8;
	[tilespmem:$0x19000] =	vst v63  }
0x7e7: {  	s17 =	simm.s32 $0xF000  }
0x7e8: {  	[hbm4b:s5+s3] =	stream.indirect_vreg.scatter [tilespmem:s17], [sflag:$0x4], $0x80, v4, vm1, $0xb8;
	[tilespmem:$0x19000] =	vst v63  }
0x7e9: {  	s17 =	simm.s32 $0xF400  }
0x7ea: {  	[hbm4b:s2+s3] =	stream.indirect_vreg.scatter [tilespmem:s17], [sflag:$0x4], $0x80, v3, vm0, $0xb8;
	[tilespmem:$0x19000] =	vst v63  }
0x7eb: {  	s12 =	simm.s32 $0xFC00  }
0x7ec: {  	[hbm4b:s5+s3] =	stream.indirect_vreg.scatter [tilespmem:s12], [sflag:$0x4], $0x80, v3, vm1, $0xb8;
	[tilespmem:$0x19000] =	vst v63  }
0x7ed: {  	v3 =	vld [tilespmem:$0x7A0];
	_ =	sdelay $0x4  }
0x7ee: {  	v42 =	vshrl.u32 v3, $0x3  }
0x7ef: {  	v4 =	vmul.u32 $0x18, v42  }
0x7f0: {  	v3 =	vand.u32 $0x7, v3  }
0x7f1: {  	v3 =	vor.u32 v3, v4  }
0x7f2: {  	v4 =	vperm.xlane v3, v0;
	_ =	sdelay $0x1  }
0x7f3: {  	v4 =	vadd.s32 v1, v4;
	_ =	sdelay $0x1  }
0x7f4: {  	v3 =	vperm.xlane v3, v2;
	_ =	sdelay $0x1  }
0x7f5: {  	s9 =	simm.s32 $0x10000;
	v3 =	vadd.s32 v1, v3  }
0x7f6: {  	[hbm4b:s2+s3] =	stream.indirect_vreg.scatter [tilespmem:s9], [sflag:$0x4], $0x80, v4, vm0, $0xb8;
	[tilespmem:$0x19000] =	vst v63  }
0x7f7: {  	s30 =	simm.s32 $0x10800  }
0x7f8: {  	[hbm4b:s5+s3] =	stream.indirect_vreg.scatter [tilespmem:s30], [sflag:$0x4], $0x80, v4, vm1, $0xb8;
	[tilespmem:$0x19000] =	vst v63  }
0x7f9: {  	s11 =	simm.s32 $0x10C00  }
0x7fa: {  	[hbm4b:s2+s3] =	stream.indirect_vreg.scatter [tilespmem:s11], [sflag:$0x4], $0x80, v3, vm0, $0xb8;
	[tilespmem:$0x19000] =	vst v63  }
0x7fb: {  	s13 =	simm.s32 $0x11400  }
0x7fc: {  	[hbm4b:s5+s3] =	stream.indirect_vreg.scatter [tilespmem:s13], [sflag:$0x4], $0x80, v3, vm1, $0xb8;
	[tilespmem:$0x19000] =	vst v63  }
0x7fd: {  	v3 =	vld [tilespmem:$0x7B0];
	_ =	sdelay $0x4  }
0x7fe: {  	v43 =	vshrl.u32 v3, $0x3  }
0x7ff: {  	v4 =	vmul.u32 $0x18, v43  }
0x800: {  	v3 =	vand.u32 $0x7, v3  }
0x801: {  	v3 =	vor.u32 v3, v4  }
0x802: {  	v4 =	vperm.xlane v3, v0;
	_ =	sdelay $0x1  }
0x803: {  	v4 =	vadd.s32 v1, v4;
	_ =	sdelay $0x1  }
0x804: {  	v3 =	vperm.xlane v3, v2;
	_ =	sdelay $0x1  }
0x805: {  	s24 =	simm.s32 $0x11800;
	v3 =	vadd.s32 v1, v3  }
0x806: {  	[hbm4b:s2+s3] =	stream.indirect_vreg.scatter [tilespmem:s24], [sflag:$0x4], $0x80, v4, vm0, $0xb8;
	[tilespmem:$0x19000] =	vst v63  }
0x807: {  	s23 =	simm.s32 $0x12000  }
0x808: {  	[hbm4b:s5+s3] =	stream.indirect_vreg.scatter [tilespmem:s23], [sflag:$0x4], $0x80, v4, vm1, $0xb8;
	[tilespmem:$0x19000] =	vst v63  }
0x809: {  	s31 =	simm.s32 $0x12400  }
0x80a: {  	[hbm4b:s2+s3] =	stream.indirect_vreg.scatter [tilespmem:s31], [sflag:$0x4], $0x80, v3, vm0, $0xb8;
	[tilespmem:$0x19000] =	vst v63  }
0x80b: {  	_ = 	snop  }
0x80c: {  	[hbm4b:s5+s3] =	stream.indirect_vreg.scatter [tilespmem:s0], [sflag:$0x4], $0x80, v3, vm1, $0xb8;
	[tilespmem:$0x19000] =	vst v63  }
0x80d: {  	v3 =	vld [tilespmem:$0x7C0];
	_ =	sdelay $0x4  }
0x80e: {  	v44 =	vshrl.u32 v3, $0x3  }
0x80f: {  	v4 =	vmul.u32 $0x18, v44  }
0x810: {  	v3 =	vand.u32 $0x7, v3  }
0x811: {  	v3 =	vor.u32 v3, v4  }
0x812: {  	v4 =	vperm.xlane v3, v0;
	_ =	sdelay $0x1  }
0x813: {  	v4 =	vadd.s32 v1, v4;
	_ =	sdelay $0x1  }
0x814: {  	v3 =	vperm.xlane v3, v2;
	_ =	sdelay $0x1  }
0x815: {  	s14 =	simm.s32 $0x13000;
	v3 =	vadd.s32 v1, v3  }
0x816: {  	[hbm4b:s2+s3] =	stream.indirect_vreg.scatter [tilespmem:s14], [sflag:$0x4], $0x80, v4, vm0, $0xb8;
	[tilespmem:$0x19000] =	vst v63  }
0x817: {  	_ = 	snop  }
0x818: {  	[hbm4b:s5+s3] =	stream.indirect_vreg.scatter [tilespmem:s4], [sflag:$0x4], $0x80, v4, vm1, $0xb8;
	[tilespmem:$0x19000] =	vst v63  }
0x819: {  	_ = 	snop  }
0x81a: {  	[hbm4b:s2+s3] =	stream.indirect_vreg.scatter [tilespmem:s7], [sflag:$0x4], $0x80, v3, vm0, $0xb8;
	[tilespmem:$0x19000] =	vst v63  }
0x81b: {  	_ = 	snop  }
0x81c: {  	[hbm4b:s5+s3] =	stream.indirect_vreg.scatter [tilespmem:s6], [sflag:$0x4], $0x80, v3, vm1, $0xb8;
	[tilespmem:$0x19000] =	vst v63  }
0x81d: {  	v3 =	vld [tilespmem:$0x7D0];
	_ =	sdelay $0x4  }
0x81e: {  	v45 =	vshrl.u32 v3, $0x3  }
0x81f: {  	v4 =	vmul.u32 $0x18, v45  }
0x820: {  	v3 =	vand.u32 $0x7, v3  }
0x821: {  	v3 =	vor.u32 v3, v4  }
0x822: {  	v4 =	vperm.xlane v3, v0;
	_ =	sdelay $0x1  }
0x823: {  	v4 =	vadd.s32 v1, v4;
	_ =	sdelay $0x1  }
0x824: {  	v3 =	vperm.xlane v3, v2;
	_ =	sdelay $0x1  }
0x825: {  	s16 =	simm.s32 $0x14800;
	v3 =	vadd.s32 v1, v3  }
0x826: {  	[hbm4b:s2+s3] =	stream.indirect_vreg.scatter [tilespmem:s16], [sflag:$0x4], $0x80, v4, vm0, $0xb8;
	[tilespmem:$0x19000] =	vst v63  }
0x827: {  	s15 =	simm.s32 $0x15000  }
0x828: {  	[hbm4b:s5+s3] =	stream.indirect_vreg.scatter [tilespmem:s15], [sflag:$0x4], $0x80, v4, vm1, $0xb8;
	[tilespmem:$0x19000] =	vst v63  }
0x829: {  	s25 =	simm.s32 $0x15400  }
0x82a: {  	[hbm4b:s2+s3] =	stream.indirect_vreg.scatter [tilespmem:s25], [sflag:$0x4], $0x80, v3, vm0, $0xb8;
	[tilespmem:$0x19000] =	vst v63  }
0x82b: {  	_ = 	snop  }
0x82c: {  	[hbm4b:s5+s3] =	stream.indirect_vreg.scatter [tilespmem:s1], [sflag:$0x4], $0x80, v3, vm1, $0xb8;
	[tilespmem:$0x19000] =	vst v63  }
0x82d: {  	v3 =	vld [tilespmem:$0x7E0];
	_ =	sdelay $0x4  }
0x82e: {  	v46 =	vshrl.u32 v3, $0x3  }
0x82f: {  	v4 =	vmul.u32 $0x18, v46  }
0x830: {  	v3 =	vand.u32 $0x7, v3  }
0x831: {  	v3 =	vor.u32 v3, v4  }
0x832: {  	v4 =	vperm.xlane v3, v0;
	_ =	sdelay $0x1  }
0x833: {  	v4 =	vadd.s32 v1, v4;
	_ =	sdelay $0x1  }
0x834: {  	v3 =	vperm.xlane v3, v2;
	_ =	sdelay $0x1  }
0x835: {  	v3 =	vadd.s32 v1, v3  }
0x836: {  	[hbm4b:s2+s3] =	stream.indirect_vreg.scatter [tilespmem:s8], [sflag:$0x4], $0x80, v4, vm0, $0xb8;
	[tilespmem:$0x19000] =	vst v63  }
0x837: {  	s29 =	simm.s32 $0x16800  }
0x838: {  	[hbm4b:s5+s3] =	stream.indirect_vreg.scatter [tilespmem:s29], [sflag:$0x4], $0x80, v4, vm1, $0xb8;
	[tilespmem:$0x19000] =	vst v63  }
0x839: {  	s19 =	simm.s32 $0x16C00  }
0x83a: {  	[hbm4b:s2+s3] =	stream.indirect_vreg.scatter [tilespmem:s19], [sflag:$0x4], $0x80, v3, vm0, $0xb8;
	[tilespmem:$0x19000] =	vst v63  }
0x83b: {  	s26 =	simm.s32 $0x17400  }
0x83c: {  	[hbm4b:s5+s3] =	stream.indirect_vreg.scatter [tilespmem:s26], [sflag:$0x4], $0x80, v3, vm1, $0xb8;
	[tilespmem:$0x19000] =	vst v63  }
0x83d: {  	v3 =	vld [tilespmem:$0x7F0];
	_ =	sdelay $0x4  }
0x83e: {  	v47 =	vshrl.u32 v3, $0x3  }
0x83f: {  	v4 =	vmul.u32 $0x18, v47  }
0x840: {  	v3 =	vand.u32 $0x7, v3  }
0x841: {  	v3 =	vor.u32 v3, v4  }
0x842: {  	v4 =	vperm.xlane v3, v0;
	_ =	sdelay $0x1  }
0x843: {  	v4 =	vadd.s32 v1, v4;
	_ =	sdelay $0x1  }
0x844: {  	v3 =	vperm.xlane v3, v2;
	_ =	sdelay $0x1  }
0x845: {  	s20 =	simm.s32 $0x17800;
	v3 =	vadd.s32 v1, v3  }
0x846: {  	[hbm4b:s2+s3] =	stream.indirect_vreg.scatter [tilespmem:s20], [sflag:$0x4], $0x80, v4, vm0, $0xb8;
	[tilespmem:$0x19000] =	vst v63  }
0x847: {  	s21 =	simm.s32 $0x18000  }
0x848: {  	[hbm4b:s5+s3] =	stream.indirect_vreg.scatter [tilespmem:s21], [sflag:$0x4], $0x80, v4, vm1, $0xb8;
	[tilespmem:$0x19000] =	vst v63  }
0x849: {  	s22 =	simm.s32 $0x18400  }
0x84a: {  	[hbm4b:s2+s3] =	stream.indirect_vreg.scatter [tilespmem:s22], [sflag:$0x4], $0x80, v3, vm0, $0xb8;
	[tilespmem:$0x19000] =	vst v63  }
0x84b: {  	s18 =	simm.s32 $0x18C00;
	s24 =	simm.s32 $0x4  }
0x84c: {  	[hbm4b:s5+s3] =	stream.indirect_vreg.scatter [tilespmem:s18], [sflag:$0x4], $0x80, v3, vm1, $0xb8;
	[tilespmem:$0x19000] =	vst v63  }
0x84d: {  	_ =	swait.ge [sflag:s24], $0xC000  }
0x84e: {  	[sflag:s24] =	ssyncset.done $0x0  }
0x84f: {  	[sflag:s24] =	ssyncadd.s32 $0xFFFF4000  }
0x850: {  	_ =	swait.ge [sflag:s24], $0xC000  }
0x851: {  	[sflag:s24] =	ssyncset.done $0x0  }
0x852: {  	[sflag:s24] =	ssyncadd.s32 $0xFFFF4000  }
0x853: {  	_ =	swait.ge [sflag:s24], $0xC000  }
0x854: {  	[sflag:s24] =	ssyncset.done $0x0  }
0x855: {  	[sflag:s24] =	ssyncadd.s32 $0xFFFF4000  }
0x856: {  	_ =	swait.ge [sflag:s24], $0xC000  }
0x857: {  	s28 =	simm.s32 $0xD000;
	[sflag:s24] =	ssyncset.done $0x0  }
0x858: {  	s26 =	simm.s32 $0x1;
	s25 =	rddreg [dreg:$0x9];
	[sflag:s24] =	ssyncadd.s32 $0xFFFF4000  }
0x859: {  	[tilespmem:s28], [sflag:$0x2] =	stream.linear.gather [hbm4b:s25+s3], $0xC000, $0x38;
	[tilespmem:$0x19000] =	vst v63  }
0x85a: {  	_ =	swait.ge [sflag:s26], $0xC000  }
0x85b: {  	[sflag:s26] =	ssyncset.done $0x0  }
0x85c: {  	[sflag:s26] =	ssyncadd.s32 $0xFFFF4000  }
0x85d: {  	v3 =	vld [tilespmem:$0x800];
	_ =	sdelay $0x4  }
0x85e: {  	v48 =	vshrl.u32 v3, $0x3  }
0x85f: {  	v4 =	vmul.u32 $0x18, v48  }
0x860: {  	v3 =	vand.u32 $0x7, v3  }
0x861: {  	v3 =	vor.u32 v3, v4  }
0x862: {  	v4 =	vperm.xlane v3, v0;
	_ =	sdelay $0x1  }
0x863: {  	v4 =	vadd.s32 v1, v4;
	_ =	sdelay $0x1  }
0x864: {  	v3 =	vperm.xlane v3, v2;
	_ =	sdelay $0x1  }
0x865: {  	s9 =	simm.s32 $0x1000;
	v3 =	vadd.s32 v1, v3  }
0x866: {  	[hbm4b:s2+s3] =	stream.indirect_vreg.scatter [tilespmem:s9], [sflag:$0x3], $0x80, v4, vm0, $0xb8;
	[tilespmem:$0x19000] =	vst v63  }
0x867: {  	s28 =	simm.s32 $0x1800  }
0x868: {  	[hbm4b:s5+s3] =	stream.indirect_vreg.scatter [tilespmem:s28], [sflag:$0x3], $0x80, v4, vm1, $0xb8;
	[tilespmem:$0x19000] =	vst v63  }
0x869: {  	s4 =	simm.s32 $0x1C00  }
0x86a: {  	[hbm4b:s2+s3] =	stream.indirect_vreg.scatter [tilespmem:s4], [sflag:$0x3], $0x80, v3, vm0, $0xb8;
	[tilespmem:$0x19000] =	vst v63  }
0x86b: {  	s16 =	simm.s32 $0x2400  }
0x86c: {  	[hbm4b:s5+s3] =	stream.indirect_vreg.scatter [tilespmem:s16], [sflag:$0x3], $0x80, v3, vm1, $0xb8;
	[tilespmem:$0x19000] =	vst v63  }
0x86d: {  	v3 =	vld [tilespmem:$0x810];
	_ =	sdelay $0x4  }
0x86e: {  	v49 =	vshrl.u32 v3, $0x3  }
0x86f: {  	v4 =	vmul.u32 $0x18, v49  }
0x870: {  	v3 =	vand.u32 $0x7, v3  }
0x871: {  	v3 =	vor.u32 v3, v4  }
0x872: {  	v4 =	vperm.xlane v3, v0;
	_ =	sdelay $0x1  }
0x873: {  	v4 =	vadd.s32 v1, v4;
	_ =	sdelay $0x1  }
0x874: {  	v3 =	vperm.xlane v3, v2;
	_ =	sdelay $0x1  }
0x875: {  	s6 =	simm.s32 $0x2800;
	v3 =	vadd.s32 v1, v3  }
0x876: {  	[hbm4b:s2+s3] =	stream.indirect_vreg.scatter [tilespmem:s6], [sflag:$0x3], $0x80, v4, vm0, $0xb8;
	[tilespmem:$0x19000] =	vst v63  }
0x877: {  	s7 =	simm.s32 $0x3000  }
0x878: {  	[hbm4b:s5+s3] =	stream.indirect_vreg.scatter [tilespmem:s7], [sflag:$0x3], $0x80, v4, vm1, $0xb8;
	[tilespmem:$0x19000] =	vst v63  }
0x879: {  	s8 =	simm.s32 $0x3400  }
0x87a: {  	[hbm4b:s2+s3] =	stream.indirect_vreg.scatter [tilespmem:s8], [sflag:$0x3], $0x80, v3, vm0, $0xb8;
	[tilespmem:$0x19000] =	vst v63  }
0x87b: {  	s23 =	simm.s32 $0x3C00  }
0x87c: {  	[hbm4b:s5+s3] =	stream.indirect_vreg.scatter [tilespmem:s23], [sflag:$0x3], $0x80, v3, vm1, $0xb8;
	[tilespmem:$0x19000] =	vst v63  }
0x87d: {  	v3 =	vld [tilespmem:$0x820];
	_ =	sdelay $0x4  }
0x87e: {  	v50 =	vshrl.u32 v3, $0x3  }
0x87f: {  	v4 =	vmul.u32 $0x18, v50  }
0x880: {  	v3 =	vand.u32 $0x7, v3  }
0x881: {  	v3 =	vor.u32 v3, v4  }
0x882: {  	v4 =	vperm.xlane v3, v0;
	_ =	sdelay $0x1  }
0x883: {  	v4 =	vadd.s32 v1, v4;
	_ =	sdelay $0x1  }
0x884: {  	v3 =	vperm.xlane v3, v2;
	_ =	sdelay $0x1  }
0x885: {  	s10 =	simm.s32 $0x4000;
	v3 =	vadd.s32 v1, v3  }
0x886: {  	[hbm4b:s2+s3] =	stream.indirect_vreg.scatter [tilespmem:s10], [sflag:$0x3], $0x80, v4, vm0, $0xb8;
	[tilespmem:$0x19000] =	vst v63  }
0x887: {  	s11 =	simm.s32 $0x4800  }
0x888: {  	[hbm4b:s5+s3] =	stream.indirect_vreg.scatter [tilespmem:s11], [sflag:$0x3], $0x80, v4, vm1, $0xb8;
	[tilespmem:$0x19000] =	vst v63  }
0x889: {  	s12 =	simm.s32 $0x4C00  }
0x88a: {  	[hbm4b:s2+s3] =	stream.indirect_vreg.scatter [tilespmem:s12], [sflag:$0x3], $0x80, v3, vm0, $0xb8;
	[tilespmem:$0x19000] =	vst v63  }
0x88b: {  	s25 =	simm.s32 $0x5400  }
0x88c: {  	[hbm4b:s5+s3] =	stream.indirect_vreg.scatter [tilespmem:s25], [sflag:$0x3], $0x80, v3, vm1, $0xb8;
	[tilespmem:$0x19000] =	vst v63  }
0x88d: {  	v3 =	vld [tilespmem:$0x830];
	_ =	sdelay $0x4  }
0x88e: {  	v51 =	vshrl.u32 v3, $0x3  }
0x88f: {  	v4 =	vmul.u32 $0x18, v51  }
0x890: {  	v3 =	vand.u32 $0x7, v3  }
0x891: {  	v3 =	vor.u32 v3, v4  }
0x892: {  	v4 =	vperm.xlane v3, v0;
	_ =	sdelay $0x1  }
0x893: {  	v4 =	vadd.s32 v1, v4;
	_ =	sdelay $0x1  }
0x894: {  	v3 =	vperm.xlane v3, v2;
	_ =	sdelay $0x1  }
0x895: {  	s13 =	simm.s32 $0x5800;
	v3 =	vadd.s32 v1, v3  }
0x896: {  	[hbm4b:s2+s3] =	stream.indirect_vreg.scatter [tilespmem:s13], [sflag:$0x3], $0x80, v4, vm0, $0xb8;
	[tilespmem:$0x19000] =	vst v63  }
0x897: {  	s14 =	simm.s32 $0x6000  }
0x898: {  	[hbm4b:s5+s3] =	stream.indirect_vreg.scatter [tilespmem:s14], [sflag:$0x3], $0x80, v4, vm1, $0xb8;
	[tilespmem:$0x19000] =	vst v63  }
0x899: {  	s15 =	simm.s32 $0x6400  }
0x89a: {  	[hbm4b:s2+s3] =	stream.indirect_vreg.scatter [tilespmem:s15], [sflag:$0x3], $0x80, v3, vm0, $0xb8;
	[tilespmem:$0x19000] =	vst v63  }
0x89b: {  	s31 =	simm.s32 $0x6C00  }
0x89c: {  	[hbm4b:s5+s3] =	stream.indirect_vreg.scatter [tilespmem:s31], [sflag:$0x3], $0x80, v3, vm1, $0xb8;
	[tilespmem:$0x19000] =	vst v63  }
0x89d: {  	v3 =	vld [tilespmem:$0x840];
	_ =	sdelay $0x4  }
0x89e: {  	v52 =	vshrl.u32 v3, $0x3  }
0x89f: {  	v4 =	vmul.u32 $0x18, v52  }
0x8a0: {  	v3 =	vand.u32 $0x7, v3  }
0x8a1: {  	v3 =	vor.u32 v3, v4  }
0x8a2: {  	v4 =	vperm.xlane v3, v0;
	_ =	sdelay $0x1  }
0x8a3: {  	v4 =	vadd.s32 v1, v4;
	_ =	sdelay $0x1  }
0x8a4: {  	v3 =	vperm.xlane v3, v2;
	_ =	sdelay $0x1  }
0x8a5: {  	s17 =	simm.s32 $0x7000;
	v3 =	vadd.s32 v1, v3  }
0x8a6: {  	[hbm4b:s2+s3] =	stream.indirect_vreg.scatter [tilespmem:s17], [sflag:$0x3], $0x80, v4, vm0, $0xb8;
	[tilespmem:$0x19000] =	vst v63  }
0x8a7: {  	s18 =	simm.s32 $0x7800  }
0x8a8: {  	[hbm4b:s5+s3] =	stream.indirect_vreg.scatter [tilespmem:s18], [sflag:$0x3], $0x80, v4, vm1, $0xb8;
	[tilespmem:$0x19000] =	vst v63  }
0x8a9: {  	s19 =	simm.s32 $0x7C00  }
0x8aa: {  	[hbm4b:s2+s3] =	stream.indirect_vreg.scatter [tilespmem:s19], [sflag:$0x3], $0x80, v3, vm0, $0xb8;
	[tilespmem:$0x19000] =	vst v63  }
0x8ab: {  	s29 =	simm.s32 $0x8400  }
0x8ac: {  	[hbm4b:s5+s3] =	stream.indirect_vreg.scatter [tilespmem:s29], [sflag:$0x3], $0x80, v3, vm1, $0xb8;
	[tilespmem:$0x19000] =	vst v63  }
0x8ad: {  	v3 =	vld [tilespmem:$0x850];
	_ =	sdelay $0x4  }
0x8ae: {  	v53 =	vshrl.u32 v3, $0x3  }
0x8af: {  	v4 =	vmul.u32 $0x18, v53  }
0x8b0: {  	v3 =	vand.u32 $0x7, v3  }
0x8b1: {  	v3 =	vor.u32 v3, v4  }
0x8b2: {  	v4 =	vperm.xlane v3, v0;
	_ =	sdelay $0x1  }
0x8b3: {  	v4 =	vadd.s32 v1, v4;
	_ =	sdelay $0x1  }
0x8b4: {  	v3 =	vperm.xlane v3, v2;
	_ =	sdelay $0x1  }
0x8b5: {  	s20 =	simm.s32 $0x8800;
	v3 =	vadd.s32 v1, v3  }
0x8b6: {  	[hbm4b:s2+s3] =	stream.indirect_vreg.scatter [tilespmem:s20], [sflag:$0x3], $0x80, v4, vm0, $0xb8;
	[tilespmem:$0x19000] =	vst v63  }
0x8b7: {  	s21 =	simm.s32 $0x9000  }
0x8b8: {  	[hbm4b:s5+s3] =	stream.indirect_vreg.scatter [tilespmem:s21], [sflag:$0x3], $0x80, v4, vm1, $0xb8;
	[tilespmem:$0x19000] =	vst v63  }
0x8b9: {  	s22 =	simm.s32 $0x9400  }
0x8ba: {  	[hbm4b:s2+s3] =	stream.indirect_vreg.scatter [tilespmem:s22], [sflag:$0x3], $0x80, v3, vm0, $0xb8;
	[tilespmem:$0x19000] =	vst v63  }
0x8bb: {  	s30 =	simm.s32 $0x9C00  }
0x8bc: {  	[hbm4b:s5+s3] =	stream.indirect_vreg.scatter [tilespmem:s30], [sflag:$0x3], $0x80, v3, vm1, $0xb8;
	[tilespmem:$0x19000] =	vst v63  }
0x8bd: {  	v3 =	vld [tilespmem:$0x860];
	_ =	sdelay $0x4  }
0x8be: {  	v54 =	vshrl.u32 v3, $0x3  }
0x8bf: {  	v4 =	vmul.u32 $0x18, v54  }
0x8c0: {  	v3 =	vand.u32 $0x7, v3  }
0x8c1: {  	v3 =	vor.u32 v3, v4  }
0x8c2: {  	v4 =	vperm.xlane v3, v0;
	_ =	sdelay $0x1  }
0x8c3: {  	v4 =	vadd.s32 v1, v4;
	_ =	sdelay $0x1  }
0x8c4: {  	v3 =	vperm.xlane v3, v2;
	_ =	sdelay $0x1  }
0x8c5: {  	s24 =	simm.s32 $0xA000;
	v3 =	vadd.s32 v1, v3  }
0x8c6: {  	[hbm4b:s2+s3] =	stream.indirect_vreg.scatter [tilespmem:s24], [sflag:$0x3], $0x80, v4, vm0, $0xb8;
	[tilespmem:$0x19000] =	vst v63  }
0x8c7: {  	s26 =	simm.s32 $0xA800  }
0x8c8: {  	[hbm4b:s5+s3] =	stream.indirect_vreg.scatter [tilespmem:s26], [sflag:$0x3], $0x80, v4, vm1, $0xb8;
	[tilespmem:$0x19000] =	vst v63  }
0x8c9: {  	s29 =	simm.s32 $0xAC00  }
0x8ca: {  	[hbm4b:s2+s3] =	stream.indirect_vreg.scatter [tilespmem:s29], [sflag:$0x3], $0x80, v3, vm0, $0xb8;
	[tilespmem:$0x19000] =	vst v63  }
0x8cb: {  	s1 =	simm.s32 $0xB400  }
0x8cc: {  	[hbm4b:s5+s3] =	stream.indirect_vreg.scatter [tilespmem:s1], [sflag:$0x3], $0x80, v3, vm1, $0xb8;
	[tilespmem:$0x19000] =	vst v63  }
0x8cd: {  	v3 =	vld [tilespmem:$0x870];
	_ =	sdelay $0x4  }
0x8ce: {  	v55 =	vshrl.u32 v3, $0x3  }
0x8cf: {  	v4 =	vmul.u32 $0x18, v55  }
0x8d0: {  	v3 =	vand.u32 $0x7, v3  }
0x8d1: {  	v3 =	vor.u32 v3, v4  }
0x8d2: {  	v4 =	vperm.xlane v3, v0;
	_ =	sdelay $0x1  }
0x8d3: {  	v4 =	vadd.s32 v1, v4;
	_ =	sdelay $0x1  }
0x8d4: {  	v3 =	vperm.xlane v3, v2;
	_ =	sdelay $0x1  }
0x8d5: {  	s1 =	simm.s32 $0xB800;
	v3 =	vadd.s32 v1, v3  }
0x8d6: {  	[hbm4b:s2+s3] =	stream.indirect_vreg.scatter [tilespmem:s1], [sflag:$0x3], $0x80, v4, vm0, $0xb8;
	[tilespmem:$0x19000] =	vst v63  }
0x8d7: {  	s28 =	simm.s32 $0xC000  }
0x8d8: {  	[hbm4b:s5+s3] =	stream.indirect_vreg.scatter [tilespmem:s28], [sflag:$0x3], $0x80, v4, vm1, $0xb8;
	[tilespmem:$0x19000] =	vst v63  }
0x8d9: {  	s30 =	simm.s32 $0xC400  }
0x8da: {  	[hbm4b:s2+s3] =	stream.indirect_vreg.scatter [tilespmem:s30], [sflag:$0x3], $0x80, v3, vm0, $0xb8;
	[tilespmem:$0x19000] =	vst v63  }
0x8db: {  	s0 =	simm.s32 $0xCC00  }
0x8dc: {  	[hbm4b:s5+s3] =	stream.indirect_vreg.scatter [tilespmem:s0], [sflag:$0x3], $0x80, v3, vm1, $0xb8;
	[tilespmem:$0x19000] =	vst v63  }
0x8dd: {  	v3 =	vld [tilespmem:$0x880];
	_ =	sdelay $0x4  }
0x8de: {  	v56 =	vshrl.u32 v3, $0x3  }
0x8df: {  	v4 =	vmul.u32 $0x18, v56  }
0x8e0: {  	v3 =	vand.u32 $0x7, v3  }
0x8e1: {  	v3 =	vor.u32 v3, v4  }
0x8e2: {  	v4 =	vperm.xlane v3, v0;
	_ =	sdelay $0x1  }
0x8e3: {  	v4 =	vadd.s32 v1, v4;
	_ =	sdelay $0x1  }
0x8e4: {  	v3 =	vperm.xlane v3, v2;
	_ =	sdelay $0x1  }
0x8e5: {  	v3 =	vadd.s32 v1, v3  }
0x8e6: {  	[hbm4b:s2+s3] =	stream.indirect_vreg.scatter [tilespmem:s9], [sflag:$0x3], $0x80, v4, vm0, $0xb8;
	[tilespmem:$0x19000] =	vst v63  }
0x8e7: {  	s0 =	simm.s32 $0x1800  }
0x8e8: {  	[hbm4b:s5+s3] =	stream.indirect_vreg.scatter [tilespmem:s0], [sflag:$0x3], $0x80, v4, vm1, $0xb8;
	[tilespmem:$0x19000] =	vst v63  }
0x8e9: {  	_ = 	snop  }
0x8ea: {  	[hbm4b:s2+s3] =	stream.indirect_vreg.scatter [tilespmem:s4], [sflag:$0x3], $0x80, v3, vm0, $0xb8;
	[tilespmem:$0x19000] =	vst v63  }
0x8eb: {  	_ = 	snop  }
0x8ec: {  	[hbm4b:s5+s3] =	stream.indirect_vreg.scatter [tilespmem:s16], [sflag:$0x3], $0x80, v3, vm1, $0xb8;
	[tilespmem:$0x19000] =	vst v63  }
0x8ed: {  	v3 =	vld [tilespmem:$0x890];
	_ =	sdelay $0x4  }
0x8ee: {  	v57 =	vshrl.u32 v3, $0x3  }
0x8ef: {  	v4 =	vmul.u32 $0x18, v57  }
0x8f0: {  	v3 =	vand.u32 $0x7, v3  }
0x8f1: {  	v3 =	vor.u32 v3, v4  }
0x8f2: {  	v4 =	vperm.xlane v3, v0;
	_ =	sdelay $0x1  }
0x8f3: {  	v4 =	vadd.s32 v1, v4;
	_ =	sdelay $0x1  }
0x8f4: {  	v3 =	vperm.xlane v3, v2;
	_ =	sdelay $0x1  }
0x8f5: {  	v3 =	vadd.s32 v1, v3  }
0x8f6: {  	[hbm4b:s2+s3] =	stream.indirect_vreg.scatter [tilespmem:s6], [sflag:$0x3], $0x80, v4, vm0, $0xb8;
	[tilespmem:$0x19000] =	vst v63  }
0x8f7: {  	_ = 	snop  }
0x8f8: {  	[hbm4b:s5+s3] =	stream.indirect_vreg.scatter [tilespmem:s7], [sflag:$0x3], $0x80, v4, vm1, $0xb8;
	[tilespmem:$0x19000] =	vst v63  }
0x8f9: {  	_ = 	snop  }
0x8fa: {  	[hbm4b:s2+s3] =	stream.indirect_vreg.scatter [tilespmem:s8], [sflag:$0x3], $0x80, v3, vm0, $0xb8;
	[tilespmem:$0x19000] =	vst v63  }
0x8fb: {  	_ = 	snop  }
0x8fc: {  	[hbm4b:s5+s3] =	stream.indirect_vreg.scatter [tilespmem:s23], [sflag:$0x3], $0x80, v3, vm1, $0xb8;
	[tilespmem:$0x19000] =	vst v63  }
0x8fd: {  	v3 =	vld [tilespmem:$0x8A0];
	_ =	sdelay $0x4  }
0x8fe: {  	v58 =	vshrl.u32 v3, $0x3  }
0x8ff: {  	v4 =	vmul.u32 $0x18, v58  }
0x900: {  	v3 =	vand.u32 $0x7, v3  }
0x901: {  	v3 =	vor.u32 v3, v4  }
0x902: {  	v4 =	vperm.xlane v3, v0;
	_ =	sdelay $0x1  }
0x903: {  	v4 =	vadd.s32 v1, v4;
	_ =	sdelay $0x1  }
0x904: {  	v3 =	vperm.xlane v3, v2;
	_ =	sdelay $0x1  }
0x905: {  	v3 =	vadd.s32 v1, v3  }
0x906: {  	[hbm4b:s2+s3] =	stream.indirect_vreg.scatter [tilespmem:s10], [sflag:$0x3], $0x80, v4, vm0, $0xb8;
	[tilespmem:$0x19000] =	vst v63  }
0x907: {  	_ = 	snop  }
0x908: {  	[hbm4b:s5+s3] =	stream.indirect_vreg.scatter [tilespmem:s11], [sflag:$0x3], $0x80, v4, vm1, $0xb8;
	[tilespmem:$0x19000] =	vst v63  }
0x909: {  	_ = 	snop  }
0x90a: {  	[hbm4b:s2+s3] =	stream.indirect_vreg.scatter [tilespmem:s12], [sflag:$0x3], $0x80, v3, vm0, $0xb8;
	[tilespmem:$0x19000] =	vst v63  }
0x90b: {  	_ = 	snop  }
0x90c: {  	[hbm4b:s5+s3] =	stream.indirect_vreg.scatter [tilespmem:s25], [sflag:$0x3], $0x80, v3, vm1, $0xb8;
	[tilespmem:$0x19000] =	vst v63  }
0x90d: {  	v3 =	vld [tilespmem:$0x8B0];
	_ =	sdelay $0x4  }
0x90e: {  	v59 =	vshrl.u32 v3, $0x3  }
0x90f: {  	v4 =	vmul.u32 $0x18, v59  }
0x910: {  	v3 =	vand.u32 $0x7, v3  }
0x911: {  	v3 =	vor.u32 v3, v4  }
0x912: {  	v4 =	vperm.xlane v3, v0;
	_ =	sdelay $0x1  }
0x913: {  	v4 =	vadd.s32 v1, v4;
	_ =	sdelay $0x1  }
0x914: {  	v3 =	vperm.xlane v3, v2;
	_ =	sdelay $0x1  }
0x915: {  	v3 =	vadd.s32 v1, v3  }
0x916: {  	[hbm4b:s2+s3] =	stream.indirect_vreg.scatter [tilespmem:s13], [sflag:$0x3], $0x80, v4, vm0, $0xb8;
	[tilespmem:$0x19000] =	vst v63  }
0x917: {  	_ = 	snop  }
0x918: {  	[hbm4b:s5+s3] =	stream.indirect_vreg.scatter [tilespmem:s14], [sflag:$0x3], $0x80, v4, vm1, $0xb8;
	[tilespmem:$0x19000] =	vst v63  }
0x919: {  	_ = 	snop  }
0x91a: {  	[hbm4b:s2+s3] =	stream.indirect_vreg.scatter [tilespmem:s15], [sflag:$0x3], $0x80, v3, vm0, $0xb8;
	[tilespmem:$0x19000] =	vst v63  }
0x91b: {  	_ = 	snop  }
0x91c: {  	[hbm4b:s5+s3] =	stream.indirect_vreg.scatter [tilespmem:s31], [sflag:$0x3], $0x80, v3, vm1, $0xb8;
	[tilespmem:$0x19000] =	vst v63  }
0x91d: {  	v3 =	vld [tilespmem:$0x8C0];
	_ =	sdelay $0x4  }
0x91e: {  	v60 =	vshrl.u32 v3, $0x3  }
0x91f: {  	v4 =	vmul.u32 $0x18, v60  }
0x920: {  	v3 =	vand.u32 $0x7, v3  }
0x921: {  	v3 =	vor.u32 v3, v4  }
0x922: {  	v4 =	vperm.xlane v3, v0;
	_ =	sdelay $0x1  }
0x923: {  	v4 =	vadd.s32 v1, v4;
	_ =	sdelay $0x1  }
0x924: {  	v3 =	vperm.xlane v3, v2;
	_ =	sdelay $0x1  }
0x925: {  	v3 =	vadd.s32 v1, v3  }
0x926: {  	[hbm4b:s2+s3] =	stream.indirect_vreg.scatter [tilespmem:s17], [sflag:$0x3], $0x80, v4, vm0, $0xb8;
	[tilespmem:$0x19000] =	vst v63  }
0x927: {  	_ = 	snop  }
0x928: {  	[hbm4b:s5+s3] =	stream.indirect_vreg.scatter [tilespmem:s18], [sflag:$0x3], $0x80, v4, vm1, $0xb8;
	[tilespmem:$0x19000] =	vst v63  }
0x929: {  	_ = 	snop  }
0x92a: {  	[hbm4b:s2+s3] =	stream.indirect_vreg.scatter [tilespmem:s19], [sflag:$0x3], $0x80, v3, vm0, $0xb8;
	[tilespmem:$0x19000] =	vst v63  }
0x92b: {  	s19 =	simm.s32 $0x8400  }
0x92c: {  	[hbm4b:s5+s3] =	stream.indirect_vreg.scatter [tilespmem:s19], [sflag:$0x3], $0x80, v3, vm1, $0xb8;
	[tilespmem:$0x19000] =	vst v63  }
0x92d: {  	v3 =	vld [tilespmem:$0x8D0];
	_ =	sdelay $0x4  }
0x92e: {  	v61 =	vshrl.u32 v3, $0x3  }
0x92f: {  	v4 =	vmul.u32 $0x18, v61  }
0x930: {  	v3 =	vand.u32 $0x7, v3  }
0x931: {  	v3 =	vor.u32 v3, v4  }
0x932: {  	v4 =	vperm.xlane v3, v0;
	_ =	sdelay $0x1  }
0x933: {  	v4 =	vadd.s32 v1, v4;
	_ =	sdelay $0x1  }
0x934: {  	v3 =	vperm.xlane v3, v2;
	_ =	sdelay $0x1  }
0x935: {  	v3 =	vadd.s32 v1, v3  }
0x936: {  	[hbm4b:s2+s3] =	stream.indirect_vreg.scatter [tilespmem:s20], [sflag:$0x3], $0x80, v4, vm0, $0xb8;
	[tilespmem:$0x19000] =	vst v63  }
0x937: {  	_ = 	snop  }
0x938: {  	[hbm4b:s5+s3] =	stream.indirect_vreg.scatter [tilespmem:s21], [sflag:$0x3], $0x80, v4, vm1, $0xb8;
	[tilespmem:$0x19000] =	vst v63  }
0x939: {  	_ = 	snop  }
0x93a: {  	[hbm4b:s2+s3] =	stream.indirect_vreg.scatter [tilespmem:s22], [sflag:$0x3], $0x80, v3, vm0, $0xb8;
	[tilespmem:$0x19000] =	vst v63  }
0x93b: {  	s25 =	simm.s32 $0x9C00  }
0x93c: {  	[hbm4b:s5+s3] =	stream.indirect_vreg.scatter [tilespmem:s25], [sflag:$0x3], $0x80, v3, vm1, $0xb8;
	[tilespmem:$0x19000] =	vst v63  }
0x93d: {  	v3 =	vld [tilespmem:$0x8E0];
	_ =	sdelay $0x4  }
0x93e: {  	v62 =	vshrl.u32 v3, $0x3  }
0x93f: {  	v4 =	vmul.u32 $0x18, v62  }
0x940: {  	v3 =	vand.u32 $0x7, v3  }
0x941: {  	v3 =	vor.u32 v3, v4  }
0x942: {  	v4 =	vperm.xlane v3, v0;
	_ =	sdelay $0x1  }
0x943: {  	v4 =	vadd.s32 v1, v4;
	_ =	sdelay $0x1  }
0x944: {  	v3 =	vperm.xlane v3, v2;
	_ =	sdelay $0x1  }
0x945: {  	v3 =	vadd.s32 v1, v3  }
0x946: {  	[hbm4b:s2+s3] =	stream.indirect_vreg.scatter [tilespmem:s24], [sflag:$0x3], $0x80, v4, vm0, $0xb8;
	[tilespmem:$0x19000] =	vst v63  }
0x947: {  	_ = 	snop  }
0x948: {  	[hbm4b:s5+s3] =	stream.indirect_vreg.scatter [tilespmem:s26], [sflag:$0x3], $0x80, v4, vm1, $0xb8;
	[tilespmem:$0x19000] =	vst v63  }
0x949: {  	_ = 	snop  }
0x94a: {  	[hbm4b:s2+s3] =	stream.indirect_vreg.scatter [tilespmem:s29], [sflag:$0x3], $0x80, v3, vm0, $0xb8;
	[tilespmem:$0x19000] =	vst v63  }
0x94b: {  	s29 =	simm.s32 $0xB400  }
0x94c: {  	[hbm4b:s5+s3] =	stream.indirect_vreg.scatter [tilespmem:s29], [sflag:$0x3], $0x80, v3, vm1, $0xb8;
	[tilespmem:$0x19000] =	vst v63  }
0x94d: {  	v3 =	vld [tilespmem:$0x8F0];
	_ =	sdelay $0x4  }
0x94e: {  	v63 =	vshrl.u32 v3, $0x3  }
0x94f: {  	v4 =	vmul.u32 $0x18, v63  }
0x950: {  	v3 =	vand.u32 $0x7, v3  }
0x951: {  	v3 =	vor.u32 v3, v4  }
0x952: {  	v4 =	vperm.xlane v3, v0;
	_ =	sdelay $0x1  }
0x953: {  	v4 =	vadd.s32 v1, v4;
	_ =	sdelay $0x1  }
0x954: {  	v3 =	vperm.xlane v3, v2;
	_ =	sdelay $0x1  }
0x955: {  	v3 =	vadd.s32 v1, v3  }
0x956: {  	[hbm4b:s2+s3] =	stream.indirect_vreg.scatter [tilespmem:s1], [sflag:$0x3], $0x80, v4, vm0, $0xb8;
	[tilespmem:$0x19000] =	vst v63  }
0x957: {  	_ = 	snop  }
0x958: {  	[hbm4b:s5+s3] =	stream.indirect_vreg.scatter [tilespmem:s28], [sflag:$0x3], $0x80, v4, vm1, $0xb8;
	[tilespmem:$0x19000] =	vst v63  }
0x959: {  	_ = 	snop  }
0x95a: {  	[hbm4b:s2+s3] =	stream.indirect_vreg.scatter [tilespmem:s30], [sflag:$0x3], $0x80, v3, vm0, $0xb8;
	[tilespmem:$0x19000] =	vst v63  }
0x95b: {  	s6 =	simm.s32 $0xCC00  }
0x95c: {  	[hbm4b:s5+s3] =	stream.indirect_vreg.scatter [tilespmem:s6], [sflag:$0x3], $0x80, v3, vm1, $0xb8;
	[tilespmem:$0x19000] =	vst v63  }
0x95d: {  	v3 =	vld [tilespmem:$0x900];
	_ =	sdelay $0x4  }
0x95e: {  	v8 =	vshrl.u32 v3, $0x3  }
0x95f: {  	v4 =	vmul.u32 $0x18, v8  }
0x960: {  	v3 =	vand.u32 $0x7, v3  }
0x961: {  	v3 =	vor.u32 v3, v4  }
0x962: {  	v4 =	vperm.xlane v3, v0;
	_ =	sdelay $0x1  }
0x963: {  	v4 =	vadd.s32 v1, v4;
	_ =	sdelay $0x1  }
0x964: {  	v3 =	vperm.xlane v3, v2;
	_ =	sdelay $0x1  }
0x965: {  	s9 =	simm.s32 $0x1000;
	v3 =	vadd.s32 v1, v3  }
0x966: {  	[hbm4b:s2+s3] =	stream.indirect_vreg.scatter [tilespmem:s9], [sflag:$0x3], $0x80, v4, vm0, $0xb8;
	[tilespmem:$0x19000] =	vst v63  }
0x967: {  	s7 =	simm.s32 $0x1800  }
0x968: {  	[hbm4b:s5+s3] =	stream.indirect_vreg.scatter [tilespmem:s7], [sflag:$0x3], $0x80, v4, vm1, $0xb8;
	[tilespmem:$0x19000] =	vst v63  }
0x969: {  	s9 =	simm.s32 $0x1C00  }
0x96a: {  	[hbm4b:s2+s3] =	stream.indirect_vreg.scatter [tilespmem:s9], [sflag:$0x3], $0x80, v3, vm0, $0xb8;
	[tilespmem:$0x19000] =	vst v63  }
0x96b: {  	s10 =	simm.s32 $0x2400  }
0x96c: {  	[hbm4b:s5+s3] =	stream.indirect_vreg.scatter [tilespmem:s10], [sflag:$0x3], $0x80, v3, vm1, $0xb8;
	[tilespmem:$0x19000] =	vst v63  }
0x96d: {  	v3 =	vld [tilespmem:$0x910];
	_ =	sdelay $0x4  }
0x96e: {  	v9 =	vshrl.u32 v3, $0x3  }
0x96f: {  	v4 =	vmul.u32 $0x18, v9  }
0x970: {  	v3 =	vand.u32 $0x7, v3  }
0x971: {  	v3 =	vor.u32 v3, v4  }
0x972: {  	v4 =	vperm.xlane v3, v0;
	_ =	sdelay $0x1  }
0x973: {  	v4 =	vadd.s32 v1, v4;
	_ =	sdelay $0x1  }
0x974: {  	v3 =	vperm.xlane v3, v2;
	_ =	sdelay $0x1  }
0x975: {  	s16 =	simm.s32 $0x2800;
	v3 =	vadd.s32 v1, v3  }
0x976: {  	[hbm4b:s2+s3] =	stream.indirect_vreg.scatter [tilespmem:s16], [sflag:$0x3], $0x80, v4, vm0, $0xb8;
	[tilespmem:$0x19000] =	vst v63  }
0x977: {  	s16 =	simm.s32 $0x3000  }
0x978: {  	[hbm4b:s5+s3] =	stream.indirect_vreg.scatter [tilespmem:s16], [sflag:$0x3], $0x80, v4, vm1, $0xb8;
	[tilespmem:$0x19000] =	vst v63  }
0x979: {  	s22 =	simm.s32 $0x3400  }
0x97a: {  	[hbm4b:s2+s3] =	stream.indirect_vreg.scatter [tilespmem:s22], [sflag:$0x3], $0x80, v3, vm0, $0xb8;
	[tilespmem:$0x19000] =	vst v63  }
0x97b: {  	s28 =	simm.s32 $0x3C00  }
0x97c: {  	[hbm4b:s5+s3] =	stream.indirect_vreg.scatter [tilespmem:s28], [sflag:$0x3], $0x80, v3, vm1, $0xb8;
	[tilespmem:$0x19000] =	vst v63  }
0x97d: {  	v3 =	vld [tilespmem:$0x920];
	_ =	sdelay $0x4  }
0x97e: {  	v10 =	vshrl.u32 v3, $0x3  }
0x97f: {  	v4 =	vmul.u32 $0x18, v10  }
0x980: {  	v3 =	vand.u32 $0x7, v3  }
0x981: {  	v3 =	vor.u32 v3, v4  }
0x982: {  	v4 =	vperm.xlane v3, v0;
	_ =	sdelay $0x1  }
0x983: {  	v4 =	vadd.s32 v1, v4;
	_ =	sdelay $0x1  }
0x984: {  	v3 =	vperm.xlane v3, v2;
	_ =	sdelay $0x1  }
0x985: {  	s0 =	simm.s32 $0x4000;
	v3 =	vadd.s32 v1, v3  }
0x986: {  	[hbm4b:s2+s3] =	stream.indirect_vreg.scatter [tilespmem:s0], [sflag:$0x3], $0x80, v4, vm0, $0xb8;
	[tilespmem:$0x19000] =	vst v63  }
0x987: {  	s11 =	simm.s32 $0x4800  }
0x988: {  	[hbm4b:s5+s3] =	stream.indirect_vreg.scatter [tilespmem:s11], [sflag:$0x3], $0x80, v4, vm1, $0xb8;
	[tilespmem:$0x19000] =	vst v63  }
0x989: {  	s12 =	simm.s32 $0x4C00  }
0x98a: {  	[hbm4b:s2+s3] =	stream.indirect_vreg.scatter [tilespmem:s12], [sflag:$0x3], $0x80, v3, vm0, $0xb8;
	[tilespmem:$0x19000] =	vst v63  }
0x98b: {  	s22 =	simm.s32 $0x5400  }
0x98c: {  	[hbm4b:s5+s3] =	stream.indirect_vreg.scatter [tilespmem:s22], [sflag:$0x3], $0x80, v3, vm1, $0xb8;
	[tilespmem:$0x19000] =	vst v63  }
0x98d: {  	v3 =	vld [tilespmem:$0x930];
	_ =	sdelay $0x4  }
0x98e: {  	v11 =	vshrl.u32 v3, $0x3  }
0x98f: {  	v4 =	vmul.u32 $0x18, v11  }
0x990: {  	v3 =	vand.u32 $0x7, v3  }
0x991: {  	v3 =	vor.u32 v3, v4  }
0x992: {  	v4 =	vperm.xlane v3, v0;
	_ =	sdelay $0x1  }
0x993: {  	v4 =	vadd.s32 v1, v4;
	_ =	sdelay $0x1  }
0x994: {  	v3 =	vperm.xlane v3, v2;
	_ =	sdelay $0x1  }
0x995: {  	s13 =	simm.s32 $0x5800;
	v3 =	vadd.s32 v1, v3  }
0x996: {  	[hbm4b:s2+s3] =	stream.indirect_vreg.scatter [tilespmem:s13], [sflag:$0x3], $0x80, v4, vm0, $0xb8;
	[tilespmem:$0x19000] =	vst v63  }
0x997: {  	s14 =	simm.s32 $0x6000  }
0x998: {  	[hbm4b:s5+s3] =	stream.indirect_vreg.scatter [tilespmem:s14], [sflag:$0x3], $0x80, v4, vm1, $0xb8;
	[tilespmem:$0x19000] =	vst v63  }
0x999: {  	s15 =	simm.s32 $0x6400  }
0x99a: {  	[hbm4b:s2+s3] =	stream.indirect_vreg.scatter [tilespmem:s15], [sflag:$0x3], $0x80, v3, vm0, $0xb8;
	[tilespmem:$0x19000] =	vst v63  }
0x99b: {  	s22 =	simm.s32 $0x6C00  }
0x99c: {  	[hbm4b:s5+s3] =	stream.indirect_vreg.scatter [tilespmem:s22], [sflag:$0x3], $0x80, v3, vm1, $0xb8;
	[tilespmem:$0x19000] =	vst v63  }
0x99d: {  	v3 =	vld [tilespmem:$0x940];
	_ =	sdelay $0x4  }
0x99e: {  	v12 =	vshrl.u32 v3, $0x3  }
0x99f: {  	v4 =	vmul.u32 $0x18, v12  }
0x9a0: {  	v3 =	vand.u32 $0x7, v3  }
0x9a1: {  	v3 =	vor.u32 v3, v4  }
0x9a2: {  	v4 =	vperm.xlane v3, v0;
	_ =	sdelay $0x1  }
0x9a3: {  	v4 =	vadd.s32 v1, v4;
	_ =	sdelay $0x1  }
0x9a4: {  	v3 =	vperm.xlane v3, v2;
	_ =	sdelay $0x1  }
0x9a5: {  	s17 =	simm.s32 $0x7000;
	v3 =	vadd.s32 v1, v3  }
0x9a6: {  	[hbm4b:s2+s3] =	stream.indirect_vreg.scatter [tilespmem:s17], [sflag:$0x3], $0x80, v4, vm0, $0xb8;
	[tilespmem:$0x19000] =	vst v63  }
0x9a7: {  	s8 =	simm.s32 $0x7800  }
0x9a8: {  	[hbm4b:s5+s3] =	stream.indirect_vreg.scatter [tilespmem:s8], [sflag:$0x3], $0x80, v4, vm1, $0xb8;
	[tilespmem:$0x19000] =	vst v63  }
0x9a9: {  	s23 =	simm.s32 $0x7C00  }
0x9aa: {  	[hbm4b:s2+s3] =	stream.indirect_vreg.scatter [tilespmem:s23], [sflag:$0x3], $0x80, v3, vm0, $0xb8;
	[tilespmem:$0x19000] =	vst v63  }
0x9ab: {  	s23 =	simm.s32 $0x8400  }
0x9ac: {  	[hbm4b:s5+s3] =	stream.indirect_vreg.scatter [tilespmem:s23], [sflag:$0x3], $0x80, v3, vm1, $0xb8;
	[tilespmem:$0x19000] =	vst v63  }
0x9ad: {  	v3 =	vld [tilespmem:$0x950];
	_ =	sdelay $0x4  }
0x9ae: {  	v13 =	vshrl.u32 v3, $0x3  }
0x9af: {  	v4 =	vmul.u32 $0x18, v13  }
0x9b0: {  	v3 =	vand.u32 $0x7, v3  }
0x9b1: {  	v3 =	vor.u32 v3, v4  }
0x9b2: {  	v4 =	vperm.xlane v3, v0;
	_ =	sdelay $0x1  }
0x9b3: {  	v4 =	vadd.s32 v1, v4;
	_ =	sdelay $0x1  }
0x9b4: {  	v3 =	vperm.xlane v3, v2;
	_ =	sdelay $0x1  }
0x9b5: {  	s18 =	simm.s32 $0x8800;
	v3 =	vadd.s32 v1, v3  }
0x9b6: {  	[hbm4b:s2+s3] =	stream.indirect_vreg.scatter [tilespmem:s18], [sflag:$0x3], $0x80, v4, vm0, $0xb8;
	[tilespmem:$0x19000] =	vst v63  }
0x9b7: {  	s19 =	simm.s32 $0x9000  }
0x9b8: {  	[hbm4b:s5+s3] =	stream.indirect_vreg.scatter [tilespmem:s19], [sflag:$0x3], $0x80, v4, vm1, $0xb8;
	[tilespmem:$0x19000] =	vst v63  }
0x9b9: {  	s20 =	simm.s32 $0x9400  }
0x9ba: {  	[hbm4b:s2+s3] =	stream.indirect_vreg.scatter [tilespmem:s20], [sflag:$0x3], $0x80, v3, vm0, $0xb8;
	[tilespmem:$0x19000] =	vst v63  }
0x9bb: {  	s23 =	simm.s32 $0x9C00  }
0x9bc: {  	[hbm4b:s5+s3] =	stream.indirect_vreg.scatter [tilespmem:s23], [sflag:$0x3], $0x80, v3, vm1, $0xb8;
	[tilespmem:$0x19000] =	vst v63  }
0x9bd: {  	v3 =	vld [tilespmem:$0x960];
	_ =	sdelay $0x4  }
0x9be: {  	v14 =	vshrl.u32 v3, $0x3  }
0x9bf: {  	v4 =	vmul.u32 $0x18, v14  }
0x9c0: {  	v3 =	vand.u32 $0x7, v3  }
0x9c1: {  	v3 =	vor.u32 v3, v4  }
0x9c2: {  	v4 =	vperm.xlane v3, v0;
	_ =	sdelay $0x1  }
0x9c3: {  	v4 =	vadd.s32 v1, v4;
	_ =	sdelay $0x1  }
0x9c4: {  	v3 =	vperm.xlane v3, v2;
	_ =	sdelay $0x1  }
0x9c5: {  	s21 =	simm.s32 $0xA000;
	v3 =	vadd.s32 v1, v3  }
0x9c6: {  	[hbm4b:s2+s3] =	stream.indirect_vreg.scatter [tilespmem:s21], [sflag:$0x3], $0x80, v4, vm0, $0xb8;
	[tilespmem:$0x19000] =	vst v63  }
0x9c7: {  	s24 =	simm.s32 $0xA800  }
0x9c8: {  	[hbm4b:s5+s3] =	stream.indirect_vreg.scatter [tilespmem:s24], [sflag:$0x3], $0x80, v4, vm1, $0xb8;
	[tilespmem:$0x19000] =	vst v63  }
0x9c9: {  	s31 =	simm.s32 $0xAC00  }
0x9ca: {  	[hbm4b:s2+s3] =	stream.indirect_vreg.scatter [tilespmem:s31], [sflag:$0x3], $0x80, v3, vm0, $0xb8;
	[tilespmem:$0x19000] =	vst v63  }
0x9cb: {  	s31 =	simm.s32 $0xB400  }
0x9cc: {  	[hbm4b:s5+s3] =	stream.indirect_vreg.scatter [tilespmem:s31], [sflag:$0x3], $0x80, v3, vm1, $0xb8;
	[tilespmem:$0x19000] =	vst v63  }
0x9cd: {  	v3 =	vld [tilespmem:$0x970];
	_ =	sdelay $0x4  }
0x9ce: {  	v15 =	vshrl.u32 v3, $0x3  }
0x9cf: {  	v4 =	vmul.u32 $0x18, v15  }
0x9d0: {  	v3 =	vand.u32 $0x7, v3  }
0x9d1: {  	v3 =	vor.u32 v3, v4  }
0x9d2: {  	v4 =	vperm.xlane v3, v0;
	_ =	sdelay $0x1  }
0x9d3: {  	v4 =	vadd.s32 v1, v4;
	_ =	sdelay $0x1  }
0x9d4: {  	v3 =	vperm.xlane v3, v2;
	_ =	sdelay $0x1  }
0x9d5: {  	s1 =	simm.s32 $0xB800;
	v3 =	vadd.s32 v1, v3  }
0x9d6: {  	[hbm4b:s2+s3] =	stream.indirect_vreg.scatter [tilespmem:s1], [sflag:$0x3], $0x80, v4, vm0, $0xb8;
	[tilespmem:$0x19000] =	vst v63  }
0x9d7: {  	s25 =	simm.s32 $0xC000  }
0x9d8: {  	[hbm4b:s5+s3] =	stream.indirect_vreg.scatter [tilespmem:s25], [sflag:$0x3], $0x80, v4, vm1, $0xb8;
	[tilespmem:$0x19000] =	vst v63  }
0x9d9: {  	s30 =	simm.s32 $0xC400  }
0x9da: {  	[hbm4b:s2+s3] =	stream.indirect_vreg.scatter [tilespmem:s30], [sflag:$0x3], $0x80, v3, vm0, $0xb8;
	[tilespmem:$0x19000] =	vst v63  }
0x9db: {  	s30 =	simm.s32 $0xCC00  }
0x9dc: {  	[hbm4b:s5+s3] =	stream.indirect_vreg.scatter [tilespmem:s30], [sflag:$0x3], $0x80, v3, vm1, $0xb8;
	[tilespmem:$0x19000] =	vst v63  }
0x9dd: {  	v3 =	vld [tilespmem:$0x980];
	_ =	sdelay $0x4  }
0x9de: {  	v16 =	vshrl.u32 v3, $0x3  }
0x9df: {  	v4 =	vmul.u32 $0x18, v16  }
0x9e0: {  	v3 =	vand.u32 $0x7, v3  }
0x9e1: {  	v3 =	vor.u32 v3, v4  }
0x9e2: {  	v4 =	vperm.xlane v3, v0;
	_ =	sdelay $0x1  }
0x9e3: {  	v4 =	vadd.s32 v1, v4;
	_ =	sdelay $0x1  }
0x9e4: {  	v3 =	vperm.xlane v3, v2;
	_ =	sdelay $0x1  }
0x9e5: {  	s29 =	simm.s32 $0x1000;
	v3 =	vadd.s32 v1, v3  }
0x9e6: {  	[hbm4b:s2+s3] =	stream.indirect_vreg.scatter [tilespmem:s29], [sflag:$0x3], $0x80, v4, vm0, $0xb8;
	[tilespmem:$0x19000] =	vst v63  }
0x9e7: {  	s4 =	simm.s32 $0x1800  }
0x9e8: {  	[hbm4b:s5+s3] =	stream.indirect_vreg.scatter [tilespmem:s4], [sflag:$0x3], $0x80, v4, vm1, $0xb8;
	[tilespmem:$0x19000] =	vst v63  }
0x9e9: {  	s6 =	simm.s32 $0x1C00  }
0x9ea: {  	[hbm4b:s2+s3] =	stream.indirect_vreg.scatter [tilespmem:s6], [sflag:$0x3], $0x80, v3, vm0, $0xb8;
	[tilespmem:$0x19000] =	vst v63  }
0x9eb: {  	s26 =	simm.s32 $0x2400  }
0x9ec: {  	[hbm4b:s5+s3] =	stream.indirect_vreg.scatter [tilespmem:s26], [sflag:$0x3], $0x80, v3, vm1, $0xb8;
	[tilespmem:$0x19000] =	vst v63  }
0x9ed: {  	v3 =	vld [tilespmem:$0x990];
	_ =	sdelay $0x4  }
0x9ee: {  	v17 =	vshrl.u32 v3, $0x3  }
0x9ef: {  	v4 =	vmul.u32 $0x18, v17  }
0x9f0: {  	v3 =	vand.u32 $0x7, v3  }
0x9f1: {  	v3 =	vor.u32 v3, v4  }
0x9f2: {  	v4 =	vperm.xlane v3, v0;
	_ =	sdelay $0x1  }
0x9f3: {  	v4 =	vadd.s32 v1, v4;
	_ =	sdelay $0x1  }
0x9f4: {  	v3 =	vperm.xlane v3, v2;
	_ =	sdelay $0x1  }
0x9f5: {  	s7 =	simm.s32 $0x2800;
	v3 =	vadd.s32 v1, v3  }
0x9f6: {  	[hbm4b:s2+s3] =	stream.indirect_vreg.scatter [tilespmem:s7], [sflag:$0x3], $0x80, v4, vm0, $0xb8;
	[tilespmem:$0x19000] =	vst v63  }
0x9f7: {  	s16 =	simm.s32 $0x3000  }
0x9f8: {  	[hbm4b:s5+s3] =	stream.indirect_vreg.scatter [tilespmem:s16], [sflag:$0x3], $0x80, v4, vm1, $0xb8;
	[tilespmem:$0x19000] =	vst v63  }
0x9f9: {  	s10 =	simm.s32 $0x3400  }
0x9fa: {  	[hbm4b:s2+s3] =	stream.indirect_vreg.scatter [tilespmem:s10], [sflag:$0x3], $0x80, v3, vm0, $0xb8;
	[tilespmem:$0x19000] =	vst v63  }
0x9fb: {  	s28 =	simm.s32 $0x3C00  }
0x9fc: {  	[hbm4b:s5+s3] =	stream.indirect_vreg.scatter [tilespmem:s28], [sflag:$0x3], $0x80, v3, vm1, $0xb8;
	[tilespmem:$0x19000] =	vst v63  }
0x9fd: {  	v3 =	vld [tilespmem:$0x9A0];
	_ =	sdelay $0x4  }
0x9fe: {  	v18 =	vshrl.u32 v3, $0x3  }
0x9ff: {  	v4 =	vmul.u32 $0x18, v18  }
0xa00: {  	v3 =	vand.u32 $0x7, v3  }
0xa01: {  	v3 =	vor.u32 v3, v4  }
0xa02: {  	v4 =	vperm.xlane v3, v0;
	_ =	sdelay $0x1  }
0xa03: {  	v4 =	vadd.s32 v1, v4;
	_ =	sdelay $0x1  }
0xa04: {  	v3 =	vperm.xlane v3, v2;
	_ =	sdelay $0x1  }
0xa05: {  	s0 =	simm.s32 $0x4000;
	v3 =	vadd.s32 v1, v3  }
0xa06: {  	[hbm4b:s2+s3] =	stream.indirect_vreg.scatter [tilespmem:s0], [sflag:$0x3], $0x80, v4, vm0, $0xb8;
	[tilespmem:$0x19000] =	vst v63  }
0xa07: {  	s11 =	simm.s32 $0x4800  }
0xa08: {  	[hbm4b:s5+s3] =	stream.indirect_vreg.scatter [tilespmem:s11], [sflag:$0x3], $0x80, v4, vm1, $0xb8;
	[tilespmem:$0x19000] =	vst v63  }
0xa09: {  	s12 =	simm.s32 $0x4C00  }
0xa0a: {  	[hbm4b:s2+s3] =	stream.indirect_vreg.scatter [tilespmem:s12], [sflag:$0x3], $0x80, v3, vm0, $0xb8;
	[tilespmem:$0x19000] =	vst v63  }
0xa0b: {  	s12 =	simm.s32 $0x5400  }
0xa0c: {  	[hbm4b:s5+s3] =	stream.indirect_vreg.scatter [tilespmem:s12], [sflag:$0x3], $0x80, v3, vm1, $0xb8;
	[tilespmem:$0x19000] =	vst v63  }
0xa0d: {  	v3 =	vld [tilespmem:$0x9B0];
	_ =	sdelay $0x4  }
0xa0e: {  	v19 =	vshrl.u32 v3, $0x3  }
0xa0f: {  	v4 =	vmul.u32 $0x18, v19  }
0xa10: {  	v3 =	vand.u32 $0x7, v3  }
0xa11: {  	v3 =	vor.u32 v3, v4  }
0xa12: {  	v4 =	vperm.xlane v3, v0;
	_ =	sdelay $0x1  }
0xa13: {  	v4 =	vadd.s32 v1, v4;
	_ =	sdelay $0x1  }
0xa14: {  	v3 =	vperm.xlane v3, v2;
	_ =	sdelay $0x1  }
0xa15: {  	s13 =	simm.s32 $0x5800;
	v3 =	vadd.s32 v1, v3  }
0xa16: {  	[hbm4b:s2+s3] =	stream.indirect_vreg.scatter [tilespmem:s13], [sflag:$0x3], $0x80, v4, vm0, $0xb8;
	[tilespmem:$0x19000] =	vst v63  }
0xa17: {  	s14 =	simm.s32 $0x6000  }
0xa18: {  	[hbm4b:s5+s3] =	stream.indirect_vreg.scatter [tilespmem:s14], [sflag:$0x3], $0x80, v4, vm1, $0xb8;
	[tilespmem:$0x19000] =	vst v63  }
0xa19: {  	s15 =	simm.s32 $0x6400  }
0xa1a: {  	[hbm4b:s2+s3] =	stream.indirect_vreg.scatter [tilespmem:s15], [sflag:$0x3], $0x80, v3, vm0, $0xb8;
	[tilespmem:$0x19000] =	vst v63  }
0xa1b: {  	s16 =	simm.s32 $0x6C00  }
0xa1c: {  	[hbm4b:s5+s3] =	stream.indirect_vreg.scatter [tilespmem:s16], [sflag:$0x3], $0x80, v3, vm1, $0xb8;
	[tilespmem:$0x19000] =	vst v63  }
0xa1d: {  	v3 =	vld [tilespmem:$0x9C0];
	_ =	sdelay $0x4  }
0xa1e: {  	v20 =	vshrl.u32 v3, $0x3  }
0xa1f: {  	v4 =	vmul.u32 $0x18, v20  }
0xa20: {  	v3 =	vand.u32 $0x7, v3  }
0xa21: {  	v3 =	vor.u32 v3, v4  }
0xa22: {  	v4 =	vperm.xlane v3, v0;
	_ =	sdelay $0x1  }
0xa23: {  	v4 =	vadd.s32 v1, v4;
	_ =	sdelay $0x1  }
0xa24: {  	v3 =	vperm.xlane v3, v2;
	_ =	sdelay $0x1  }
0xa25: {  	s17 =	simm.s32 $0x7000;
	v3 =	vadd.s32 v1, v3  }
0xa26: {  	[hbm4b:s2+s3] =	stream.indirect_vreg.scatter [tilespmem:s17], [sflag:$0x3], $0x80, v4, vm0, $0xb8;
	[tilespmem:$0x19000] =	vst v63  }
0xa27: {  	s8 =	simm.s32 $0x7800  }
0xa28: {  	[hbm4b:s5+s3] =	stream.indirect_vreg.scatter [tilespmem:s8], [sflag:$0x3], $0x80, v4, vm1, $0xb8;
	[tilespmem:$0x19000] =	vst v63  }
0xa29: {  	s22 =	simm.s32 $0x7C00  }
0xa2a: {  	[hbm4b:s2+s3] =	stream.indirect_vreg.scatter [tilespmem:s22], [sflag:$0x3], $0x80, v3, vm0, $0xb8;
	[tilespmem:$0x19000] =	vst v63  }
0xa2b: {  	s26 =	simm.s32 $0x8400  }
0xa2c: {  	[hbm4b:s5+s3] =	stream.indirect_vreg.scatter [tilespmem:s26], [sflag:$0x3], $0x80, v3, vm1, $0xb8;
	[tilespmem:$0x19000] =	vst v63  }
0xa2d: {  	v3 =	vld [tilespmem:$0x9D0];
	_ =	sdelay $0x4  }
0xa2e: {  	v21 =	vshrl.u32 v3, $0x3  }
0xa2f: {  	v4 =	vmul.u32 $0x18, v21  }
0xa30: {  	v3 =	vand.u32 $0x7, v3  }
0xa31: {  	v3 =	vor.u32 v3, v4  }
0xa32: {  	v4 =	vperm.xlane v3, v0;
	_ =	sdelay $0x1  }
0xa33: {  	v4 =	vadd.s32 v1, v4;
	_ =	sdelay $0x1  }
0xa34: {  	v3 =	vperm.xlane v3, v2;
	_ =	sdelay $0x1  }
0xa35: {  	s9 =	simm.s32 $0x8800;
	v3 =	vadd.s32 v1, v3  }
0xa36: {  	[hbm4b:s2+s3] =	stream.indirect_vreg.scatter [tilespmem:s9], [sflag:$0x3], $0x80, v4, vm0, $0xb8;
	[tilespmem:$0x19000] =	vst v63  }
0xa37: {  	s18 =	simm.s32 $0x9000  }
0xa38: {  	[hbm4b:s5+s3] =	stream.indirect_vreg.scatter [tilespmem:s18], [sflag:$0x3], $0x80, v4, vm1, $0xb8;
	[tilespmem:$0x19000] =	vst v63  }
0xa39: {  	s19 =	simm.s32 $0x9400  }
0xa3a: {  	[hbm4b:s2+s3] =	stream.indirect_vreg.scatter [tilespmem:s19], [sflag:$0x3], $0x80, v3, vm0, $0xb8;
	[tilespmem:$0x19000] =	vst v63  }
0xa3b: {  	s28 =	simm.s32 $0x9C00  }
0xa3c: {  	[hbm4b:s5+s3] =	stream.indirect_vreg.scatter [tilespmem:s28], [sflag:$0x3], $0x80, v3, vm1, $0xb8;
	[tilespmem:$0x19000] =	vst v63  }
0xa3d: {  	v3 =	vld [tilespmem:$0x9E0];
	_ =	sdelay $0x4  }
0xa3e: {  	v22 =	vshrl.u32 v3, $0x3  }
0xa3f: {  	v4 =	vmul.u32 $0x18, v22  }
0xa40: {  	v3 =	vand.u32 $0x7, v3  }
0xa41: {  	v3 =	vor.u32 v3, v4  }
0xa42: {  	v4 =	vperm.xlane v3, v0;
	_ =	sdelay $0x1  }
0xa43: {  	v4 =	vadd.s32 v1, v4;
	_ =	sdelay $0x1  }
0xa44: {  	v3 =	vperm.xlane v3, v2;
	_ =	sdelay $0x1  }
0xa45: {  	s20 =	simm.s32 $0xA000;
	v3 =	vadd.s32 v1, v3  }
0xa46: {  	[hbm4b:s2+s3] =	stream.indirect_vreg.scatter [tilespmem:s20], [sflag:$0x3], $0x80, v4, vm0, $0xb8;
	[tilespmem:$0x19000] =	vst v63  }
0xa47: {  	s23 =	simm.s32 $0xA800  }
0xa48: {  	[hbm4b:s5+s3] =	stream.indirect_vreg.scatter [tilespmem:s23], [sflag:$0x3], $0x80, v4, vm1, $0xb8;
	[tilespmem:$0x19000] =	vst v63  }
0xa49: {  	s21 =	simm.s32 $0xAC00  }
0xa4a: {  	[hbm4b:s2+s3] =	stream.indirect_vreg.scatter [tilespmem:s21], [sflag:$0x3], $0x80, v3, vm0, $0xb8;
	[tilespmem:$0x19000] =	vst v63  }
0xa4b: {  	s29 =	simm.s32 $0xB400  }
0xa4c: {  	[hbm4b:s5+s3] =	stream.indirect_vreg.scatter [tilespmem:s29], [sflag:$0x3], $0x80, v3, vm1, $0xb8;
	[tilespmem:$0x19000] =	vst v63  }
0xa4d: {  	v3 =	vld [tilespmem:$0x9F0];
	_ =	sdelay $0x4  }
0xa4e: {  	v23 =	vshrl.u32 v3, $0x3  }
0xa4f: {  	v4 =	vmul.u32 $0x18, v23  }
0xa50: {  	v3 =	vand.u32 $0x7, v3  }
0xa51: {  	v3 =	vor.u32 v3, v4  }
0xa52: {  	v4 =	vperm.xlane v3, v0;
	_ =	sdelay $0x1  }
0xa53: {  	v4 =	vadd.s32 v1, v4;
	_ =	sdelay $0x1  }
0xa54: {  	v3 =	vperm.xlane v3, v2;
	_ =	sdelay $0x1  }
0xa55: {  	s1 =	simm.s32 $0xB800;
	v3 =	vadd.s32 v1, v3  }
0xa56: {  	[hbm4b:s2+s3] =	stream.indirect_vreg.scatter [tilespmem:s1], [sflag:$0x3], $0x80, v4, vm0, $0xb8;
	[tilespmem:$0x19000] =	vst v63  }
0xa57: {  	s24 =	simm.s32 $0xC000  }
0xa58: {  	[hbm4b:s5+s3] =	stream.indirect_vreg.scatter [tilespmem:s24], [sflag:$0x3], $0x80, v4, vm1, $0xb8;
	[tilespmem:$0x19000] =	vst v63  }
0xa59: {  	s31 =	simm.s32 $0xC400  }
0xa5a: {  	[hbm4b:s2+s3] =	stream.indirect_vreg.scatter [tilespmem:s31], [sflag:$0x3], $0x80, v3, vm0, $0xb8;
	[tilespmem:$0x19000] =	vst v63  }
0xa5b: {  	s30 =	simm.s32 $0xCC00;
	s1 =	simm.s32 $0x3  }
0xa5c: {  	[hbm4b:s5+s3] =	stream.indirect_vreg.scatter [tilespmem:s30], [sflag:$0x3], $0x80, v3, vm1, $0xb8;
	[tilespmem:$0x19000] =	vst v63  }
0xa5d: {  	_ =	swait.ge [sflag:s1], $0xC000  }
0xa5e: {  	[sflag:s1] =	ssyncset.done $0x0  }
0xa5f: {  	[sflag:s1] =	ssyncadd.s32 $0xFFFF4000  }
0xa60: {  	_ =	swait.ge [sflag:s1], $0xC000  }
0xa61: {  	[sflag:s1] =	ssyncset.done $0x0  }
0xa62: {  	[sflag:s1] =	ssyncadd.s32 $0xFFFF4000  }
0xa63: {  	_ =	swait.ge [sflag:s1], $0xC000  }
0xa64: {  	[sflag:s1] =	ssyncset.done $0x0  }
0xa65: {  	[sflag:s1] =	ssyncadd.s32 $0xFFFF4000  }
0xa66: {  	_ =	swait.ge [sflag:s1], $0xC000  }
0xa67: {  	s25 =	simm.s32 $0x1000;
	[sflag:s1] =	ssyncset.done $0x0  }
0xa68: {  	s6 =	simm.s32 $0x2;
	s4 =	rddreg [dreg:$0xa];
	[sflag:s1] =	ssyncadd.s32 $0xFFFF4000  }
0xa69: {  	[tilespmem:s25], [sflag:$0x1] =	stream.linear.gather [hbm4b:s4+s3], $0xC000, $0x38;
	[tilespmem:$0x19000] =	vst v63  }
0xa6a: {  	_ =	swait.ge [sflag:s6], $0xC000  }
0xa6b: {  	[sflag:s6] =	ssyncset.done $0x0  }
0xa6c: {  	[sflag:s6] =	ssyncadd.s32 $0xFFFF4000  }
0xa6d: {  	v3 =	vld [tilespmem:$0xA00];
	_ =	sdelay $0x4  }
0xa6e: {  	v24 =	vshrl.u32 v3, $0x3  }
0xa6f: {  	v4 =	vmul.u32 $0x18, v24  }
0xa70: {  	v3 =	vand.u32 $0x7, v3  }
0xa71: {  	v3 =	vor.u32 v3, v4  }
0xa72: {  	v4 =	vperm.xlane v3, v0;
	_ =	sdelay $0x1  }
0xa73: {  	v4 =	vadd.s32 v1, v4;
	_ =	sdelay $0x1  }
0xa74: {  	v3 =	vperm.xlane v3, v2;
	_ =	sdelay $0x1  }
0xa75: {  	s24 =	simm.s32 $0xD000;
	v3 =	vadd.s32 v1, v3  }
0xa76: {  	[hbm4b:s2+s3] =	stream.indirect_vreg.scatter [tilespmem:s24], [sflag:$0x4], $0x80, v4, vm0, $0xb8;
	[tilespmem:$0x19000] =	vst v63  }
0xa77: {  	s20 =	simm.s32 $0xD800  }
0xa78: {  	[hbm4b:s5+s3] =	stream.indirect_vreg.scatter [tilespmem:s20], [sflag:$0x4], $0x80, v4, vm1, $0xb8;
	[tilespmem:$0x19000] =	vst v63  }
0xa79: {  	s10 =	simm.s32 $0xDC00  }
0xa7a: {  	[hbm4b:s2+s3] =	stream.indirect_vreg.scatter [tilespmem:s10], [sflag:$0x4], $0x80, v3, vm0, $0xb8;
	[tilespmem:$0x19000] =	vst v63  }
0xa7b: {  	s9 =	simm.s32 $0xE400  }
0xa7c: {  	[hbm4b:s5+s3] =	stream.indirect_vreg.scatter [tilespmem:s9], [sflag:$0x4], $0x80, v3, vm1, $0xb8;
	[tilespmem:$0x19000] =	vst v63  }
0xa7d: {  	v3 =	vld [tilespmem:$0xA10];
	_ =	sdelay $0x4  }
0xa7e: {  	v25 =	vshrl.u32 v3, $0x3  }
0xa7f: {  	v4 =	vmul.u32 $0x18, v25  }
0xa80: {  	v3 =	vand.u32 $0x7, v3  }
0xa81: {  	v3 =	vor.u32 v3, v4  }
0xa82: {  	v4 =	vperm.xlane v3, v0;
	_ =	sdelay $0x1  }
0xa83: {  	v4 =	vadd.s32 v1, v4;
	_ =	sdelay $0x1  }
0xa84: {  	v3 =	vperm.xlane v3, v2;
	_ =	sdelay $0x1  }
0xa85: {  	s11 =	simm.s32 $0xE800;
	v3 =	vadd.s32 v1, v3  }
0xa86: {  	[hbm4b:s2+s3] =	stream.indirect_vreg.scatter [tilespmem:s11], [sflag:$0x4], $0x80, v4, vm0, $0xb8;
	[tilespmem:$0x19000] =	vst v63  }
0xa87: {  	s12 =	simm.s32 $0xF000  }
0xa88: {  	[hbm4b:s5+s3] =	stream.indirect_vreg.scatter [tilespmem:s12], [sflag:$0x4], $0x80, v4, vm1, $0xb8;
	[tilespmem:$0x19000] =	vst v63  }
0xa89: {  	s13 =	simm.s32 $0xF400  }
0xa8a: {  	[hbm4b:s2+s3] =	stream.indirect_vreg.scatter [tilespmem:s13], [sflag:$0x4], $0x80, v3, vm0, $0xb8;
	[tilespmem:$0x19000] =	vst v63  }
0xa8b: {  	s28 =	simm.s32 $0xFC00  }
0xa8c: {  	[hbm4b:s5+s3] =	stream.indirect_vreg.scatter [tilespmem:s28], [sflag:$0x4], $0x80, v3, vm1, $0xb8;
	[tilespmem:$0x19000] =	vst v63  }
0xa8d: {  	v3 =	vld [tilespmem:$0xA20];
	_ =	sdelay $0x4  }
0xa8e: {  	v26 =	vshrl.u32 v3, $0x3  }
0xa8f: {  	v4 =	vmul.u32 $0x18, v26  }
0xa90: {  	v3 =	vand.u32 $0x7, v3  }
0xa91: {  	v3 =	vor.u32 v3, v4  }
0xa92: {  	v4 =	vperm.xlane v3, v0;
	_ =	sdelay $0x1  }
0xa93: {  	v4 =	vadd.s32 v1, v4;
	_ =	sdelay $0x1  }
0xa94: {  	v3 =	vperm.xlane v3, v2;
	_ =	sdelay $0x1  }
0xa95: {  	s14 =	simm.s32 $0x10000;
	v3 =	vadd.s32 v1, v3  }
0xa96: {  	[hbm4b:s2+s3] =	stream.indirect_vreg.scatter [tilespmem:s14], [sflag:$0x4], $0x80, v4, vm0, $0xb8;
	[tilespmem:$0x19000] =	vst v63  }
0xa97: {  	s15 =	simm.s32 $0x10800  }
0xa98: {  	[hbm4b:s5+s3] =	stream.indirect_vreg.scatter [tilespmem:s15], [sflag:$0x4], $0x80, v4, vm1, $0xb8;
	[tilespmem:$0x19000] =	vst v63  }
0xa99: {  	s17 =	simm.s32 $0x10C00  }
0xa9a: {  	[hbm4b:s2+s3] =	stream.indirect_vreg.scatter [tilespmem:s17], [sflag:$0x4], $0x80, v3, vm0, $0xb8;
	[tilespmem:$0x19000] =	vst v63  }
0xa9b: {  	s0 =	simm.s32 $0x11400  }
0xa9c: {  	[hbm4b:s5+s3] =	stream.indirect_vreg.scatter [tilespmem:s0], [sflag:$0x4], $0x80, v3, vm1, $0xb8;
	[tilespmem:$0x19000] =	vst v63  }
0xa9d: {  	v3 =	vld [tilespmem:$0xA30];
	_ =	sdelay $0x4  }
0xa9e: {  	v27 =	vshrl.u32 v3, $0x3  }
0xa9f: {  	v4 =	vmul.u32 $0x18, v27  }
0xaa0: {  	v3 =	vand.u32 $0x7, v3  }
0xaa1: {  	v3 =	vor.u32 v3, v4  }
0xaa2: {  	v4 =	vperm.xlane v3, v0;
	_ =	sdelay $0x1  }
0xaa3: {  	v4 =	vadd.s32 v1, v4;
	_ =	sdelay $0x1  }
0xaa4: {  	v3 =	vperm.xlane v3, v2;
	_ =	sdelay $0x1  }
0xaa5: {  	s18 =	simm.s32 $0x11800;
	v3 =	vadd.s32 v1, v3  }
0xaa6: {  	[hbm4b:s2+s3] =	stream.indirect_vreg.scatter [tilespmem:s18], [sflag:$0x4], $0x80, v4, vm0, $0xb8;
	[tilespmem:$0x19000] =	vst v63  }
0xaa7: {  	s19 =	simm.s32 $0x12000  }
0xaa8: {  	[hbm4b:s5+s3] =	stream.indirect_vreg.scatter [tilespmem:s19], [sflag:$0x4], $0x80, v4, vm1, $0xb8;
	[tilespmem:$0x19000] =	vst v63  }
0xaa9: {  	s21 =	simm.s32 $0x12400  }
0xaaa: {  	[hbm4b:s2+s3] =	stream.indirect_vreg.scatter [tilespmem:s21], [sflag:$0x4], $0x80, v3, vm0, $0xb8;
	[tilespmem:$0x19000] =	vst v63  }
0xaab: {  	s1 =	simm.s32 $0x12C00  }
0xaac: {  	[hbm4b:s5+s3] =	stream.indirect_vreg.scatter [tilespmem:s1], [sflag:$0x4], $0x80, v3, vm1, $0xb8;
	[tilespmem:$0x19000] =	vst v63  }
0xaad: {  	v3 =	vld [tilespmem:$0xA40];
	_ =	sdelay $0x4  }
0xaae: {  	v28 =	vshrl.u32 v3, $0x3  }
0xaaf: {  	v4 =	vmul.u32 $0x18, v28  }
0xab0: {  	v3 =	vand.u32 $0x7, v3  }
0xab1: {  	v3 =	vor.u32 v3, v4  }
0xab2: {  	v4 =	vperm.xlane v3, v0;
	_ =	sdelay $0x1  }
0xab3: {  	v4 =	vadd.s32 v1, v4;
	_ =	sdelay $0x1  }
0xab4: {  	v3 =	vperm.xlane v3, v2;
	_ =	sdelay $0x1  }
0xab5: {  	s22 =	simm.s32 $0x13000;
	v3 =	vadd.s32 v1, v3  }
0xab6: {  	[hbm4b:s2+s3] =	stream.indirect_vreg.scatter [tilespmem:s22], [sflag:$0x4], $0x80, v4, vm0, $0xb8;
	[tilespmem:$0x19000] =	vst v63  }
0xab7: {  	s16 =	simm.s32 $0x13800  }
0xab8: {  	[hbm4b:s5+s3] =	stream.indirect_vreg.scatter [tilespmem:s16], [sflag:$0x4], $0x80, v4, vm1, $0xb8;
	[tilespmem:$0x19000] =	vst v63  }
0xab9: {  	s25 =	simm.s32 $0x13C00  }
0xaba: {  	[hbm4b:s2+s3] =	stream.indirect_vreg.scatter [tilespmem:s25], [sflag:$0x4], $0x80, v3, vm0, $0xb8;
	[tilespmem:$0x19000] =	vst v63  }
0xabb: {  	s4 =	simm.s32 $0x14400  }
0xabc: {  	[hbm4b:s5+s3] =	stream.indirect_vreg.scatter [tilespmem:s4], [sflag:$0x4], $0x80, v3, vm1, $0xb8;
	[tilespmem:$0x19000] =	vst v63  }
0xabd: {  	v3 =	vld [tilespmem:$0xA50];
	_ =	sdelay $0x4  }
0xabe: {  	v29 =	vshrl.u32 v3, $0x3  }
0xabf: {  	v4 =	vmul.u32 $0x18, v29  }
0xac0: {  	v3 =	vand.u32 $0x7, v3  }
0xac1: {  	v3 =	vor.u32 v3, v4  }
0xac2: {  	v4 =	vperm.xlane v3, v0;
	_ =	sdelay $0x1  }
0xac3: {  	v4 =	vadd.s32 v1, v4;
	_ =	sdelay $0x1  }
0xac4: {  	v3 =	vperm.xlane v3, v2;
	_ =	sdelay $0x1  }
0xac5: {  	s29 =	simm.s32 $0x14800;
	v3 =	vadd.s32 v1, v3  }
0xac6: {  	[hbm4b:s2+s3] =	stream.indirect_vreg.scatter [tilespmem:s29], [sflag:$0x4], $0x80, v4, vm0, $0xb8;
	[tilespmem:$0x19000] =	vst v63  }
0xac7: {  	s30 =	simm.s32 $0x15000  }
0xac8: {  	[hbm4b:s5+s3] =	stream.indirect_vreg.scatter [tilespmem:s30], [sflag:$0x4], $0x80, v4, vm1, $0xb8;
	[tilespmem:$0x19000] =	vst v63  }
0xac9: {  	s31 =	simm.s32 $0x15400  }
0xaca: {  	[hbm4b:s2+s3] =	stream.indirect_vreg.scatter [tilespmem:s31], [sflag:$0x4], $0x80, v3, vm0, $0xb8;
	[tilespmem:$0x19000] =	vst v63  }
0xacb: {  	s8 =	simm.s32 $0x15C00  }
0xacc: {  	[hbm4b:s5+s3] =	stream.indirect_vreg.scatter [tilespmem:s8], [sflag:$0x4], $0x80, v3, vm1, $0xb8;
	[tilespmem:$0x19000] =	vst v63  }
0xacd: {  	v3 =	vld [tilespmem:$0xA60];
	_ =	sdelay $0x4  }
0xace: {  	v30 =	vshrl.u32 v3, $0x3  }
0xacf: {  	v4 =	vmul.u32 $0x18, v30  }
0xad0: {  	v3 =	vand.u32 $0x7, v3  }
0xad1: {  	v3 =	vor.u32 v3, v4  }
0xad2: {  	v4 =	vperm.xlane v3, v0;
	_ =	sdelay $0x1  }
0xad3: {  	v4 =	vadd.s32 v1, v4;
	_ =	sdelay $0x1  }
0xad4: {  	v3 =	vperm.xlane v3, v2;
	_ =	sdelay $0x1  }
0xad5: {  	s26 =	simm.s32 $0x16000;
	v3 =	vadd.s32 v1, v3  }
0xad6: {  	[hbm4b:s2+s3] =	stream.indirect_vreg.scatter [tilespmem:s26], [sflag:$0x4], $0x80, v4, vm0, $0xb8;
	[tilespmem:$0x19000] =	vst v63  }
0xad7: {  	s23 =	simm.s32 $0x16800  }
0xad8: {  	[hbm4b:s5+s3] =	stream.indirect_vreg.scatter [tilespmem:s23], [sflag:$0x4], $0x80, v4, vm1, $0xb8;
	[tilespmem:$0x19000] =	vst v63  }
0xad9: {  	s7 =	simm.s32 $0x16C00  }
0xada: {  	[hbm4b:s2+s3] =	stream.indirect_vreg.scatter [tilespmem:s7], [sflag:$0x4], $0x80, v3, vm0, $0xb8;
	[tilespmem:$0x19000] =	vst v63  }
0xadb: {  	s6 =	simm.s32 $0x17400  }
0xadc: {  	[hbm4b:s5+s3] =	stream.indirect_vreg.scatter [tilespmem:s6], [sflag:$0x4], $0x80, v3, vm1, $0xb8;
	[tilespmem:$0x19000] =	vst v63  }
0xadd: {  	v3 =	vld [tilespmem:$0xA70];
	_ =	sdelay $0x4  }
0xade: {  	v31 =	vshrl.u32 v3, $0x3  }
0xadf: {  	v4 =	vmul.u32 $0x18, v31  }
0xae0: {  	v3 =	vand.u32 $0x7, v3  }
0xae1: {  	v3 =	vor.u32 v3, v4  }
0xae2: {  	v4 =	vperm.xlane v3, v0;
	_ =	sdelay $0x1  }
0xae3: {  	v4 =	vadd.s32 v1, v4;
	_ =	sdelay $0x1  }
0xae4: {  	v3 =	vperm.xlane v3, v2;
	_ =	sdelay $0x1  }
0xae5: {  	s7 =	simm.s32 $0x17800;
	v3 =	vadd.s32 v1, v3  }
0xae6: {  	[hbm4b:s2+s3] =	stream.indirect_vreg.scatter [tilespmem:s7], [sflag:$0x4], $0x80, v4, vm0, $0xb8;
	[tilespmem:$0x19000] =	vst v63  }
0xae7: {  	s7 =	simm.s32 $0x18000  }
0xae8: {  	[hbm4b:s5+s3] =	stream.indirect_vreg.scatter [tilespmem:s7], [sflag:$0x4], $0x80, v4, vm1, $0xb8;
	[tilespmem:$0x19000] =	vst v63  }
0xae9: {  	s7 =	simm.s32 $0x18400  }
0xaea: {  	[hbm4b:s2+s3] =	stream.indirect_vreg.scatter [tilespmem:s7], [sflag:$0x4], $0x80, v3, vm0, $0xb8;
	[tilespmem:$0x19000] =	vst v63  }
0xaeb: {  	s7 =	simm.s32 $0x18C00  }
0xaec: {  	[hbm4b:s5+s3] =	stream.indirect_vreg.scatter [tilespmem:s7], [sflag:$0x4], $0x80, v3, vm1, $0xb8;
	[tilespmem:$0x19000] =	vst v63  }
0xaed: {  	v3 =	vld [tilespmem:$0xA80];
	_ =	sdelay $0x4  }
0xaee: {  	v32 =	vshrl.u32 v3, $0x3  }
0xaef: {  	v4 =	vmul.u32 $0x18, v32  }
0xaf0: {  	v3 =	vand.u32 $0x7, v3  }
0xaf1: {  	v3 =	vor.u32 v3, v4  }
0xaf2: {  	v4 =	vperm.xlane v3, v0;
	_ =	sdelay $0x1  }
0xaf3: {  	v4 =	vadd.s32 v1, v4;
	_ =	sdelay $0x1  }
0xaf4: {  	v3 =	vperm.xlane v3, v2;
	_ =	sdelay $0x1  }
0xaf5: {  	v3 =	vadd.s32 v1, v3  }
0xaf6: {  	[hbm4b:s2+s3] =	stream.indirect_vreg.scatter [tilespmem:s24], [sflag:$0x4], $0x80, v4, vm0, $0xb8;
	[tilespmem:$0x19000] =	vst v63  }
0xaf7: {  	_ = 	snop  }
0xaf8: {  	[hbm4b:s5+s3] =	stream.indirect_vreg.scatter [tilespmem:s20], [sflag:$0x4], $0x80, v4, vm1, $0xb8;
	[tilespmem:$0x19000] =	vst v63  }
0xaf9: {  	_ = 	snop  }
0xafa: {  	[hbm4b:s2+s3] =	stream.indirect_vreg.scatter [tilespmem:s10], [sflag:$0x4], $0x80, v3, vm0, $0xb8;
	[tilespmem:$0x19000] =	vst v63  }
0xafb: {  	_ = 	snop  }
0xafc: {  	[hbm4b:s5+s3] =	stream.indirect_vreg.scatter [tilespmem:s9], [sflag:$0x4], $0x80, v3, vm1, $0xb8;
	[tilespmem:$0x19000] =	vst v63  }
0xafd: {  	v3 =	vld [tilespmem:$0xA90];
	_ =	sdelay $0x4  }
0xafe: {  	v33 =	vshrl.u32 v3, $0x3  }
0xaff: {  	v4 =	vmul.u32 $0x18, v33  }
0xb00: {  	v3 =	vand.u32 $0x7, v3  }
0xb01: {  	v3 =	vor.u32 v3, v4  }
0xb02: {  	v4 =	vperm.xlane v3, v0;
	_ =	sdelay $0x1  }
0xb03: {  	v4 =	vadd.s32 v1, v4;
	_ =	sdelay $0x1  }
0xb04: {  	v3 =	vperm.xlane v3, v2;
	_ =	sdelay $0x1  }
0xb05: {  	v3 =	vadd.s32 v1, v3  }
0xb06: {  	[hbm4b:s2+s3] =	stream.indirect_vreg.scatter [tilespmem:s11], [sflag:$0x4], $0x80, v4, vm0, $0xb8;
	[tilespmem:$0x19000] =	vst v63  }
0xb07: {  	_ = 	snop  }
0xb08: {  	[hbm4b:s5+s3] =	stream.indirect_vreg.scatter [tilespmem:s12], [sflag:$0x4], $0x80, v4, vm1, $0xb8;
	[tilespmem:$0x19000] =	vst v63  }
0xb09: {  	_ = 	snop  }
0xb0a: {  	[hbm4b:s2+s3] =	stream.indirect_vreg.scatter [tilespmem:s13], [sflag:$0x4], $0x80, v3, vm0, $0xb8;
	[tilespmem:$0x19000] =	vst v63  }
0xb0b: {  	_ = 	snop  }
0xb0c: {  	[hbm4b:s5+s3] =	stream.indirect_vreg.scatter [tilespmem:s28], [sflag:$0x4], $0x80, v3, vm1, $0xb8;
	[tilespmem:$0x19000] =	vst v63  }
0xb0d: {  	v3 =	vld [tilespmem:$0xAA0];
	_ =	sdelay $0x4  }
0xb0e: {  	v34 =	vshrl.u32 v3, $0x3  }
0xb0f: {  	v4 =	vmul.u32 $0x18, v34  }
0xb10: {  	v3 =	vand.u32 $0x7, v3  }
0xb11: {  	v3 =	vor.u32 v3, v4  }
0xb12: {  	v4 =	vperm.xlane v3, v0;
	_ =	sdelay $0x1  }
0xb13: {  	v4 =	vadd.s32 v1, v4;
	_ =	sdelay $0x1  }
0xb14: {  	v3 =	vperm.xlane v3, v2;
	_ =	sdelay $0x1  }
0xb15: {  	v3 =	vadd.s32 v1, v3  }
0xb16: {  	[hbm4b:s2+s3] =	stream.indirect_vreg.scatter [tilespmem:s14], [sflag:$0x4], $0x80, v4, vm0, $0xb8;
	[tilespmem:$0x19000] =	vst v63  }
0xb17: {  	_ = 	snop  }
0xb18: {  	[hbm4b:s5+s3] =	stream.indirect_vreg.scatter [tilespmem:s15], [sflag:$0x4], $0x80, v4, vm1, $0xb8;
	[tilespmem:$0x19000] =	vst v63  }
0xb19: {  	_ = 	snop  }
0xb1a: {  	[hbm4b:s2+s3] =	stream.indirect_vreg.scatter [tilespmem:s17], [sflag:$0x4], $0x80, v3, vm0, $0xb8;
	[tilespmem:$0x19000] =	vst v63  }
0xb1b: {  	_ = 	snop  }
0xb1c: {  	[hbm4b:s5+s3] =	stream.indirect_vreg.scatter [tilespmem:s0], [sflag:$0x4], $0x80, v3, vm1, $0xb8;
	[tilespmem:$0x19000] =	vst v63  }
0xb1d: {  	v3 =	vld [tilespmem:$0xAB0];
	_ =	sdelay $0x4  }
0xb1e: {  	v35 =	vshrl.u32 v3, $0x3  }
0xb1f: {  	v4 =	vmul.u32 $0x18, v35  }
0xb20: {  	v3 =	vand.u32 $0x7, v3  }
0xb21: {  	v3 =	vor.u32 v3, v4  }
0xb22: {  	v4 =	vperm.xlane v3, v0;
	_ =	sdelay $0x1  }
0xb23: {  	v4 =	vadd.s32 v1, v4;
	_ =	sdelay $0x1  }
0xb24: {  	v3 =	vperm.xlane v3, v2;
	_ =	sdelay $0x1  }
0xb25: {  	v3 =	vadd.s32 v1, v3  }
0xb26: {  	[hbm4b:s2+s3] =	stream.indirect_vreg.scatter [tilespmem:s18], [sflag:$0x4], $0x80, v4, vm0, $0xb8;
	[tilespmem:$0x19000] =	vst v63  }
0xb27: {  	_ = 	snop  }
0xb28: {  	[hbm4b:s5+s3] =	stream.indirect_vreg.scatter [tilespmem:s19], [sflag:$0x4], $0x80, v4, vm1, $0xb8;
	[tilespmem:$0x19000] =	vst v63  }
0xb29: {  	_ = 	snop  }
0xb2a: {  	[hbm4b:s2+s3] =	stream.indirect_vreg.scatter [tilespmem:s21], [sflag:$0x4], $0x80, v3, vm0, $0xb8;
	[tilespmem:$0x19000] =	vst v63  }
0xb2b: {  	_ = 	snop  }
0xb2c: {  	[hbm4b:s5+s3] =	stream.indirect_vreg.scatter [tilespmem:s1], [sflag:$0x4], $0x80, v3, vm1, $0xb8;
	[tilespmem:$0x19000] =	vst v63  }
0xb2d: {  	v3 =	vld [tilespmem:$0xAC0];
	_ =	sdelay $0x4  }
0xb2e: {  	v36 =	vshrl.u32 v3, $0x3  }
0xb2f: {  	v4 =	vmul.u32 $0x18, v36  }
0xb30: {  	v3 =	vand.u32 $0x7, v3  }
0xb31: {  	v3 =	vor.u32 v3, v4  }
0xb32: {  	v4 =	vperm.xlane v3, v0;
	_ =	sdelay $0x1  }
0xb33: {  	v4 =	vadd.s32 v1, v4;
	_ =	sdelay $0x1  }
0xb34: {  	v3 =	vperm.xlane v3, v2;
	_ =	sdelay $0x1  }
0xb35: {  	v3 =	vadd.s32 v1, v3  }
0xb36: {  	[hbm4b:s2+s3] =	stream.indirect_vreg.scatter [tilespmem:s22], [sflag:$0x4], $0x80, v4, vm0, $0xb8;
	[tilespmem:$0x19000] =	vst v63  }
0xb37: {  	_ = 	snop  }
0xb38: {  	[hbm4b:s5+s3] =	stream.indirect_vreg.scatter [tilespmem:s16], [sflag:$0x4], $0x80, v4, vm1, $0xb8;
	[tilespmem:$0x19000] =	vst v63  }
0xb39: {  	_ = 	snop  }
0xb3a: {  	[hbm4b:s2+s3] =	stream.indirect_vreg.scatter [tilespmem:s25], [sflag:$0x4], $0x80, v3, vm0, $0xb8;
	[tilespmem:$0x19000] =	vst v63  }
0xb3b: {  	_ = 	snop  }
0xb3c: {  	[hbm4b:s5+s3] =	stream.indirect_vreg.scatter [tilespmem:s4], [sflag:$0x4], $0x80, v3, vm1, $0xb8;
	[tilespmem:$0x19000] =	vst v63  }
0xb3d: {  	v3 =	vld [tilespmem:$0xAD0];
	_ =	sdelay $0x4  }
0xb3e: {  	v37 =	vshrl.u32 v3, $0x3  }
0xb3f: {  	v4 =	vmul.u32 $0x18, v37  }
0xb40: {  	v3 =	vand.u32 $0x7, v3  }
0xb41: {  	v3 =	vor.u32 v3, v4  }
0xb42: {  	v4 =	vperm.xlane v3, v0;
	_ =	sdelay $0x1  }
0xb43: {  	v4 =	vadd.s32 v1, v4;
	_ =	sdelay $0x1  }
0xb44: {  	v3 =	vperm.xlane v3, v2;
	_ =	sdelay $0x1  }
0xb45: {  	v3 =	vadd.s32 v1, v3  }
0xb46: {  	[hbm4b:s2+s3] =	stream.indirect_vreg.scatter [tilespmem:s29], [sflag:$0x4], $0x80, v4, vm0, $0xb8;
	[tilespmem:$0x19000] =	vst v63  }
0xb47: {  	_ = 	snop  }
0xb48: {  	[hbm4b:s5+s3] =	stream.indirect_vreg.scatter [tilespmem:s30], [sflag:$0x4], $0x80, v4, vm1, $0xb8;
	[tilespmem:$0x19000] =	vst v63  }
0xb49: {  	_ = 	snop  }
0xb4a: {  	[hbm4b:s2+s3] =	stream.indirect_vreg.scatter [tilespmem:s31], [sflag:$0x4], $0x80, v3, vm0, $0xb8;
	[tilespmem:$0x19000] =	vst v63  }
0xb4b: {  	_ = 	snop  }
0xb4c: {  	[hbm4b:s5+s3] =	stream.indirect_vreg.scatter [tilespmem:s8], [sflag:$0x4], $0x80, v3, vm1, $0xb8;
	[tilespmem:$0x19000] =	vst v63  }
0xb4d: {  	v3 =	vld [tilespmem:$0xAE0];
	_ =	sdelay $0x4  }
0xb4e: {  	v38 =	vshrl.u32 v3, $0x3  }
0xb4f: {  	v4 =	vmul.u32 $0x18, v38  }
0xb50: {  	v3 =	vand.u32 $0x7, v3  }
0xb51: {  	v3 =	vor.u32 v3, v4  }
0xb52: {  	v4 =	vperm.xlane v3, v0;
	_ =	sdelay $0x1  }
0xb53: {  	v4 =	vadd.s32 v1, v4;
	_ =	sdelay $0x1  }
0xb54: {  	v3 =	vperm.xlane v3, v2;
	_ =	sdelay $0x1  }
0xb55: {  	v3 =	vadd.s32 v1, v3  }
0xb56: {  	[hbm4b:s2+s3] =	stream.indirect_vreg.scatter [tilespmem:s26], [sflag:$0x4], $0x80, v4, vm0, $0xb8;
	[tilespmem:$0x19000] =	vst v63  }
0xb57: {  	_ = 	snop  }
0xb58: {  	[hbm4b:s5+s3] =	stream.indirect_vreg.scatter [tilespmem:s23], [sflag:$0x4], $0x80, v4, vm1, $0xb8;
	[tilespmem:$0x19000] =	vst v63  }
0xb59: {  	s31 =	simm.s32 $0x16C00  }
0xb5a: {  	[hbm4b:s2+s3] =	stream.indirect_vreg.scatter [tilespmem:s31], [sflag:$0x4], $0x80, v3, vm0, $0xb8;
	[tilespmem:$0x19000] =	vst v63  }
0xb5b: {  	_ = 	snop  }
0xb5c: {  	[hbm4b:s5+s3] =	stream.indirect_vreg.scatter [tilespmem:s6], [sflag:$0x4], $0x80, v3, vm1, $0xb8;
	[tilespmem:$0x19000] =	vst v63  }
0xb5d: {  	v3 =	vld [tilespmem:$0xAF0];
	_ =	sdelay $0x4  }
0xb5e: {  	v39 =	vshrl.u32 v3, $0x3  }
0xb5f: {  	v4 =	vmul.u32 $0x18, v39  }
0xb60: {  	v3 =	vand.u32 $0x7, v3  }
0xb61: {  	v3 =	vor.u32 v3, v4  }
0xb62: {  	v4 =	vperm.xlane v3, v0;
	_ =	sdelay $0x1  }
0xb63: {  	v4 =	vadd.s32 v1, v4;
	_ =	sdelay $0x1  }
0xb64: {  	v3 =	vperm.xlane v3, v2;
	_ =	sdelay $0x1  }
0xb65: {  	s6 =	simm.s32 $0x17800;
	v3 =	vadd.s32 v1, v3  }
0xb66: {  	[hbm4b:s2+s3] =	stream.indirect_vreg.scatter [tilespmem:s6], [sflag:$0x4], $0x80, v4, vm0, $0xb8;
	[tilespmem:$0x19000] =	vst v63  }
0xb67: {  	s17 =	simm.s32 $0x18000  }
0xb68: {  	[hbm4b:s5+s3] =	stream.indirect_vreg.scatter [tilespmem:s17], [sflag:$0x4], $0x80, v4, vm1, $0xb8;
	[tilespmem:$0x19000] =	vst v63  }
0xb69: {  	s23 =	simm.s32 $0x18400  }
0xb6a: {  	[hbm4b:s2+s3] =	stream.indirect_vreg.scatter [tilespmem:s23], [sflag:$0x4], $0x80, v3, vm0, $0xb8;
	[tilespmem:$0x19000] =	vst v63  }
0xb6b: {  	_ = 	snop  }
0xb6c: {  	[hbm4b:s5+s3] =	stream.indirect_vreg.scatter [tilespmem:s7], [sflag:$0x4], $0x80, v3, vm1, $0xb8;
	[tilespmem:$0x19000] =	vst v63  }
0xb6d: {  	v3 =	vld [tilespmem:$0xB00];
	_ =	sdelay $0x4  }
0xb6e: {  	v40 =	vshrl.u32 v3, $0x3  }
0xb6f: {  	v4 =	vmul.u32 $0x18, v40  }
0xb70: {  	v3 =	vand.u32 $0x7, v3  }
0xb71: {  	v3 =	vor.u32 v3, v4  }
0xb72: {  	v4 =	vperm.xlane v3, v0;
	_ =	sdelay $0x1  }
0xb73: {  	v4 =	vadd.s32 v1, v4;
	_ =	sdelay $0x1  }
0xb74: {  	v3 =	vperm.xlane v3, v2;
	_ =	sdelay $0x1  }
0xb75: {  	s24 =	simm.s32 $0xD000;
	v3 =	vadd.s32 v1, v3  }
0xb76: {  	[hbm4b:s2+s3] =	stream.indirect_vreg.scatter [tilespmem:s24], [sflag:$0x4], $0x80, v4, vm0, $0xb8;
	[tilespmem:$0x19000] =	vst v63  }
0xb77: {  	s25 =	simm.s32 $0xD800  }
0xb78: {  	[hbm4b:s5+s3] =	stream.indirect_vreg.scatter [tilespmem:s25], [sflag:$0x4], $0x80, v4, vm1, $0xb8;
	[tilespmem:$0x19000] =	vst v63  }
0xb79: {  	s10 =	simm.s32 $0xDC00  }
0xb7a: {  	[hbm4b:s2+s3] =	stream.indirect_vreg.scatter [tilespmem:s10], [sflag:$0x4], $0x80, v3, vm0, $0xb8;
	[tilespmem:$0x19000] =	vst v63  }
0xb7b: {  	s26 =	simm.s32 $0xE400  }
0xb7c: {  	[hbm4b:s5+s3] =	stream.indirect_vreg.scatter [tilespmem:s26], [sflag:$0x4], $0x80, v3, vm1, $0xb8;
	[tilespmem:$0x19000] =	vst v63  }
0xb7d: {  	v3 =	vld [tilespmem:$0xB10];
	_ =	sdelay $0x4  }
0xb7e: {  	v41 =	vshrl.u32 v3, $0x3  }
0xb7f: {  	v4 =	vmul.u32 $0x18, v41  }
0xb80: {  	v3 =	vand.u32 $0x7, v3  }
0xb81: {  	v3 =	vor.u32 v3, v4  }
0xb82: {  	v4 =	vperm.xlane v3, v0;
	_ =	sdelay $0x1  }
0xb83: {  	v4 =	vadd.s32 v1, v4;
	_ =	sdelay $0x1  }
0xb84: {  	v3 =	vperm.xlane v3, v2;
	_ =	sdelay $0x1  }
0xb85: {  	s28 =	simm.s32 $0xE800;
	v3 =	vadd.s32 v1, v3  }
0xb86: {  	[hbm4b:s2+s3] =	stream.indirect_vreg.scatter [tilespmem:s28], [sflag:$0x4], $0x80, v4, vm0, $0xb8;
	[tilespmem:$0x19000] =	vst v63  }
0xb87: {  	s29 =	simm.s32 $0xF000  }
0xb88: {  	[hbm4b:s5+s3] =	stream.indirect_vreg.scatter [tilespmem:s29], [sflag:$0x4], $0x80, v4, vm1, $0xb8;
	[tilespmem:$0x19000] =	vst v63  }
0xb89: {  	s30 =	simm.s32 $0xF400  }
0xb8a: {  	[hbm4b:s2+s3] =	stream.indirect_vreg.scatter [tilespmem:s30], [sflag:$0x4], $0x80, v3, vm0, $0xb8;
	[tilespmem:$0x19000] =	vst v63  }
0xb8b: {  	s11 =	simm.s32 $0xFC00  }
0xb8c: {  	[hbm4b:s5+s3] =	stream.indirect_vreg.scatter [tilespmem:s11], [sflag:$0x4], $0x80, v3, vm1, $0xb8;
	[tilespmem:$0x19000] =	vst v63  }
0xb8d: {  	v3 =	vld [tilespmem:$0xB20];
	_ =	sdelay $0x4  }
0xb8e: {  	v42 =	vshrl.u32 v3, $0x3  }
0xb8f: {  	v4 =	vmul.u32 $0x18, v42  }
0xb90: {  	v3 =	vand.u32 $0x7, v3  }
0xb91: {  	v3 =	vor.u32 v3, v4  }
0xb92: {  	v4 =	vperm.xlane v3, v0;
	_ =	sdelay $0x1  }
0xb93: {  	v4 =	vadd.s32 v1, v4;
	_ =	sdelay $0x1  }
0xb94: {  	v3 =	vperm.xlane v3, v2;
	_ =	sdelay $0x1  }
0xb95: {  	s31 =	simm.s32 $0x10000;
	v3 =	vadd.s32 v1, v3  }
0xb96: {  	[hbm4b:s2+s3] =	stream.indirect_vreg.scatter [tilespmem:s31], [sflag:$0x4], $0x80, v4, vm0, $0xb8;
	[tilespmem:$0x19000] =	vst v63  }
0xb97: {  	s10 =	simm.s32 $0x10800  }
0xb98: {  	[hbm4b:s5+s3] =	stream.indirect_vreg.scatter [tilespmem:s10], [sflag:$0x4], $0x80, v4, vm1, $0xb8;
	[tilespmem:$0x19000] =	vst v63  }
0xb99: {  	s11 =	simm.s32 $0x10C00  }
0xb9a: {  	[hbm4b:s2+s3] =	stream.indirect_vreg.scatter [tilespmem:s11], [sflag:$0x4], $0x80, v3, vm0, $0xb8;
	[tilespmem:$0x19000] =	vst v63  }
0xb9b: {  	s14 =	simm.s32 $0x11400  }
0xb9c: {  	[hbm4b:s5+s3] =	stream.indirect_vreg.scatter [tilespmem:s14], [sflag:$0x4], $0x80, v3, vm1, $0xb8;
	[tilespmem:$0x19000] =	vst v63  }
0xb9d: {  	v3 =	vld [tilespmem:$0xB30];
	_ =	sdelay $0x4  }
0xb9e: {  	v43 =	vshrl.u32 v3, $0x3  }
0xb9f: {  	v4 =	vmul.u32 $0x18, v43  }
0xba0: {  	v3 =	vand.u32 $0x7, v3  }
0xba1: {  	v3 =	vor.u32 v3, v4  }
0xba2: {  	v4 =	vperm.xlane v3, v0;
	_ =	sdelay $0x1  }
0xba3: {  	v4 =	vadd.s32 v1, v4;
	_ =	sdelay $0x1  }
0xba4: {  	v3 =	vperm.xlane v3, v2;
	_ =	sdelay $0x1  }
0xba5: {  	s18 =	simm.s32 $0x11800;
	v3 =	vadd.s32 v1, v3  }
0xba6: {  	[hbm4b:s2+s3] =	stream.indirect_vreg.scatter [tilespmem:s18], [sflag:$0x4], $0x80, v4, vm0, $0xb8;
	[tilespmem:$0x19000] =	vst v63  }
0xba7: {  	s19 =	simm.s32 $0x12000  }
0xba8: {  	[hbm4b:s5+s3] =	stream.indirect_vreg.scatter [tilespmem:s19], [sflag:$0x4], $0x80, v4, vm1, $0xb8;
	[tilespmem:$0x19000] =	vst v63  }
0xba9: {  	s21 =	simm.s32 $0x12400  }
0xbaa: {  	[hbm4b:s2+s3] =	stream.indirect_vreg.scatter [tilespmem:s21], [sflag:$0x4], $0x80, v3, vm0, $0xb8;
	[tilespmem:$0x19000] =	vst v63  }
0xbab: {  	s15 =	simm.s32 $0x12C00  }
0xbac: {  	[hbm4b:s5+s3] =	stream.indirect_vreg.scatter [tilespmem:s15], [sflag:$0x4], $0x80, v3, vm1, $0xb8;
	[tilespmem:$0x19000] =	vst v63  }
0xbad: {  	v3 =	vld [tilespmem:$0xB40];
	_ =	sdelay $0x4  }
0xbae: {  	v44 =	vshrl.u32 v3, $0x3  }
0xbaf: {  	v4 =	vmul.u32 $0x18, v44  }
0xbb0: {  	v3 =	vand.u32 $0x7, v3  }
0xbb1: {  	v3 =	vor.u32 v3, v4  }
0xbb2: {  	v4 =	vperm.xlane v3, v0;
	_ =	sdelay $0x1  }
0xbb3: {  	v4 =	vadd.s32 v1, v4;
	_ =	sdelay $0x1  }
0xbb4: {  	v3 =	vperm.xlane v3, v2;
	_ =	sdelay $0x1  }
0xbb5: {  	s22 =	simm.s32 $0x13000;
	v3 =	vadd.s32 v1, v3  }
0xbb6: {  	[hbm4b:s2+s3] =	stream.indirect_vreg.scatter [tilespmem:s22], [sflag:$0x4], $0x80, v4, vm0, $0xb8;
	[tilespmem:$0x19000] =	vst v63  }
0xbb7: {  	s1 =	simm.s32 $0x13800  }
0xbb8: {  	[hbm4b:s5+s3] =	stream.indirect_vreg.scatter [tilespmem:s1], [sflag:$0x4], $0x80, v4, vm1, $0xb8;
	[tilespmem:$0x19000] =	vst v63  }
0xbb9: {  	s9 =	simm.s32 $0x13C00  }
0xbba: {  	[hbm4b:s2+s3] =	stream.indirect_vreg.scatter [tilespmem:s9], [sflag:$0x4], $0x80, v3, vm0, $0xb8;
	[tilespmem:$0x19000] =	vst v63  }
0xbbb: {  	s16 =	simm.s32 $0x14400  }
0xbbc: {  	[hbm4b:s5+s3] =	stream.indirect_vreg.scatter [tilespmem:s16], [sflag:$0x4], $0x80, v3, vm1, $0xb8;
	[tilespmem:$0x19000] =	vst v63  }
0xbbd: {  	v3 =	vld [tilespmem:$0xB50];
	_ =	sdelay $0x4  }
0xbbe: {  	v45 =	vshrl.u32 v3, $0x3  }
0xbbf: {  	v4 =	vmul.u32 $0x18, v45  }
0xbc0: {  	v3 =	vand.u32 $0x7, v3  }
0xbc1: {  	v3 =	vor.u32 v3, v4  }
0xbc2: {  	v4 =	vperm.xlane v3, v0;
	_ =	sdelay $0x1  }
0xbc3: {  	v4 =	vadd.s32 v1, v4;
	_ =	sdelay $0x1  }
0xbc4: {  	v3 =	vperm.xlane v3, v2;
	_ =	sdelay $0x1  }
0xbc5: {  	s0 =	simm.s32 $0x14800;
	v3 =	vadd.s32 v1, v3  }
0xbc6: {  	[hbm4b:s2+s3] =	stream.indirect_vreg.scatter [tilespmem:s0], [sflag:$0x4], $0x80, v4, vm0, $0xb8;
	[tilespmem:$0x19000] =	vst v63  }
0xbc7: {  	s12 =	simm.s32 $0x15000  }
0xbc8: {  	[hbm4b:s5+s3] =	stream.indirect_vreg.scatter [tilespmem:s12], [sflag:$0x4], $0x80, v4, vm1, $0xb8;
	[tilespmem:$0x19000] =	vst v63  }
0xbc9: {  	s13 =	simm.s32 $0x15400  }
0xbca: {  	[hbm4b:s2+s3] =	stream.indirect_vreg.scatter [tilespmem:s13], [sflag:$0x4], $0x80, v3, vm0, $0xb8;
	[tilespmem:$0x19000] =	vst v63  }
0xbcb: {  	s20 =	simm.s32 $0x15C00  }
0xbcc: {  	[hbm4b:s5+s3] =	stream.indirect_vreg.scatter [tilespmem:s20], [sflag:$0x4], $0x80, v3, vm1, $0xb8;
	[tilespmem:$0x19000] =	vst v63  }
0xbcd: {  	v3 =	vld [tilespmem:$0xB60];
	_ =	sdelay $0x4  }
0xbce: {  	v46 =	vshrl.u32 v3, $0x3  }
0xbcf: {  	v4 =	vmul.u32 $0x18, v46  }
0xbd0: {  	v3 =	vand.u32 $0x7, v3  }
0xbd1: {  	v3 =	vor.u32 v3, v4  }
0xbd2: {  	v4 =	vperm.xlane v3, v0;
	_ =	sdelay $0x1  }
0xbd3: {  	v4 =	vadd.s32 v1, v4;
	_ =	sdelay $0x1  }
0xbd4: {  	v3 =	vperm.xlane v3, v2;
	_ =	sdelay $0x1  }
0xbd5: {  	s16 =	simm.s32 $0x16000;
	v3 =	vadd.s32 v1, v3  }
0xbd6: {  	[hbm4b:s2+s3] =	stream.indirect_vreg.scatter [tilespmem:s16], [sflag:$0x4], $0x80, v4, vm0, $0xb8;
	[tilespmem:$0x19000] =	vst v63  }
0xbd7: {  	s20 =	simm.s32 $0x16800  }
0xbd8: {  	[hbm4b:s5+s3] =	stream.indirect_vreg.scatter [tilespmem:s20], [sflag:$0x4], $0x80, v4, vm1, $0xb8;
	[tilespmem:$0x19000] =	vst v63  }
0xbd9: {  	s12 =	simm.s32 $0x16C00  }
0xbda: {  	[hbm4b:s2+s3] =	stream.indirect_vreg.scatter [tilespmem:s12], [sflag:$0x4], $0x80, v3, vm0, $0xb8;
	[tilespmem:$0x19000] =	vst v63  }
0xbdb: {  	s8 =	simm.s32 $0x17400  }
0xbdc: {  	[hbm4b:s5+s3] =	stream.indirect_vreg.scatter [tilespmem:s8], [sflag:$0x4], $0x80, v3, vm1, $0xb8;
	[tilespmem:$0x19000] =	vst v63  }
0xbdd: {  	v3 =	vld [tilespmem:$0xB70];
	_ =	sdelay $0x4  }
0xbde: {  	v47 =	vshrl.u32 v3, $0x3  }
0xbdf: {  	v4 =	vmul.u32 $0x18, v47  }
0xbe0: {  	v3 =	vand.u32 $0x7, v3  }
0xbe1: {  	v3 =	vor.u32 v3, v4  }
0xbe2: {  	v4 =	vperm.xlane v3, v0;
	_ =	sdelay $0x1  }
0xbe3: {  	v4 =	vadd.s32 v1, v4;
	_ =	sdelay $0x1  }
0xbe4: {  	v3 =	vperm.xlane v3, v2;
	_ =	sdelay $0x1  }
0xbe5: {  	s8 =	simm.s32 $0x17800;
	v3 =	vadd.s32 v1, v3  }
0xbe6: {  	[hbm4b:s2+s3] =	stream.indirect_vreg.scatter [tilespmem:s8], [sflag:$0x4], $0x80, v4, vm0, $0xb8;
	[tilespmem:$0x19000] =	vst v63  }
0xbe7: {  	s8 =	simm.s32 $0x18000  }
0xbe8: {  	[hbm4b:s5+s3] =	stream.indirect_vreg.scatter [tilespmem:s8], [sflag:$0x4], $0x80, v4, vm1, $0xb8;
	[tilespmem:$0x19000] =	vst v63  }
0xbe9: {  	s8 =	simm.s32 $0x18400  }
0xbea: {  	[hbm4b:s2+s3] =	stream.indirect_vreg.scatter [tilespmem:s8], [sflag:$0x4], $0x80, v3, vm0, $0xb8;
	[tilespmem:$0x19000] =	vst v63  }
0xbeb: {  	s17 =	simm.s32 $0x18C00  }
0xbec: {  	[hbm4b:s5+s3] =	stream.indirect_vreg.scatter [tilespmem:s17], [sflag:$0x4], $0x80, v3, vm1, $0xb8;
	[tilespmem:$0x19000] =	vst v63  }
0xbed: {  	v3 =	vld [tilespmem:$0xB80];
	_ =	sdelay $0x4  }
0xbee: {  	v48 =	vshrl.u32 v3, $0x3  }
0xbef: {  	v4 =	vmul.u32 $0x18, v48  }
0xbf0: {  	v3 =	vand.u32 $0x7, v3  }
0xbf1: {  	v3 =	vor.u32 v3, v4  }
0xbf2: {  	v4 =	vperm.xlane v3, v0;
	_ =	sdelay $0x1  }
0xbf3: {  	v4 =	vadd.s32 v1, v4;
	_ =	sdelay $0x1  }
0xbf4: {  	v3 =	vperm.xlane v3, v2;
	_ =	sdelay $0x1  }
0xbf5: {  	s6 =	simm.s32 $0xD000;
	v3 =	vadd.s32 v1, v3  }
0xbf6: {  	[hbm4b:s2+s3] =	stream.indirect_vreg.scatter [tilespmem:s6], [sflag:$0x4], $0x80, v4, vm0, $0xb8;
	[tilespmem:$0x19000] =	vst v63  }
0xbf7: {  	s17 =	simm.s32 $0xD800  }
0xbf8: {  	[hbm4b:s5+s3] =	stream.indirect_vreg.scatter [tilespmem:s17], [sflag:$0x4], $0x80, v4, vm1, $0xb8;
	[tilespmem:$0x19000] =	vst v63  }
0xbf9: {  	s24 =	simm.s32 $0xDC00  }
0xbfa: {  	[hbm4b:s2+s3] =	stream.indirect_vreg.scatter [tilespmem:s24], [sflag:$0x4], $0x80, v3, vm0, $0xb8;
	[tilespmem:$0x19000] =	vst v63  }
0xbfb: {  	s23 =	simm.s32 $0xE400  }
0xbfc: {  	[hbm4b:s5+s3] =	stream.indirect_vreg.scatter [tilespmem:s23], [sflag:$0x4], $0x80, v3, vm1, $0xb8;
	[tilespmem:$0x19000] =	vst v63  }
0xbfd: {  	v3 =	vld [tilespmem:$0xB90];
	_ =	sdelay $0x4  }
0xbfe: {  	v49 =	vshrl.u32 v3, $0x3  }
0xbff: {  	v4 =	vmul.u32 $0x18, v49  }
0xc00: {  	v3 =	vand.u32 $0x7, v3  }
0xc01: {  	v3 =	vor.u32 v3, v4  }
0xc02: {  	v4 =	vperm.xlane v3, v0;
	_ =	sdelay $0x1  }
0xc03: {  	v4 =	vadd.s32 v1, v4;
	_ =	sdelay $0x1  }
0xc04: {  	v3 =	vperm.xlane v3, v2;
	_ =	sdelay $0x1  }
0xc05: {  	s25 =	simm.s32 $0xE800;
	v3 =	vadd.s32 v1, v3  }
0xc06: {  	[hbm4b:s2+s3] =	stream.indirect_vreg.scatter [tilespmem:s25], [sflag:$0x4], $0x80, v4, vm0, $0xb8;
	[tilespmem:$0x19000] =	vst v63  }
0xc07: {  	s26 =	simm.s32 $0xF000  }
0xc08: {  	[hbm4b:s5+s3] =	stream.indirect_vreg.scatter [tilespmem:s26], [sflag:$0x4], $0x80, v4, vm1, $0xb8;
	[tilespmem:$0x19000] =	vst v63  }
0xc09: {  	s28 =	simm.s32 $0xF400  }
0xc0a: {  	[hbm4b:s2+s3] =	stream.indirect_vreg.scatter [tilespmem:s28], [sflag:$0x4], $0x80, v3, vm0, $0xb8;
	[tilespmem:$0x19000] =	vst v63  }
0xc0b: {  	s4 =	simm.s32 $0xFC00  }
0xc0c: {  	[hbm4b:s5+s3] =	stream.indirect_vreg.scatter [tilespmem:s4], [sflag:$0x4], $0x80, v3, vm1, $0xb8;
	[tilespmem:$0x19000] =	vst v63  }
0xc0d: {  	v3 =	vld [tilespmem:$0xBA0];
	_ =	sdelay $0x4  }
0xc0e: {  	v50 =	vshrl.u32 v3, $0x3  }
0xc0f: {  	v4 =	vmul.u32 $0x18, v50  }
0xc10: {  	v3 =	vand.u32 $0x7, v3  }
0xc11: {  	v3 =	vor.u32 v3, v4  }
0xc12: {  	v4 =	vperm.xlane v3, v0;
	_ =	sdelay $0x1  }
0xc13: {  	v4 =	vadd.s32 v1, v4;
	_ =	sdelay $0x1  }
0xc14: {  	v3 =	vperm.xlane v3, v2;
	_ =	sdelay $0x1  }
0xc15: {  	s29 =	simm.s32 $0x10000;
	v3 =	vadd.s32 v1, v3  }
0xc16: {  	[hbm4b:s2+s3] =	stream.indirect_vreg.scatter [tilespmem:s29], [sflag:$0x4], $0x80, v4, vm0, $0xb8;
	[tilespmem:$0x19000] =	vst v63  }
0xc17: {  	s30 =	simm.s32 $0x10800  }
0xc18: {  	[hbm4b:s5+s3] =	stream.indirect_vreg.scatter [tilespmem:s30], [sflag:$0x4], $0x80, v4, vm1, $0xb8;
	[tilespmem:$0x19000] =	vst v63  }
0xc19: {  	s30 =	simm.s32 $0x10C00  }
0xc1a: {  	[hbm4b:s2+s3] =	stream.indirect_vreg.scatter [tilespmem:s30], [sflag:$0x4], $0x80, v3, vm0, $0xb8;
	[tilespmem:$0x19000] =	vst v63  }
0xc1b: {  	s7 =	simm.s32 $0x11400  }
0xc1c: {  	[hbm4b:s5+s3] =	stream.indirect_vreg.scatter [tilespmem:s7], [sflag:$0x4], $0x80, v3, vm1, $0xb8;
	[tilespmem:$0x19000] =	vst v63  }
0xc1d: {  	v3 =	vld [tilespmem:$0xBB0];
	_ =	sdelay $0x4  }
0xc1e: {  	v51 =	vshrl.u32 v3, $0x3  }
0xc1f: {  	v4 =	vmul.u32 $0x18, v51  }
0xc20: {  	v3 =	vand.u32 $0x7, v3  }
0xc21: {  	v3 =	vor.u32 v3, v4  }
0xc22: {  	v4 =	vperm.xlane v3, v0;
	_ =	sdelay $0x1  }
0xc23: {  	v4 =	vadd.s32 v1, v4;
	_ =	sdelay $0x1  }
0xc24: {  	v3 =	vperm.xlane v3, v2;
	_ =	sdelay $0x1  }
0xc25: {  	s18 =	simm.s32 $0x11800;
	v3 =	vadd.s32 v1, v3  }
0xc26: {  	[hbm4b:s2+s3] =	stream.indirect_vreg.scatter [tilespmem:s18], [sflag:$0x4], $0x80, v4, vm0, $0xb8;
	[tilespmem:$0x19000] =	vst v63  }
0xc27: {  	s19 =	simm.s32 $0x12000  }
0xc28: {  	[hbm4b:s5+s3] =	stream.indirect_vreg.scatter [tilespmem:s19], [sflag:$0x4], $0x80, v4, vm1, $0xb8;
	[tilespmem:$0x19000] =	vst v63  }
0xc29: {  	s21 =	simm.s32 $0x12400  }
0xc2a: {  	[hbm4b:s2+s3] =	stream.indirect_vreg.scatter [tilespmem:s21], [sflag:$0x4], $0x80, v3, vm0, $0xb8;
	[tilespmem:$0x19000] =	vst v63  }
0xc2b: {  	s14 =	simm.s32 $0x12C00  }
0xc2c: {  	[hbm4b:s5+s3] =	stream.indirect_vreg.scatter [tilespmem:s14], [sflag:$0x4], $0x80, v3, vm1, $0xb8;
	[tilespmem:$0x19000] =	vst v63  }
0xc2d: {  	v3 =	vld [tilespmem:$0xBC0];
	_ =	sdelay $0x4  }
0xc2e: {  	v52 =	vshrl.u32 v3, $0x3  }
0xc2f: {  	v4 =	vmul.u32 $0x18, v52  }
0xc30: {  	v3 =	vand.u32 $0x7, v3  }
0xc31: {  	v3 =	vor.u32 v3, v4  }
0xc32: {  	v4 =	vperm.xlane v3, v0;
	_ =	sdelay $0x1  }
0xc33: {  	v4 =	vadd.s32 v1, v4;
	_ =	sdelay $0x1  }
0xc34: {  	v3 =	vperm.xlane v3, v2;
	_ =	sdelay $0x1  }
0xc35: {  	s22 =	simm.s32 $0x13000;
	v3 =	vadd.s32 v1, v3  }
0xc36: {  	[hbm4b:s2+s3] =	stream.indirect_vreg.scatter [tilespmem:s22], [sflag:$0x4], $0x80, v4, vm0, $0xb8;
	[tilespmem:$0x19000] =	vst v63  }
0xc37: {  	s31 =	simm.s32 $0x13800  }
0xc38: {  	[hbm4b:s5+s3] =	stream.indirect_vreg.scatter [tilespmem:s31], [sflag:$0x4], $0x80, v4, vm1, $0xb8;
	[tilespmem:$0x19000] =	vst v63  }
0xc39: {  	s1 =	simm.s32 $0x13C00  }
0xc3a: {  	[hbm4b:s2+s3] =	stream.indirect_vreg.scatter [tilespmem:s1], [sflag:$0x4], $0x80, v3, vm0, $0xb8;
	[tilespmem:$0x19000] =	vst v63  }
0xc3b: {  	s15 =	simm.s32 $0x14400  }
0xc3c: {  	[hbm4b:s5+s3] =	stream.indirect_vreg.scatter [tilespmem:s15], [sflag:$0x4], $0x80, v3, vm1, $0xb8;
	[tilespmem:$0x19000] =	vst v63  }
0xc3d: {  	v3 =	vld [tilespmem:$0xBD0];
	_ =	sdelay $0x4  }
0xc3e: {  	v53 =	vshrl.u32 v3, $0x3  }
0xc3f: {  	v4 =	vmul.u32 $0x18, v53  }
0xc40: {  	v3 =	vand.u32 $0x7, v3  }
0xc41: {  	v3 =	vor.u32 v3, v4  }
0xc42: {  	v4 =	vperm.xlane v3, v0;
	_ =	sdelay $0x1  }
0xc43: {  	v4 =	vadd.s32 v1, v4;
	_ =	sdelay $0x1  }
0xc44: {  	v3 =	vperm.xlane v3, v2;
	_ =	sdelay $0x1  }
0xc45: {  	s10 =	simm.s32 $0x14800;
	v3 =	vadd.s32 v1, v3  }
0xc46: {  	[hbm4b:s2+s3] =	stream.indirect_vreg.scatter [tilespmem:s10], [sflag:$0x4], $0x80, v4, vm0, $0xb8;
	[tilespmem:$0x19000] =	vst v63  }
0xc47: {  	s0 =	simm.s32 $0x15000  }
0xc48: {  	[hbm4b:s5+s3] =	stream.indirect_vreg.scatter [tilespmem:s0], [sflag:$0x4], $0x80, v4, vm1, $0xb8;
	[tilespmem:$0x19000] =	vst v63  }
0xc49: {  	s11 =	simm.s32 $0x15400  }
0xc4a: {  	[hbm4b:s2+s3] =	stream.indirect_vreg.scatter [tilespmem:s11], [sflag:$0x4], $0x80, v3, vm0, $0xb8;
	[tilespmem:$0x19000] =	vst v63  }
0xc4b: {  	s13 =	simm.s32 $0x15C00  }
0xc4c: {  	[hbm4b:s5+s3] =	stream.indirect_vreg.scatter [tilespmem:s13], [sflag:$0x4], $0x80, v3, vm1, $0xb8;
	[tilespmem:$0x19000] =	vst v63  }
0xc4d: {  	v3 =	vld [tilespmem:$0xBE0];
	_ =	sdelay $0x4  }
0xc4e: {  	v54 =	vshrl.u32 v3, $0x3  }
0xc4f: {  	v4 =	vmul.u32 $0x18, v54  }
0xc50: {  	v3 =	vand.u32 $0x7, v3  }
0xc51: {  	v3 =	vor.u32 v3, v4  }
0xc52: {  	v4 =	vperm.xlane v3, v0;
	_ =	sdelay $0x1  }
0xc53: {  	v4 =	vadd.s32 v1, v4;
	_ =	sdelay $0x1  }
0xc54: {  	v3 =	vperm.xlane v3, v2;
	_ =	sdelay $0x1  }
0xc55: {  	s16 =	simm.s32 $0x16000;
	v3 =	vadd.s32 v1, v3  }
0xc56: {  	[hbm4b:s2+s3] =	stream.indirect_vreg.scatter [tilespmem:s16], [sflag:$0x4], $0x80, v4, vm0, $0xb8;
	[tilespmem:$0x19000] =	vst v63  }
0xc57: {  	s20 =	simm.s32 $0x16800  }
0xc58: {  	[hbm4b:s5+s3] =	stream.indirect_vreg.scatter [tilespmem:s20], [sflag:$0x4], $0x80, v4, vm1, $0xb8;
	[tilespmem:$0x19000] =	vst v63  }
0xc59: {  	s9 =	simm.s32 $0x16C00  }
0xc5a: {  	[hbm4b:s2+s3] =	stream.indirect_vreg.scatter [tilespmem:s9], [sflag:$0x4], $0x80, v3, vm0, $0xb8;
	[tilespmem:$0x19000] =	vst v63  }
0xc5b: {  	s12 =	simm.s32 $0x17400  }
0xc5c: {  	[hbm4b:s5+s3] =	stream.indirect_vreg.scatter [tilespmem:s12], [sflag:$0x4], $0x80, v3, vm1, $0xb8;
	[tilespmem:$0x19000] =	vst v63  }
0xc5d: {  	v3 =	vld [tilespmem:$0xBF0];
	_ =	sdelay $0x4  }
0xc5e: {  	v55 =	vshrl.u32 v3, $0x3  }
0xc5f: {  	v4 =	vmul.u32 $0x18, v55  }
0xc60: {  	v3 =	vand.u32 $0x7, v3  }
0xc61: {  	v3 =	vor.u32 v3, v4  }
0xc62: {  	v4 =	vperm.xlane v3, v0;
	_ =	sdelay $0x1  }
0xc63: {  	v4 =	vadd.s32 v1, v4;
	_ =	sdelay $0x1  }
0xc64: {  	v3 =	vperm.xlane v3, v2;
	_ =	sdelay $0x1  }
0xc65: {  	s1 =	simm.s32 $0x17800;
	v3 =	vadd.s32 v1, v3  }
0xc66: {  	[hbm4b:s2+s3] =	stream.indirect_vreg.scatter [tilespmem:s1], [sflag:$0x4], $0x80, v4, vm0, $0xb8;
	[tilespmem:$0x19000] =	vst v63  }
0xc67: {  	s4 =	simm.s32 $0x18000  }
0xc68: {  	[hbm4b:s5+s3] =	stream.indirect_vreg.scatter [tilespmem:s4], [sflag:$0x4], $0x80, v4, vm1, $0xb8;
	[tilespmem:$0x19000] =	vst v63  }
0xc69: {  	s7 =	simm.s32 $0x18400  }
0xc6a: {  	[hbm4b:s2+s3] =	stream.indirect_vreg.scatter [tilespmem:s7], [sflag:$0x4], $0x80, v3, vm0, $0xb8;
	[tilespmem:$0x19000] =	vst v63  }
0xc6b: {  	s8 =	simm.s32 $0x18C00  }
0xc6c: {  	[hbm4b:s5+s3] =	stream.indirect_vreg.scatter [tilespmem:s8], [sflag:$0x4], $0x80, v3, vm1, $0xb8;
	[tilespmem:$0x19000] =	vst v63  }
0xc6d: {  	s8 =	simm.s32 $0x4  }
0xc6e: {  	_ =	swait.ge [sflag:s8], $0xC000  }
0xc6f: {  	[sflag:s8] =	ssyncset.done $0x0  }
0xc70: {  	[sflag:s8] =	ssyncadd.s32 $0xFFFF4000  }
0xc71: {  	_ =	swait.ge [sflag:s8], $0xC000  }
0xc72: {  	[sflag:s8] =	ssyncset.done $0x0  }
0xc73: {  	[sflag:s8] =	ssyncadd.s32 $0xFFFF4000  }
0xc74: {  	_ =	swait.ge [sflag:s8], $0xC000  }
0xc75: {  	[sflag:s8] =	ssyncset.done $0x0  }
0xc76: {  	[sflag:s8] =	ssyncadd.s32 $0xFFFF4000  }
0xc77: {  	_ =	swait.ge [sflag:s8], $0xC000  }
0xc78: {  	s6 =	simm.s32 $0xD000;
	[sflag:s8] =	ssyncset.done $0x0  }
0xc79: {  	s10 =	simm.s32 $0x1;
	s9 =	rddreg [dreg:$0xb];
	[sflag:s8] =	ssyncadd.s32 $0xFFFF4000  }
0xc7a: {  	[tilespmem:s6], [sflag:$0x2] =	stream.linear.gather [hbm4b:s9+s3], $0xC000, $0x38;
	[tilespmem:$0x19000] =	vst v63  }
0xc7b: {  	_ =	swait.ge [sflag:s10], $0xC000  }
0xc7c: {  	[sflag:s10] =	ssyncset.done $0x0  }
0xc7d: {  	[sflag:s10] =	ssyncadd.s32 $0xFFFF4000  }
0xc7e: {  	v3 =	vld [tilespmem:$0xC00];
	_ =	sdelay $0x4  }
0xc7f: {  	v56 =	vshrl.u32 v3, $0x3  }
0xc80: {  	v4 =	vmul.u32 $0x18, v56  }
0xc81: {  	v3 =	vand.u32 $0x7, v3  }
0xc82: {  	v3 =	vor.u32 v3, v4  }
0xc83: {  	v4 =	vperm.xlane v3, v0;
	_ =	sdelay $0x1  }
0xc84: {  	v4 =	vadd.s32 v1, v4;
	_ =	sdelay $0x1  }
0xc85: {  	v3 =	vperm.xlane v3, v2;
	_ =	sdelay $0x1  }
0xc86: {  	s11 =	simm.s32 $0x1000;
	v3 =	vadd.s32 v1, v3  }
0xc87: {  	[hbm4b:s2+s3] =	stream.indirect_vreg.scatter [tilespmem:s11], [sflag:$0x3], $0x80, v4, vm0, $0xb8;
	[tilespmem:$0x19000] =	vst v63  }
0xc88: {  	s15 =	simm.s32 $0x1800  }
0xc89: {  	[hbm4b:s5+s3] =	stream.indirect_vreg.scatter [tilespmem:s15], [sflag:$0x3], $0x80, v4, vm1, $0xb8;
	[tilespmem:$0x19000] =	vst v63  }
0xc8a: {  	s16 =	simm.s32 $0x1C00  }
0xc8b: {  	[hbm4b:s2+s3] =	stream.indirect_vreg.scatter [tilespmem:s16], [sflag:$0x3], $0x80, v3, vm0, $0xb8;
	[tilespmem:$0x19000] =	vst v63  }
0xc8c: {  	s1 =	simm.s32 $0x2400  }
0xc8d: {  	[hbm4b:s5+s3] =	stream.indirect_vreg.scatter [tilespmem:s1], [sflag:$0x3], $0x80, v3, vm1, $0xb8;
	[tilespmem:$0x19000] =	vst v63  }
0xc8e: {  	v3 =	vld [tilespmem:$0xC10];
	_ =	sdelay $0x4  }
0xc8f: {  	v57 =	vshrl.u32 v3, $0x3  }
0xc90: {  	v4 =	vmul.u32 $0x18, v57  }
0xc91: {  	v3 =	vand.u32 $0x7, v3  }
0xc92: {  	v3 =	vor.u32 v3, v4  }
0xc93: {  	v4 =	vperm.xlane v3, v0;
	_ =	sdelay $0x1  }
0xc94: {  	v4 =	vadd.s32 v1, v4;
	_ =	sdelay $0x1  }
0xc95: {  	v3 =	vperm.xlane v3, v2;
	_ =	sdelay $0x1  }
0xc96: {  	s17 =	simm.s32 $0x2800;
	v3 =	vadd.s32 v1, v3  }
0xc97: {  	[hbm4b:s2+s3] =	stream.indirect_vreg.scatter [tilespmem:s17], [sflag:$0x3], $0x80, v4, vm0, $0xb8;
	[tilespmem:$0x19000] =	vst v63  }
0xc98: {  	s18 =	simm.s32 $0x3000  }
0xc99: {  	[hbm4b:s5+s3] =	stream.indirect_vreg.scatter [tilespmem:s18], [sflag:$0x3], $0x80, v4, vm1, $0xb8;
	[tilespmem:$0x19000] =	vst v63  }
0xc9a: {  	s19 =	simm.s32 $0x3400  }
0xc9b: {  	[hbm4b:s2+s3] =	stream.indirect_vreg.scatter [tilespmem:s19], [sflag:$0x3], $0x80, v3, vm0, $0xb8;
	[tilespmem:$0x19000] =	vst v63  }
0xc9c: {  	s4 =	simm.s32 $0x3C00  }
0xc9d: {  	[hbm4b:s5+s3] =	stream.indirect_vreg.scatter [tilespmem:s4], [sflag:$0x3], $0x80, v3, vm1, $0xb8;
	[tilespmem:$0x19000] =	vst v63  }
0xc9e: {  	v3 =	vld [tilespmem:$0xC20];
	_ =	sdelay $0x4  }
0xc9f: {  	v58 =	vshrl.u32 v3, $0x3  }
0xca0: {  	v4 =	vmul.u32 $0x18, v58  }
0xca1: {  	v3 =	vand.u32 $0x7, v3  }
0xca2: {  	v3 =	vor.u32 v3, v4  }
0xca3: {  	v4 =	vperm.xlane v3, v0;
	_ =	sdelay $0x1  }
0xca4: {  	v4 =	vadd.s32 v1, v4;
	_ =	sdelay $0x1  }
0xca5: {  	v3 =	vperm.xlane v3, v2;
	_ =	sdelay $0x1  }
0xca6: {  	s20 =	simm.s32 $0x4000;
	v3 =	vadd.s32 v1, v3  }
0xca7: {  	[hbm4b:s2+s3] =	stream.indirect_vreg.scatter [tilespmem:s20], [sflag:$0x3], $0x80, v4, vm0, $0xb8;
	[tilespmem:$0x19000] =	vst v63  }
0xca8: {  	s21 =	simm.s32 $0x4800  }
0xca9: {  	[hbm4b:s5+s3] =	stream.indirect_vreg.scatter [tilespmem:s21], [sflag:$0x3], $0x80, v4, vm1, $0xb8;
	[tilespmem:$0x19000] =	vst v63  }
0xcaa: {  	s22 =	simm.s32 $0x4C00  }
0xcab: {  	[hbm4b:s2+s3] =	stream.indirect_vreg.scatter [tilespmem:s22], [sflag:$0x3], $0x80, v3, vm0, $0xb8;
	[tilespmem:$0x19000] =	vst v63  }
0xcac: {  	s6 =	simm.s32 $0x5400  }
0xcad: {  	[hbm4b:s5+s3] =	stream.indirect_vreg.scatter [tilespmem:s6], [sflag:$0x3], $0x80, v3, vm1, $0xb8;
	[tilespmem:$0x19000] =	vst v63  }
0xcae: {  	v3 =	vld [tilespmem:$0xC30];
	_ =	sdelay $0x4  }
0xcaf: {  	v59 =	vshrl.u32 v3, $0x3  }
0xcb0: {  	v4 =	vmul.u32 $0x18, v59  }
0xcb1: {  	v3 =	vand.u32 $0x7, v3  }
0xcb2: {  	v3 =	vor.u32 v3, v4  }
0xcb3: {  	v4 =	vperm.xlane v3, v0;
	_ =	sdelay $0x1  }
0xcb4: {  	v4 =	vadd.s32 v1, v4;
	_ =	sdelay $0x1  }
0xcb5: {  	v3 =	vperm.xlane v3, v2;
	_ =	sdelay $0x1  }
0xcb6: {  	s25 =	simm.s32 $0x5800;
	v3 =	vadd.s32 v1, v3  }
0xcb7: {  	[hbm4b:s2+s3] =	stream.indirect_vreg.scatter [tilespmem:s25], [sflag:$0x3], $0x80, v4, vm0, $0xb8;
	[tilespmem:$0x19000] =	vst v63  }
0xcb8: {  	s26 =	simm.s32 $0x6000  }
0xcb9: {  	[hbm4b:s5+s3] =	stream.indirect_vreg.scatter [tilespmem:s26], [sflag:$0x3], $0x80, v4, vm1, $0xb8;
	[tilespmem:$0x19000] =	vst v63  }
0xcba: {  	s28 =	simm.s32 $0x6400  }
0xcbb: {  	[hbm4b:s2+s3] =	stream.indirect_vreg.scatter [tilespmem:s28], [sflag:$0x3], $0x80, v3, vm0, $0xb8;
	[tilespmem:$0x19000] =	vst v63  }
0xcbc: {  	s7 =	simm.s32 $0x6C00  }
0xcbd: {  	[hbm4b:s5+s3] =	stream.indirect_vreg.scatter [tilespmem:s7], [sflag:$0x3], $0x80, v3, vm1, $0xb8;
	[tilespmem:$0x19000] =	vst v63  }
0xcbe: {  	v3 =	vld [tilespmem:$0xC40];
	_ =	sdelay $0x4  }
0xcbf: {  	v60 =	vshrl.u32 v3, $0x3  }
0xcc0: {  	v4 =	vmul.u32 $0x18, v60  }
0xcc1: {  	v3 =	vand.u32 $0x7, v3  }
0xcc2: {  	v3 =	vor.u32 v3, v4  }
0xcc3: {  	v4 =	vperm.xlane v3, v0;
	_ =	sdelay $0x1  }
0xcc4: {  	v4 =	vadd.s32 v1, v4;
	_ =	sdelay $0x1  }
0xcc5: {  	v3 =	vperm.xlane v3, v2;
	_ =	sdelay $0x1  }
0xcc6: {  	s29 =	simm.s32 $0x7000;
	v3 =	vadd.s32 v1, v3  }
0xcc7: {  	[hbm4b:s2+s3] =	stream.indirect_vreg.scatter [tilespmem:s29], [sflag:$0x3], $0x80, v4, vm0, $0xb8;
	[tilespmem:$0x19000] =	vst v63  }
0xcc8: {  	s30 =	simm.s32 $0x7800  }
0xcc9: {  	[hbm4b:s5+s3] =	stream.indirect_vreg.scatter [tilespmem:s30], [sflag:$0x3], $0x80, v4, vm1, $0xb8;
	[tilespmem:$0x19000] =	vst v63  }
0xcca: {  	s31 =	simm.s32 $0x7C00  }
0xccb: {  	[hbm4b:s2+s3] =	stream.indirect_vreg.scatter [tilespmem:s31], [sflag:$0x3], $0x80, v3, vm0, $0xb8;
	[tilespmem:$0x19000] =	vst v63  }
0xccc: {  	s8 =	simm.s32 $0x8400  }
0xccd: {  	[hbm4b:s5+s3] =	stream.indirect_vreg.scatter [tilespmem:s8], [sflag:$0x3], $0x80, v3, vm1, $0xb8;
	[tilespmem:$0x19000] =	vst v63  }
0xcce: {  	v3 =	vld [tilespmem:$0xC50];
	_ =	sdelay $0x4  }
0xccf: {  	v61 =	vshrl.u32 v3, $0x3  }
0xcd0: {  	v4 =	vmul.u32 $0x18, v61  }
0xcd1: {  	v3 =	vand.u32 $0x7, v3  }
0xcd2: {  	v3 =	vor.u32 v3, v4  }
0xcd3: {  	v4 =	vperm.xlane v3, v0;
	_ =	sdelay $0x1  }
0xcd4: {  	v4 =	vadd.s32 v1, v4;
	_ =	sdelay $0x1  }
0xcd5: {  	v3 =	vperm.xlane v3, v2;
	_ =	sdelay $0x1  }
0xcd6: {  	s23 =	simm.s32 $0x8800;
	v3 =	vadd.s32 v1, v3  }
0xcd7: {  	[hbm4b:s2+s3] =	stream.indirect_vreg.scatter [tilespmem:s23], [sflag:$0x3], $0x80, v4, vm0, $0xb8;
	[tilespmem:$0x19000] =	vst v63  }
0xcd8: {  	s24 =	simm.s32 $0x9000  }
0xcd9: {  	[hbm4b:s5+s3] =	stream.indirect_vreg.scatter [tilespmem:s24], [sflag:$0x3], $0x80, v4, vm1, $0xb8;
	[tilespmem:$0x19000] =	vst v63  }
0xcda: {  	s12 =	simm.s32 $0x9400  }
0xcdb: {  	[hbm4b:s2+s3] =	stream.indirect_vreg.scatter [tilespmem:s12], [sflag:$0x3], $0x80, v3, vm0, $0xb8;
	[tilespmem:$0x19000] =	vst v63  }
0xcdc: {  	s9 =	simm.s32 $0x9C00  }
0xcdd: {  	[hbm4b:s5+s3] =	stream.indirect_vreg.scatter [tilespmem:s9], [sflag:$0x3], $0x80, v3, vm1, $0xb8;
	[tilespmem:$0x19000] =	vst v63  }
0xcde: {  	v3 =	vld [tilespmem:$0xC60];
	_ =	sdelay $0x4  }
0xcdf: {  	v62 =	vshrl.u32 v3, $0x3  }
0xce0: {  	v4 =	vmul.u32 $0x18, v62  }
0xce1: {  	v3 =	vand.u32 $0x7, v3  }
0xce2: {  	v3 =	vor.u32 v3, v4  }
0xce3: {  	v4 =	vperm.xlane v3, v0;
	_ =	sdelay $0x1  }
0xce4: {  	v4 =	vadd.s32 v1, v4;
	_ =	sdelay $0x1  }
0xce5: {  	v3 =	vperm.xlane v3, v2;
	_ =	sdelay $0x1  }
0xce6: {  	s13 =	simm.s32 $0xA000;
	v3 =	vadd.s32 v1, v3  }
0xce7: {  	[hbm4b:s2+s3] =	stream.indirect_vreg.scatter [tilespmem:s13], [sflag:$0x3], $0x80, v4, vm0, $0xb8;
	[tilespmem:$0x19000] =	vst v63  }
0xce8: {  	s13 =	simm.s32 $0xA800  }
0xce9: {  	[hbm4b:s5+s3] =	stream.indirect_vreg.scatter [tilespmem:s13], [sflag:$0x3], $0x80, v4, vm1, $0xb8;
	[tilespmem:$0x19000] =	vst v63  }
0xcea: {  	s12 =	simm.s32 $0xAC00  }
0xceb: {  	[hbm4b:s2+s3] =	stream.indirect_vreg.scatter [tilespmem:s12], [sflag:$0x3], $0x80, v3, vm0, $0xb8;
	[tilespmem:$0x19000] =	vst v63  }
0xcec: {  	s10 =	simm.s32 $0xB400  }
0xced: {  	[hbm4b:s5+s3] =	stream.indirect_vreg.scatter [tilespmem:s10], [sflag:$0x3], $0x80, v3, vm1, $0xb8;
	[tilespmem:$0x19000] =	vst v63  }
0xcee: {  	v3 =	vld [tilespmem:$0xC70];
	_ =	sdelay $0x4  }
0xcef: {  	v63 =	vshrl.u32 v3, $0x3  }
0xcf0: {  	v4 =	vmul.u32 $0x18, v63  }
0xcf1: {  	v3 =	vand.u32 $0x7, v3  }
0xcf2: {  	v3 =	vor.u32 v3, v4  }
0xcf3: {  	v4 =	vperm.xlane v3, v0;
	_ =	sdelay $0x1  }
0xcf4: {  	v4 =	vadd.s32 v1, v4;
	_ =	sdelay $0x1  }
0xcf5: {  	v3 =	vperm.xlane v3, v2;
	_ =	sdelay $0x1  }
0xcf6: {  	s14 =	simm.s32 $0xB800;
	v3 =	vadd.s32 v1, v3  }
0xcf7: {  	[hbm4b:s2+s3] =	stream.indirect_vreg.scatter [tilespmem:s14], [sflag:$0x3], $0x80, v4, vm0, $0xb8;
	[tilespmem:$0x19000] =	vst v63  }
0xcf8: {  	s14 =	simm.s32 $0xC000  }
0xcf9: {  	[hbm4b:s5+s3] =	stream.indirect_vreg.scatter [tilespmem:s14], [sflag:$0x3], $0x80, v4, vm1, $0xb8;
	[tilespmem:$0x19000] =	vst v63  }
0xcfa: {  	s11 =	simm.s32 $0xC400  }
0xcfb: {  	[hbm4b:s2+s3] =	stream.indirect_vreg.scatter [tilespmem:s11], [sflag:$0x3], $0x80, v3, vm0, $0xb8;
	[tilespmem:$0x19000] =	vst v63  }
0xcfc: {  	s11 =	simm.s32 $0xCC00  }
0xcfd: {  	[hbm4b:s5+s3] =	stream.indirect_vreg.scatter [tilespmem:s11], [sflag:$0x3], $0x80, v3, vm1, $0xb8;
	[tilespmem:$0x19000] =	vst v63  }
0xcfe: {  	v3 =	vld [tilespmem:$0xC80];
	_ =	sdelay $0x4  }
0xcff: {  	v8 =	vshrl.u32 v3, $0x3  }
0xd00: {  	v4 =	vmul.u32 $0x18, v8  }
0xd01: {  	v3 =	vand.u32 $0x7, v3  }
0xd02: {  	v3 =	vor.u32 v3, v4  }
0xd03: {  	v4 =	vperm.xlane v3, v0;
	_ =	sdelay $0x1  }
0xd04: {  	v4 =	vadd.s32 v1, v4;
	_ =	sdelay $0x1  }
0xd05: {  	v3 =	vperm.xlane v3, v2;
	_ =	sdelay $0x1  }
0xd06: {  	s0 =	simm.s32 $0x1000;
	v3 =	vadd.s32 v1, v3  }
0xd07: {  	[hbm4b:s2+s3] =	stream.indirect_vreg.scatter [tilespmem:s0], [sflag:$0x3], $0x80, v4, vm0, $0xb8;
	[tilespmem:$0x19000] =	vst v63  }
0xd08: {  	_ = 	snop  }
0xd09: {  	[hbm4b:s5+s3] =	stream.indirect_vreg.scatter [tilespmem:s15], [sflag:$0x3], $0x80, v4, vm1, $0xb8;
	[tilespmem:$0x19000] =	vst v63  }
0xd0a: {  	_ = 	snop  }
0xd0b: {  	[hbm4b:s2+s3] =	stream.indirect_vreg.scatter [tilespmem:s16], [sflag:$0x3], $0x80, v3, vm0, $0xb8;
	[tilespmem:$0x19000] =	vst v63  }
0xd0c: {  	_ = 	snop  }
0xd0d: {  	[hbm4b:s5+s3] =	stream.indirect_vreg.scatter [tilespmem:s1], [sflag:$0x3], $0x80, v3, vm1, $0xb8;
	[tilespmem:$0x19000] =	vst v63  }
0xd0e: {  	v3 =	vld [tilespmem:$0xC90];
	_ =	sdelay $0x4  }
0xd0f: {  	v9 =	vshrl.u32 v3, $0x3  }
0xd10: {  	v4 =	vmul.u32 $0x18, v9  }
0xd11: {  	v3 =	vand.u32 $0x7, v3  }
0xd12: {  	v3 =	vor.u32 v3, v4  }
0xd13: {  	v4 =	vperm.xlane v3, v0;
	_ =	sdelay $0x1  }
0xd14: {  	v4 =	vadd.s32 v1, v4;
	_ =	sdelay $0x1  }
0xd15: {  	v3 =	vperm.xlane v3, v2;
	_ =	sdelay $0x1  }
0xd16: {  	v3 =	vadd.s32 v1, v3  }
0xd17: {  	[hbm4b:s2+s3] =	stream.indirect_vreg.scatter [tilespmem:s17], [sflag:$0x3], $0x80, v4, vm0, $0xb8;
	[tilespmem:$0x19000] =	vst v63  }
0xd18: {  	_ = 	snop  }
0xd19: {  	[hbm4b:s5+s3] =	stream.indirect_vreg.scatter [tilespmem:s18], [sflag:$0x3], $0x80, v4, vm1, $0xb8;
	[tilespmem:$0x19000] =	vst v63  }
0xd1a: {  	_ = 	snop  }
0xd1b: {  	[hbm4b:s2+s3] =	stream.indirect_vreg.scatter [tilespmem:s19], [sflag:$0x3], $0x80, v3, vm0, $0xb8;
	[tilespmem:$0x19000] =	vst v63  }
0xd1c: {  	_ = 	snop  }
0xd1d: {  	[hbm4b:s5+s3] =	stream.indirect_vreg.scatter [tilespmem:s4], [sflag:$0x3], $0x80, v3, vm1, $0xb8;
	[tilespmem:$0x19000] =	vst v63  }
0xd1e: {  	v3 =	vld [tilespmem:$0xCA0];
	_ =	sdelay $0x4  }
0xd1f: {  	v10 =	vshrl.u32 v3, $0x3  }
0xd20: {  	v4 =	vmul.u32 $0x18, v10  }
0xd21: {  	v3 =	vand.u32 $0x7, v3  }
0xd22: {  	v3 =	vor.u32 v3, v4  }
0xd23: {  	v4 =	vperm.xlane v3, v0;
	_ =	sdelay $0x1  }
0xd24: {  	v4 =	vadd.s32 v1, v4;
	_ =	sdelay $0x1  }
0xd25: {  	v3 =	vperm.xlane v3, v2;
	_ =	sdelay $0x1  }
0xd26: {  	v3 =	vadd.s32 v1, v3  }
0xd27: {  	[hbm4b:s2+s3] =	stream.indirect_vreg.scatter [tilespmem:s20], [sflag:$0x3], $0x80, v4, vm0, $0xb8;
	[tilespmem:$0x19000] =	vst v63  }
0xd28: {  	_ = 	snop  }
0xd29: {  	[hbm4b:s5+s3] =	stream.indirect_vreg.scatter [tilespmem:s21], [sflag:$0x3], $0x80, v4, vm1, $0xb8;
	[tilespmem:$0x19000] =	vst v63  }
0xd2a: {  	_ = 	snop  }
0xd2b: {  	[hbm4b:s2+s3] =	stream.indirect_vreg.scatter [tilespmem:s22], [sflag:$0x3], $0x80, v3, vm0, $0xb8;
	[tilespmem:$0x19000] =	vst v63  }
0xd2c: {  	_ = 	snop  }
0xd2d: {  	[hbm4b:s5+s3] =	stream.indirect_vreg.scatter [tilespmem:s6], [sflag:$0x3], $0x80, v3, vm1, $0xb8;
	[tilespmem:$0x19000] =	vst v63  }
0xd2e: {  	v3 =	vld [tilespmem:$0xCB0];
	_ =	sdelay $0x4  }
0xd2f: {  	v11 =	vshrl.u32 v3, $0x3  }
0xd30: {  	v4 =	vmul.u32 $0x18, v11  }
0xd31: {  	v3 =	vand.u32 $0x7, v3  }
0xd32: {  	v3 =	vor.u32 v3, v4  }
0xd33: {  	v4 =	vperm.xlane v3, v0;
	_ =	sdelay $0x1  }
0xd34: {  	v4 =	vadd.s32 v1, v4;
	_ =	sdelay $0x1  }
0xd35: {  	v3 =	vperm.xlane v3, v2;
	_ =	sdelay $0x1  }
0xd36: {  	v3 =	vadd.s32 v1, v3  }
0xd37: {  	[hbm4b:s2+s3] =	stream.indirect_vreg.scatter [tilespmem:s25], [sflag:$0x3], $0x80, v4, vm0, $0xb8;
	[tilespmem:$0x19000] =	vst v63  }
0xd38: {  	_ = 	snop  }
0xd39: {  	[hbm4b:s5+s3] =	stream.indirect_vreg.scatter [tilespmem:s26], [sflag:$0x3], $0x80, v4, vm1, $0xb8;
	[tilespmem:$0x19000] =	vst v63  }
0xd3a: {  	_ = 	snop  }
0xd3b: {  	[hbm4b:s2+s3] =	stream.indirect_vreg.scatter [tilespmem:s28], [sflag:$0x3], $0x80, v3, vm0, $0xb8;
	[tilespmem:$0x19000] =	vst v63  }
0xd3c: {  	_ = 	snop  }
0xd3d: {  	[hbm4b:s5+s3] =	stream.indirect_vreg.scatter [tilespmem:s7], [sflag:$0x3], $0x80, v3, vm1, $0xb8;
	[tilespmem:$0x19000] =	vst v63  }
0xd3e: {  	v3 =	vld [tilespmem:$0xCC0];
	_ =	sdelay $0x4  }
0xd3f: {  	v12 =	vshrl.u32 v3, $0x3  }
0xd40: {  	v4 =	vmul.u32 $0x18, v12  }
0xd41: {  	v3 =	vand.u32 $0x7, v3  }
0xd42: {  	v3 =	vor.u32 v3, v4  }
0xd43: {  	v4 =	vperm.xlane v3, v0;
	_ =	sdelay $0x1  }
0xd44: {  	v4 =	vadd.s32 v1, v4;
	_ =	sdelay $0x1  }
0xd45: {  	v3 =	vperm.xlane v3, v2;
	_ =	sdelay $0x1  }
0xd46: {  	v3 =	vadd.s32 v1, v3  }
0xd47: {  	[hbm4b:s2+s3] =	stream.indirect_vreg.scatter [tilespmem:s29], [sflag:$0x3], $0x80, v4, vm0, $0xb8;
	[tilespmem:$0x19000] =	vst v63  }
0xd48: {  	_ = 	snop  }
0xd49: {  	[hbm4b:s5+s3] =	stream.indirect_vreg.scatter [tilespmem:s30], [sflag:$0x3], $0x80, v4, vm1, $0xb8;
	[tilespmem:$0x19000] =	vst v63  }
0xd4a: {  	_ = 	snop  }
0xd4b: {  	[hbm4b:s2+s3] =	stream.indirect_vreg.scatter [tilespmem:s31], [sflag:$0x3], $0x80, v3, vm0, $0xb8;
	[tilespmem:$0x19000] =	vst v63  }
0xd4c: {  	_ = 	snop  }
0xd4d: {  	[hbm4b:s5+s3] =	stream.indirect_vreg.scatter [tilespmem:s8], [sflag:$0x3], $0x80, v3, vm1, $0xb8;
	[tilespmem:$0x19000] =	vst v63  }
0xd4e: {  	v3 =	vld [tilespmem:$0xCD0];
	_ =	sdelay $0x4  }
0xd4f: {  	v13 =	vshrl.u32 v3, $0x3  }
0xd50: {  	v4 =	vmul.u32 $0x18, v13  }
0xd51: {  	v3 =	vand.u32 $0x7, v3  }
0xd52: {  	v3 =	vor.u32 v3, v4  }
0xd53: {  	v4 =	vperm.xlane v3, v0;
	_ =	sdelay $0x1  }
0xd54: {  	v4 =	vadd.s32 v1, v4;
	_ =	sdelay $0x1  }
0xd55: {  	v3 =	vperm.xlane v3, v2;
	_ =	sdelay $0x1  }
0xd56: {  	v3 =	vadd.s32 v1, v3  }
0xd57: {  	[hbm4b:s2+s3] =	stream.indirect_vreg.scatter [tilespmem:s23], [sflag:$0x3], $0x80, v4, vm0, $0xb8;
	[tilespmem:$0x19000] =	vst v63  }
0xd58: {  	_ = 	snop  }
0xd59: {  	[hbm4b:s5+s3] =	stream.indirect_vreg.scatter [tilespmem:s24], [sflag:$0x3], $0x80, v4, vm1, $0xb8;
	[tilespmem:$0x19000] =	vst v63  }
0xd5a: {  	s31 =	simm.s32 $0x9400  }
0xd5b: {  	[hbm4b:s2+s3] =	stream.indirect_vreg.scatter [tilespmem:s31], [sflag:$0x3], $0x80, v3, vm0, $0xb8;
	[tilespmem:$0x19000] =	vst v63  }
0xd5c: {  	_ = 	snop  }
0xd5d: {  	[hbm4b:s5+s3] =	stream.indirect_vreg.scatter [tilespmem:s9], [sflag:$0x3], $0x80, v3, vm1, $0xb8;
	[tilespmem:$0x19000] =	vst v63  }
0xd5e: {  	v3 =	vld [tilespmem:$0xCE0];
	_ =	sdelay $0x4  }
0xd5f: {  	v14 =	vshrl.u32 v3, $0x3  }
0xd60: {  	v4 =	vmul.u32 $0x18, v14  }
0xd61: {  	v3 =	vand.u32 $0x7, v3  }
0xd62: {  	v3 =	vor.u32 v3, v4  }
0xd63: {  	v4 =	vperm.xlane v3, v0;
	_ =	sdelay $0x1  }
0xd64: {  	v4 =	vadd.s32 v1, v4;
	_ =	sdelay $0x1  }
0xd65: {  	v3 =	vperm.xlane v3, v2;
	_ =	sdelay $0x1  }
0xd66: {  	s0 =	simm.s32 $0xA000;
	v3 =	vadd.s32 v1, v3  }
0xd67: {  	[hbm4b:s2+s3] =	stream.indirect_vreg.scatter [tilespmem:s0], [sflag:$0x3], $0x80, v4, vm0, $0xb8;
	[tilespmem:$0x19000] =	vst v63  }
0xd68: {  	_ = 	snop  }
0xd69: {  	[hbm4b:s5+s3] =	stream.indirect_vreg.scatter [tilespmem:s13], [sflag:$0x3], $0x80, v4, vm1, $0xb8;
	[tilespmem:$0x19000] =	vst v63  }
0xd6a: {  	_ = 	snop  }
0xd6b: {  	[hbm4b:s2+s3] =	stream.indirect_vreg.scatter [tilespmem:s12], [sflag:$0x3], $0x80, v3, vm0, $0xb8;
	[tilespmem:$0x19000] =	vst v63  }
0xd6c: {  	_ = 	snop  }
0xd6d: {  	[hbm4b:s5+s3] =	stream.indirect_vreg.scatter [tilespmem:s10], [sflag:$0x3], $0x80, v3, vm1, $0xb8;
	[tilespmem:$0x19000] =	vst v63  }
0xd6e: {  	v3 =	vld [tilespmem:$0xCF0];
	_ =	sdelay $0x4  }
0xd6f: {  	v15 =	vshrl.u32 v3, $0x3  }
0xd70: {  	v4 =	vmul.u32 $0x18, v15  }
0xd71: {  	v3 =	vand.u32 $0x7, v3  }
0xd72: {  	v3 =	vor.u32 v3, v4  }
0xd73: {  	v4 =	vperm.xlane v3, v0;
	_ =	sdelay $0x1  }
0xd74: {  	v4 =	vadd.s32 v1, v4;
	_ =	sdelay $0x1  }
0xd75: {  	v3 =	vperm.xlane v3, v2;
	_ =	sdelay $0x1  }
0xd76: {  	s6 =	simm.s32 $0xB800;
	v3 =	vadd.s32 v1, v3  }
0xd77: {  	[hbm4b:s2+s3] =	stream.indirect_vreg.scatter [tilespmem:s6], [sflag:$0x3], $0x80, v4, vm0, $0xb8;
	[tilespmem:$0x19000] =	vst v63  }
0xd78: {  	_ = 	snop  }
0xd79: {  	[hbm4b:s5+s3] =	stream.indirect_vreg.scatter [tilespmem:s14], [sflag:$0x3], $0x80, v4, vm1, $0xb8;
	[tilespmem:$0x19000] =	vst v63  }
0xd7a: {  	s7 =	simm.s32 $0xC400  }
0xd7b: {  	[hbm4b:s2+s3] =	stream.indirect_vreg.scatter [tilespmem:s7], [sflag:$0x3], $0x80, v3, vm0, $0xb8;
	[tilespmem:$0x19000] =	vst v63  }
0xd7c: {  	_ = 	snop  }
0xd7d: {  	[hbm4b:s5+s3] =	stream.indirect_vreg.scatter [tilespmem:s11], [sflag:$0x3], $0x80, v3, vm1, $0xb8;
	[tilespmem:$0x19000] =	vst v63  }
0xd7e: {  	v3 =	vld [tilespmem:$0xD00];
	_ =	sdelay $0x4  }
0xd7f: {  	v16 =	vshrl.u32 v3, $0x3  }
0xd80: {  	v4 =	vmul.u32 $0x18, v16  }
0xd81: {  	v3 =	vand.u32 $0x7, v3  }
0xd82: {  	v3 =	vor.u32 v3, v4  }
0xd83: {  	v4 =	vperm.xlane v3, v0;
	_ =	sdelay $0x1  }
0xd84: {  	v4 =	vadd.s32 v1, v4;
	_ =	sdelay $0x1  }
0xd85: {  	v3 =	vperm.xlane v3, v2;
	_ =	sdelay $0x1  }
0xd86: {  	s8 =	simm.s32 $0x1000;
	v3 =	vadd.s32 v1, v3  }
0xd87: {  	[hbm4b:s2+s3] =	stream.indirect_vreg.scatter [tilespmem:s8], [sflag:$0x3], $0x80, v4, vm0, $0xb8;
	[tilespmem:$0x19000] =	vst v63  }
0xd88: {  	s9 =	simm.s32 $0x1800  }
0xd89: {  	[hbm4b:s5+s3] =	stream.indirect_vreg.scatter [tilespmem:s9], [sflag:$0x3], $0x80, v4, vm1, $0xb8;
	[tilespmem:$0x19000] =	vst v63  }
0xd8a: {  	s10 =	simm.s32 $0x1C00  }
0xd8b: {  	[hbm4b:s2+s3] =	stream.indirect_vreg.scatter [tilespmem:s10], [sflag:$0x3], $0x80, v3, vm0, $0xb8;
	[tilespmem:$0x19000] =	vst v63  }
0xd8c: {  	s15 =	simm.s32 $0x2400  }
0xd8d: {  	[hbm4b:s5+s3] =	stream.indirect_vreg.scatter [tilespmem:s15], [sflag:$0x3], $0x80, v3, vm1, $0xb8;
	[tilespmem:$0x19000] =	vst v63  }
0xd8e: {  	v3 =	vld [tilespmem:$0xD10];
	_ =	sdelay $0x4  }
0xd8f: {  	v17 =	vshrl.u32 v3, $0x3  }
0xd90: {  	v4 =	vmul.u32 $0x18, v17  }
0xd91: {  	v3 =	vand.u32 $0x7, v3  }
0xd92: {  	v3 =	vor.u32 v3, v4  }
0xd93: {  	v4 =	vperm.xlane v3, v0;
	_ =	sdelay $0x1  }
0xd94: {  	v4 =	vadd.s32 v1, v4;
	_ =	sdelay $0x1  }
0xd95: {  	v3 =	vperm.xlane v3, v2;
	_ =	sdelay $0x1  }
0xd96: {  	s11 =	simm.s32 $0x2800;
	v3 =	vadd.s32 v1, v3  }
0xd97: {  	[hbm4b:s2+s3] =	stream.indirect_vreg.scatter [tilespmem:s11], [sflag:$0x3], $0x80, v4, vm0, $0xb8;
	[tilespmem:$0x19000] =	vst v63  }
0xd98: {  	s15 =	simm.s32 $0x3000  }
0xd99: {  	[hbm4b:s5+s3] =	stream.indirect_vreg.scatter [tilespmem:s15], [sflag:$0x3], $0x80, v4, vm1, $0xb8;
	[tilespmem:$0x19000] =	vst v63  }
0xd9a: {  	s23 =	simm.s32 $0x3400  }
0xd9b: {  	[hbm4b:s2+s3] =	stream.indirect_vreg.scatter [tilespmem:s23], [sflag:$0x3], $0x80, v3, vm0, $0xb8;
	[tilespmem:$0x19000] =	vst v63  }
0xd9c: {  	s16 =	simm.s32 $0x3C00  }
0xd9d: {  	[hbm4b:s5+s3] =	stream.indirect_vreg.scatter [tilespmem:s16], [sflag:$0x3], $0x80, v3, vm1, $0xb8;
	[tilespmem:$0x19000] =	vst v63  }
0xd9e: {  	v3 =	vld [tilespmem:$0xD20];
	_ =	sdelay $0x4  }
0xd9f: {  	v18 =	vshrl.u32 v3, $0x3  }
0xda0: {  	v4 =	vmul.u32 $0x18, v18  }
0xda1: {  	v3 =	vand.u32 $0x7, v3  }
0xda2: {  	v3 =	vor.u32 v3, v4  }
0xda3: {  	v4 =	vperm.xlane v3, v0;
	_ =	sdelay $0x1  }
0xda4: {  	v4 =	vadd.s32 v1, v4;
	_ =	sdelay $0x1  }
0xda5: {  	v3 =	vperm.xlane v3, v2;
	_ =	sdelay $0x1  }
0xda6: {  	s24 =	simm.s32 $0x4000;
	v3 =	vadd.s32 v1, v3  }
0xda7: {  	[hbm4b:s2+s3] =	stream.indirect_vreg.scatter [tilespmem:s24], [sflag:$0x3], $0x80, v4, vm0, $0xb8;
	[tilespmem:$0x19000] =	vst v63  }
0xda8: {  	s25 =	simm.s32 $0x4800  }
0xda9: {  	[hbm4b:s5+s3] =	stream.indirect_vreg.scatter [tilespmem:s25], [sflag:$0x3], $0x80, v4, vm1, $0xb8;
	[tilespmem:$0x19000] =	vst v63  }
0xdaa: {  	s26 =	simm.s32 $0x4C00  }
0xdab: {  	[hbm4b:s2+s3] =	stream.indirect_vreg.scatter [tilespmem:s26], [sflag:$0x3], $0x80, v3, vm0, $0xb8;
	[tilespmem:$0x19000] =	vst v63  }
0xdac: {  	s17 =	simm.s32 $0x5400  }
0xdad: {  	[hbm4b:s5+s3] =	stream.indirect_vreg.scatter [tilespmem:s17], [sflag:$0x3], $0x80, v3, vm1, $0xb8;
	[tilespmem:$0x19000] =	vst v63  }
0xdae: {  	v3 =	vld [tilespmem:$0xD30];
	_ =	sdelay $0x4  }
0xdaf: {  	v19 =	vshrl.u32 v3, $0x3  }
0xdb0: {  	v4 =	vmul.u32 $0x18, v19  }
0xdb1: {  	v3 =	vand.u32 $0x7, v3  }
0xdb2: {  	v3 =	vor.u32 v3, v4  }
0xdb3: {  	v4 =	vperm.xlane v3, v0;
	_ =	sdelay $0x1  }
0xdb4: {  	v4 =	vadd.s32 v1, v4;
	_ =	sdelay $0x1  }
0xdb5: {  	v3 =	vperm.xlane v3, v2;
	_ =	sdelay $0x1  }
0xdb6: {  	s28 =	simm.s32 $0x5800;
	v3 =	vadd.s32 v1, v3  }
0xdb7: {  	[hbm4b:s2+s3] =	stream.indirect_vreg.scatter [tilespmem:s28], [sflag:$0x3], $0x80, v4, vm0, $0xb8;
	[tilespmem:$0x19000] =	vst v63  }
0xdb8: {  	s29 =	simm.s32 $0x6000  }
0xdb9: {  	[hbm4b:s5+s3] =	stream.indirect_vreg.scatter [tilespmem:s29], [sflag:$0x3], $0x80, v4, vm1, $0xb8;
	[tilespmem:$0x19000] =	vst v63  }
0xdba: {  	s30 =	simm.s32 $0x6400  }
0xdbb: {  	[hbm4b:s2+s3] =	stream.indirect_vreg.scatter [tilespmem:s30], [sflag:$0x3], $0x80, v3, vm0, $0xb8;
	[tilespmem:$0x19000] =	vst v63  }
0xdbc: {  	s18 =	simm.s32 $0x6C00  }
0xdbd: {  	[hbm4b:s5+s3] =	stream.indirect_vreg.scatter [tilespmem:s18], [sflag:$0x3], $0x80, v3, vm1, $0xb8;
	[tilespmem:$0x19000] =	vst v63  }
0xdbe: {  	v3 =	vld [tilespmem:$0xD40];
	_ =	sdelay $0x4  }
0xdbf: {  	v20 =	vshrl.u32 v3, $0x3  }
0xdc0: {  	v4 =	vmul.u32 $0x18, v20  }
0xdc1: {  	v3 =	vand.u32 $0x7, v3  }
0xdc2: {  	v3 =	vor.u32 v3, v4  }
0xdc3: {  	v4 =	vperm.xlane v3, v0;
	_ =	sdelay $0x1  }
0xdc4: {  	v4 =	vadd.s32 v1, v4;
	_ =	sdelay $0x1  }
0xdc5: {  	v3 =	vperm.xlane v3, v2;
	_ =	sdelay $0x1  }
0xdc6: {  	s31 =	simm.s32 $0x7000;
	v3 =	vadd.s32 v1, v3  }
0xdc7: {  	[hbm4b:s2+s3] =	stream.indirect_vreg.scatter [tilespmem:s31], [sflag:$0x3], $0x80, v4, vm0, $0xb8;
	[tilespmem:$0x19000] =	vst v63  }
0xdc8: {  	s11 =	simm.s32 $0x7800  }
0xdc9: {  	[hbm4b:s5+s3] =	stream.indirect_vreg.scatter [tilespmem:s11], [sflag:$0x3], $0x80, v4, vm1, $0xb8;
	[tilespmem:$0x19000] =	vst v63  }
0xdca: {  	s18 =	simm.s32 $0x7C00  }
0xdcb: {  	[hbm4b:s2+s3] =	stream.indirect_vreg.scatter [tilespmem:s18], [sflag:$0x3], $0x80, v3, vm0, $0xb8;
	[tilespmem:$0x19000] =	vst v63  }
0xdcc: {  	s19 =	simm.s32 $0x8400  }
0xdcd: {  	[hbm4b:s5+s3] =	stream.indirect_vreg.scatter [tilespmem:s19], [sflag:$0x3], $0x80, v3, vm1, $0xb8;
	[tilespmem:$0x19000] =	vst v63  }
0xdce: {  	v3 =	vld [tilespmem:$0xD50];
	_ =	sdelay $0x4  }
0xdcf: {  	v21 =	vshrl.u32 v3, $0x3  }
0xdd0: {  	v4 =	vmul.u32 $0x18, v21  }
0xdd1: {  	v3 =	vand.u32 $0x7, v3  }
0xdd2: {  	v3 =	vor.u32 v3, v4  }
0xdd3: {  	v4 =	vperm.xlane v3, v0;
	_ =	sdelay $0x1  }
0xdd4: {  	v4 =	vadd.s32 v1, v4;
	_ =	sdelay $0x1  }
0xdd5: {  	v3 =	vperm.xlane v3, v2;
	_ =	sdelay $0x1  }
0xdd6: {  	s11 =	simm.s32 $0x8800;
	v3 =	vadd.s32 v1, v3  }
0xdd7: {  	[hbm4b:s2+s3] =	stream.indirect_vreg.scatter [tilespmem:s11], [sflag:$0x3], $0x80, v4, vm0, $0xb8;
	[tilespmem:$0x19000] =	vst v63  }
0xdd8: {  	s19 =	simm.s32 $0x9000  }
0xdd9: {  	[hbm4b:s5+s3] =	stream.indirect_vreg.scatter [tilespmem:s19], [sflag:$0x3], $0x80, v4, vm1, $0xb8;
	[tilespmem:$0x19000] =	vst v63  }
0xdda: {  	s1 =	simm.s32 $0x9400  }
0xddb: {  	[hbm4b:s2+s3] =	stream.indirect_vreg.scatter [tilespmem:s1], [sflag:$0x3], $0x80, v3, vm0, $0xb8;
	[tilespmem:$0x19000] =	vst v63  }
0xddc: {  	s20 =	simm.s32 $0x9C00  }
0xddd: {  	[hbm4b:s5+s3] =	stream.indirect_vreg.scatter [tilespmem:s20], [sflag:$0x3], $0x80, v3, vm1, $0xb8;
	[tilespmem:$0x19000] =	vst v63  }
0xdde: {  	v3 =	vld [tilespmem:$0xD60];
	_ =	sdelay $0x4  }
0xddf: {  	v22 =	vshrl.u32 v3, $0x3  }
0xde0: {  	v4 =	vmul.u32 $0x18, v22  }
0xde1: {  	v3 =	vand.u32 $0x7, v3  }
0xde2: {  	v3 =	vor.u32 v3, v4  }
0xde3: {  	v4 =	vperm.xlane v3, v0;
	_ =	sdelay $0x1  }
0xde4: {  	v4 =	vadd.s32 v1, v4;
	_ =	sdelay $0x1  }
0xde5: {  	v3 =	vperm.xlane v3, v2;
	_ =	sdelay $0x1  }
0xde6: {  	s11 =	simm.s32 $0xA000;
	v3 =	vadd.s32 v1, v3  }
0xde7: {  	[hbm4b:s2+s3] =	stream.indirect_vreg.scatter [tilespmem:s11], [sflag:$0x3], $0x80, v4, vm0, $0xb8;
	[tilespmem:$0x19000] =	vst v63  }
0xde8: {  	s21 =	simm.s32 $0xA800  }
0xde9: {  	[hbm4b:s5+s3] =	stream.indirect_vreg.scatter [tilespmem:s21], [sflag:$0x3], $0x80, v4, vm1, $0xb8;
	[tilespmem:$0x19000] =	vst v63  }
0xdea: {  	s13 =	simm.s32 $0xAC00  }
0xdeb: {  	[hbm4b:s2+s3] =	stream.indirect_vreg.scatter [tilespmem:s13], [sflag:$0x3], $0x80, v3, vm0, $0xb8;
	[tilespmem:$0x19000] =	vst v63  }
0xdec: {  	s12 =	simm.s32 $0xB400  }
0xded: {  	[hbm4b:s5+s3] =	stream.indirect_vreg.scatter [tilespmem:s12], [sflag:$0x3], $0x80, v3, vm1, $0xb8;
	[tilespmem:$0x19000] =	vst v63  }
0xdee: {  	v3 =	vld [tilespmem:$0xD70];
	_ =	sdelay $0x4  }
0xdef: {  	v23 =	vshrl.u32 v3, $0x3  }
0xdf0: {  	v4 =	vmul.u32 $0x18, v23  }
0xdf1: {  	v3 =	vand.u32 $0x7, v3  }
0xdf2: {  	v3 =	vor.u32 v3, v4  }
0xdf3: {  	v4 =	vperm.xlane v3, v0;
	_ =	sdelay $0x1  }
0xdf4: {  	v4 =	vadd.s32 v1, v4;
	_ =	sdelay $0x1  }
0xdf5: {  	v3 =	vperm.xlane v3, v2;
	_ =	sdelay $0x1  }
0xdf6: {  	s13 =	simm.s32 $0xB800;
	v3 =	vadd.s32 v1, v3  }
0xdf7: {  	[hbm4b:s2+s3] =	stream.indirect_vreg.scatter [tilespmem:s13], [sflag:$0x3], $0x80, v4, vm0, $0xb8;
	[tilespmem:$0x19000] =	vst v63  }
0xdf8: {  	s22 =	simm.s32 $0xC000  }
0xdf9: {  	[hbm4b:s5+s3] =	stream.indirect_vreg.scatter [tilespmem:s22], [sflag:$0x3], $0x80, v4, vm1, $0xb8;
	[tilespmem:$0x19000] =	vst v63  }
0xdfa: {  	s4 =	simm.s32 $0xC400  }
0xdfb: {  	[hbm4b:s2+s3] =	stream.indirect_vreg.scatter [tilespmem:s4], [sflag:$0x3], $0x80, v3, vm0, $0xb8;
	[tilespmem:$0x19000] =	vst v63  }
0xdfc: {  	s14 =	simm.s32 $0xCC00  }
0xdfd: {  	[hbm4b:s5+s3] =	stream.indirect_vreg.scatter [tilespmem:s14], [sflag:$0x3], $0x80, v3, vm1, $0xb8;
	[tilespmem:$0x19000] =	vst v63  }
0xdfe: {  	v3 =	vld [tilespmem:$0xD80];
	_ =	sdelay $0x4  }
0xdff: {  	v24 =	vshrl.u32 v3, $0x3  }
0xe00: {  	v4 =	vmul.u32 $0x18, v24  }
0xe01: {  	v3 =	vand.u32 $0x7, v3  }
0xe02: {  	v3 =	vor.u32 v3, v4  }
0xe03: {  	v4 =	vperm.xlane v3, v0;
	_ =	sdelay $0x1  }
0xe04: {  	v4 =	vadd.s32 v1, v4;
	_ =	sdelay $0x1  }
0xe05: {  	v3 =	vperm.xlane v3, v2;
	_ =	sdelay $0x1  }
0xe06: {  	s22 =	simm.s32 $0x1000;
	v3 =	vadd.s32 v1, v3  }
0xe07: {  	[hbm4b:s2+s3] =	stream.indirect_vreg.scatter [tilespmem:s22], [sflag:$0x3], $0x80, v4, vm0, $0xb8;
	[tilespmem:$0x19000] =	vst v63  }
0xe08: {  	s7 =	simm.s32 $0x1800  }
0xe09: {  	[hbm4b:s5+s3] =	stream.indirect_vreg.scatter [tilespmem:s7], [sflag:$0x3], $0x80, v4, vm1, $0xb8;
	[tilespmem:$0x19000] =	vst v63  }
0xe0a: {  	s8 =	simm.s32 $0x1C00  }
0xe0b: {  	[hbm4b:s2+s3] =	stream.indirect_vreg.scatter [tilespmem:s8], [sflag:$0x3], $0x80, v3, vm0, $0xb8;
	[tilespmem:$0x19000] =	vst v63  }
0xe0c: {  	s6 =	simm.s32 $0x2400  }
0xe0d: {  	[hbm4b:s5+s3] =	stream.indirect_vreg.scatter [tilespmem:s6], [sflag:$0x3], $0x80, v3, vm1, $0xb8;
	[tilespmem:$0x19000] =	vst v63  }
0xe0e: {  	v3 =	vld [tilespmem:$0xD90];
	_ =	sdelay $0x4  }
0xe0f: {  	v25 =	vshrl.u32 v3, $0x3  }
0xe10: {  	v4 =	vmul.u32 $0x18, v25  }
0xe11: {  	v3 =	vand.u32 $0x7, v3  }
0xe12: {  	v3 =	vor.u32 v3, v4  }
0xe13: {  	v4 =	vperm.xlane v3, v0;
	_ =	sdelay $0x1  }
0xe14: {  	v4 =	vadd.s32 v1, v4;
	_ =	sdelay $0x1  }
0xe15: {  	v3 =	vperm.xlane v3, v2;
	_ =	sdelay $0x1  }
0xe16: {  	s9 =	simm.s32 $0x2800;
	v3 =	vadd.s32 v1, v3  }
0xe17: {  	[hbm4b:s2+s3] =	stream.indirect_vreg.scatter [tilespmem:s9], [sflag:$0x3], $0x80, v4, vm0, $0xb8;
	[tilespmem:$0x19000] =	vst v63  }
0xe18: {  	s10 =	simm.s32 $0x3000  }
0xe19: {  	[hbm4b:s5+s3] =	stream.indirect_vreg.scatter [tilespmem:s10], [sflag:$0x3], $0x80, v4, vm1, $0xb8;
	[tilespmem:$0x19000] =	vst v63  }
0xe1a: {  	s23 =	simm.s32 $0x3400  }
0xe1b: {  	[hbm4b:s2+s3] =	stream.indirect_vreg.scatter [tilespmem:s23], [sflag:$0x3], $0x80, v3, vm0, $0xb8;
	[tilespmem:$0x19000] =	vst v63  }
0xe1c: {  	s15 =	simm.s32 $0x3C00  }
0xe1d: {  	[hbm4b:s5+s3] =	stream.indirect_vreg.scatter [tilespmem:s15], [sflag:$0x3], $0x80, v3, vm1, $0xb8;
	[tilespmem:$0x19000] =	vst v63  }
0xe1e: {  	v3 =	vld [tilespmem:$0xDA0];
	_ =	sdelay $0x4  }
0xe1f: {  	v26 =	vshrl.u32 v3, $0x3  }
0xe20: {  	v4 =	vmul.u32 $0x18, v26  }
0xe21: {  	v3 =	vand.u32 $0x7, v3  }
0xe22: {  	v3 =	vor.u32 v3, v4  }
0xe23: {  	v4 =	vperm.xlane v3, v0;
	_ =	sdelay $0x1  }
0xe24: {  	v4 =	vadd.s32 v1, v4;
	_ =	sdelay $0x1  }
0xe25: {  	v3 =	vperm.xlane v3, v2;
	_ =	sdelay $0x1  }
0xe26: {  	s24 =	simm.s32 $0x4000;
	v3 =	vadd.s32 v1, v3  }
0xe27: {  	[hbm4b:s2+s3] =	stream.indirect_vreg.scatter [tilespmem:s24], [sflag:$0x3], $0x80, v4, vm0, $0xb8;
	[tilespmem:$0x19000] =	vst v63  }
0xe28: {  	s25 =	simm.s32 $0x4800  }
0xe29: {  	[hbm4b:s5+s3] =	stream.indirect_vreg.scatter [tilespmem:s25], [sflag:$0x3], $0x80, v4, vm1, $0xb8;
	[tilespmem:$0x19000] =	vst v63  }
0xe2a: {  	s26 =	simm.s32 $0x4C00  }
0xe2b: {  	[hbm4b:s2+s3] =	stream.indirect_vreg.scatter [tilespmem:s26], [sflag:$0x3], $0x80, v3, vm0, $0xb8;
	[tilespmem:$0x19000] =	vst v63  }
0xe2c: {  	s16 =	simm.s32 $0x5400  }
0xe2d: {  	[hbm4b:s5+s3] =	stream.indirect_vreg.scatter [tilespmem:s16], [sflag:$0x3], $0x80, v3, vm1, $0xb8;
	[tilespmem:$0x19000] =	vst v63  }
0xe2e: {  	v3 =	vld [tilespmem:$0xDB0];
	_ =	sdelay $0x4  }
0xe2f: {  	v27 =	vshrl.u32 v3, $0x3  }
0xe30: {  	v4 =	vmul.u32 $0x18, v27  }
0xe31: {  	v3 =	vand.u32 $0x7, v3  }
0xe32: {  	v3 =	vor.u32 v3, v4  }
0xe33: {  	v4 =	vperm.xlane v3, v0;
	_ =	sdelay $0x1  }
0xe34: {  	v4 =	vadd.s32 v1, v4;
	_ =	sdelay $0x1  }
0xe35: {  	v3 =	vperm.xlane v3, v2;
	_ =	sdelay $0x1  }
0xe36: {  	s28 =	simm.s32 $0x5800;
	v3 =	vadd.s32 v1, v3  }
0xe37: {  	[hbm4b:s2+s3] =	stream.indirect_vreg.scatter [tilespmem:s28], [sflag:$0x3], $0x80, v4, vm0, $0xb8;
	[tilespmem:$0x19000] =	vst v63  }
0xe38: {  	s29 =	simm.s32 $0x6000  }
0xe39: {  	[hbm4b:s5+s3] =	stream.indirect_vreg.scatter [tilespmem:s29], [sflag:$0x3], $0x80, v4, vm1, $0xb8;
	[tilespmem:$0x19000] =	vst v63  }
0xe3a: {  	s30 =	simm.s32 $0x6400  }
0xe3b: {  	[hbm4b:s2+s3] =	stream.indirect_vreg.scatter [tilespmem:s30], [sflag:$0x3], $0x80, v3, vm0, $0xb8;
	[tilespmem:$0x19000] =	vst v63  }
0xe3c: {  	s17 =	simm.s32 $0x6C00  }
0xe3d: {  	[hbm4b:s5+s3] =	stream.indirect_vreg.scatter [tilespmem:s17], [sflag:$0x3], $0x80, v3, vm1, $0xb8;
	[tilespmem:$0x19000] =	vst v63  }
0xe3e: {  	v3 =	vld [tilespmem:$0xDC0];
	_ =	sdelay $0x4  }
0xe3f: {  	v28 =	vshrl.u32 v3, $0x3  }
0xe40: {  	v4 =	vmul.u32 $0x18, v28  }
0xe41: {  	v3 =	vand.u32 $0x7, v3  }
0xe42: {  	v3 =	vor.u32 v3, v4  }
0xe43: {  	v4 =	vperm.xlane v3, v0;
	_ =	sdelay $0x1  }
0xe44: {  	v4 =	vadd.s32 v1, v4;
	_ =	sdelay $0x1  }
0xe45: {  	v3 =	vperm.xlane v3, v2;
	_ =	sdelay $0x1  }
0xe46: {  	s31 =	simm.s32 $0x7000;
	v3 =	vadd.s32 v1, v3  }
0xe47: {  	[hbm4b:s2+s3] =	stream.indirect_vreg.scatter [tilespmem:s31], [sflag:$0x3], $0x80, v4, vm0, $0xb8;
	[tilespmem:$0x19000] =	vst v63  }
0xe48: {  	s9 =	simm.s32 $0x7800  }
0xe49: {  	[hbm4b:s5+s3] =	stream.indirect_vreg.scatter [tilespmem:s9], [sflag:$0x3], $0x80, v4, vm1, $0xb8;
	[tilespmem:$0x19000] =	vst v63  }
0xe4a: {  	s10 =	simm.s32 $0x7C00  }
0xe4b: {  	[hbm4b:s2+s3] =	stream.indirect_vreg.scatter [tilespmem:s10], [sflag:$0x3], $0x80, v3, vm0, $0xb8;
	[tilespmem:$0x19000] =	vst v63  }
0xe4c: {  	s18 =	simm.s32 $0x8400  }
0xe4d: {  	[hbm4b:s5+s3] =	stream.indirect_vreg.scatter [tilespmem:s18], [sflag:$0x3], $0x80, v3, vm1, $0xb8;
	[tilespmem:$0x19000] =	vst v63  }
0xe4e: {  	v3 =	vld [tilespmem:$0xDD0];
	_ =	sdelay $0x4  }
0xe4f: {  	v29 =	vshrl.u32 v3, $0x3  }
0xe50: {  	v4 =	vmul.u32 $0x18, v29  }
0xe51: {  	v3 =	vand.u32 $0x7, v3  }
0xe52: {  	v3 =	vor.u32 v3, v4  }
0xe53: {  	v4 =	vperm.xlane v3, v0;
	_ =	sdelay $0x1  }
0xe54: {  	v4 =	vadd.s32 v1, v4;
	_ =	sdelay $0x1  }
0xe55: {  	v3 =	vperm.xlane v3, v2;
	_ =	sdelay $0x1  }
0xe56: {  	s14 =	simm.s32 $0x8800;
	v3 =	vadd.s32 v1, v3  }
0xe57: {  	[hbm4b:s2+s3] =	stream.indirect_vreg.scatter [tilespmem:s14], [sflag:$0x3], $0x80, v4, vm0, $0xb8;
	[tilespmem:$0x19000] =	vst v63  }
0xe58: {  	s15 =	simm.s32 $0x9000  }
0xe59: {  	[hbm4b:s5+s3] =	stream.indirect_vreg.scatter [tilespmem:s15], [sflag:$0x3], $0x80, v4, vm1, $0xb8;
	[tilespmem:$0x19000] =	vst v63  }
0xe5a: {  	s0 =	simm.s32 $0x9400  }
0xe5b: {  	[hbm4b:s2+s3] =	stream.indirect_vreg.scatter [tilespmem:s0], [sflag:$0x3], $0x80, v3, vm0, $0xb8;
	[tilespmem:$0x19000] =	vst v63  }
0xe5c: {  	s19 =	simm.s32 $0x9C00  }
0xe5d: {  	[hbm4b:s5+s3] =	stream.indirect_vreg.scatter [tilespmem:s19], [sflag:$0x3], $0x80, v3, vm1, $0xb8;
	[tilespmem:$0x19000] =	vst v63  }
0xe5e: {  	v3 =	vld [tilespmem:$0xDE0];
	_ =	sdelay $0x4  }
0xe5f: {  	v30 =	vshrl.u32 v3, $0x3  }
0xe60: {  	v4 =	vmul.u32 $0x18, v30  }
0xe61: {  	v3 =	vand.u32 $0x7, v3  }
0xe62: {  	v3 =	vor.u32 v3, v4  }
0xe63: {  	v4 =	vperm.xlane v3, v0;
	_ =	sdelay $0x1  }
0xe64: {  	v4 =	vadd.s32 v1, v4;
	_ =	sdelay $0x1  }
0xe65: {  	v3 =	vperm.xlane v3, v2;
	_ =	sdelay $0x1  }
0xe66: {  	s16 =	simm.s32 $0xA000;
	v3 =	vadd.s32 v1, v3  }
0xe67: {  	[hbm4b:s2+s3] =	stream.indirect_vreg.scatter [tilespmem:s16], [sflag:$0x3], $0x80, v4, vm0, $0xb8;
	[tilespmem:$0x19000] =	vst v63  }
0xe68: {  	s21 =	simm.s32 $0xA800  }
0xe69: {  	[hbm4b:s5+s3] =	stream.indirect_vreg.scatter [tilespmem:s21], [sflag:$0x3], $0x80, v4, vm1, $0xb8;
	[tilespmem:$0x19000] =	vst v63  }
0xe6a: {  	s11 =	simm.s32 $0xAC00  }
0xe6b: {  	[hbm4b:s2+s3] =	stream.indirect_vreg.scatter [tilespmem:s11], [sflag:$0x3], $0x80, v3, vm0, $0xb8;
	[tilespmem:$0x19000] =	vst v63  }
0xe6c: {  	s20 =	simm.s32 $0xB400  }
0xe6d: {  	[hbm4b:s5+s3] =	stream.indirect_vreg.scatter [tilespmem:s20], [sflag:$0x3], $0x80, v3, vm1, $0xb8;
	[tilespmem:$0x19000] =	vst v63  }
0xe6e: {  	v3 =	vld [tilespmem:$0xDF0];
	_ =	sdelay $0x4  }
0xe6f: {  	v31 =	vshrl.u32 v3, $0x3  }
0xe70: {  	v4 =	vmul.u32 $0x18, v31  }
0xe71: {  	v3 =	vand.u32 $0x7, v3  }
0xe72: {  	v3 =	vor.u32 v3, v4  }
0xe73: {  	v4 =	vperm.xlane v3, v0;
	_ =	sdelay $0x1  }
0xe74: {  	v4 =	vadd.s32 v1, v4;
	_ =	sdelay $0x1  }
0xe75: {  	v3 =	vperm.xlane v3, v2;
	_ =	sdelay $0x1  }
0xe76: {  	s13 =	simm.s32 $0xB800;
	v3 =	vadd.s32 v1, v3  }
0xe77: {  	[hbm4b:s2+s3] =	stream.indirect_vreg.scatter [tilespmem:s13], [sflag:$0x3], $0x80, v4, vm0, $0xb8;
	[tilespmem:$0x19000] =	vst v63  }
0xe78: {  	s12 =	simm.s32 $0xC000  }
0xe79: {  	[hbm4b:s5+s3] =	stream.indirect_vreg.scatter [tilespmem:s12], [sflag:$0x3], $0x80, v4, vm1, $0xb8;
	[tilespmem:$0x19000] =	vst v63  }
0xe7a: {  	s1 =	simm.s32 $0xC400  }
0xe7b: {  	[hbm4b:s2+s3] =	stream.indirect_vreg.scatter [tilespmem:s1], [sflag:$0x3], $0x80, v3, vm0, $0xb8;
	[tilespmem:$0x19000] =	vst v63  }
0xe7c: {  	s4 =	simm.s32 $0xCC00;
	s17 =	simm.s32 $0x2  }
0xe7d: {  	[hbm4b:s5+s3] =	stream.indirect_vreg.scatter [tilespmem:s4], [sflag:$0x3], $0x80, v3, vm1, $0xb8;
	[tilespmem:$0x19000] =	vst v63  }
0xe7e: {  	_ =	swait.ge [sflag:s17], $0xC000  }
0xe7f: {  	[sflag:s17] =	ssyncset.done $0x0  }
0xe80: {  	[sflag:s17] =	ssyncadd.s32 $0xFFFF4000  }
0xe81: {  	v3 =	vld [tilespmem:$0xE00];
	_ =	sdelay $0x4  }
0xe82: {  	v32 =	vshrl.u32 v3, $0x3  }
0xe83: {  	v4 =	vmul.u32 $0x18, v32  }
0xe84: {  	v3 =	vand.u32 $0x7, v3  }
0xe85: {  	v3 =	vor.u32 v3, v4  }
0xe86: {  	v4 =	vperm.xlane v3, v0;
	_ =	sdelay $0x1  }
0xe87: {  	v4 =	vadd.s32 v1, v4;
	_ =	sdelay $0x1  }
0xe88: {  	v3 =	vperm.xlane v3, v2;
	_ =	sdelay $0x1  }
0xe89: {  	s11 =	simm.s32 $0xD000;
	v3 =	vadd.s32 v1, v3  }
0xe8a: {  	[hbm4b:s2+s3] =	stream.indirect_vreg.scatter [tilespmem:s11], [sflag:$0x4], $0x80, v4, vm0, $0xb8;
	[tilespmem:$0x19000] =	vst v63  }
0xe8b: {  	s24 =	simm.s32 $0xD800  }
0xe8c: {  	[hbm4b:s5+s3] =	stream.indirect_vreg.scatter [tilespmem:s24], [sflag:$0x4], $0x80, v4, vm1, $0xb8;
	[tilespmem:$0x19000] =	vst v63  }
0xe8d: {  	s25 =	simm.s32 $0xDC00  }
0xe8e: {  	[hbm4b:s2+s3] =	stream.indirect_vreg.scatter [tilespmem:s25], [sflag:$0x4], $0x80, v3, vm0, $0xb8;
	[tilespmem:$0x19000] =	vst v63  }
0xe8f: {  	s22 =	simm.s32 $0xE400  }
0xe90: {  	[hbm4b:s5+s3] =	stream.indirect_vreg.scatter [tilespmem:s22], [sflag:$0x4], $0x80, v3, vm1, $0xb8;
	[tilespmem:$0x19000] =	vst v63  }
0xe91: {  	v3 =	vld [tilespmem:$0xE10];
	_ =	sdelay $0x4  }
0xe92: {  	v33 =	vshrl.u32 v3, $0x3  }
0xe93: {  	v4 =	vmul.u32 $0x18, v33  }
0xe94: {  	v3 =	vand.u32 $0x7, v3  }
0xe95: {  	v3 =	vor.u32 v3, v4  }
0xe96: {  	v4 =	vperm.xlane v3, v0;
	_ =	sdelay $0x1  }
0xe97: {  	v4 =	vadd.s32 v1, v4;
	_ =	sdelay $0x1  }
0xe98: {  	v3 =	vperm.xlane v3, v2;
	_ =	sdelay $0x1  }
0xe99: {  	s26 =	simm.s32 $0xE800;
	v3 =	vadd.s32 v1, v3  }
0xe9a: {  	[hbm4b:s2+s3] =	stream.indirect_vreg.scatter [tilespmem:s26], [sflag:$0x4], $0x80, v4, vm0, $0xb8;
	[tilespmem:$0x19000] =	vst v63  }
0xe9b: {  	s28 =	simm.s32 $0xF000  }
0xe9c: {  	[hbm4b:s5+s3] =	stream.indirect_vreg.scatter [tilespmem:s28], [sflag:$0x4], $0x80, v4, vm1, $0xb8;
	[tilespmem:$0x19000] =	vst v63  }
0xe9d: {  	s29 =	simm.s32 $0xF400  }
0xe9e: {  	[hbm4b:s2+s3] =	stream.indirect_vreg.scatter [tilespmem:s29], [sflag:$0x4], $0x80, v3, vm0, $0xb8;
	[tilespmem:$0x19000] =	vst v63  }
0xe9f: {  	s12 =	simm.s32 $0xFC00  }
0xea0: {  	[hbm4b:s5+s3] =	stream.indirect_vreg.scatter [tilespmem:s12], [sflag:$0x4], $0x80, v3, vm1, $0xb8;
	[tilespmem:$0x19000] =	vst v63  }
0xea1: {  	v3 =	vld [tilespmem:$0xE20];
	_ =	sdelay $0x4  }
0xea2: {  	v34 =	vshrl.u32 v3, $0x3  }
0xea3: {  	v4 =	vmul.u32 $0x18, v34  }
0xea4: {  	v3 =	vand.u32 $0x7, v3  }
0xea5: {  	v3 =	vor.u32 v3, v4  }
0xea6: {  	v4 =	vperm.xlane v3, v0;
	_ =	sdelay $0x1  }
0xea7: {  	v4 =	vadd.s32 v1, v4;
	_ =	sdelay $0x1  }
0xea8: {  	v3 =	vperm.xlane v3, v2;
	_ =	sdelay $0x1  }
0xea9: {  	s30 =	simm.s32 $0x10000;
	v3 =	vadd.s32 v1, v3  }
0xeaa: {  	[hbm4b:s2+s3] =	stream.indirect_vreg.scatter [tilespmem:s30], [sflag:$0x4], $0x80, v4, vm0, $0xb8;
	[tilespmem:$0x19000] =	vst v63  }
0xeab: {  	s31 =	simm.s32 $0x10800  }
0xeac: {  	[hbm4b:s5+s3] =	stream.indirect_vreg.scatter [tilespmem:s31], [sflag:$0x4], $0x80, v4, vm1, $0xb8;
	[tilespmem:$0x19000] =	vst v63  }
0xead: {  	s23 =	simm.s32 $0x10C00  }
0xeae: {  	[hbm4b:s2+s3] =	stream.indirect_vreg.scatter [tilespmem:s23], [sflag:$0x4], $0x80, v3, vm0, $0xb8;
	[tilespmem:$0x19000] =	vst v63  }
0xeaf: {  	s16 =	simm.s32 $0x11400  }
0xeb0: {  	[hbm4b:s5+s3] =	stream.indirect_vreg.scatter [tilespmem:s16], [sflag:$0x4], $0x80, v3, vm1, $0xb8;
	[tilespmem:$0x19000] =	vst v63  }
0xeb1: {  	v3 =	vld [tilespmem:$0xE30];
	_ =	sdelay $0x4  }
0xeb2: {  	v35 =	vshrl.u32 v3, $0x3  }
0xeb3: {  	v4 =	vmul.u32 $0x18, v35  }
0xeb4: {  	v3 =	vand.u32 $0x7, v3  }
0xeb5: {  	v3 =	vor.u32 v3, v4  }
0xeb6: {  	v4 =	vperm.xlane v3, v0;
	_ =	sdelay $0x1  }
0xeb7: {  	v4 =	vadd.s32 v1, v4;
	_ =	sdelay $0x1  }
0xeb8: {  	v3 =	vperm.xlane v3, v2;
	_ =	sdelay $0x1  }
0xeb9: {  	s18 =	simm.s32 $0x11800;
	v3 =	vadd.s32 v1, v3  }
0xeba: {  	[hbm4b:s2+s3] =	stream.indirect_vreg.scatter [tilespmem:s18], [sflag:$0x4], $0x80, v4, vm0, $0xb8;
	[tilespmem:$0x19000] =	vst v63  }
0xebb: {  	s19 =	simm.s32 $0x12000  }
0xebc: {  	[hbm4b:s5+s3] =	stream.indirect_vreg.scatter [tilespmem:s19], [sflag:$0x4], $0x80, v4, vm1, $0xb8;
	[tilespmem:$0x19000] =	vst v63  }
0xebd: {  	s20 =	simm.s32 $0x12400  }
0xebe: {  	[hbm4b:s2+s3] =	stream.indirect_vreg.scatter [tilespmem:s20], [sflag:$0x4], $0x80, v3, vm0, $0xb8;
	[tilespmem:$0x19000] =	vst v63  }
0xebf: {  	s17 =	simm.s32 $0x12C00  }
0xec0: {  	[hbm4b:s5+s3] =	stream.indirect_vreg.scatter [tilespmem:s17], [sflag:$0x4], $0x80, v3, vm1, $0xb8;
	[tilespmem:$0x19000] =	vst v63  }
0xec1: {  	v3 =	vld [tilespmem:$0xE40];
	_ =	sdelay $0x4  }
0xec2: {  	v36 =	vshrl.u32 v3, $0x3  }
0xec3: {  	v4 =	vmul.u32 $0x18, v36  }
0xec4: {  	v3 =	vand.u32 $0x7, v3  }
0xec5: {  	v3 =	vor.u32 v3, v4  }
0xec6: {  	v4 =	vperm.xlane v3, v0;
	_ =	sdelay $0x1  }
0xec7: {  	v4 =	vadd.s32 v1, v4;
	_ =	sdelay $0x1  }
0xec8: {  	v3 =	vperm.xlane v3, v2;
	_ =	sdelay $0x1  }
0xec9: {  	s21 =	simm.s32 $0x13000;
	v3 =	vadd.s32 v1, v3  }
0xeca: {  	[hbm4b:s2+s3] =	stream.indirect_vreg.scatter [tilespmem:s21], [sflag:$0x4], $0x80, v4, vm0, $0xb8;
	[tilespmem:$0x19000] =	vst v63  }
0xecb: {  	s0 =	simm.s32 $0x13800  }
0xecc: {  	[hbm4b:s5+s3] =	stream.indirect_vreg.scatter [tilespmem:s0], [sflag:$0x4], $0x80, v4, vm1, $0xb8;
	[tilespmem:$0x19000] =	vst v63  }
0xecd: {  	s1 =	simm.s32 $0x13C00  }
0xece: {  	[hbm4b:s2+s3] =	stream.indirect_vreg.scatter [tilespmem:s1], [sflag:$0x4], $0x80, v3, vm0, $0xb8;
	[tilespmem:$0x19000] =	vst v63  }
0xecf: {  	s18 =	simm.s32 $0x14400  }
0xed0: {  	[hbm4b:s5+s3] =	stream.indirect_vreg.scatter [tilespmem:s18], [sflag:$0x4], $0x80, v3, vm1, $0xb8;
	[tilespmem:$0x19000] =	vst v63  }
0xed1: {  	v3 =	vld [tilespmem:$0xE50];
	_ =	sdelay $0x4  }
0xed2: {  	v37 =	vshrl.u32 v3, $0x3  }
0xed3: {  	v4 =	vmul.u32 $0x18, v37  }
0xed4: {  	v3 =	vand.u32 $0x7, v3  }
0xed5: {  	v3 =	vor.u32 v3, v4  }
0xed6: {  	v4 =	vperm.xlane v3, v0;
	_ =	sdelay $0x1  }
0xed7: {  	v4 =	vadd.s32 v1, v4;
	_ =	sdelay $0x1  }
0xed8: {  	v3 =	vperm.xlane v3, v2;
	_ =	sdelay $0x1  }
0xed9: {  	s13 =	simm.s32 $0x14800;
	v3 =	vadd.s32 v1, v3  }
0xeda: {  	[hbm4b:s2+s3] =	stream.indirect_vreg.scatter [tilespmem:s13], [sflag:$0x4], $0x80, v4, vm0, $0xb8;
	[tilespmem:$0x19000] =	vst v63  }
0xedb: {  	s14 =	simm.s32 $0x15000  }
0xedc: {  	[hbm4b:s5+s3] =	stream.indirect_vreg.scatter [tilespmem:s14], [sflag:$0x4], $0x80, v4, vm1, $0xb8;
	[tilespmem:$0x19000] =	vst v63  }
0xedd: {  	s15 =	simm.s32 $0x15400  }
0xede: {  	[hbm4b:s2+s3] =	stream.indirect_vreg.scatter [tilespmem:s15], [sflag:$0x4], $0x80, v3, vm0, $0xb8;
	[tilespmem:$0x19000] =	vst v63  }
0xedf: {  	s21 =	simm.s32 $0x15C00  }
0xee0: {  	[hbm4b:s5+s3] =	stream.indirect_vreg.scatter [tilespmem:s21], [sflag:$0x4], $0x80, v3, vm1, $0xb8;
	[tilespmem:$0x19000] =	vst v63  }
0xee1: {  	v3 =	vld [tilespmem:$0xE60];
	_ =	sdelay $0x4  }
0xee2: {  	v38 =	vshrl.u32 v3, $0x3  }
0xee3: {  	v4 =	vmul.u32 $0x18, v38  }
0xee4: {  	v3 =	vand.u32 $0x7, v3  }
0xee5: {  	v3 =	vor.u32 v3, v4  }
0xee6: {  	v4 =	vperm.xlane v3, v0;
	_ =	sdelay $0x1  }
0xee7: {  	v4 =	vadd.s32 v1, v4;
	_ =	sdelay $0x1  }
0xee8: {  	v3 =	vperm.xlane v3, v2;
	_ =	sdelay $0x1  }
0xee9: {  	s4 =	simm.s32 $0x16000;
	v3 =	vadd.s32 v1, v3  }
0xeea: {  	[hbm4b:s2+s3] =	stream.indirect_vreg.scatter [tilespmem:s4], [sflag:$0x4], $0x80, v4, vm0, $0xb8;
	[tilespmem:$0x19000] =	vst v63  }
0xeeb: {  	s6 =	simm.s32 $0x16800  }
0xeec: {  	[hbm4b:s5+s3] =	stream.indirect_vreg.scatter [tilespmem:s6], [sflag:$0x4], $0x80, v4, vm1, $0xb8;
	[tilespmem:$0x19000] =	vst v63  }
0xeed: {  	s7 =	simm.s32 $0x16C00  }
0xeee: {  	[hbm4b:s2+s3] =	stream.indirect_vreg.scatter [tilespmem:s7], [sflag:$0x4], $0x80, v3, vm0, $0xb8;
	[tilespmem:$0x19000] =	vst v63  }
0xeef: {  	s19 =	simm.s32 $0x17400  }
0xef0: {  	[hbm4b:s5+s3] =	stream.indirect_vreg.scatter [tilespmem:s19], [sflag:$0x4], $0x80, v3, vm1, $0xb8;
	[tilespmem:$0x19000] =	vst v63  }
0xef1: {  	v3 =	vld [tilespmem:$0xE70];
	_ =	sdelay $0x4  }
0xef2: {  	v39 =	vshrl.u32 v3, $0x3  }
0xef3: {  	v4 =	vmul.u32 $0x18, v39  }
0xef4: {  	v3 =	vand.u32 $0x7, v3  }
0xef5: {  	v3 =	vor.u32 v3, v4  }
0xef6: {  	v4 =	vperm.xlane v3, v0;
	_ =	sdelay $0x1  }
0xef7: {  	v4 =	vadd.s32 v1, v4;
	_ =	sdelay $0x1  }
0xef8: {  	v3 =	vperm.xlane v3, v2;
	_ =	sdelay $0x1  }
0xef9: {  	s8 =	simm.s32 $0x17800;
	v3 =	vadd.s32 v1, v3  }
0xefa: {  	[hbm4b:s2+s3] =	stream.indirect_vreg.scatter [tilespmem:s8], [sflag:$0x4], $0x80, v4, vm0, $0xb8;
	[tilespmem:$0x19000] =	vst v63  }
0xefb: {  	s9 =	simm.s32 $0x18000  }
0xefc: {  	[hbm4b:s5+s3] =	stream.indirect_vreg.scatter [tilespmem:s9], [sflag:$0x4], $0x80, v4, vm1, $0xb8;
	[tilespmem:$0x19000] =	vst v63  }
0xefd: {  	s10 =	simm.s32 $0x18400  }
0xefe: {  	[hbm4b:s2+s3] =	stream.indirect_vreg.scatter [tilespmem:s10], [sflag:$0x4], $0x80, v3, vm0, $0xb8;
	[tilespmem:$0x19000] =	vst v63  }
0xeff: {  	s20 =	simm.s32 $0x18C00  }
0xf00: {  	[hbm4b:s5+s3] =	stream.indirect_vreg.scatter [tilespmem:s20], [sflag:$0x4], $0x80, v3, vm1, $0xb8;
	[tilespmem:$0x19000] =	vst v63  }
0xf01: {  	v3 =	vld [tilespmem:$0xE80];
	_ =	sdelay $0x4  }
0xf02: {  	v40 =	vshrl.u32 v3, $0x3  }
0xf03: {  	v4 =	vmul.u32 $0x18, v40  }
0xf04: {  	v3 =	vand.u32 $0x7, v3  }
0xf05: {  	v3 =	vor.u32 v3, v4  }
0xf06: {  	v4 =	vperm.xlane v3, v0;
	_ =	sdelay $0x1  }
0xf07: {  	v4 =	vadd.s32 v1, v4;
	_ =	sdelay $0x1  }
0xf08: {  	v3 =	vperm.xlane v3, v2;
	_ =	sdelay $0x1  }
0xf09: {  	v3 =	vadd.s32 v1, v3  }
0xf0a: {  	[hbm4b:s2+s3] =	stream.indirect_vreg.scatter [tilespmem:s11], [sflag:$0x4], $0x80, v4, vm0, $0xb8;
	[tilespmem:$0x19000] =	vst v63  }
0xf0b: {  	_ = 	snop  }
0xf0c: {  	[hbm4b:s5+s3] =	stream.indirect_vreg.scatter [tilespmem:s24], [sflag:$0x4], $0x80, v4, vm1, $0xb8;
	[tilespmem:$0x19000] =	vst v63  }
0xf0d: {  	_ = 	snop  }
0xf0e: {  	[hbm4b:s2+s3] =	stream.indirect_vreg.scatter [tilespmem:s25], [sflag:$0x4], $0x80, v3, vm0, $0xb8;
	[tilespmem:$0x19000] =	vst v63  }
0xf0f: {  	_ = 	snop  }
0xf10: {  	[hbm4b:s5+s3] =	stream.indirect_vreg.scatter [tilespmem:s22], [sflag:$0x4], $0x80, v3, vm1, $0xb8;
	[tilespmem:$0x19000] =	vst v63  }
0xf11: {  	v3 =	vld [tilespmem:$0xE90];
	_ =	sdelay $0x4  }
0xf12: {  	v41 =	vshrl.u32 v3, $0x3  }
0xf13: {  	v4 =	vmul.u32 $0x18, v41  }
0xf14: {  	v3 =	vand.u32 $0x7, v3  }
0xf15: {  	v3 =	vor.u32 v3, v4  }
0xf16: {  	v4 =	vperm.xlane v3, v0;
	_ =	sdelay $0x1  }
0xf17: {  	v4 =	vadd.s32 v1, v4;
	_ =	sdelay $0x1  }
0xf18: {  	v3 =	vperm.xlane v3, v2;
	_ =	sdelay $0x1  }
0xf19: {  	v3 =	vadd.s32 v1, v3  }
0xf1a: {  	[hbm4b:s2+s3] =	stream.indirect_vreg.scatter [tilespmem:s26], [sflag:$0x4], $0x80, v4, vm0, $0xb8;
	[tilespmem:$0x19000] =	vst v63  }
0xf1b: {  	_ = 	snop  }
0xf1c: {  	[hbm4b:s5+s3] =	stream.indirect_vreg.scatter [tilespmem:s28], [sflag:$0x4], $0x80, v4, vm1, $0xb8;
	[tilespmem:$0x19000] =	vst v63  }
0xf1d: {  	_ = 	snop  }
0xf1e: {  	[hbm4b:s2+s3] =	stream.indirect_vreg.scatter [tilespmem:s29], [sflag:$0x4], $0x80, v3, vm0, $0xb8;
	[tilespmem:$0x19000] =	vst v63  }
0xf1f: {  	_ = 	snop  }
0xf20: {  	[hbm4b:s5+s3] =	stream.indirect_vreg.scatter [tilespmem:s12], [sflag:$0x4], $0x80, v3, vm1, $0xb8;
	[tilespmem:$0x19000] =	vst v63  }
0xf21: {  	v3 =	vld [tilespmem:$0xEA0];
	_ =	sdelay $0x4  }
0xf22: {  	v42 =	vshrl.u32 v3, $0x3  }
0xf23: {  	v4 =	vmul.u32 $0x18, v42  }
0xf24: {  	v3 =	vand.u32 $0x7, v3  }
0xf25: {  	v3 =	vor.u32 v3, v4  }
0xf26: {  	v4 =	vperm.xlane v3, v0;
	_ =	sdelay $0x1  }
0xf27: {  	v4 =	vadd.s32 v1, v4;
	_ =	sdelay $0x1  }
0xf28: {  	v3 =	vperm.xlane v3, v2;
	_ =	sdelay $0x1  }
0xf29: {  	v3 =	vadd.s32 v1, v3  }
0xf2a: {  	[hbm4b:s2+s3] =	stream.indirect_vreg.scatter [tilespmem:s30], [sflag:$0x4], $0x80, v4, vm0, $0xb8;
	[tilespmem:$0x19000] =	vst v63  }
0xf2b: {  	_ = 	snop  }
0xf2c: {  	[hbm4b:s5+s3] =	stream.indirect_vreg.scatter [tilespmem:s31], [sflag:$0x4], $0x80, v4, vm1, $0xb8;
	[tilespmem:$0x19000] =	vst v63  }
0xf2d: {  	_ = 	snop  }
0xf2e: {  	[hbm4b:s2+s3] =	stream.indirect_vreg.scatter [tilespmem:s23], [sflag:$0x4], $0x80, v3, vm0, $0xb8;
	[tilespmem:$0x19000] =	vst v63  }
0xf2f: {  	_ = 	snop  }
0xf30: {  	[hbm4b:s5+s3] =	stream.indirect_vreg.scatter [tilespmem:s16], [sflag:$0x4], $0x80, v3, vm1, $0xb8;
	[tilespmem:$0x19000] =	vst v63  }
0xf31: {  	v3 =	vld [tilespmem:$0xEB0];
	_ =	sdelay $0x4  }
0xf32: {  	v43 =	vshrl.u32 v3, $0x3  }
0xf33: {  	v4 =	vmul.u32 $0x18, v43  }
0xf34: {  	v3 =	vand.u32 $0x7, v3  }
0xf35: {  	v3 =	vor.u32 v3, v4  }
0xf36: {  	v4 =	vperm.xlane v3, v0;
	_ =	sdelay $0x1  }
0xf37: {  	v4 =	vadd.s32 v1, v4;
	_ =	sdelay $0x1  }
0xf38: {  	v3 =	vperm.xlane v3, v2;
	_ =	sdelay $0x1  }
0xf39: {  	s28 =	simm.s32 $0x11800;
	v3 =	vadd.s32 v1, v3  }
0xf3a: {  	[hbm4b:s2+s3] =	stream.indirect_vreg.scatter [tilespmem:s28], [sflag:$0x4], $0x80, v4, vm0, $0xb8;
	[tilespmem:$0x19000] =	vst v63  }
0xf3b: {  	s29 =	simm.s32 $0x12000  }
0xf3c: {  	[hbm4b:s5+s3] =	stream.indirect_vreg.scatter [tilespmem:s29], [sflag:$0x4], $0x80, v4, vm1, $0xb8;
	[tilespmem:$0x19000] =	vst v63  }
0xf3d: {  	s30 =	simm.s32 $0x12400  }
0xf3e: {  	[hbm4b:s2+s3] =	stream.indirect_vreg.scatter [tilespmem:s30], [sflag:$0x4], $0x80, v3, vm0, $0xb8;
	[tilespmem:$0x19000] =	vst v63  }
0xf3f: {  	_ = 	snop  }
0xf40: {  	[hbm4b:s5+s3] =	stream.indirect_vreg.scatter [tilespmem:s17], [sflag:$0x4], $0x80, v3, vm1, $0xb8;
	[tilespmem:$0x19000] =	vst v63  }
0xf41: {  	v3 =	vld [tilespmem:$0xEC0];
	_ =	sdelay $0x4  }
0xf42: {  	v44 =	vshrl.u32 v3, $0x3  }
0xf43: {  	v4 =	vmul.u32 $0x18, v44  }
0xf44: {  	v3 =	vand.u32 $0x7, v3  }
0xf45: {  	v3 =	vor.u32 v3, v4  }
0xf46: {  	v4 =	vperm.xlane v3, v0;
	_ =	sdelay $0x1  }
0xf47: {  	v4 =	vadd.s32 v1, v4;
	_ =	sdelay $0x1  }
0xf48: {  	v3 =	vperm.xlane v3, v2;
	_ =	sdelay $0x1  }
0xf49: {  	s31 =	simm.s32 $0x13000;
	v3 =	vadd.s32 v1, v3  }
0xf4a: {  	[hbm4b:s2+s3] =	stream.indirect_vreg.scatter [tilespmem:s31], [sflag:$0x4], $0x80, v4, vm0, $0xb8;
	[tilespmem:$0x19000] =	vst v63  }
0xf4b: {  	_ = 	snop  }
0xf4c: {  	[hbm4b:s5+s3] =	stream.indirect_vreg.scatter [tilespmem:s0], [sflag:$0x4], $0x80, v4, vm1, $0xb8;
	[tilespmem:$0x19000] =	vst v63  }
0xf4d: {  	_ = 	snop  }
0xf4e: {  	[hbm4b:s2+s3] =	stream.indirect_vreg.scatter [tilespmem:s1], [sflag:$0x4], $0x80, v3, vm0, $0xb8;
	[tilespmem:$0x19000] =	vst v63  }
0xf4f: {  	_ = 	snop  }
0xf50: {  	[hbm4b:s5+s3] =	stream.indirect_vreg.scatter [tilespmem:s18], [sflag:$0x4], $0x80, v3, vm1, $0xb8;
	[tilespmem:$0x19000] =	vst v63  }
0xf51: {  	v3 =	vld [tilespmem:$0xED0];
	_ =	sdelay $0x4  }
0xf52: {  	v45 =	vshrl.u32 v3, $0x3  }
0xf53: {  	v4 =	vmul.u32 $0x18, v45  }
0xf54: {  	v3 =	vand.u32 $0x7, v3  }
0xf55: {  	v3 =	vor.u32 v3, v4  }
0xf56: {  	v4 =	vperm.xlane v3, v0;
	_ =	sdelay $0x1  }
0xf57: {  	v4 =	vadd.s32 v1, v4;
	_ =	sdelay $0x1  }
0xf58: {  	v3 =	vperm.xlane v3, v2;
	_ =	sdelay $0x1  }
0xf59: {  	v3 =	vadd.s32 v1, v3  }
0xf5a: {  	[hbm4b:s2+s3] =	stream.indirect_vreg.scatter [tilespmem:s13], [sflag:$0x4], $0x80, v4, vm0, $0xb8;
	[tilespmem:$0x19000] =	vst v63  }
0xf5b: {  	_ = 	snop  }
0xf5c: {  	[hbm4b:s5+s3] =	stream.indirect_vreg.scatter [tilespmem:s14], [sflag:$0x4], $0x80, v4, vm1, $0xb8;
	[tilespmem:$0x19000] =	vst v63  }
0xf5d: {  	_ = 	snop  }
0xf5e: {  	[hbm4b:s2+s3] =	stream.indirect_vreg.scatter [tilespmem:s15], [sflag:$0x4], $0x80, v3, vm0, $0xb8;
	[tilespmem:$0x19000] =	vst v63  }
0xf5f: {  	_ = 	snop  }
0xf60: {  	[hbm4b:s5+s3] =	stream.indirect_vreg.scatter [tilespmem:s21], [sflag:$0x4], $0x80, v3, vm1, $0xb8;
	[tilespmem:$0x19000] =	vst v63  }
0xf61: {  	v3 =	vld [tilespmem:$0xEE0];
	_ =	sdelay $0x4  }
0xf62: {  	v46 =	vshrl.u32 v3, $0x3  }
0xf63: {  	v4 =	vmul.u32 $0x18, v46  }
0xf64: {  	v3 =	vand.u32 $0x7, v3  }
0xf65: {  	v3 =	vor.u32 v3, v4  }
0xf66: {  	v4 =	vperm.xlane v3, v0;
	_ =	sdelay $0x1  }
0xf67: {  	v4 =	vadd.s32 v1, v4;
	_ =	sdelay $0x1  }
0xf68: {  	v3 =	vperm.xlane v3, v2;
	_ =	sdelay $0x1  }
0xf69: {  	v3 =	vadd.s32 v1, v3  }
0xf6a: {  	[hbm4b:s2+s3] =	stream.indirect_vreg.scatter [tilespmem:s4], [sflag:$0x4], $0x80, v4, vm0, $0xb8;
	[tilespmem:$0x19000] =	vst v63  }
0xf6b: {  	_ = 	snop  }
0xf6c: {  	[hbm4b:s5+s3] =	stream.indirect_vreg.scatter [tilespmem:s6], [sflag:$0x4], $0x80, v4, vm1, $0xb8;
	[tilespmem:$0x19000] =	vst v63  }
0xf6d: {  	_ = 	snop  }
0xf6e: {  	[hbm4b:s2+s3] =	stream.indirect_vreg.scatter [tilespmem:s7], [sflag:$0x4], $0x80, v3, vm0, $0xb8;
	[tilespmem:$0x19000] =	vst v63  }
0xf6f: {  	_ = 	snop  }
0xf70: {  	[hbm4b:s5+s3] =	stream.indirect_vreg.scatter [tilespmem:s19], [sflag:$0x4], $0x80, v3, vm1, $0xb8;
	[tilespmem:$0x19000] =	vst v63  }
0xf71: {  	v3 =	vld [tilespmem:$0xEF0];
	_ =	sdelay $0x4  }
0xf72: {  	v47 =	vshrl.u32 v3, $0x3  }
0xf73: {  	v4 =	vmul.u32 $0x18, v47  }
0xf74: {  	v3 =	vand.u32 $0x7, v3  }
0xf75: {  	v3 =	vor.u32 v3, v4  }
0xf76: {  	v4 =	vperm.xlane v3, v0;
	_ =	sdelay $0x1  }
0xf77: {  	v4 =	vadd.s32 v1, v4;
	_ =	sdelay $0x1  }
0xf78: {  	v3 =	vperm.xlane v3, v2;
	_ =	sdelay $0x1  }
0xf79: {  	v3 =	vadd.s32 v1, v3  }
0xf7a: {  	[hbm4b:s2+s3] =	stream.indirect_vreg.scatter [tilespmem:s8], [sflag:$0x4], $0x80, v4, vm0, $0xb8;
	[tilespmem:$0x19000] =	vst v63  }
0xf7b: {  	_ = 	snop  }
0xf7c: {  	[hbm4b:s5+s3] =	stream.indirect_vreg.scatter [tilespmem:s9], [sflag:$0x4], $0x80, v4, vm1, $0xb8;
	[tilespmem:$0x19000] =	vst v63  }
0xf7d: {  	_ = 	snop  }
0xf7e: {  	[hbm4b:s2+s3] =	stream.indirect_vreg.scatter [tilespmem:s10], [sflag:$0x4], $0x80, v3, vm0, $0xb8;
	[tilespmem:$0x19000] =	vst v63  }
0xf7f: {  	_ = 	snop  }
0xf80: {  	[hbm4b:s5+s3] =	stream.indirect_vreg.scatter [tilespmem:s20], [sflag:$0x4], $0x80, v3, vm1, $0xb8;
	[tilespmem:$0x19000] =	vst v63  }
0xf81: {  	v3 =	vld [tilespmem:$0xF00];
	_ =	sdelay $0x4  }
0xf82: {  	v48 =	vshrl.u32 v3, $0x3  }
0xf83: {  	v4 =	vmul.u32 $0x18, v48  }
0xf84: {  	v3 =	vand.u32 $0x7, v3  }
0xf85: {  	v3 =	vor.u32 v3, v4  }
0xf86: {  	v4 =	vperm.xlane v3, v0;
	_ =	sdelay $0x1  }
0xf87: {  	v4 =	vadd.s32 v1, v4;
	_ =	sdelay $0x1  }
0xf88: {  	v3 =	vperm.xlane v3, v2;
	_ =	sdelay $0x1  }
0xf89: {  	s6 =	simm.s32 $0xD000;
	v3 =	vadd.s32 v1, v3  }
0xf8a: {  	[hbm4b:s2+s3] =	stream.indirect_vreg.scatter [tilespmem:s6], [sflag:$0x4], $0x80, v4, vm0, $0xb8;
	[tilespmem:$0x19000] =	vst v63  }
0xf8b: {  	s7 =	simm.s32 $0xD800  }
0xf8c: {  	[hbm4b:s5+s3] =	stream.indirect_vreg.scatter [tilespmem:s7], [sflag:$0x4], $0x80, v4, vm1, $0xb8;
	[tilespmem:$0x19000] =	vst v63  }
0xf8d: {  	s28 =	simm.s32 $0xDC00  }
0xf8e: {  	[hbm4b:s2+s3] =	stream.indirect_vreg.scatter [tilespmem:s28], [sflag:$0x4], $0x80, v3, vm0, $0xb8;
	[tilespmem:$0x19000] =	vst v63  }
0xf8f: {  	s29 =	simm.s32 $0xE400  }
0xf90: {  	[hbm4b:s5+s3] =	stream.indirect_vreg.scatter [tilespmem:s29], [sflag:$0x4], $0x80, v3, vm1, $0xb8;
	[tilespmem:$0x19000] =	vst v63  }
0xf91: {  	v3 =	vld [tilespmem:$0xF10];
	_ =	sdelay $0x4  }
0xf92: {  	v49 =	vshrl.u32 v3, $0x3  }
0xf93: {  	v4 =	vmul.u32 $0x18, v49  }
0xf94: {  	v3 =	vand.u32 $0x7, v3  }
0xf95: {  	v3 =	vor.u32 v3, v4  }
0xf96: {  	v4 =	vperm.xlane v3, v0;
	_ =	sdelay $0x1  }
0xf97: {  	v4 =	vadd.s32 v1, v4;
	_ =	sdelay $0x1  }
0xf98: {  	v3 =	vperm.xlane v3, v2;
	_ =	sdelay $0x1  }
0xf99: {  	s30 =	simm.s32 $0xE800;
	v3 =	vadd.s32 v1, v3  }
0xf9a: {  	[hbm4b:s2+s3] =	stream.indirect_vreg.scatter [tilespmem:s30], [sflag:$0x4], $0x80, v4, vm0, $0xb8;
	[tilespmem:$0x19000] =	vst v63  }
0xf9b: {  	s31 =	simm.s32 $0xF000  }
0xf9c: {  	[hbm4b:s5+s3] =	stream.indirect_vreg.scatter [tilespmem:s31], [sflag:$0x4], $0x80, v4, vm1, $0xb8;
	[tilespmem:$0x19000] =	vst v63  }
0xf9d: {  	s4 =	simm.s32 $0xF400  }
0xf9e: {  	[hbm4b:s2+s3] =	stream.indirect_vreg.scatter [tilespmem:s4], [sflag:$0x4], $0x80, v3, vm0, $0xb8;
	[tilespmem:$0x19000] =	vst v63  }
0xf9f: {  	s22 =	simm.s32 $0xFC00  }
0xfa0: {  	[hbm4b:s5+s3] =	stream.indirect_vreg.scatter [tilespmem:s22], [sflag:$0x4], $0x80, v3, vm1, $0xb8;
	[tilespmem:$0x19000] =	vst v63  }
0xfa1: {  	v3 =	vld [tilespmem:$0xF20];
	_ =	sdelay $0x4  }
0xfa2: {  	v50 =	vshrl.u32 v3, $0x3  }
0xfa3: {  	v4 =	vmul.u32 $0x18, v50  }
0xfa4: {  	v3 =	vand.u32 $0x7, v3  }
0xfa5: {  	v3 =	vor.u32 v3, v4  }
0xfa6: {  	v4 =	vperm.xlane v3, v0;
	_ =	sdelay $0x1  }
0xfa7: {  	v4 =	vadd.s32 v1, v4;
	_ =	sdelay $0x1  }
0xfa8: {  	v3 =	vperm.xlane v3, v2;
	_ =	sdelay $0x1  }
0xfa9: {  	s6 =	simm.s32 $0x10000;
	v3 =	vadd.s32 v1, v3  }
0xfaa: {  	[hbm4b:s2+s3] =	stream.indirect_vreg.scatter [tilespmem:s6], [sflag:$0x4], $0x80, v4, vm0, $0xb8;
	[tilespmem:$0x19000] =	vst v63  }
0xfab: {  	s22 =	simm.s32 $0x10800  }
0xfac: {  	[hbm4b:s5+s3] =	stream.indirect_vreg.scatter [tilespmem:s22], [sflag:$0x4], $0x80, v4, vm1, $0xb8;
	[tilespmem:$0x19000] =	vst v63  }
0xfad: {  	s11 =	simm.s32 $0x10C00  }
0xfae: {  	[hbm4b:s2+s3] =	stream.indirect_vreg.scatter [tilespmem:s11], [sflag:$0x4], $0x80, v3, vm0, $0xb8;
	[tilespmem:$0x19000] =	vst v63  }
0xfaf: {  	s23 =	simm.s32 $0x11400  }
0xfb0: {  	[hbm4b:s5+s3] =	stream.indirect_vreg.scatter [tilespmem:s23], [sflag:$0x4], $0x80, v3, vm1, $0xb8;
	[tilespmem:$0x19000] =	vst v63  }
0xfb1: {  	v3 =	vld [tilespmem:$0xF30];
	_ =	sdelay $0x4  }
0xfb2: {  	v51 =	vshrl.u32 v3, $0x3  }
0xfb3: {  	v4 =	vmul.u32 $0x18, v51  }
0xfb4: {  	v3 =	vand.u32 $0x7, v3  }
0xfb5: {  	v3 =	vor.u32 v3, v4  }
0xfb6: {  	v4 =	vperm.xlane v3, v0;
	_ =	sdelay $0x1  }
0xfb7: {  	v4 =	vadd.s32 v1, v4;
	_ =	sdelay $0x1  }
0xfb8: {  	v3 =	vperm.xlane v3, v2;
	_ =	sdelay $0x1  }
0xfb9: {  	s23 =	simm.s32 $0x11800;
	v3 =	vadd.s32 v1, v3  }
0xfba: {  	[hbm4b:s2+s3] =	stream.indirect_vreg.scatter [tilespmem:s23], [sflag:$0x4], $0x80, v4, vm0, $0xb8;
	[tilespmem:$0x19000] =	vst v63  }
0xfbb: {  	s22 =	simm.s32 $0x12000  }
0xfbc: {  	[hbm4b:s5+s3] =	stream.indirect_vreg.scatter [tilespmem:s22], [sflag:$0x4], $0x80, v4, vm1, $0xb8;
	[tilespmem:$0x19000] =	vst v63  }
0xfbd: {  	s23 =	simm.s32 $0x12400  }
0xfbe: {  	[hbm4b:s2+s3] =	stream.indirect_vreg.scatter [tilespmem:s23], [sflag:$0x4], $0x80, v3, vm0, $0xb8;
	[tilespmem:$0x19000] =	vst v63  }
0xfbf: {  	s24 =	simm.s32 $0x12C00  }
0xfc0: {  	[hbm4b:s5+s3] =	stream.indirect_vreg.scatter [tilespmem:s24], [sflag:$0x4], $0x80, v3, vm1, $0xb8;
	[tilespmem:$0x19000] =	vst v63  }
0xfc1: {  	v3 =	vld [tilespmem:$0xF40];
	_ =	sdelay $0x4  }
0xfc2: {  	v52 =	vshrl.u32 v3, $0x3  }
0xfc3: {  	v4 =	vmul.u32 $0x18, v52  }
0xfc4: {  	v3 =	vand.u32 $0x7, v3  }
0xfc5: {  	v3 =	vor.u32 v3, v4  }
0xfc6: {  	v4 =	vperm.xlane v3, v0;
	_ =	sdelay $0x1  }
0xfc7: {  	v4 =	vadd.s32 v1, v4;
	_ =	sdelay $0x1  }
0xfc8: {  	v3 =	vperm.xlane v3, v2;
	_ =	sdelay $0x1  }
0xfc9: {  	s24 =	simm.s32 $0x13000;
	v3 =	vadd.s32 v1, v3  }
0xfca: {  	[hbm4b:s2+s3] =	stream.indirect_vreg.scatter [tilespmem:s24], [sflag:$0x4], $0x80, v4, vm0, $0xb8;
	[tilespmem:$0x19000] =	vst v63  }
0xfcb: {  	s12 =	simm.s32 $0x13800  }
0xfcc: {  	[hbm4b:s5+s3] =	stream.indirect_vreg.scatter [tilespmem:s12], [sflag:$0x4], $0x80, v4, vm1, $0xb8;
	[tilespmem:$0x19000] =	vst v63  }
0xfcd: {  	s16 =	simm.s32 $0x13C00  }
0xfce: {  	[hbm4b:s2+s3] =	stream.indirect_vreg.scatter [tilespmem:s16], [sflag:$0x4], $0x80, v3, vm0, $0xb8;
	[tilespmem:$0x19000] =	vst v63  }
0xfcf: {  	s25 =	simm.s32 $0x14400  }
0xfd0: {  	[hbm4b:s5+s3] =	stream.indirect_vreg.scatter [tilespmem:s25], [sflag:$0x4], $0x80, v3, vm1, $0xb8;
	[tilespmem:$0x19000] =	vst v63  }
0xfd1: {  	v3 =	vld [tilespmem:$0xF50];
	_ =	sdelay $0x4  }
0xfd2: {  	v53 =	vshrl.u32 v3, $0x3  }
0xfd3: {  	v4 =	vmul.u32 $0x18, v53  }
0xfd4: {  	v3 =	vand.u32 $0x7, v3  }
0xfd5: {  	v3 =	vor.u32 v3, v4  }
0xfd6: {  	v4 =	vperm.xlane v3, v0;
	_ =	sdelay $0x1  }
0xfd7: {  	v4 =	vadd.s32 v1, v4;
	_ =	sdelay $0x1  }
0xfd8: {  	v3 =	vperm.xlane v3, v2;
	_ =	sdelay $0x1  }
0xfd9: {  	s17 =	simm.s32 $0x14800;
	v3 =	vadd.s32 v1, v3  }
0xfda: {  	[hbm4b:s2+s3] =	stream.indirect_vreg.scatter [tilespmem:s17], [sflag:$0x4], $0x80, v4, vm0, $0xb8;
	[tilespmem:$0x19000] =	vst v63  }
0xfdb: {  	s18 =	simm.s32 $0x15000  }
0xfdc: {  	[hbm4b:s5+s3] =	stream.indirect_vreg.scatter [tilespmem:s18], [sflag:$0x4], $0x80, v4, vm1, $0xb8;
	[tilespmem:$0x19000] =	vst v63  }
0xfdd: {  	s26 =	simm.s32 $0x15400  }
0xfde: {  	[hbm4b:s2+s3] =	stream.indirect_vreg.scatter [tilespmem:s26], [sflag:$0x4], $0x80, v3, vm0, $0xb8;
	[tilespmem:$0x19000] =	vst v63  }
0xfdf: {  	s21 =	simm.s32 $0x15C00  }
0xfe0: {  	[hbm4b:s5+s3] =	stream.indirect_vreg.scatter [tilespmem:s21], [sflag:$0x4], $0x80, v3, vm1, $0xb8;
	[tilespmem:$0x19000] =	vst v63  }
0xfe1: {  	v3 =	vld [tilespmem:$0xF60];
	_ =	sdelay $0x4  }
0xfe2: {  	v54 =	vshrl.u32 v3, $0x3  }
0xfe3: {  	v4 =	vmul.u32 $0x18, v54  }
0xfe4: {  	v3 =	vand.u32 $0x7, v3  }
0xfe5: {  	v3 =	vor.u32 v3, v4  }
0xfe6: {  	v4 =	vperm.xlane v3, v0;
	_ =	sdelay $0x1  }
0xfe7: {  	v4 =	vadd.s32 v1, v4;
	_ =	sdelay $0x1  }
0xfe8: {  	v3 =	vperm.xlane v3, v2;
	_ =	sdelay $0x1  }
0xfe9: {  	s13 =	simm.s32 $0x16000;
	v3 =	vadd.s32 v1, v3  }
0xfea: {  	[hbm4b:s2+s3] =	stream.indirect_vreg.scatter [tilespmem:s13], [sflag:$0x4], $0x80, v4, vm0, $0xb8;
	[tilespmem:$0x19000] =	vst v63  }
0xfeb: {  	s14 =	simm.s32 $0x16800  }
0xfec: {  	[hbm4b:s5+s3] =	stream.indirect_vreg.scatter [tilespmem:s14], [sflag:$0x4], $0x80, v4, vm1, $0xb8;
	[tilespmem:$0x19000] =	vst v63  }
0xfed: {  	s15 =	simm.s32 $0x16C00  }
0xfee: {  	[hbm4b:s2+s3] =	stream.indirect_vreg.scatter [tilespmem:s15], [sflag:$0x4], $0x80, v3, vm0, $0xb8;
	[tilespmem:$0x19000] =	vst v63  }
0xfef: {  	s19 =	simm.s32 $0x17400  }
0xff0: {  	[hbm4b:s5+s3] =	stream.indirect_vreg.scatter [tilespmem:s19], [sflag:$0x4], $0x80, v3, vm1, $0xb8;
	[tilespmem:$0x19000] =	vst v63  }
0xff1: {  	v3 =	vld [tilespmem:$0xF70];
	_ =	sdelay $0x4  }
0xff2: {  	v55 =	vshrl.u32 v3, $0x3  }
0xff3: {  	v4 =	vmul.u32 $0x18, v55  }
0xff4: {  	v3 =	vand.u32 $0x7, v3  }
0xff5: {  	v3 =	vor.u32 v3, v4  }
0xff6: {  	v4 =	vperm.xlane v3, v0;
	_ =	sdelay $0x1  }
0xff7: {  	v4 =	vadd.s32 v1, v4;
	_ =	sdelay $0x1  }
0xff8: {  	v3 =	vperm.xlane v3, v2;
	_ =	sdelay $0x1  }
0xff9: {  	s8 =	simm.s32 $0x17800;
	v3 =	vadd.s32 v1, v3  }
0xffa: {  	[hbm4b:s2+s3] =	stream.indirect_vreg.scatter [tilespmem:s8], [sflag:$0x4], $0x80, v4, vm0, $0xb8;
	[tilespmem:$0x19000] =	vst v63  }
0xffb: {  	s9 =	simm.s32 $0x18000  }
0xffc: {  	[hbm4b:s5+s3] =	stream.indirect_vreg.scatter [tilespmem:s9], [sflag:$0x4], $0x80, v4, vm1, $0xb8;
	[tilespmem:$0x19000] =	vst v63  }
0xffd: {  	s10 =	simm.s32 $0x18400  }
0xffe: {  	[hbm4b:s2+s3] =	stream.indirect_vreg.scatter [tilespmem:s10], [sflag:$0x4], $0x80, v3, vm0, $0xb8;
	[tilespmem:$0x19000] =	vst v63  }
0xfff: {  	s20 =	simm.s32 $0x18C00  }
0x1000: {  	[hbm4b:s5+s3] =	stream.indirect_vreg.scatter [tilespmem:s20], [sflag:$0x4], $0x80, v3, vm1, $0xb8;
	[tilespmem:$0x19000] =	vst v63  }
0x1001: {  	v3 =	vld [tilespmem:$0xF80];
	_ =	sdelay $0x4  }
0x1002: {  	v56 =	vshrl.u32 v3, $0x3  }
0x1003: {  	v4 =	vmul.u32 $0x18, v56  }
0x1004: {  	v3 =	vand.u32 $0x7, v3  }
0x1005: {  	v3 =	vor.u32 v3, v4  }
0x1006: {  	v4 =	vperm.xlane v3, v0;
	_ =	sdelay $0x1  }
0x1007: {  	v4 =	vadd.s32 v1, v4;
	_ =	sdelay $0x1  }
0x1008: {  	v3 =	vperm.xlane v3, v2;
	_ =	sdelay $0x1  }
0x1009: {  	s1 =	simm.s32 $0xD000;
	v3 =	vadd.s32 v1, v3  }
0x100a: {  	[hbm4b:s2+s3] =	stream.indirect_vreg.scatter [tilespmem:s1], [sflag:$0x4], $0x80, v4, vm0, $0xb8;
	[tilespmem:$0x19000] =	vst v63  }
0x100b: {  	s20 =	simm.s32 $0xD800  }
0x100c: {  	[hbm4b:s5+s3] =	stream.indirect_vreg.scatter [tilespmem:s20], [sflag:$0x4], $0x80, v4, vm1, $0xb8;
	[tilespmem:$0x19000] =	vst v63  }
0x100d: {  	s21 =	simm.s32 $0xDC00  }
0x100e: {  	[hbm4b:s2+s3] =	stream.indirect_vreg.scatter [tilespmem:s21], [sflag:$0x4], $0x80, v3, vm0, $0xb8;
	[tilespmem:$0x19000] =	vst v63  }
0x100f: {  	s7 =	simm.s32 $0xE400  }
0x1010: {  	[hbm4b:s5+s3] =	stream.indirect_vreg.scatter [tilespmem:s7], [sflag:$0x4], $0x80, v3, vm1, $0xb8;
	[tilespmem:$0x19000] =	vst v63  }
0x1011: {  	v3 =	vld [tilespmem:$0xF90];
	_ =	sdelay $0x4  }
0x1012: {  	v57 =	vshrl.u32 v3, $0x3  }
0x1013: {  	v4 =	vmul.u32 $0x18, v57  }
0x1014: {  	v3 =	vand.u32 $0x7, v3  }
0x1015: {  	v3 =	vor.u32 v3, v4  }
0x1016: {  	v4 =	vperm.xlane v3, v0;
	_ =	sdelay $0x1  }
0x1017: {  	v4 =	vadd.s32 v1, v4;
	_ =	sdelay $0x1  }
0x1018: {  	v3 =	vperm.xlane v3, v2;
	_ =	sdelay $0x1  }
0x1019: {  	s28 =	simm.s32 $0xE800;
	v3 =	vadd.s32 v1, v3  }
0x101a: {  	[hbm4b:s2+s3] =	stream.indirect_vreg.scatter [tilespmem:s28], [sflag:$0x4], $0x80, v4, vm0, $0xb8;
	[tilespmem:$0x19000] =	vst v63  }
0x101b: {  	s29 =	simm.s32 $0xF000  }
0x101c: {  	[hbm4b:s5+s3] =	stream.indirect_vreg.scatter [tilespmem:s29], [sflag:$0x4], $0x80, v4, vm1, $0xb8;
	[tilespmem:$0x19000] =	vst v63  }
0x101d: {  	s30 =	simm.s32 $0xF400  }
0x101e: {  	[hbm4b:s2+s3] =	stream.indirect_vreg.scatter [tilespmem:s30], [sflag:$0x4], $0x80, v3, vm0, $0xb8;
	[tilespmem:$0x19000] =	vst v63  }
0x101f: {  	s4 =	simm.s32 $0xFC00  }
0x1020: {  	[hbm4b:s5+s3] =	stream.indirect_vreg.scatter [tilespmem:s4], [sflag:$0x4], $0x80, v3, vm1, $0xb8;
	[tilespmem:$0x19000] =	vst v63  }
0x1021: {  	v3 =	vld [tilespmem:$0xFA0];
	_ =	sdelay $0x4  }
0x1022: {  	v58 =	vshrl.u32 v3, $0x3  }
0x1023: {  	v4 =	vmul.u32 $0x18, v58  }
0x1024: {  	v3 =	vand.u32 $0x7, v3  }
0x1025: {  	v3 =	vor.u32 v3, v4  }
0x1026: {  	v4 =	vperm.xlane v3, v0;
	_ =	sdelay $0x1  }
0x1027: {  	v4 =	vadd.s32 v1, v4;
	_ =	sdelay $0x1  }
0x1028: {  	v3 =	vperm.xlane v3, v2;
	_ =	sdelay $0x1  }
0x1029: {  	s31 =	simm.s32 $0x10000;
	v3 =	vadd.s32 v1, v3  }
0x102a: {  	[hbm4b:s2+s3] =	stream.indirect_vreg.scatter [tilespmem:s31], [sflag:$0x4], $0x80, v4, vm0, $0xb8;
	[tilespmem:$0x19000] =	vst v63  }
0x102b: {  	s7 =	simm.s32 $0x10800  }
0x102c: {  	[hbm4b:s5+s3] =	stream.indirect_vreg.scatter [tilespmem:s7], [sflag:$0x4], $0x80, v4, vm1, $0xb8;
	[tilespmem:$0x19000] =	vst v63  }
0x102d: {  	s0 =	simm.s32 $0x10C00  }
0x102e: {  	[hbm4b:s2+s3] =	stream.indirect_vreg.scatter [tilespmem:s0], [sflag:$0x4], $0x80, v3, vm0, $0xb8;
	[tilespmem:$0x19000] =	vst v63  }
0x102f: {  	s6 =	simm.s32 $0x11400  }
0x1030: {  	[hbm4b:s5+s3] =	stream.indirect_vreg.scatter [tilespmem:s6], [sflag:$0x4], $0x80, v3, vm1, $0xb8;
	[tilespmem:$0x19000] =	vst v63  }
0x1031: {  	v3 =	vld [tilespmem:$0xFB0];
	_ =	sdelay $0x4  }
0x1032: {  	v59 =	vshrl.u32 v3, $0x3  }
0x1033: {  	v4 =	vmul.u32 $0x18, v59  }
0x1034: {  	v3 =	vand.u32 $0x7, v3  }
0x1035: {  	v3 =	vor.u32 v3, v4  }
0x1036: {  	v4 =	vperm.xlane v3, v0;
	_ =	sdelay $0x1  }
0x1037: {  	v4 =	vadd.s32 v1, v4;
	_ =	sdelay $0x1  }
0x1038: {  	v3 =	vperm.xlane v3, v2;
	_ =	sdelay $0x1  }
0x1039: {  	s19 =	simm.s32 $0x11800;
	v3 =	vadd.s32 v1, v3  }
0x103a: {  	[hbm4b:s2+s3] =	stream.indirect_vreg.scatter [tilespmem:s19], [sflag:$0x4], $0x80, v4, vm0, $0xb8;
	[tilespmem:$0x19000] =	vst v63  }
0x103b: {  	s20 =	simm.s32 $0x12000  }
0x103c: {  	[hbm4b:s5+s3] =	stream.indirect_vreg.scatter [tilespmem:s20], [sflag:$0x4], $0x80, v4, vm1, $0xb8;
	[tilespmem:$0x19000] =	vst v63  }
0x103d: {  	s21 =	simm.s32 $0x12400  }
0x103e: {  	[hbm4b:s2+s3] =	stream.indirect_vreg.scatter [tilespmem:s21], [sflag:$0x4], $0x80, v3, vm0, $0xb8;
	[tilespmem:$0x19000] =	vst v63  }
0x103f: {  	s23 =	simm.s32 $0x12C00  }
0x1040: {  	[hbm4b:s5+s3] =	stream.indirect_vreg.scatter [tilespmem:s23], [sflag:$0x4], $0x80, v3, vm1, $0xb8;
	[tilespmem:$0x19000] =	vst v63  }
0x1041: {  	v3 =	vld [tilespmem:$0xFC0];
	_ =	sdelay $0x4  }
0x1042: {  	v60 =	vshrl.u32 v3, $0x3  }
0x1043: {  	v4 =	vmul.u32 $0x18, v60  }
0x1044: {  	v3 =	vand.u32 $0x7, v3  }
0x1045: {  	v3 =	vor.u32 v3, v4  }
0x1046: {  	v4 =	vperm.xlane v3, v0;
	_ =	sdelay $0x1  }
0x1047: {  	v4 =	vadd.s32 v1, v4;
	_ =	sdelay $0x1  }
0x1048: {  	v3 =	vperm.xlane v3, v2;
	_ =	sdelay $0x1  }
0x1049: {  	s23 =	simm.s32 $0x13000;
	v3 =	vadd.s32 v1, v3  }
0x104a: {  	[hbm4b:s2+s3] =	stream.indirect_vreg.scatter [tilespmem:s23], [sflag:$0x4], $0x80, v4, vm0, $0xb8;
	[tilespmem:$0x19000] =	vst v63  }
0x104b: {  	s11 =	simm.s32 $0x13800  }
0x104c: {  	[hbm4b:s5+s3] =	stream.indirect_vreg.scatter [tilespmem:s11], [sflag:$0x4], $0x80, v4, vm1, $0xb8;
	[tilespmem:$0x19000] =	vst v63  }
0x104d: {  	s12 =	simm.s32 $0x13C00  }
0x104e: {  	[hbm4b:s2+s3] =	stream.indirect_vreg.scatter [tilespmem:s12], [sflag:$0x4], $0x80, v3, vm0, $0xb8;
	[tilespmem:$0x19000] =	vst v63  }
0x104f: {  	s24 =	simm.s32 $0x14400  }
0x1050: {  	[hbm4b:s5+s3] =	stream.indirect_vreg.scatter [tilespmem:s24], [sflag:$0x4], $0x80, v3, vm1, $0xb8;
	[tilespmem:$0x19000] =	vst v63  }
0x1051: {  	v3 =	vld [tilespmem:$0xFD0];
	_ =	sdelay $0x4  }
0x1052: {  	v61 =	vshrl.u32 v3, $0x3  }
0x1053: {  	v4 =	vmul.u32 $0x18, v61  }
0x1054: {  	v3 =	vand.u32 $0x7, v3  }
0x1055: {  	v3 =	vor.u32 v3, v4  }
0x1056: {  	v4 =	vperm.xlane v3, v0;
	_ =	sdelay $0x1  }
0x1057: {  	v4 =	vadd.s32 v1, v4;
	_ =	sdelay $0x1  }
0x1058: {  	v3 =	vperm.xlane v3, v2;
	_ =	sdelay $0x1  }
0x1059: {  	s22 =	simm.s32 $0x14800;
	v3 =	vadd.s32 v1, v3  }
0x105a: {  	[hbm4b:s2+s3] =	stream.indirect_vreg.scatter [tilespmem:s22], [sflag:$0x4], $0x80, v4, vm0, $0xb8;
	[tilespmem:$0x19000] =	vst v63  }
0x105b: {  	s17 =	simm.s32 $0x15000  }
0x105c: {  	[hbm4b:s5+s3] =	stream.indirect_vreg.scatter [tilespmem:s17], [sflag:$0x4], $0x80, v4, vm1, $0xb8;
	[tilespmem:$0x19000] =	vst v63  }
0x105d: {  	s18 =	simm.s32 $0x15400  }
0x105e: {  	[hbm4b:s2+s3] =	stream.indirect_vreg.scatter [tilespmem:s18], [sflag:$0x4], $0x80, v3, vm0, $0xb8;
	[tilespmem:$0x19000] =	vst v63  }
0x105f: {  	s26 =	simm.s32 $0x15C00  }
0x1060: {  	[hbm4b:s5+s3] =	stream.indirect_vreg.scatter [tilespmem:s26], [sflag:$0x4], $0x80, v3, vm1, $0xb8;
	[tilespmem:$0x19000] =	vst v63  }
0x1061: {  	v3 =	vld [tilespmem:$0xFE0];
	_ =	sdelay $0x4  }
0x1062: {  	v62 =	vshrl.u32 v3, $0x3  }
0x1063: {  	v4 =	vmul.u32 $0x18, v62  }
0x1064: {  	v3 =	vand.u32 $0x7, v3  }
0x1065: {  	v3 =	vor.u32 v3, v4  }
0x1066: {  	v4 =	vperm.xlane v3, v0;
	_ =	sdelay $0x1  }
0x1067: {  	v4 =	vadd.s32 v1, v4;
	_ =	sdelay $0x1  }
0x1068: {  	v3 =	vperm.xlane v3, v2;
	_ =	sdelay $0x1  }
0x1069: {  	s16 =	simm.s32 $0x16000;
	v3 =	vadd.s32 v1, v3  }
0x106a: {  	[hbm4b:s2+s3] =	stream.indirect_vreg.scatter [tilespmem:s16], [sflag:$0x4], $0x80, v4, vm0, $0xb8;
	[tilespmem:$0x19000] =	vst v63  }
0x106b: {  	s13 =	simm.s32 $0x16800  }
0x106c: {  	[hbm4b:s5+s3] =	stream.indirect_vreg.scatter [tilespmem:s13], [sflag:$0x4], $0x80, v4, vm1, $0xb8;
	[tilespmem:$0x19000] =	vst v63  }
0x106d: {  	s14 =	simm.s32 $0x16C00  }
0x106e: {  	[hbm4b:s2+s3] =	stream.indirect_vreg.scatter [tilespmem:s14], [sflag:$0x4], $0x80, v3, vm0, $0xb8;
	[tilespmem:$0x19000] =	vst v63  }
0x106f: {  	s25 =	simm.s32 $0x17400  }
0x1070: {  	[hbm4b:s5+s3] =	stream.indirect_vreg.scatter [tilespmem:s25], [sflag:$0x4], $0x80, v3, vm1, $0xb8;
	[tilespmem:$0x19000] =	vst v63  }
0x1071: {  	v3 =	vld [tilespmem:$0xFF0];
	_ =	sdelay $0x4  }
0x1072: {  	v63 =	vshrl.u32 v3, $0x3  }
0x1073: {  	v4 =	vmul.u32 $0x18, v63  }
0x1074: {  	v3 =	vand.u32 $0x7, v3  }
0x1075: {  	v3 =	vor.u32 v3, v4  }
0x1076: {  	v4 =	vperm.xlane v3, v0;
	_ =	sdelay $0x1  }
0x1077: {  	v4 =	vadd.s32 v1, v4;
	_ =	sdelay $0x1  }
0x1078: {  	v3 =	vperm.xlane v3, v2;
	_ =	sdelay $0x1  }
0x1079: {  	s15 =	simm.s32 $0x17800;
	v3 =	vadd.s32 v1, v3  }
0x107a: {  	[hbm4b:s2+s3] =	stream.indirect_vreg.scatter [tilespmem:s15], [sflag:$0x4], $0x80, v4, vm0, $0xb8;
	[tilespmem:$0x19000] =	vst v63  }
0x107b: {  	s8 =	simm.s32 $0x18000  }
0x107c: {  	[hbm4b:s5+s3] =	stream.indirect_vreg.scatter [tilespmem:s8], [sflag:$0x4], $0x80, v4, vm1, $0xb8;
	[tilespmem:$0x19000] =	vst v63  }
0x107d: {  	s9 =	simm.s32 $0x18400  }
0x107e: {  	[hbm4b:s2+s3] =	stream.indirect_vreg.scatter [tilespmem:s9], [sflag:$0x4], $0x80, v3, vm0, $0xb8;
	[tilespmem:$0x19000] =	vst v63  }
0x107f: {  	s10 =	simm.s32 $0x18C00;
	s28 =	simm.s32 $0x3  }
0x1080: {  	[hbm4b:s5+s3] =	stream.indirect_vreg.scatter [tilespmem:s10], [sflag:$0x4], $0x80, v3, vm1, $0xb8;
	[tilespmem:$0x19000] =	vst v63  }
0x1081: {  	_ =	swait.ge [sflag:s28], $0xC000  }
0x1082: {  	[sflag:s28] =	ssyncset.done $0x0  }
0x1083: {  	[sflag:s28] =	ssyncadd.s32 $0xFFFF4000  }
0x1084: {  	_ =	swait.ge [sflag:s28], $0xC000  }
0x1085: {  	[sflag:s28] =	ssyncset.done $0x0  }
0x1086: {  	[sflag:s28] =	ssyncadd.s32 $0xFFFF4000  }
0x1087: {  	_ =	swait.ge [sflag:s28], $0xC000  }
0x1088: {  	[sflag:s28] =	ssyncset.done $0x0  }
0x1089: {  	[sflag:s28] =	ssyncadd.s32 $0xFFFF4000  }
0x108a: {  	_ =	swait.ge [sflag:s28], $0xC000  }
0x108b: {  	[sflag:s28] =	ssyncset.done $0x0  }
0x108c: {  	s29 =	simm.s32 $0x4;
	[sflag:s28] =	ssyncadd.s32 $0xFFFF4000  }
0x108d: {  	_ =	swait.ge [sflag:s29], $0xC000  }
0x108e: {  	[sflag:s29] =	ssyncset.done $0x0  }
0x108f: {  	[sflag:s29] =	ssyncadd.s32 $0xFFFF4000  }
0x1090: {  	_ =	swait.ge [sflag:s29], $0xC000  }
0x1091: {  	[sflag:s29] =	ssyncset.done $0x0  }
0x1092: {  	[sflag:s29] =	ssyncadd.s32 $0xFFFF4000  }
0x1093: {  	_ =	swait.ge [sflag:s29], $0xC000  }
0x1094: {  	[sflag:s29] =	ssyncset.done $0x0  }
0x1095: {  	[sflag:s29] =	ssyncadd.s32 $0xFFFF4000  }
0x1096: {  	_ =	swait.ge [sflag:s29], $0xC000  }
0x1097: {  	s31 =	rddreg [dreg:$0xd]  }
0x1098: {  	p0 =	sne.s32 s31, $0x1  }
.Ltmp0:
0x1099: {  	_ = 	snop;
	(pc) =	sbr.rel @p0 .LBB2_1-.Ltmp0, $3  }
0x109a: {  	_ =	sdelay $0x1  }
0x109b: {  	s30 =	simm.s32 $0x4;
	[sflag:s29] =	ssyncset.done $0x0  }
0x109c: {  	[sflag:s30] =	ssyncadd.s32 $0xFFFF4000;
	s0 =	sadd.s32 $0xFFFFFFFF, s31  }
0x109d: {  	_ =	sfence.sel $0x180000  }
0x109e: {  	[bflag:$0x0] =	sbarrier.arrive $0xFFFF  }
0x109f: {  	_ =	strace $0x90000047  }
0x10a0: {  	s0 =	stileid.u32;
	[bflag:$0x2] =	sbarrier.arrive $0xFFFF  }
0x10a1: {  	p0 =	sne.s32 s0, $0x0;
	s0 =	rddreg [dreg:$0x3]  }
0x10a2: {  	s0 =	sadd.s32 @!p0 $0x100000, s0  }
0x10a3: {  	[sflag:s0] =	ssyncadd.tile.s32 @!p0 $0x1;
	_ =	shalt  }
.Lfunc_end2:
_tile_overlayer_lowered:
.L_overlay_start_2:
0x10a4: {  	(tag) =	ssettag $0x2  }
0x10a5: {  	s0 =	rddreg [dreg:$0x0];
	s2 =	stileid.u32  }
0x10a6: {  	s1 =	rddreg [dreg:$0x1];
	p0 =	sne.s32 s2, $0x0  }
0x10a7: {  	s3 =	rddreg [dreg:$0x2];
	[bflag:$0x3] =	sbarrier.arrive $0xFFFF;
	s2 =	simm.s32 @!p0 $0x1C05  }
0x10a8: {  	[timem:s3], [sflag:s2] =	dma.local @!p0 [hbm:s0], s1  }
0x10a9: {  	s0 =	simm.s32 @!p0 $0x5  }
0x10aa: {  	_ =	swait.ge @!p0 [sflag:s0], s1  }
0x10ab: {  	s1 =	ssub.s32 @!p0 $0x0, s1;
	[sflag:s0] =	ssyncset.done @!p0 $0x0  }
0x10ac: {  	[sflag:s0] =	ssyncadd.s32 @!p0 s1  }
0x10ad: {  	[bflag:$0x3] =	sbarrier.arrive $0xFFFF  }
0x10ae: {  	_ =	shalt  }

</sc_bundles>
